<compile_context>
chip_gen: v7x
topology: tpu7x:2x2x1
jax: 0.10.2.dev20260603
libtpu: 0.0.44.dev20260713+nightly
codegen_flags: <defaults>
</compile_context>

<pallas_src>
import functools

import jax
import jax.numpy as jnp
from jax import lax
from jax.experimental import pallas as pl
from jax.experimental.pallas import tpu as pltpu
from jax.experimental.pallas import tpu_sc as plsc

N = 10000
D = 128
E = 320000
G = 128

NC = 2
NS = 16
CHUNK = 128
EPW = 10240
NCHUNKS = EPW // CHUNK
E_PAD = NC * NS * EPW
NBUF = 2
IBLK = 8
NIB = 3
NBLK = NCHUNKS // IBLK
SH_ROWS = 10240
OUT_PER_S = SH_ROWS // NS

HIGH = jax.lax.Precision.HIGHEST


def _sc_agg(h, src, dst, zrows):
    mesh = plsc.VectorSubcoreMesh(core_axis_name="c", subcore_axis_name="s")

    @functools.partial(
        pl.kernel,
        out_type=jax.ShapeDtypeStruct((NC, SH_ROWS, D), jnp.float32),
        mesh=mesh,
        scratch_types=[
            pltpu.VMEM((NIB, IBLK, CHUNK), jnp.int32),
            pltpu.VMEM((NIB, IBLK, CHUNK), jnp.int32),
            pltpu.VMEM((NBUF, CHUNK, D), jnp.float32),
            pltpu.VMEM_SHARED((SH_ROWS, D), jnp.float32),
            [pltpu.SemaphoreType.DMA] * NBUF,
            [pltpu.SemaphoreType.DMA] * NBUF,
            pltpu.SemaphoreType.DMA,
        ],
    )
    def agg_kernel(h_hbm, src_hbm, dst_hbm, z_hbm, out_hbm, sblk, dblk, rows,
                   shared, sg, ss, si):
        c = lax.axis_index("c")
        s = lax.axis_index("s")

        zbase = s * OUT_PER_S
        pltpu.sync_copy(z_hbm, shared.at[pl.ds(zbase, OUT_PER_S)])
        plsc.subcore_barrier()

        def idx_issue(kb, p):
            pltpu.async_copy(src_hbm.at[c, s, pl.ds(kb * IBLK, IBLK)],
                             sblk.at[p], si)
            pltpu.async_copy(dst_hbm.at[c, s, pl.ds(kb * IBLK, IBLK)],
                             dblk.at[p], si)

        def idx_wait():
            pltpu.make_async_copy(src_hbm.at[c, s, pl.ds(0, IBLK)],
                                  sblk.at[0], si).wait()
            pltpu.make_async_copy(dst_hbm.at[c, s, pl.ds(0, IBLK)],
                                  dblk.at[0], si).wait()

        def g_issue(p, pos, b):
            pltpu.async_copy(h_hbm.at[sblk.at[p, pos]], rows.at[b], sg[b])

        def g_wait(b):
            pltpu.make_async_copy(h_hbm.at[sblk.at[0, 0]], rows.at[b],
                                  sg[b]).wait()

        def s_issue(p, pos, b):
            pltpu.async_copy(rows.at[b], shared.at[dblk.at[p, pos]], ss[b],
                             add=True)

        def s_wait(b):
            pltpu.make_async_copy(rows.at[b], shared.at[dblk.at[0, 0]],
                                  ss[b]).wait()

        idx_issue(0, 0)

        def block(kb, carry):
            p = lax.rem(kb, NIB)
            pm1 = lax.rem(kb + (NIB - 1), NIB)
            pnx = lax.rem(kb + 1, NIB)
            idx_wait()

            @pl.when(kb < NBLK - 1)
            def _():
                idx_issue(kb + 1, pnx)

            for pos in range(IBLK):
                b = pos % NBUF
                if pos >= NBUF:
                    s_wait(b)
                else:
                    @pl.when(kb >= 1)
                    def _():
                        s_wait(b)
                g_issue(p, pos, b)
                if pos >= 1:
                    g_wait(1 - b)
                    s_issue(p, pos - 1, 1 - b)
                else:
                    @pl.when(kb >= 1)
                    def _():
                        g_wait((IBLK - 1) % NBUF)
                        s_issue(pm1, IBLK - 1, (IBLK - 1) % NBUF)
            return carry
        lax.fori_loop(0, NBLK, block, 0)

        lastb = (IBLK - 1) % NBUF
        g_wait(lastb)
        s_issue((NBLK - 1) % NIB, IBLK - 1, lastb)
        for b in range(NBUF):
            s_wait(b)
        plsc.subcore_barrier()

        obase = s * OUT_PER_S
        pltpu.sync_copy(shared.at[pl.ds(obase, OUT_PER_S)],
                        out_hbm.at[c, pl.ds(obase, OUT_PER_S)])

    return agg_kernel(h, src, dst, zrows)


def _dense_one(h, agg, scale, Wa, ba, g1, be1, Wb, bb, act):
    def body(h_ref, a_ref, sc_ref, wa_ref, ba_ref, g_ref, be_ref, wb_ref,
             bb_ref, o_ref):
        z = sc_ref[0] * h_ref[...] + a_ref[0, :N] + a_ref[1, :N]
        z = jnp.dot(z, wa_ref[...], precision=HIGH,
                    preferred_element_type=jnp.float32) + ba_ref[...]
        m = jnp.mean(z, axis=0, keepdims=True)
        v = jnp.mean(jnp.square(z - m), axis=0, keepdims=True)
        z = g_ref[...] * (z - m) / jnp.sqrt(v + 1e-5) + be_ref[...]
        z = jnp.maximum(z, 0.0)
        z = jnp.dot(z, wb_ref[...], precision=HIGH,
                    preferred_element_type=jnp.float32) + bb_ref[...]
        if act:
            z = jnp.maximum(z, 0.0)
        o_ref[...] = z

    return pl.pallas_call(
        body,
        out_shape=jax.ShapeDtypeStruct((N, D), jnp.float32),
    )(h, agg, scale, Wa, ba, g1, be1, Wb, bb)


def _readout(h0, h1, ids_row, Wo1r, bo1r, Wo2, bo2r, Wo3p, bo3r):
    def body(h0_ref, h1_ref, ids_ref, w1_ref, b1_ref, w2_ref, b2_ref, w3_ref,
             b3_ref, o_ref):
        gi = lax.broadcasted_iota(jnp.int32, (G, N), 0)
        S = jnp.where(gi == ids_ref[...], 1.0, 0.0)
        hg0 = jnp.dot(S, h0_ref[...], precision=HIGH,
                      preferred_element_type=jnp.float32)
        hg1 = jnp.dot(S, h1_ref[...], precision=HIGH,
                      preferred_element_type=jnp.float32)
        o = (jnp.dot(hg0, w1_ref[0], precision=HIGH,
                     preferred_element_type=jnp.float32)
             + jnp.dot(hg1, w1_ref[1], precision=HIGH,
                       preferred_element_type=jnp.float32)
             + b1_ref[...])
        o = jnp.maximum(o, 0.0)
        o = jnp.dot(o, w2_ref[...], precision=HIGH,
                    preferred_element_type=jnp.float32) + b2_ref[...]
        o = jnp.maximum(o, 0.0)
        o = jnp.dot(o, w3_ref[...], precision=HIGH,
                    preferred_element_type=jnp.float32) + b3_ref[...]
        o_ref[...] = o

    return pl.pallas_call(
        body,
        out_shape=jax.ShapeDtypeStruct((G, D), jnp.float32),
    )(h0, h1, ids_row, Wo1r, bo1r, Wo2, bo2r, Wo3p, bo3r)


def kernel(x, edge_index_0, edge_index_1, node_graph_ids, eps, W_a, b_a, g, be,
           W_b, b_b, Wo1, bo1, Wo2, bo2, Wo3, bo3):
    pad = E_PAD - E

    pad_src = jnp.arange(pad, dtype=jnp.int32) * 37 % N
    pad_dst = N + (jnp.arange(pad, dtype=jnp.int32) % (SH_ROWS - N))

    def prep(a, fill):
        return jnp.concatenate([a, fill]).reshape(NC, NS, NCHUNKS, CHUNK)

    src0 = prep(edge_index_0[0], pad_src)
    src1 = prep(edge_index_1[0], pad_src)
    dst0 = prep(edge_index_0[1], pad_dst)
    dst1 = prep(edge_index_1[1], pad_dst)

    def sc(i):
        return (1.0 + eps[i]).reshape(1, 1)

    def brow(w, i):
        return w[i].reshape(1, D)

    zrows = jnp.zeros((OUT_PER_S, D), jnp.float32)

    a1_0 = _sc_agg(x, src0, dst0, zrows)
    src1b, _ = lax.optimization_barrier((src1, a1_0))
    a1_1 = _sc_agg(x, src1b, dst1, zrows)
    h1_0 = _dense_one(x, a1_0, sc(0), W_a[0], brow(b_a, 0), brow(g, 0),
                      brow(be, 0), W_b[0], brow(b_b, 0), act=True)
    h1_1 = _dense_one(x, a1_1, sc(2), W_a[2], brow(b_a, 2), brow(g, 2),
                      brow(be, 2), W_b[2], brow(b_b, 2), act=True)
    h12 = jnp.concatenate([h1_0, h1_1], axis=0)
    src0b, _ = lax.optimization_barrier((src0, a1_1))
    a2_0 = _sc_agg(h12, src0b, dst0, zrows)
    src1N = prep(edge_index_1[0] + N, pad_src + N)
    src1c, _ = lax.optimization_barrier((src1N, a2_0))
    a2_1 = _sc_agg(h12, src1c, dst1, zrows)
    h2_0 = _dense_one(h1_0, a2_0, sc(1), W_a[1], brow(b_a, 1), brow(g, 1),
                      brow(be, 1), W_b[1], brow(b_b, 1), act=False)
    h2_1 = _dense_one(h1_1, a2_1, sc(3), W_a[3], brow(b_a, 3), brow(g, 3),
                      brow(be, 3), W_b[3], brow(b_b, 3), act=False)

    ids_row = node_graph_ids.reshape(1, N)
    Wo1r = Wo1.reshape(2, D, D)
    Wo3p = jnp.pad(Wo3, ((0, 0), (0, D - 1)))
    bo3r = jnp.pad(bo3, (0, D - 1)).reshape(1, D)
    o = _readout(h2_0, h2_1, ids_row, Wo1r, bo1.reshape(1, D), Wo2,
                 bo2.reshape(1, D), Wo3p, bo3r)
    return o[:, :1]

# --- scband reference (transcript-rebuilt; emitter-appended) ---
"""Pipeline reference for scband-gin-88098369176167 (READ-ONLY COPY).

The authoritative reference and input builder live on the scoring server;
editing this copy changes nothing except your own understanding.
"""

import jax, jax.numpy as jnp
import numpy as np

N = 10000
E = 320000
D = 128
H = 128
G = 128
L = 4  # 2 edge types x 2 GIN layers each

def setup_inputs(seed: int = 0) -> dict:
    key = jax.random.key(seed)
    ks = jax.random.split(key, 16)
    x = jax.random.normal(ks[0], (N, D), dtype=jnp.float32)
    edge_index_0 = jax.random.randint(ks[1], (2, E), 0, N, dtype=jnp.int32)
    edge_index_1 = jax.random.randint(ks[2], (2, E), 0, N, dtype=jnp.int32)
    node_graph_ids = jnp.sort(jax.random.randint(ks[3], (N,), 0, G, dtype=jnp.int32))
    s1 = 1.0 / np.sqrt(D)
    s2 = 1.0 / np.sqrt(H)
    W_a = jax.random.normal(ks[4], (L, D, H), dtype=jnp.float32) * s1
    b_a = jnp.zeros((L, H), dtype=jnp.float32)
    g = jnp.ones((L, H), dtype=jnp.float32)
    be = jnp.zeros((L, H), dtype=jnp.float32)
    W_b = jax.random.normal(ks[5], (L, H, H), dtype=jnp.float32) * s2
    b_b = jnp.zeros((L, H), dtype=jnp.float32)
    eps = jnp.full((L,), 0.1, dtype=jnp.float32)
    Wo1 = jax.random.normal(ks[6], (2 * H, H), dtype=jnp.float32) * (1.0 / np.sqrt(2 * H))
    bo1 = jnp.zeros((H,), dtype=jnp.float32)
    Wo2 = jax.random.normal(ks[7], (H, H), dtype=jnp.float32) * s2
    bo2 = jnp.zeros((H,), dtype=jnp.float32)
    Wo3 = jax.random.normal(ks[8], (H, 1), dtype=jnp.float32) * s2
    bo3 = jnp.zeros((1,), dtype=jnp.float32)
    return {"x": x, "edge_index_0": edge_index_0, "edge_index_1": edge_index_1,
            "node_graph_ids": node_graph_ids, "eps": eps, "W_a": W_a, "b_a": b_a,
            "g": g, "be": be, "W_b": W_b, "b_b": b_b, "Wo1": Wo1, "bo1": bo1,
            "Wo2": Wo2, "bo2": bo2, "Wo3": Wo3, "bo3": bo3}

def reference(x, edge_index_0, edge_index_1, node_graph_ids, eps, W_a, b_a, g, be, W_b, b_b, Wo1, bo1, Wo2, bo2, Wo3, bo3):
    def bn(h, gamma, beta):
        m = jnp.mean(h, axis=0, keepdims=True)
        v = jnp.var(h, axis=0, keepdims=True)
        return gamma * (h - m) / jnp.sqrt(v + 1e-5) + beta
    def gin(h, ei, li, act):
        src = ei[0]
        dst = ei[1]
        agg = jnp.zeros_like(h).at[dst].add(h[src])
        z = (1.0 + eps[li]) * h + agg
        z = z @ W_a[li] + b_a[li]
        z = bn(z, g[li], be[li])
        z = jax.nn.relu(z)
        z = z @ W_b[li] + b_b[li]
        if act:
            z = jax.nn.relu(z)
        return z
    outs = []
    for i, ei in enumerate([edge_index_0, edge_index_1]):
        h = gin(x, ei, 2 * i, True)
        h = gin(h, ei, 2 * i + 1, False)
        outs.append(h)
    hcat = jnp.concatenate(outs, axis=-1)
    hg = jax.ops.segment_sum(hcat, node_graph_ids, num_segments=G)
    o = jax.nn.relu(hg @ Wo1 + bo1)
    o = jax.nn.relu(o @ Wo2 + bo2)
    o = o @ Wo3 + bo3
    return o

if __name__ == "__main__":
    import jax
    _d = setup_inputs()
    print(jax.jit(kernel)(*tuple(_d.values())))

</pallas_src>

<mosaic_0001>
#map = affine_map<(d0, d1) -> (0, 0)>
#map1 = affine_map<(d0, d1) -> (0, 0, 0, 0)>
#map2 = affine_map<(d0, d1) -> (0, 0, 0)>
module attributes {stable_mosaic.version = 14 : i64} {
  func.func @agg_kernel(%arg0: i32, %arg1: i32, %arg2: memref<10000x128xf32, #tpu.memory_space<hbm>>, %arg3: memref<2x16x80x128xi32, #tpu.memory_space<hbm>>, %arg4: memref<2x16x80x128xi32, #tpu.memory_space<hbm>>, %arg5: memref<640x128xf32, #tpu.memory_space<hbm>>, %arg6: memref<2x10240x128xf32, #tpu.memory_space<hbm>>, %arg7: memref<3x8x128xi32, #tpu.memory_space<vmem>>, %arg8: memref<3x8x128xi32, #tpu.memory_space<vmem>>, %arg9: memref<2x128x128xf32, #tpu.memory_space<vmem>>, %arg10: memref<10240x128xf32, #tpu.memory_space<vmem_shared>>, %arg11: memref<!tpu.dma_semaphore, #tpu.memory_space<semaphore_mem>>, %arg12: memref<!tpu.dma_semaphore, #tpu.memory_space<semaphore_mem>>, %arg13: memref<!tpu.dma_semaphore, #tpu.memory_space<semaphore_mem>>, %arg14: memref<!tpu.dma_semaphore, #tpu.memory_space<semaphore_mem>>, %arg15: memref<!tpu.dma_semaphore, #tpu.memory_space<semaphore_mem>>) attributes {dimension_semantics = [#tpu.dimension_semantics<core_parallel>, #tpu.dimension_semantics<subcore_parallel>], iteration_bounds = array<i64: 2, 16>, scalar_prefetch = 0 : i64, scratch_operands = 9 : i64, tpu.core_type = #tpu.core_type<sc_vector_subcore>, window_params = [{transform_indices = #map}, {transform_indices = #map1}, {transform_indices = #map1}, {transform_indices = #map}, {transform_indices = #map2}]} {
    %mul3A = arith.constant 640 : i32
    %mul3A_0 = arith.muli %arg1, %mul3A : i32
    "tpu.region"() ({
      %run_scoped3A = tpu.sem_alloc : memref<!tpu.dma_semaphore, #tpu.memory_space<semaphore_mem>>
      %dma_start3A_93 = arith.constant 0 : i32
      %dma_start3A_94 = tpu.memref_slice %arg10[%mul3A_0, %dma_start3A_93] : memref<10240x128xf32, #tpu.memory_space<vmem_shared>> -> memref<640x128xf32, #tpu.memory_space<vmem_shared>>
      tpu.enqueue_dma source(%arg5 : memref<640x128xf32, #tpu.memory_space<hbm>>) target(%dma_start3A_94 : memref<640x128xf32, #tpu.memory_space<vmem_shared>>) target_semaphore(%run_scoped3A : memref<!tpu.dma_semaphore, #tpu.memory_space<semaphore_mem>>)
      %dma_wait3A_95 = arith.constant 0 : i32
      %dma_wait3A_96 = tpu.memref_slice %arg10[%mul3A_0, %dma_wait3A_95] : memref<10240x128xf32, #tpu.memory_space<vmem_shared>> -> memref<640x128xf32, #tpu.memory_space<vmem_shared>>
      tpu.wait_dma2 semaphore(%run_scoped3A : memref<!tpu.dma_semaphore, #tpu.memory_space<semaphore_mem>>) src(%arg5 : memref<640x128xf32, #tpu.memory_space<hbm>>) dst(%dma_wait3A_96 : memref<640x128xf32, #tpu.memory_space<vmem_shared>>)
      tpu.yield
    }) : () -> ()
    %barrier3A = arith.constant 0 : index
    tpu.barrier barrier_id(%barrier3A)
    %dma_start3A = arith.constant 0 : i32
    %dma_start3A_1 = arith.constant 0 : i32
    %dma_start3A_2 = arith.constant 0 : i32
    %dma_start3A_3 = tpu.memref_slice %arg7[%dma_start3A, %dma_start3A_1, %dma_start3A_2] : memref<3x8x128xi32, #tpu.memory_space<vmem>> -> memref<1x8x128xi32, #tpu.memory_space<vmem>>
    %dma_start3A_4 = tpu.memref_squeeze %dma_start3A_3 : memref<1x8x128xi32, #tpu.memory_space<vmem>> -> memref<8x128xi32, #tpu.memory_space<vmem>>
    %dma_start3A_5 = arith.constant 0 : i32
    %dma_start3A_6 = arith.constant 0 : i32
    %dma_start3A_7 = tpu.memref_slice %arg3[%arg0, %arg1, %dma_start3A_5, %dma_start3A_6] : memref<2x16x80x128xi32, #tpu.memory_space<hbm>> -> memref<1x1x8x128xi32, #tpu.memory_space<hbm>>
    %dma_start3A_8 = tpu.memref_squeeze %dma_start3A_7 : memref<1x1x8x128xi32, #tpu.memory_space<hbm>> -> memref<8x128xi32, #tpu.memory_space<hbm>>
    %dma_start3A_9 = arith.constant 0 : i32
    %dma_start3A_10 = arith.constant 0 : i32
    %dma_start3A_11 = tpu.memref_slice %arg7[%dma_start3A, %dma_start3A_9, %dma_start3A_10] : memref<3x8x128xi32, #tpu.memory_space<vmem>> -> memref<1x8x128xi32, #tpu.memory_space<vmem>>
    %dma_start3A_12 = tpu.memref_squeeze %dma_start3A_11 : memref<1x8x128xi32, #tpu.memory_space<vmem>> -> memref<8x128xi32, #tpu.memory_space<vmem>>
    %dma_start3A_13 = arith.constant 0 : i32
    %dma_start3A_14 = arith.constant 0 : i32
    %dma_start3A_15 = tpu.memref_slice %arg3[%arg0, %arg1, %dma_start3A_13, %dma_start3A_14] : memref<2x16x80x128xi32, #tpu.memory_space<hbm>> -> memref<1x1x8x128xi32, #tpu.memory_space<hbm>>
    %dma_start3A_16 = tpu.memref_squeeze %dma_start3A_15 : memref<1x1x8x128xi32, #tpu.memory_space<hbm>> -> memref<8x128xi32, #tpu.memory_space<hbm>>
    tpu.enqueue_dma source(%dma_start3A_16 : memref<8x128xi32, #tpu.memory_space<hbm>>) target(%dma_start3A_12 : memref<8x128xi32, #tpu.memory_space<vmem>>) target_semaphore(%arg15 : memref<!tpu.dma_semaphore, #tpu.memory_space<semaphore_mem>>)
    %dma_start3A_17 = arith.constant 0 : i32
    %dma_start3A_18 = arith.constant 0 : i32
    %dma_start3A_19 = arith.constant 0 : i32
    %dma_start3A_20 = tpu.memref_slice %arg8[%dma_start3A_17, %dma_start3A_18, %dma_start3A_19] : memref<3x8x128xi32, #tpu.memory_space<vmem>> -> memref<1x8x128xi32, #tpu.memory_space<vmem>>
    %dma_start3A_21 = tpu.memref_squeeze %dma_start3A_20 : memref<1x8x128xi32, #tpu.memory_space<vmem>> -> memref<8x128xi32, #tpu.memory_space<vmem>>
    %dma_start3A_22 = arith.constant 0 : i32
    %dma_start3A_23 = arith.constant 0 : i32
    %dma_start3A_24 = tpu.memref_slice %arg4[%arg0, %arg1, %dma_start3A_22, %dma_start3A_23] : memref<2x16x80x128xi32, #tpu.memory_space<hbm>> -> memref<1x1x8x128xi32, #tpu.memory_space<hbm>>
    %dma_start3A_25 = tpu.memref_squeeze %dma_start3A_24 : memref<1x1x8x128xi32, #tpu.memory_space<hbm>> -> memref<8x128xi32, #tpu.memory_space<hbm>>
    %dma_start3A_26 = arith.constant 0 : i32
    %dma_start3A_27 = arith.constant 0 : i32
    %dma_start3A_28 = tpu.memref_slice %arg8[%dma_start3A_17, %dma_start3A_26, %dma_start3A_27] : memref<3x8x128xi32, #tpu.memory_space<vmem>> -> memref<1x8x128xi32, #tpu.memory_space<vmem>>
    %dma_start3A_29 = tpu.memref_squeeze %dma_start3A_28 : memref<1x8x128xi32, #tpu.memory_space<vmem>> -> memref<8x128xi32, #tpu.memory_space<vmem>>
    %dma_start3A_30 = arith.constant 0 : i32
    %dma_start3A_31 = arith.constant 0 : i32
    %dma_start3A_32 = tpu.memref_slice %arg4[%arg0, %arg1, %dma_start3A_30, %dma_start3A_31] : memref<2x16x80x128xi32, #tpu.memory_space<hbm>> -> memref<1x1x8x128xi32, #tpu.memory_space<hbm>>
    %dma_start3A_33 = tpu.memref_squeeze %dma_start3A_32 : memref<1x1x8x128xi32, #tpu.memory_space<hbm>> -> memref<8x128xi32, #tpu.memory_space<hbm>>
    tpu.enqueue_dma source(%dma_start3A_33 : memref<8x128xi32, #tpu.memory_space<hbm>>) target(%dma_start3A_29 : memref<8x128xi32, #tpu.memory_space<vmem>>) target_semaphore(%arg15 : memref<!tpu.dma_semaphore, #tpu.memory_space<semaphore_mem>>)
    %scan3A = arith.constant 0 : i32
    %scan3A_34 = arith.constant 0 : i32
    %scan3A_35 = arith.constant 10 : i32
    %scan3A_36 = arith.addi %scan3A_34, %scan3A_35 : i32
    %scan3A_37 = arith.constant 1 : i32
    scf.for %scan3A_93 = %scan3A_34 to %scan3A_36 step %scan3A_37  : i32 {
      %rem3A = arith.constant 3 : i32
      %rem3A_94 = arith.remsi %scan3A_93, %rem3A : i32
      %add3A = arith.constant 2 : i32
      %add3A_95 = arith.addi %scan3A_93, %add3A : i32
      %rem3A_96 = arith.constant 3 : i32
      %rem3A_97 = arith.remsi %add3A_95, %rem3A_96 : i32
      %add3A_98 = arith.constant 1 : i32
      %add3A_99 = arith.addi %scan3A_93, %add3A_98 : i32
      %rem3A_100 = arith.constant 3 : i32
      %rem3A_101 = arith.remsi %add3A_99, %rem3A_100 : i32
      %dma_wait3A_102 = arith.constant 0 : i32
      %dma_wait3A_103 = arith.constant 0 : i32
      %dma_wait3A_104 = arith.constant 0 : i32
      %dma_wait3A_105 = tpu.memref_slice %arg7[%dma_wait3A_102, %dma_wait3A_103, %dma_wait3A_104] : memref<3x8x128xi32, #tpu.memory_space<vmem>> -> memref<1x8x128xi32, #tpu.memory_space<vmem>>
      %dma_wait3A_106 = tpu.memref_squeeze %dma_wait3A_105 : memref<1x8x128xi32, #tpu.memory_space<vmem>> -> memref<8x128xi32, #tpu.memory_space<vmem>>
      %dma_wait3A_107 = arith.constant 0 : i32
      %dma_wait3A_108 = arith.constant 0 : i32
      %dma_wait3A_109 = tpu.memref_slice %arg3[%arg0, %arg1, %dma_wait3A_107, %dma_wait3A_108] : memref<2x16x80x128xi32, #tpu.memory_space<hbm>> -> memref<1x1x8x128xi32, #tpu.memory_space<hbm>>
      %dma_wait3A_110 = tpu.memref_squeeze %dma_wait3A_109 : memref<1x1x8x128xi32, #tpu.memory_space<hbm>> -> memref<8x128xi32, #tpu.memory_space<hbm>>
      %dma_wait3A_111 = arith.constant 0 : i32
      %dma_wait3A_112 = arith.constant 0 : i32
      %dma_wait3A_113 = tpu.memref_slice %arg7[%dma_wait3A_102, %dma_wait3A_111, %dma_wait3A_112] : memref<3x8x128xi32, #tpu.memory_space<vmem>> -> memref<1x8x128xi32, #tpu.memory_space<vmem>>
      %dma_wait3A_114 = tpu.memref_squeeze %dma_wait3A_113 : memref<1x8x128xi32, #tpu.memory_space<vmem>> -> memref<8x128xi32, #tpu.memory_space<vmem>>
      %dma_wait3A_115 = arith.constant 0 : i32
      %dma_wait3A_116 = arith.constant 0 : i32
      %dma_wait3A_117 = tpu.memref_slice %arg3[%arg0, %arg1, %dma_wait3A_115, %dma_wait3A_116] : memref<2x16x80x128xi32, #tpu.memory_space<hbm>> -> memref<1x1x8x128xi32, #tpu.memory_space<hbm>>
      %dma_wait3A_118 = tpu.memref_squeeze %dma_wait3A_117 : memref<1x1x8x128xi32, #tpu.memory_space<hbm>> -> memref<8x128xi32, #tpu.memory_space<hbm>>
      tpu.wait_dma2 semaphore(%arg15 : memref<!tpu.dma_semaphore, #tpu.memory_space<semaphore_mem>>) src(%dma_wait3A_118 : memref<8x128xi32, #tpu.memory_space<hbm>>) dst(%dma_wait3A_114 : memref<8x128xi32, #tpu.memory_space<vmem>>)
      %dma_wait3A_119 = arith.constant 0 : i32
      %dma_wait3A_120 = arith.constant 0 : i32
      %dma_wait3A_121 = arith.constant 0 : i32
      %dma_wait3A_122 = tpu.memref_slice %arg8[%dma_wait3A_119, %dma_wait3A_120, %dma_wait3A_121] : memref<3x8x128xi32, #tpu.memory_space<vmem>> -> memref<1x8x128xi32, #tpu.memory_space<vmem>>
      %dma_wait3A_123 = tpu.memref_squeeze %dma_wait3A_122 : memref<1x8x128xi32, #tpu.memory_space<vmem>> -> memref<8x128xi32, #tpu.memory_space<vmem>>
      %dma_wait3A_124 = arith.constant 0 : i32
      %dma_wait3A_125 = arith.constant 0 : i32
      %dma_wait3A_126 = tpu.memref_slice %arg4[%arg0, %arg1, %dma_wait3A_124, %dma_wait3A_125] : memref<2x16x80x128xi32, #tpu.memory_space<hbm>> -> memref<1x1x8x128xi32, #tpu.memory_space<hbm>>
      %dma_wait3A_127 = tpu.memref_squeeze %dma_wait3A_126 : memref<1x1x8x128xi32, #tpu.memory_space<hbm>> -> memref<8x128xi32, #tpu.memory_space<hbm>>
      %dma_wait3A_128 = arith.constant 0 : i32
      %dma_wait3A_129 = arith.constant 0 : i32
      %dma_wait3A_130 = tpu.memref_slice %arg8[%dma_wait3A_119, %dma_wait3A_128, %dma_wait3A_129] : memref<3x8x128xi32, #tpu.memory_space<vmem>> -> memref<1x8x128xi32, #tpu.memory_space<vmem>>
      %dma_wait3A_131 = tpu.memref_squeeze %dma_wait3A_130 : memref<1x8x128xi32, #tpu.memory_space<vmem>> -> memref<8x128xi32, #tpu.memory_space<vmem>>
      %dma_wait3A_132 = arith.constant 0 : i32
      %dma_wait3A_133 = arith.constant 0 : i32
      %dma_wait3A_134 = tpu.memref_slice %arg4[%arg0, %arg1, %dma_wait3A_132, %dma_wait3A_133] : memref<2x16x80x128xi32, #tpu.memory_space<hbm>> -> memref<1x1x8x128xi32, #tpu.memory_space<hbm>>
      %dma_wait3A_135 = tpu.memref_squeeze %dma_wait3A_134 : memref<1x1x8x128xi32, #tpu.memory_space<hbm>> -> memref<8x128xi32, #tpu.memory_space<hbm>>
      tpu.wait_dma2 semaphore(%arg15 : memref<!tpu.dma_semaphore, #tpu.memory_space<semaphore_mem>>) src(%dma_wait3A_135 : memref<8x128xi32, #tpu.memory_space<hbm>>) dst(%dma_wait3A_131 : memref<8x128xi32, #tpu.memory_space<vmem>>)
      %lt3A = arith.constant 9 : i32
      %lt3A_136 = arith.cmpi slt, %scan3A_93, %lt3A : i32
      %convert_element_type3A = arith.extui %lt3A_136 : i1 to i32
      %cond3A = arith.constant 0 : i32
      %cond3A_137 = arith.cmpi ne, %convert_element_type3A, %cond3A : i32
      scf.if %cond3A_137 {
        %add3A_501 = arith.constant 1 : i32
        %add3A_502 = arith.addi %scan3A_93, %add3A_501 : i32
        %mul3A_503 = arith.constant 8 : i32
        %mul3A_504 = arith.muli %add3A_502, %mul3A_503 : i32
        %dma_start3A_505 = arith.constant 0 : i32
        %dma_start3A_506 = arith.constant 0 : i32
        %dma_start3A_507 = tpu.memref_slice %arg7[%rem3A_101, %dma_start3A_505, %dma_start3A_506] : memref<3x8x128xi32, #tpu.memory_space<vmem>> -> memref<1x8x128xi32, #tpu.memory_space<vmem>>
        %dma_start3A_508 = tpu.memref_squeeze %dma_start3A_507 : memref<1x8x128xi32, #tpu.memory_space<vmem>> -> memref<8x128xi32, #tpu.memory_space<vmem>>
        %dma_start3A_509 = arith.constant 0 : i32
        %dma_start3A_510 = tpu.memref_slice %arg3[%arg0, %arg1, %mul3A_504, %dma_start3A_509] : memref<2x16x80x128xi32, #tpu.memory_space<hbm>> -> memref<1x1x8x128xi32, #tpu.memory_space<hbm>>
        %dma_start3A_511 = tpu.memref_squeeze %dma_start3A_510 : memref<1x1x8x128xi32, #tpu.memory_space<hbm>> -> memref<8x128xi32, #tpu.memory_space<hbm>>
        %dma_start3A_512 = arith.constant 0 : i32
        %dma_start3A_513 = arith.constant 0 : i32
        %dma_start3A_514 = tpu.memref_slice %arg7[%rem3A_101, %dma_start3A_512, %dma_start3A_513] : memref<3x8x128xi32, #tpu.memory_space<vmem>> -> memref<1x8x128xi32, #tpu.memory_space<vmem>>
        %dma_start3A_515 = tpu.memref_squeeze %dma_start3A_514 : memref<1x8x128xi32, #tpu.memory_space<vmem>> -> memref<8x128xi32, #tpu.memory_space<vmem>>
        %dma_start3A_516 = arith.constant 0 : i32
        %dma_start3A_517 = tpu.memref_slice %arg3[%arg0, %arg1, %mul3A_504, %dma_start3A_516] : memref<2x16x80x128xi32, #tpu.memory_space<hbm>> -> memref<1x1x8x128xi32, #tpu.memory_space<hbm>>
        %dma_start3A_518 = tpu.memref_squeeze %dma_start3A_517 : memref<1x1x8x128xi32, #tpu.memory_space<hbm>> -> memref<8x128xi32, #tpu.memory_space<hbm>>
        tpu.enqueue_dma source(%dma_start3A_518 : memref<8x128xi32, #tpu.memory_space<hbm>>) target(%dma_start3A_515 : memref<8x128xi32, #tpu.memory_space<vmem>>) target_semaphore(%arg15 : memref<!tpu.dma_semaphore, #tpu.memory_space<semaphore_mem>>)
        %mul3A_519 = arith.constant 8 : i32
        %mul3A_520 = arith.muli %add3A_502, %mul3A_519 : i32
        %dma_start3A_521 = arith.constant 0 : i32
        %dma_start3A_522 = arith.constant 0 : i32
        %dma_start3A_523 = tpu.memref_slice %arg8[%rem3A_101, %dma_start3A_521, %dma_start3A_522] : memref<3x8x128xi32, #tpu.memory_space<vmem>> -> memref<1x8x128xi32, #tpu.memory_space<vmem>>
        %dma_start3A_524 = tpu.memref_squeeze %dma_start3A_523 : memref<1x8x128xi32, #tpu.memory_space<vmem>> -> memref<8x128xi32, #tpu.memory_space<vmem>>
        %dma_start3A_525 = arith.constant 0 : i32
        %dma_start3A_526 = tpu.memref_slice %arg4[%arg0, %arg1, %mul3A_520, %dma_start3A_525] : memref<2x16x80x128xi32, #tpu.memory_space<hbm>> -> memref<1x1x8x128xi32, #tpu.memory_space<hbm>>
        %dma_start3A_527 = tpu.memref_squeeze %dma_start3A_526 : memref<1x1x8x128xi32, #tpu.memory_space<hbm>> -> memref<8x128xi32, #tpu.memory_space<hbm>>
        %dma_start3A_528 = arith.constant 0 : i32
        %dma_start3A_529 = arith.constant 0 : i32
        %dma_start3A_530 = tpu.memref_slice %arg8[%rem3A_101, %dma_start3A_528, %dma_start3A_529] : memref<3x8x128xi32, #tpu.memory_space<vmem>> -> memref<1x8x128xi32, #tpu.memory_space<vmem>>
        %dma_start3A_531 = tpu.memref_squeeze %dma_start3A_530 : memref<1x8x128xi32, #tpu.memory_space<vmem>> -> memref<8x128xi32, #tpu.memory_space<vmem>>
        %dma_start3A_532 = arith.constant 0 : i32
        %dma_start3A_533 = tpu.memref_slice %arg4[%arg0, %arg1, %mul3A_520, %dma_start3A_532] : memref<2x16x80x128xi32, #tpu.memory_space<hbm>> -> memref<1x1x8x128xi32, #tpu.memory_space<hbm>>
        %dma_start3A_534 = tpu.memref_squeeze %dma_start3A_533 : memref<1x1x8x128xi32, #tpu.memory_space<hbm>> -> memref<8x128xi32, #tpu.memory_space<hbm>>
        tpu.enqueue_dma source(%dma_start3A_534 : memref<8x128xi32, #tpu.memory_space<hbm>>) target(%dma_start3A_531 : memref<8x128xi32, #tpu.memory_space<vmem>>) target_semaphore(%arg15 : memref<!tpu.dma_semaphore, #tpu.memory_space<semaphore_mem>>)
      } else {
      }
      %ge3A = arith.constant 1 : i32
      %ge3A_138 = arith.cmpi sge, %scan3A_93, %ge3A : i32
      %convert_element_type3A_139 = arith.extui %ge3A_138 : i1 to i32
      %cond3A_140 = arith.constant 0 : i32
      %cond3A_141 = arith.cmpi ne, %convert_element_type3A_139, %cond3A_140 : i32
      scf.if %cond3A_141 {
        %dma_wait3A_501 = arith.constant 0 : i32
        %dma_wait3A_502 = arith.constant 0 : i32
        %dma_wait3A_503 = arith.constant 0 : i32
        %dma_wait3A_504 = arith.constant 0 : i32
        %dma_wait3A_505 = arith.constant 0 : i32
        %dma_wait3A_506 = tpu.memref_slice %arg9[%dma_wait3A_501, %dma_wait3A_504, %dma_wait3A_505] : memref<2x128x128xf32, #tpu.memory_space<vmem>> -> memref<1x128x128xf32, #tpu.memory_space<vmem>>
        %dma_wait3A_507 = tpu.memref_squeeze %dma_wait3A_506 : memref<1x128x128xf32, #tpu.memory_space<vmem>> -> memref<128x128xf32, #tpu.memory_space<vmem>>
        %dma_wait3A_508 = arith.constant 0 : i32
        %dma_wait3A_509 = tpu.memref_slice %arg8[%dma_wait3A_502, %dma_wait3A_503, %dma_wait3A_508] : memref<3x8x128xi32, #tpu.memory_space<vmem>> -> memref<1x1x128xi32, #tpu.memory_space<vmem>>
        %dma_wait3A_510 = tpu.memref_squeeze %dma_wait3A_509 : memref<1x1x128xi32, #tpu.memory_space<vmem>> -> memref<128xi32, #tpu.memory_space<vmem>>
        %dma_wait3A_511 = arith.constant 0 : i32
        %dma_wait3A_512 = arith.constant 0 : i32
        %dma_wait3A_513 = tpu.memref_slice %arg10[%dma_wait3A_511, %dma_wait3A_512] : memref<10240x128xf32, #tpu.memory_space<vmem_shared>> -> memref<10240x128xf32, #tpu.memory_space<vmem_shared>>
        tpu.wait_indirect_dma semaphore(%arg13 : memref<!tpu.dma_semaphore, #tpu.memory_space<semaphore_mem>>) src(%dma_wait3A_507 : memref<128x128xf32, #tpu.memory_space<vmem>>) dst(%dma_wait3A_513 : memref<10240x128xf32, #tpu.memory_space<vmem_shared>>)
      } else {
      }
      %dma_start3A_142 = arith.constant 0 : i32
      %dma_start3A_143 = arith.constant 0 : i32
      %dma_start3A_144 = arith.constant 0 : i32
      %dma_start3A_145 = arith.constant 0 : i32
      %dma_start3A_146 = tpu.memref_slice %arg9[%dma_start3A_143, %dma_start3A_144, %dma_start3A_145] : memref<2x128x128xf32, #tpu.memory_space<vmem>> -> memref<1x128x128xf32, #tpu.memory_space<vmem>>
      %dma_start3A_147 = tpu.memref_squeeze %dma_start3A_146 : memref<1x128x128xf32, #tpu.memory_space<vmem>> -> memref<128x128xf32, #tpu.memory_space<vmem>>
      %dma_start3A_148 = arith.constant 0 : i32
      %dma_start3A_149 = tpu.memref_slice %arg7[%rem3A_94, %dma_start3A_142, %dma_start3A_148] : memref<3x8x128xi32, #tpu.memory_space<vmem>> -> memref<1x1x128xi32, #tpu.memory_space<vmem>>
      %dma_start3A_150 = tpu.memref_squeeze %dma_start3A_149 : memref<1x1x128xi32, #tpu.memory_space<vmem>> -> memref<128xi32, #tpu.memory_space<vmem>>
      %dma_start3A_151 = arith.constant 0 : i32
      %dma_start3A_152 = arith.constant 0 : i32
      %dma_start3A_153 = tpu.memref_slice %arg2[%dma_start3A_151, %dma_start3A_152] : memref<10000x128xf32, #tpu.memory_space<hbm>> -> memref<10000x128xf32, #tpu.memory_space<hbm>>
      tpu.enqueue_indirect_dma source(%dma_start3A_153 : memref<10000x128xf32, #tpu.memory_space<hbm>>) target(%dma_start3A_147 : memref<128x128xf32, #tpu.memory_space<vmem>>) offsets(%dma_start3A_150 : memref<128xi32, #tpu.memory_space<vmem>>) semaphore(%arg11 : memref<!tpu.dma_semaphore, #tpu.memory_space<semaphore_mem>>)
      %ge3A_154 = arith.constant 1 : i32
      %ge3A_155 = arith.cmpi sge, %scan3A_93, %ge3A_154 : i32
      %convert_element_type3A_156 = arith.extui %ge3A_155 : i1 to i32
      %cond3A_157 = arith.constant 0 : i32
      %cond3A_158 = arith.cmpi ne, %convert_element_type3A_156, %cond3A_157 : i32
      scf.if %cond3A_158 {
        %dma_wait3A_501 = arith.constant 0 : i32
        %dma_wait3A_502 = arith.constant 0 : i32
        %dma_wait3A_503 = arith.constant 1 : i32
        %dma_wait3A_504 = arith.constant 0 : i32
        %dma_wait3A_505 = arith.constant 0 : i32
        %dma_wait3A_506 = tpu.memref_slice %arg9[%dma_wait3A_503, %dma_wait3A_504, %dma_wait3A_505] : memref<2x128x128xf32, #tpu.memory_space<vmem>> -> memref<1x128x128xf32, #tpu.memory_space<vmem>>
        %dma_wait3A_507 = tpu.memref_squeeze %dma_wait3A_506 : memref<1x128x128xf32, #tpu.memory_space<vmem>> -> memref<128x128xf32, #tpu.memory_space<vmem>>
        %dma_wait3A_508 = arith.constant 0 : i32
        %dma_wait3A_509 = tpu.memref_slice %arg7[%dma_wait3A_501, %dma_wait3A_502, %dma_wait3A_508] : memref<3x8x128xi32, #tpu.memory_space<vmem>> -> memref<1x1x128xi32, #tpu.memory_space<vmem>>
        %dma_wait3A_510 = tpu.memref_squeeze %dma_wait3A_509 : memref<1x1x128xi32, #tpu.memory_space<vmem>> -> memref<128xi32, #tpu.memory_space<vmem>>
        %dma_wait3A_511 = arith.constant 0 : i32
        %dma_wait3A_512 = arith.constant 0 : i32
        %dma_wait3A_513 = tpu.memref_slice %arg2[%dma_wait3A_511, %dma_wait3A_512] : memref<10000x128xf32, #tpu.memory_space<hbm>> -> memref<10000x128xf32, #tpu.memory_space<hbm>>
        tpu.wait_indirect_dma semaphore(%arg12 : memref<!tpu.dma_semaphore, #tpu.memory_space<semaphore_mem>>) src(%dma_wait3A_513 : memref<10000x128xf32, #tpu.memory_space<hbm>>) dst(%dma_wait3A_507 : memref<128x128xf32, #tpu.memory_space<vmem>>)
        %dma_start3A_514 = arith.constant 1 : i32
        %dma_start3A_515 = arith.constant 7 : i32
        %dma_start3A_516 = arith.constant 0 : i32
        %dma_start3A_517 = arith.constant 0 : i32
        %dma_start3A_518 = tpu.memref_slice %arg9[%dma_start3A_514, %dma_start3A_516, %dma_start3A_517] : memref<2x128x128xf32, #tpu.memory_space<vmem>> -> memref<1x128x128xf32, #tpu.memory_space<vmem>>
        %dma_start3A_519 = tpu.memref_squeeze %dma_start3A_518 : memref<1x128x128xf32, #tpu.memory_space<vmem>> -> memref<128x128xf32, #tpu.memory_space<vmem>>
        %dma_start3A_520 = arith.constant 0 : i32
        %dma_start3A_521 = tpu.memref_slice %arg8[%rem3A_97, %dma_start3A_515, %dma_start3A_520] : memref<3x8x128xi32, #tpu.memory_space<vmem>> -> memref<1x1x128xi32, #tpu.memory_space<vmem>>
        %dma_start3A_522 = tpu.memref_squeeze %dma_start3A_521 : memref<1x1x128xi32, #tpu.memory_space<vmem>> -> memref<128xi32, #tpu.memory_space<vmem>>
        %dma_start3A_523 = arith.constant 0 : i32
        %dma_start3A_524 = arith.constant 0 : i32
        %dma_start3A_525 = tpu.memref_slice %arg10[%dma_start3A_523, %dma_start3A_524] : memref<10240x128xf32, #tpu.memory_space<vmem_shared>> -> memref<10240x128xf32, #tpu.memory_space<vmem_shared>>
        tpu.enqueue_indirect_dma source(%dma_start3A_519 : memref<128x128xf32, #tpu.memory_space<vmem>>) target(%dma_start3A_525 : memref<10240x128xf32, #tpu.memory_space<vmem_shared>>) offsets(%dma_start3A_522 : memref<128xi32, #tpu.memory_space<vmem>>) semaphore(%arg14 : memref<!tpu.dma_semaphore, #tpu.memory_space<semaphore_mem>>) {add = true}
      } else {
      }
      %ge3A_159 = arith.constant 1 : i32
      %ge3A_160 = arith.cmpi sge, %scan3A_93, %ge3A_159 : i32
      %convert_element_type3A_161 = arith.extui %ge3A_160 : i1 to i32
      %cond3A_162 = arith.constant 0 : i32
      %cond3A_163 = arith.cmpi ne, %convert_element_type3A_161, %cond3A_162 : i32
      scf.if %cond3A_163 {
        %dma_wait3A_501 = arith.constant 1 : i32
        %dma_wait3A_502 = arith.constant 0 : i32
        %dma_wait3A_503 = arith.constant 0 : i32
        %dma_wait3A_504 = arith.constant 0 : i32
        %dma_wait3A_505 = arith.constant 0 : i32
        %dma_wait3A_506 = tpu.memref_slice %arg9[%dma_wait3A_501, %dma_wait3A_504, %dma_wait3A_505] : memref<2x128x128xf32, #tpu.memory_space<vmem>> -> memref<1x128x128xf32, #tpu.memory_space<vmem>>
        %dma_wait3A_507 = tpu.memref_squeeze %dma_wait3A_506 : memref<1x128x128xf32, #tpu.memory_space<vmem>> -> memref<128x128xf32, #tpu.memory_space<vmem>>
        %dma_wait3A_508 = arith.constant 0 : i32
        %dma_wait3A_509 = tpu.memref_slice %arg8[%dma_wait3A_502, %dma_wait3A_503, %dma_wait3A_508] : memref<3x8x128xi32, #tpu.memory_space<vmem>> -> memref<1x1x128xi32, #tpu.memory_space<vmem>>
        %dma_wait3A_510 = tpu.memref_squeeze %dma_wait3A_509 : memref<1x1x128xi32, #tpu.memory_space<vmem>> -> memref<128xi32, #tpu.memory_space<vmem>>
        %dma_wait3A_511 = arith.constant 0 : i32
        %dma_wait3A_512 = arith.constant 0 : i32
        %dma_wait3A_513 = tpu.memref_slice %arg10[%dma_wait3A_511, %dma_wait3A_512] : memref<10240x128xf32, #tpu.memory_space<vmem_shared>> -> memref<10240x128xf32, #tpu.memory_space<vmem_shared>>
        tpu.wait_indirect_dma semaphore(%arg14 : memref<!tpu.dma_semaphore, #tpu.memory_space<semaphore_mem>>) src(%dma_wait3A_507 : memref<128x128xf32, #tpu.memory_space<vmem>>) dst(%dma_wait3A_513 : memref<10240x128xf32, #tpu.memory_space<vmem_shared>>)
      } else {
      }
      %dma_start3A_164 = arith.constant 1 : i32
      %dma_start3A_165 = arith.constant 1 : i32
      %dma_start3A_166 = arith.constant 0 : i32
      %dma_start3A_167 = arith.constant 0 : i32
      %dma_start3A_168 = tpu.memref_slice %arg9[%dma_start3A_165, %dma_start3A_166, %dma_start3A_167] : memref<2x128x128xf32, #tpu.memory_space<vmem>> -> memref<1x128x128xf32, #tpu.memory_space<vmem>>
      %dma_start3A_169 = tpu.memref_squeeze %dma_start3A_168 : memref<1x128x128xf32, #tpu.memory_space<vmem>> -> memref<128x128xf32, #tpu.memory_space<vmem>>
      %dma_start3A_170 = arith.constant 0 : i32
      %dma_start3A_171 = tpu.memref_slice %arg7[%rem3A_94, %dma_start3A_164, %dma_start3A_170] : memref<3x8x128xi32, #tpu.memory_space<vmem>> -> memref<1x1x128xi32, #tpu.memory_space<vmem>>
      %dma_start3A_172 = tpu.memref_squeeze %dma_start3A_171 : memref<1x1x128xi32, #tpu.memory_space<vmem>> -> memref<128xi32, #tpu.memory_space<vmem>>
      %dma_start3A_173 = arith.constant 0 : i32
      %dma_start3A_174 = arith.constant 0 : i32
      %dma_start3A_175 = tpu.memref_slice %arg2[%dma_start3A_173, %dma_start3A_174] : memref<10000x128xf32, #tpu.memory_space<hbm>> -> memref<10000x128xf32, #tpu.memory_space<hbm>>
      tpu.enqueue_indirect_dma source(%dma_start3A_175 : memref<10000x128xf32, #tpu.memory_space<hbm>>) target(%dma_start3A_169 : memref<128x128xf32, #tpu.memory_space<vmem>>) offsets(%dma_start3A_172 : memref<128xi32, #tpu.memory_space<vmem>>) semaphore(%arg12 : memref<!tpu.dma_semaphore, #tpu.memory_space<semaphore_mem>>)
      %dma_wait3A_176 = arith.constant 0 : i32
      %dma_wait3A_177 = arith.constant 0 : i32
      %dma_wait3A_178 = arith.constant 0 : i32
      %dma_wait3A_179 = arith.constant 0 : i32
      %dma_wait3A_180 = arith.constant 0 : i32
      %dma_wait3A_181 = tpu.memref_slice %arg9[%dma_wait3A_178, %dma_wait3A_179, %dma_wait3A_180] : memref<2x128x128xf32, #tpu.memory_space<vmem>> -> memref<1x128x128xf32, #tpu.memory_space<vmem>>
      %dma_wait3A_182 = tpu.memref_squeeze %dma_wait3A_181 : memref<1x128x128xf32, #tpu.memory_space<vmem>> -> memref<128x128xf32, #tpu.memory_space<vmem>>
      %dma_wait3A_183 = arith.constant 0 : i32
      %dma_wait3A_184 = tpu.memref_slice %arg7[%dma_wait3A_176, %dma_wait3A_177, %dma_wait3A_183] : memref<3x8x128xi32, #tpu.memory_space<vmem>> -> memref<1x1x128xi32, #tpu.memory_space<vmem>>
      %dma_wait3A_185 = tpu.memref_squeeze %dma_wait3A_184 : memref<1x1x128xi32, #tpu.memory_space<vmem>> -> memref<128xi32, #tpu.memory_space<vmem>>
      %dma_wait3A_186 = arith.constant 0 : i32
      %dma_wait3A_187 = arith.constant 0 : i32
      %dma_wait3A_188 = tpu.memref_slice %arg2[%dma_wait3A_186, %dma_wait3A_187] : memref<10000x128xf32, #tpu.memory_space<hbm>> -> memref<10000x128xf32, #tpu.memory_space<hbm>>
      tpu.wait_indirect_dma semaphore(%arg11 : memref<!tpu.dma_semaphore, #tpu.memory_space<semaphore_mem>>) src(%dma_wait3A_188 : memref<10000x128xf32, #tpu.memory_space<hbm>>) dst(%dma_wait3A_182 : memref<128x128xf32, #tpu.memory_space<vmem>>)
      %dma_start3A_189 = arith.constant 0 : i32
      %dma_start3A_190 = arith.constant 0 : i32
      %dma_start3A_191 = arith.constant 0 : i32
      %dma_start3A_192 = arith.constant 0 : i32
      %dma_start3A_193 = tpu.memref_slice %arg9[%dma_start3A_189, %dma_start3A_191, %dma_start3A_192] : memref<2x128x128xf32, #tpu.memory_space<vmem>> -> memref<1x128x128xf32, #tpu.memory_space<vmem>>
      %dma_start3A_194 = tpu.memref_squeeze %dma_start3A_193 : memref<1x128x128xf32, #tpu.memory_space<vmem>> -> memref<128x128xf32, #tpu.memory_space<vmem>>
      %dma_start3A_195 = arith.constant 0 : i32
      %dma_start3A_196 = tpu.memref_slice %arg8[%rem3A_94, %dma_start3A_190, %dma_start3A_195] : memref<3x8x128xi32, #tpu.memory_space<vmem>> -> memref<1x1x128xi32, #tpu.memory_space<vmem>>
      %dma_start3A_197 = tpu.memref_squeeze %dma_start3A_196 : memref<1x1x128xi32, #tpu.memory_space<vmem>> -> memref<128xi32, #tpu.memory_space<vmem>>
      %dma_start3A_198 = arith.constant 0 : i32
      %dma_start3A_199 = arith.constant 0 : i32
      %dma_start3A_200 = tpu.memref_slice %arg10[%dma_start3A_198, %dma_start3A_199] : memref<10240x128xf32, #tpu.memory_space<vmem_shared>> -> memref<10240x128xf32, #tpu.memory_space<vmem_shared>>
      tpu.enqueue_indirect_dma source(%dma_start3A_194 : memref<128x128xf32, #tpu.memory_space<vmem>>) target(%dma_start3A_200 : memref<10240x128xf32, #tpu.memory_space<vmem_shared>>) offsets(%dma_start3A_197 : memref<128xi32, #tpu.memory_space<vmem>>) semaphore(%arg13 : memref<!tpu.dma_semaphore, #tpu.memory_space<semaphore_mem>>) {add = true}
      %dma_wait3A_201 = arith.constant 0 : i32
      %dma_wait3A_202 = arith.constant 0 : i32
      %dma_wait3A_203 = arith.constant 0 : i32
      %dma_wait3A_204 = arith.constant 0 : i32
      %dma_wait3A_205 = arith.constant 0 : i32
      %dma_wait3A_206 = tpu.memref_slice %arg9[%dma_wait3A_201, %dma_wait3A_204, %dma_wait3A_205] : memref<2x128x128xf32, #tpu.memory_space<vmem>> -> memref<1x128x128xf32, #tpu.memory_space<vmem>>
      %dma_wait3A_207 = tpu.memref_squeeze %dma_wait3A_206 : memref<1x128x128xf32, #tpu.memory_space<vmem>> -> memref<128x128xf32, #tpu.memory_space<vmem>>
      %dma_wait3A_208 = arith.constant 0 : i32
      %dma_wait3A_209 = tpu.memref_slice %arg8[%dma_wait3A_202, %dma_wait3A_203, %dma_wait3A_208] : memref<3x8x128xi32, #tpu.memory_space<vmem>> -> memref<1x1x128xi32, #tpu.memory_space<vmem>>
      %dma_wait3A_210 = tpu.memref_squeeze %dma_wait3A_209 : memref<1x1x128xi32, #tpu.memory_space<vmem>> -> memref<128xi32, #tpu.memory_space<vmem>>
      %dma_wait3A_211 = arith.constant 0 : i32
      %dma_wait3A_212 = arith.constant 0 : i32
      %dma_wait3A_213 = tpu.memref_slice %arg10[%dma_wait3A_211, %dma_wait3A_212] : memref<10240x128xf32, #tpu.memory_space<vmem_shared>> -> memref<10240x128xf32, #tpu.memory_space<vmem_shared>>
      tpu.wait_indirect_dma semaphore(%arg13 : memref<!tpu.dma_semaphore, #tpu.memory_space<semaphore_mem>>) src(%dma_wait3A_207 : memref<128x128xf32, #tpu.memory_space<vmem>>) dst(%dma_wait3A_213 : memref<10240x128xf32, #tpu.memory_space<vmem_shared>>)
      %dma_start3A_214 = arith.constant 2 : i32
      %dma_start3A_215 = arith.constant 0 : i32
      %dma_start3A_216 = arith.constant 0 : i32
      %dma_start3A_217 = arith.constant 0 : i32
      %dma_start3A_218 = tpu.memref_slice %arg9[%dma_start3A_215, %dma_start3A_216, %dma_start3A_217] : memref<2x128x128xf32, #tpu.memory_space<vmem>> -> memref<1x128x128xf32, #tpu.memory_space<vmem>>
      %dma_start3A_219 = tpu.memref_squeeze %dma_start3A_218 : memref<1x128x128xf32, #tpu.memory_space<vmem>> -> memref<128x128xf32, #tpu.memory_space<vmem>>
      %dma_start3A_220 = arith.constant 0 : i32
      %dma_start3A_221 = tpu.memref_slice %arg7[%rem3A_94, %dma_start3A_214, %dma_start3A_220] : memref<3x8x128xi32, #tpu.memory_space<vmem>> -> memref<1x1x128xi32, #tpu.memory_space<vmem>>
      %dma_start3A_222 = tpu.memref_squeeze %dma_start3A_221 : memref<1x1x128xi32, #tpu.memory_space<vmem>> -> memref<128xi32, #tpu.memory_space<vmem>>
      %dma_start3A_223 = arith.constant 0 : i32
      %dma_start3A_224 = arith.constant 0 : i32
      %dma_start3A_225 = tpu.memref_slice %arg2[%dma_start3A_223, %dma_start3A_224] : memref<10000x128xf32, #tpu.memory_space<hbm>> -> memref<10000x128xf32, #tpu.memory_space<hbm>>
      tpu.enqueue_indirect_dma source(%dma_start3A_225 : memref<10000x128xf32, #tpu.memory_space<hbm>>) target(%dma_start3A_219 : memref<128x128xf32, #tpu.memory_space<vmem>>) offsets(%dma_start3A_222 : memref<128xi32, #tpu.memory_space<vmem>>) semaphore(%arg11 : memref<!tpu.dma_semaphore, #tpu.memory_space<semaphore_mem>>)
      %dma_wait3A_226 = arith.constant 0 : i32
      %dma_wait3A_227 = arith.constant 0 : i32
      %dma_wait3A_228 = arith.constant 1 : i32
      %dma_wait3A_229 = arith.constant 0 : i32
      %dma_wait3A_230 = arith.constant 0 : i32
      %dma_wait3A_231 = tpu.memref_slice %arg9[%dma_wait3A_228, %dma_wait3A_229, %dma_wait3A_230] : memref<2x128x128xf32, #tpu.memory_space<vmem>> -> memref<1x128x128xf32, #tpu.memory_space<vmem>>
      %dma_wait3A_232 = tpu.memref_squeeze %dma_wait3A_231 : memref<1x128x128xf32, #tpu.memory_space<vmem>> -> memref<128x128xf32, #tpu.memory_space<vmem>>
      %dma_wait3A_233 = arith.constant 0 : i32
      %dma_wait3A_234 = tpu.memref_slice %arg7[%dma_wait3A_226, %dma_wait3A_227, %dma_wait3A_233] : memref<3x8x128xi32, #tpu.memory_space<vmem>> -> memref<1x1x128xi32, #tpu.memory_space<vmem>>
      %dma_wait3A_235 = tpu.memref_squeeze %dma_wait3A_234 : memref<1x1x128xi32, #tpu.memory_space<vmem>> -> memref<128xi32, #tpu.memory_space<vmem>>
      %dma_wait3A_236 = arith.constant 0 : i32
      %dma_wait3A_237 = arith.constant 0 : i32
      %dma_wait3A_238 = tpu.memref_slice %arg2[%dma_wait3A_236, %dma_wait3A_237] : memref<10000x128xf32, #tpu.memory_space<hbm>> -> memref<10000x128xf32, #tpu.memory_space<hbm>>
      tpu.wait_indirect_dma semaphore(%arg12 : memref<!tpu.dma_semaphore, #tpu.memory_space<semaphore_mem>>) src(%dma_wait3A_238 : memref<10000x128xf32, #tpu.memory_space<hbm>>) dst(%dma_wait3A_232 : memref<128x128xf32, #tpu.memory_space<vmem>>)
      %dma_start3A_239 = arith.constant 1 : i32
      %dma_start3A_240 = arith.constant 1 : i32
      %dma_start3A_241 = arith.constant 0 : i32
      %dma_start3A_242 = arith.constant 0 : i32
      %dma_start3A_243 = tpu.memref_slice %arg9[%dma_start3A_239, %dma_start3A_241, %dma_start3A_242] : memref<2x128x128xf32, #tpu.memory_space<vmem>> -> memref<1x128x128xf32, #tpu.memory_space<vmem>>
      %dma_start3A_244 = tpu.memref_squeeze %dma_start3A_243 : memref<1x128x128xf32, #tpu.memory_space<vmem>> -> memref<128x128xf32, #tpu.memory_space<vmem>>
      %dma_start3A_245 = arith.constant 0 : i32
      %dma_start3A_246 = tpu.memref_slice %arg8[%rem3A_94, %dma_start3A_240, %dma_start3A_245] : memref<3x8x128xi32, #tpu.memory_space<vmem>> -> memref<1x1x128xi32, #tpu.memory_space<vmem>>
      %dma_start3A_247 = tpu.memref_squeeze %dma_start3A_246 : memref<1x1x128xi32, #tpu.memory_space<vmem>> -> memref<128xi32, #tpu.memory_space<vmem>>
      %dma_start3A_248 = arith.constant 0 : i32
      %dma_start3A_249 = arith.constant 0 : i32
      %dma_start3A_250 = tpu.memref_slice %arg10[%dma_start3A_248, %dma_start3A_249] : memref<10240x128xf32, #tpu.memory_space<vmem_shared>> -> memref<10240x128xf32, #tpu.memory_space<vmem_shared>>
      tpu.enqueue_indirect_dma source(%dma_start3A_244 : memref<128x128xf32, #tpu.memory_space<vmem>>) target(%dma_start3A_250 : memref<10240x128xf32, #tpu.memory_space<vmem_shared>>) offsets(%dma_start3A_247 : memref<128xi32, #tpu.memory_space<vmem>>) semaphore(%arg14 : memref<!tpu.dma_semaphore, #tpu.memory_space<semaphore_mem>>) {add = true}
      %dma_wait3A_251 = arith.constant 1 : i32
      %dma_wait3A_252 = arith.constant 0 : i32
      %dma_wait3A_253 = arith.constant 0 : i32
      %dma_wait3A_254 = arith.constant 0 : i32
      %dma_wait3A_255 = arith.constant 0 : i32
      %dma_wait3A_256 = tpu.memref_slice %arg9[%dma_wait3A_251, %dma_wait3A_254, %dma_wait3A_255] : memref<2x128x128xf32, #tpu.memory_space<vmem>> -> memref<1x128x128xf32, #tpu.memory_space<vmem>>
      %dma_wait3A_257 = tpu.memref_squeeze %dma_wait3A_256 : memref<1x128x128xf32, #tpu.memory_space<vmem>> -> memref<128x128xf32, #tpu.memory_space<vmem>>
      %dma_wait3A_258 = arith.constant 0 : i32
      %dma_wait3A_259 = tpu.memref_slice %arg8[%dma_wait3A_252, %dma_wait3A_253, %dma_wait3A_258] : memref<3x8x128xi32, #tpu.memory_space<vmem>> -> memref<1x1x128xi32, #tpu.memory_space<vmem>>
      %dma_wait3A_260 = tpu.memref_squeeze %dma_wait3A_259 : memref<1x1x128xi32, #tpu.memory_space<vmem>> -> memref<128xi32, #tpu.memory_space<vmem>>
      %dma_wait3A_261 = arith.constant 0 : i32
      %dma_wait3A_262 = arith.constant 0 : i32
      %dma_wait3A_263 = tpu.memref_slice %arg10[%dma_wait3A_261, %dma_wait3A_262] : memref<10240x128xf32, #tpu.memory_space<vmem_shared>> -> memref<10240x128xf32, #tpu.memory_space<vmem_shared>>
      tpu.wait_indirect_dma semaphore(%arg14 : memref<!tpu.dma_semaphore, #tpu.memory_space<semaphore_mem>>) src(%dma_wait3A_257 : memref<128x128xf32, #tpu.memory_space<vmem>>) dst(%dma_wait3A_263 : memref<10240x128xf32, #tpu.memory_space<vmem_shared>>)
      %dma_start3A_264 = arith.constant 3 : i32
      %dma_start3A_265 = arith.constant 1 : i32
      %dma_start3A_266 = arith.constant 0 : i32
      %dma_start3A_267 = arith.constant 0 : i32
      %dma_start3A_268 = tpu.memref_slice %arg9[%dma_start3A_265, %dma_start3A_266, %dma_start3A_267] : memref<2x128x128xf32, #tpu.memory_space<vmem>> -> memref<1x128x128xf32, #tpu.memory_space<vmem>>
      %dma_start3A_269 = tpu.memref_squeeze %dma_start3A_268 : memref<1x128x128xf32, #tpu.memory_space<vmem>> -> memref<128x128xf32, #tpu.memory_space<vmem>>
      %dma_start3A_270 = arith.constant 0 : i32
      %dma_start3A_271 = tpu.memref_slice %arg7[%rem3A_94, %dma_start3A_264, %dma_start3A_270] : memref<3x8x128xi32, #tpu.memory_space<vmem>> -> memref<1x1x128xi32, #tpu.memory_space<vmem>>
      %dma_start3A_272 = tpu.memref_squeeze %dma_start3A_271 : memref<1x1x128xi32, #tpu.memory_space<vmem>> -> memref<128xi32, #tpu.memory_space<vmem>>
      %dma_start3A_273 = arith.constant 0 : i32
      %dma_start3A_274 = arith.constant 0 : i32
      %dma_start3A_275 = tpu.memref_slice %arg2[%dma_start3A_273, %dma_start3A_274] : memref<10000x128xf32, #tpu.memory_space<hbm>> -> memref<10000x128xf32, #tpu.memory_space<hbm>>
      tpu.enqueue_indirect_dma source(%dma_start3A_275 : memref<10000x128xf32, #tpu.memory_space<hbm>>) target(%dma_start3A_269 : memref<128x128xf32, #tpu.memory_space<vmem>>) offsets(%dma_start3A_272 : memref<128xi32, #tpu.memory_space<vmem>>) semaphore(%arg12 : memref<!tpu.dma_semaphore, #tpu.memory_space<semaphore_mem>>)
      %dma_wait3A_276 = arith.constant 0 : i32
      %dma_wait3A_277 = arith.constant 0 : i32
      %dma_wait3A_278 = arith.constant 0 : i32
      %dma_wait3A_279 = arith.constant 0 : i32
      %dma_wait3A_280 = arith.constant 0 : i32
      %dma_wait3A_281 = tpu.memref_slice %arg9[%dma_wait3A_278, %dma_wait3A_279, %dma_wait3A_280] : memref<2x128x128xf32, #tpu.memory_space<vmem>> -> memref<1x128x128xf32, #tpu.memory_space<vmem>>
      %dma_wait3A_282 = tpu.memref_squeeze %dma_wait3A_281 : memref<1x128x128xf32, #tpu.memory_space<vmem>> -> memref<128x128xf32, #tpu.memory_space<vmem>>
      %dma_wait3A_283 = arith.constant 0 : i32
      %dma_wait3A_284 = tpu.memref_slice %arg7[%dma_wait3A_276, %dma_wait3A_277, %dma_wait3A_283] : memref<3x8x128xi32, #tpu.memory_space<vmem>> -> memref<1x1x128xi32, #tpu.memory_space<vmem>>
      %dma_wait3A_285 = tpu.memref_squeeze %dma_wait3A_284 : memref<1x1x128xi32, #tpu.memory_space<vmem>> -> memref<128xi32, #tpu.memory_space<vmem>>
      %dma_wait3A_286 = arith.constant 0 : i32
      %dma_wait3A_287 = arith.constant 0 : i32
      %dma_wait3A_288 = tpu.memref_slice %arg2[%dma_wait3A_286, %dma_wait3A_287] : memref<10000x128xf32, #tpu.memory_space<hbm>> -> memref<10000x128xf32, #tpu.memory_space<hbm>>
      tpu.wait_indirect_dma semaphore(%arg11 : memref<!tpu.dma_semaphore, #tpu.memory_space<semaphore_mem>>) src(%dma_wait3A_288 : memref<10000x128xf32, #tpu.memory_space<hbm>>) dst(%dma_wait3A_282 : memref<128x128xf32, #tpu.memory_space<vmem>>)
      %dma_start3A_289 = arith.constant 0 : i32
      %dma_start3A_290 = arith.constant 2 : i32
      %dma_start3A_291 = arith.constant 0 : i32
      %dma_start3A_292 = arith.constant 0 : i32
      %dma_start3A_293 = tpu.memref_slice %arg9[%dma_start3A_289, %dma_start3A_291, %dma_start3A_292] : memref<2x128x128xf32, #tpu.memory_space<vmem>> -> memref<1x128x128xf32, #tpu.memory_space<vmem>>
      %dma_start3A_294 = tpu.memref_squeeze %dma_start3A_293 : memref<1x128x128xf32, #tpu.memory_space<vmem>> -> memref<128x128xf32, #tpu.memory_space<vmem>>
      %dma_start3A_295 = arith.constant 0 : i32
      %dma_start3A_296 = tpu.memref_slice %arg8[%rem3A_94, %dma_start3A_290, %dma_start3A_295] : memref<3x8x128xi32, #tpu.memory_space<vmem>> -> memref<1x1x128xi32, #tpu.memory_space<vmem>>
      %dma_start3A_297 = tpu.memref_squeeze %dma_start3A_296 : memref<1x1x128xi32, #tpu.memory_space<vmem>> -> memref<128xi32, #tpu.memory_space<vmem>>
      %dma_start3A_298 = arith.constant 0 : i32
      %dma_start3A_299 = arith.constant 0 : i32
      %dma_start3A_300 = tpu.memref_slice %arg10[%dma_start3A_298, %dma_start3A_299] : memref<10240x128xf32, #tpu.memory_space<vmem_shared>> -> memref<10240x128xf32, #tpu.memory_space<vmem_shared>>
      tpu.enqueue_indirect_dma source(%dma_start3A_294 : memref<128x128xf32, #tpu.memory_space<vmem>>) target(%dma_start3A_300 : memref<10240x128xf32, #tpu.memory_space<vmem_shared>>) offsets(%dma_start3A_297 : memref<128xi32, #tpu.memory_space<vmem>>) semaphore(%arg13 : memref<!tpu.dma_semaphore, #tpu.memory_space<semaphore_mem>>) {add = true}
      %dma_wait3A_301 = arith.constant 0 : i32
      %dma_wait3A_302 = arith.constant 0 : i32
      %dma_wait3A_303 = arith.constant 0 : i32
      %dma_wait3A_304 = arith.constant 0 : i32
      %dma_wait3A_305 = arith.constant 0 : i32
      %dma_wait3A_306 = tpu.memref_slice %arg9[%dma_wait3A_301, %dma_wait3A_304, %dma_wait3A_305] : memref<2x128x128xf32, #tpu.memory_space<vmem>> -> memref<1x128x128xf32, #tpu.memory_space<vmem>>
      %dma_wait3A_307 = tpu.memref_squeeze %dma_wait3A_306 : memref<1x128x128xf32, #tpu.memory_space<vmem>> -> memref<128x128xf32, #tpu.memory_space<vmem>>
      %dma_wait3A_308 = arith.constant 0 : i32
      %dma_wait3A_309 = tpu.memref_slice %arg8[%dma_wait3A_302, %dma_wait3A_303, %dma_wait3A_308] : memref<3x8x128xi32, #tpu.memory_space<vmem>> -> memref<1x1x128xi32, #tpu.memory_space<vmem>>
      %dma_wait3A_310 = tpu.memref_squeeze %dma_wait3A_309 : memref<1x1x128xi32, #tpu.memory_space<vmem>> -> memref<128xi32, #tpu.memory_space<vmem>>
      %dma_wait3A_311 = arith.constant 0 : i32
      %dma_wait3A_312 = arith.constant 0 : i32
      %dma_wait3A_313 = tpu.memref_slice %arg10[%dma_wait3A_311, %dma_wait3A_312] : memref<10240x128xf32, #tpu.memory_space<vmem_shared>> -> memref<10240x128xf32, #tpu.memory_space<vmem_shared>>
      tpu.wait_indirect_dma semaphore(%arg13 : memref<!tpu.dma_semaphore, #tpu.memory_space<semaphore_mem>>) src(%dma_wait3A_307 : memref<128x128xf32, #tpu.memory_space<vmem>>) dst(%dma_wait3A_313 : memref<10240x128xf32, #tpu.memory_space<vmem_shared>>)
      %dma_start3A_314 = arith.constant 4 : i32
      %dma_start3A_315 = arith.constant 0 : i32
      %dma_start3A_316 = arith.constant 0 : i32
      %dma_start3A_317 = arith.constant 0 : i32
      %dma_start3A_318 = tpu.memref_slice %arg9[%dma_start3A_315, %dma_start3A_316, %dma_start3A_317] : memref<2x128x128xf32, #tpu.memory_space<vmem>> -> memref<1x128x128xf32, #tpu.memory_space<vmem>>
      %dma_start3A_319 = tpu.memref_squeeze %dma_start3A_318 : memref<1x128x128xf32, #tpu.memory_space<vmem>> -> memref<128x128xf32, #tpu.memory_space<vmem>>
      %dma_start3A_320 = arith.constant 0 : i32
      %dma_start3A_321 = tpu.memref_slice %arg7[%rem3A_94, %dma_start3A_314, %dma_start3A_320] : memref<3x8x128xi32, #tpu.memory_space<vmem>> -> memref<1x1x128xi32, #tpu.memory_space<vmem>>
      %dma_start3A_322 = tpu.memref_squeeze %dma_start3A_321 : memref<1x1x128xi32, #tpu.memory_space<vmem>> -> memref<128xi32, #tpu.memory_space<vmem>>
      %dma_start3A_323 = arith.constant 0 : i32
      %dma_start3A_324 = arith.constant 0 : i32
      %dma_start3A_325 = tpu.memref_slice %arg2[%dma_start3A_323, %dma_start3A_324] : memref<10000x128xf32, #tpu.memory_space<hbm>> -> memref<10000x128xf32, #tpu.memory_space<hbm>>
      tpu.enqueue_indirect_dma source(%dma_start3A_325 : memref<10000x128xf32, #tpu.memory_space<hbm>>) target(%dma_start3A_319 : memref<128x128xf32, #tpu.memory_space<vmem>>) offsets(%dma_start3A_322 : memref<128xi32, #tpu.memory_space<vmem>>) semaphore(%arg11 : memref<!tpu.dma_semaphore, #tpu.memory_space<semaphore_mem>>)
      %dma_wait3A_326 = arith.constant 0 : i32
      %dma_wait3A_327 = arith.constant 0 : i32
      %dma_wait3A_328 = arith.constant 1 : i32
      %dma_wait3A_329 = arith.constant 0 : i32
      %dma_wait3A_330 = arith.constant 0 : i32
      %dma_wait3A_331 = tpu.memref_slice %arg9[%dma_wait3A_328, %dma_wait3A_329, %dma_wait3A_330] : memref<2x128x128xf32, #tpu.memory_space<vmem>> -> memref<1x128x128xf32, #tpu.memory_space<vmem>>
      %dma_wait3A_332 = tpu.memref_squeeze %dma_wait3A_331 : memref<1x128x128xf32, #tpu.memory_space<vmem>> -> memref<128x128xf32, #tpu.memory_space<vmem>>
      %dma_wait3A_333 = arith.constant 0 : i32
      %dma_wait3A_334 = tpu.memref_slice %arg7[%dma_wait3A_326, %dma_wait3A_327, %dma_wait3A_333] : memref<3x8x128xi32, #tpu.memory_space<vmem>> -> memref<1x1x128xi32, #tpu.memory_space<vmem>>
      %dma_wait3A_335 = tpu.memref_squeeze %dma_wait3A_334 : memref<1x1x128xi32, #tpu.memory_space<vmem>> -> memref<128xi32, #tpu.memory_space<vmem>>
      %dma_wait3A_336 = arith.constant 0 : i32
      %dma_wait3A_337 = arith.constant 0 : i32
      %dma_wait3A_338 = tpu.memref_slice %arg2[%dma_wait3A_336, %dma_wait3A_337] : memref<10000x128xf32, #tpu.memory_space<hbm>> -> memref<10000x128xf32, #tpu.memory_space<hbm>>
      tpu.wait_indirect_dma semaphore(%arg12 : memref<!tpu.dma_semaphore, #tpu.memory_space<semaphore_mem>>) src(%dma_wait3A_338 : memref<10000x128xf32, #tpu.memory_space<hbm>>) dst(%dma_wait3A_332 : memref<128x128xf32, #tpu.memory_space<vmem>>)
      %dma_start3A_339 = arith.constant 1 : i32
      %dma_start3A_340 = arith.constant 3 : i32
      %dma_start3A_341 = arith.constant 0 : i32
      %dma_start3A_342 = arith.constant 0 : i32
      %dma_start3A_343 = tpu.memref_slice %arg9[%dma_start3A_339, %dma_start3A_341, %dma_start3A_342] : memref<2x128x128xf32, #tpu.memory_space<vmem>> -> memref<1x128x128xf32, #tpu.memory_space<vmem>>
      %dma_start3A_344 = tpu.memref_squeeze %dma_start3A_343 : memref<1x128x128xf32, #tpu.memory_space<vmem>> -> memref<128x128xf32, #tpu.memory_space<vmem>>
      %dma_start3A_345 = arith.constant 0 : i32
      %dma_start3A_346 = tpu.memref_slice %arg8[%rem3A_94, %dma_start3A_340, %dma_start3A_345] : memref<3x8x128xi32, #tpu.memory_space<vmem>> -> memref<1x1x128xi32, #tpu.memory_space<vmem>>
      %dma_start3A_347 = tpu.memref_squeeze %dma_start3A_346 : memref<1x1x128xi32, #tpu.memory_space<vmem>> -> memref<128xi32, #tpu.memory_space<vmem>>
      %dma_start3A_348 = arith.constant 0 : i32
      %dma_start3A_349 = arith.constant 0 : i32
      %dma_start3A_350 = tpu.memref_slice %arg10[%dma_start3A_348, %dma_start3A_349] : memref<10240x128xf32, #tpu.memory_space<vmem_shared>> -> memref<10240x128xf32, #tpu.memory_space<vmem_shared>>
      tpu.enqueue_indirect_dma source(%dma_start3A_344 : memref<128x128xf32, #tpu.memory_space<vmem>>) target(%dma_start3A_350 : memref<10240x128xf32, #tpu.memory_space<vmem_shared>>) offsets(%dma_start3A_347 : memref<128xi32, #tpu.memory_space<vmem>>) semaphore(%arg14 : memref<!tpu.dma_semaphore, #tpu.memory_space<semaphore_mem>>) {add = true}
      %dma_wait3A_351 = arith.constant 1 : i32
      %dma_wait3A_352 = arith.constant 0 : i32
      %dma_wait3A_353 = arith.constant 0 : i32
      %dma_wait3A_354 = arith.constant 0 : i32
      %dma_wait3A_355 = arith.constant 0 : i32
      %dma_wait3A_356 = tpu.memref_slice %arg9[%dma_wait3A_351, %dma_wait3A_354, %dma_wait3A_355] : memref<2x128x128xf32, #tpu.memory_space<vmem>> -> memref<1x128x128xf32, #tpu.memory_space<vmem>>
      %dma_wait3A_357 = tpu.memref_squeeze %dma_wait3A_356 : memref<1x128x128xf32, #tpu.memory_space<vmem>> -> memref<128x128xf32, #tpu.memory_space<vmem>>
      %dma_wait3A_358 = arith.constant 0 : i32
      %dma_wait3A_359 = tpu.memref_slice %arg8[%dma_wait3A_352, %dma_wait3A_353, %dma_wait3A_358] : memref<3x8x128xi32, #tpu.memory_space<vmem>> -> memref<1x1x128xi32, #tpu.memory_space<vmem>>
      %dma_wait3A_360 = tpu.memref_squeeze %dma_wait3A_359 : memref<1x1x128xi32, #tpu.memory_space<vmem>> -> memref<128xi32, #tpu.memory_space<vmem>>
      %dma_wait3A_361 = arith.constant 0 : i32
      %dma_wait3A_362 = arith.constant 0 : i32
      %dma_wait3A_363 = tpu.memref_slice %arg10[%dma_wait3A_361, %dma_wait3A_362] : memref<10240x128xf32, #tpu.memory_space<vmem_shared>> -> memref<10240x128xf32, #tpu.memory_space<vmem_shared>>
      tpu.wait_indirect_dma semaphore(%arg14 : memref<!tpu.dma_semaphore, #tpu.memory_space<semaphore_mem>>) src(%dma_wait3A_357 : memref<128x128xf32, #tpu.memory_space<vmem>>) dst(%dma_wait3A_363 : memref<10240x128xf32, #tpu.memory_space<vmem_shared>>)
      %dma_start3A_364 = arith.constant 5 : i32
      %dma_start3A_365 = arith.constant 1 : i32
      %dma_start3A_366 = arith.constant 0 : i32
      %dma_start3A_367 = arith.constant 0 : i32
      %dma_start3A_368 = tpu.memref_slice %arg9[%dma_start3A_365, %dma_start3A_366, %dma_start3A_367] : memref<2x128x128xf32, #tpu.memory_space<vmem>> -> memref<1x128x128xf32, #tpu.memory_space<vmem>>
      %dma_start3A_369 = tpu.memref_squeeze %dma_start3A_368 : memref<1x128x128xf32, #tpu.memory_space<vmem>> -> memref<128x128xf32, #tpu.memory_space<vmem>>
      %dma_start3A_370 = arith.constant 0 : i32
      %dma_start3A_371 = tpu.memref_slice %arg7[%rem3A_94, %dma_start3A_364, %dma_start3A_370] : memref<3x8x128xi32, #tpu.memory_space<vmem>> -> memref<1x1x128xi32, #tpu.memory_space<vmem>>
      %dma_start3A_372 = tpu.memref_squeeze %dma_start3A_371 : memref<1x1x128xi32, #tpu.memory_space<vmem>> -> memref<128xi32, #tpu.memory_space<vmem>>
      %dma_start3A_373 = arith.constant 0 : i32
      %dma_start3A_374 = arith.constant 0 : i32
      %dma_start3A_375 = tpu.memref_slice %arg2[%dma_start3A_373, %dma_start3A_374] : memref<10000x128xf32, #tpu.memory_space<hbm>> -> memref<10000x128xf32, #tpu.memory_space<hbm>>
      tpu.enqueue_indirect_dma source(%dma_start3A_375 : memref<10000x128xf32, #tpu.memory_space<hbm>>) target(%dma_start3A_369 : memref<128x128xf32, #tpu.memory_space<vmem>>) offsets(%dma_start3A_372 : memref<128xi32, #tpu.memory_space<vmem>>) semaphore(%arg12 : memref<!tpu.dma_semaphore, #tpu.memory_space<semaphore_mem>>)
      %dma_wait3A_376 = arith.constant 0 : i32
      %dma_wait3A_377 = arith.constant 0 : i32
      %dma_wait3A_378 = arith.constant 0 : i32
      %dma_wait3A_379 = arith.constant 0 : i32
      %dma_wait3A_380 = arith.constant 0 : i32
      %dma_wait3A_381 = tpu.memref_slice %arg9[%dma_wait3A_378, %dma_wait3A_379, %dma_wait3A_380] : memref<2x128x128xf32, #tpu.memory_space<vmem>> -> memref<1x128x128xf32, #tpu.memory_space<vmem>>
      %dma_wait3A_382 = tpu.memref_squeeze %dma_wait3A_381 : memref<1x128x128xf32, #tpu.memory_space<vmem>> -> memref<128x128xf32, #tpu.memory_space<vmem>>
      %dma_wait3A_383 = arith.constant 0 : i32
      %dma_wait3A_384 = tpu.memref_slice %arg7[%dma_wait3A_376, %dma_wait3A_377, %dma_wait3A_383] : memref<3x8x128xi32, #tpu.memory_space<vmem>> -> memref<1x1x128xi32, #tpu.memory_space<vmem>>
      %dma_wait3A_385 = tpu.memref_squeeze %dma_wait3A_384 : memref<1x1x128xi32, #tpu.memory_space<vmem>> -> memref<128xi32, #tpu.memory_space<vmem>>
      %dma_wait3A_386 = arith.constant 0 : i32
      %dma_wait3A_387 = arith.constant 0 : i32
      %dma_wait3A_388 = tpu.memref_slice %arg2[%dma_wait3A_386, %dma_wait3A_387] : memref<10000x128xf32, #tpu.memory_space<hbm>> -> memref<10000x128xf32, #tpu.memory_space<hbm>>
      tpu.wait_indirect_dma semaphore(%arg11 : memref<!tpu.dma_semaphore, #tpu.memory_space<semaphore_mem>>) src(%dma_wait3A_388 : memref<10000x128xf32, #tpu.memory_space<hbm>>) dst(%dma_wait3A_382 : memref<128x128xf32, #tpu.memory_space<vmem>>)
      %dma_start3A_389 = arith.constant 0 : i32
      %dma_start3A_390 = arith.constant 4 : i32
      %dma_start3A_391 = arith.constant 0 : i32
      %dma_start3A_392 = arith.constant 0 : i32
      %dma_start3A_393 = tpu.memref_slice %arg9[%dma_start3A_389, %dma_start3A_391, %dma_start3A_392] : memref<2x128x128xf32, #tpu.memory_space<vmem>> -> memref<1x128x128xf32, #tpu.memory_space<vmem>>
      %dma_start3A_394 = tpu.memref_squeeze %dma_start3A_393 : memref<1x128x128xf32, #tpu.memory_space<vmem>> -> memref<128x128xf32, #tpu.memory_space<vmem>>
      %dma_start3A_395 = arith.constant 0 : i32
      %dma_start3A_396 = tpu.memref_slice %arg8[%rem3A_94, %dma_start3A_390, %dma_start3A_395] : memref<3x8x128xi32, #tpu.memory_space<vmem>> -> memref<1x1x128xi32, #tpu.memory_space<vmem>>
      %dma_start3A_397 = tpu.memref_squeeze %dma_start3A_396 : memref<1x1x128xi32, #tpu.memory_space<vmem>> -> memref<128xi32, #tpu.memory_space<vmem>>
      %dma_start3A_398 = arith.constant 0 : i32
      %dma_start3A_399 = arith.constant 0 : i32
      %dma_start3A_400 = tpu.memref_slice %arg10[%dma_start3A_398, %dma_start3A_399] : memref<10240x128xf32, #tpu.memory_space<vmem_shared>> -> memref<10240x128xf32, #tpu.memory_space<vmem_shared>>
      tpu.enqueue_indirect_dma source(%dma_start3A_394 : memref<128x128xf32, #tpu.memory_space<vmem>>) target(%dma_start3A_400 : memref<10240x128xf32, #tpu.memory_space<vmem_shared>>) offsets(%dma_start3A_397 : memref<128xi32, #tpu.memory_space<vmem>>) semaphore(%arg13 : memref<!tpu.dma_semaphore, #tpu.memory_space<semaphore_mem>>) {add = true}
      %dma_wait3A_401 = arith.constant 0 : i32
      %dma_wait3A_402 = arith.constant 0 : i32
      %dma_wait3A_403 = arith.constant 0 : i32
      %dma_wait3A_404 = arith.constant 0 : i32
      %dma_wait3A_405 = arith.constant 0 : i32
      %dma_wait3A_406 = tpu.memref_slice %arg9[%dma_wait3A_401, %dma_wait3A_404, %dma_wait3A_405] : memref<2x128x128xf32, #tpu.memory_space<vmem>> -> memref<1x128x128xf32, #tpu.memory_space<vmem>>
      %dma_wait3A_407 = tpu.memref_squeeze %dma_wait3A_406 : memref<1x128x128xf32, #tpu.memory_space<vmem>> -> memref<128x128xf32, #tpu.memory_space<vmem>>
      %dma_wait3A_408 = arith.constant 0 : i32
      %dma_wait3A_409 = tpu.memref_slice %arg8[%dma_wait3A_402, %dma_wait3A_403, %dma_wait3A_408] : memref<3x8x128xi32, #tpu.memory_space<vmem>> -> memref<1x1x128xi32, #tpu.memory_space<vmem>>
      %dma_wait3A_410 = tpu.memref_squeeze %dma_wait3A_409 : memref<1x1x128xi32, #tpu.memory_space<vmem>> -> memref<128xi32, #tpu.memory_space<vmem>>
      %dma_wait3A_411 = arith.constant 0 : i32
      %dma_wait3A_412 = arith.constant 0 : i32
      %dma_wait3A_413 = tpu.memref_slice %arg10[%dma_wait3A_411, %dma_wait3A_412] : memref<10240x128xf32, #tpu.memory_space<vmem_shared>> -> memref<10240x128xf32, #tpu.memory_space<vmem_shared>>
      tpu.wait_indirect_dma semaphore(%arg13 : memref<!tpu.dma_semaphore, #tpu.memory_space<semaphore_mem>>) src(%dma_wait3A_407 : memref<128x128xf32, #tpu.memory_space<vmem>>) dst(%dma_wait3A_413 : memref<10240x128xf32, #tpu.memory_space<vmem_shared>>)
      %dma_start3A_414 = arith.constant 6 : i32
      %dma_start3A_415 = arith.constant 0 : i32
      %dma_start3A_416 = arith.constant 0 : i32
      %dma_start3A_417 = arith.constant 0 : i32
      %dma_start3A_418 = tpu.memref_slice %arg9[%dma_start3A_415, %dma_start3A_416, %dma_start3A_417] : memref<2x128x128xf32, #tpu.memory_space<vmem>> -> memref<1x128x128xf32, #tpu.memory_space<vmem>>
      %dma_start3A_419 = tpu.memref_squeeze %dma_start3A_418 : memref<1x128x128xf32, #tpu.memory_space<vmem>> -> memref<128x128xf32, #tpu.memory_space<vmem>>
      %dma_start3A_420 = arith.constant 0 : i32
      %dma_start3A_421 = tpu.memref_slice %arg7[%rem3A_94, %dma_start3A_414, %dma_start3A_420] : memref<3x8x128xi32, #tpu.memory_space<vmem>> -> memref<1x1x128xi32, #tpu.memory_space<vmem>>
      %dma_start3A_422 = tpu.memref_squeeze %dma_start3A_421 : memref<1x1x128xi32, #tpu.memory_space<vmem>> -> memref<128xi32, #tpu.memory_space<vmem>>
      %dma_start3A_423 = arith.constant 0 : i32
      %dma_start3A_424 = arith.constant 0 : i32
      %dma_start3A_425 = tpu.memref_slice %arg2[%dma_start3A_423, %dma_start3A_424] : memref<10000x128xf32, #tpu.memory_space<hbm>> -> memref<10000x128xf32, #tpu.memory_space<hbm>>
      tpu.enqueue_indirect_dma source(%dma_start3A_425 : memref<10000x128xf32, #tpu.memory_space<hbm>>) target(%dma_start3A_419 : memref<128x128xf32, #tpu.memory_space<vmem>>) offsets(%dma_start3A_422 : memref<128xi32, #tpu.memory_space<vmem>>) semaphore(%arg11 : memref<!tpu.dma_semaphore, #tpu.memory_space<semaphore_mem>>)
      %dma_wait3A_426 = arith.constant 0 : i32
      %dma_wait3A_427 = arith.constant 0 : i32
      %dma_wait3A_428 = arith.constant 1 : i32
      %dma_wait3A_429 = arith.constant 0 : i32
      %dma_wait3A_430 = arith.constant 0 : i32
      %dma_wait3A_431 = tpu.memref_slice %arg9[%dma_wait3A_428, %dma_wait3A_429, %dma_wait3A_430] : memref<2x128x128xf32, #tpu.memory_space<vmem>> -> memref<1x128x128xf32, #tpu.memory_space<vmem>>
      %dma_wait3A_432 = tpu.memref_squeeze %dma_wait3A_431 : memref<1x128x128xf32, #tpu.memory_space<vmem>> -> memref<128x128xf32, #tpu.memory_space<vmem>>
      %dma_wait3A_433 = arith.constant 0 : i32
      %dma_wait3A_434 = tpu.memref_slice %arg7[%dma_wait3A_426, %dma_wait3A_427, %dma_wait3A_433] : memref<3x8x128xi32, #tpu.memory_space<vmem>> -> memref<1x1x128xi32, #tpu.memory_space<vmem>>
      %dma_wait3A_435 = tpu.memref_squeeze %dma_wait3A_434 : memref<1x1x128xi32, #tpu.memory_space<vmem>> -> memref<128xi32, #tpu.memory_space<vmem>>
      %dma_wait3A_436 = arith.constant 0 : i32
      %dma_wait3A_437 = arith.constant 0 : i32
      %dma_wait3A_438 = tpu.memref_slice %arg2[%dma_wait3A_436, %dma_wait3A_437] : memref<10000x128xf32, #tpu.memory_space<hbm>> -> memref<10000x128xf32, #tpu.memory_space<hbm>>
      tpu.wait_indirect_dma semaphore(%arg12 : memref<!tpu.dma_semaphore, #tpu.memory_space<semaphore_mem>>) src(%dma_wait3A_438 : memref<10000x128xf32, #tpu.memory_space<hbm>>) dst(%dma_wait3A_432 : memref<128x128xf32, #tpu.memory_space<vmem>>)
      %dma_start3A_439 = arith.constant 1 : i32
      %dma_start3A_440 = arith.constant 5 : i32
      %dma_start3A_441 = arith.constant 0 : i32
      %dma_start3A_442 = arith.constant 0 : i32
      %dma_start3A_443 = tpu.memref_slice %arg9[%dma_start3A_439, %dma_start3A_441, %dma_start3A_442] : memref<2x128x128xf32, #tpu.memory_space<vmem>> -> memref<1x128x128xf32, #tpu.memory_space<vmem>>
      %dma_start3A_444 = tpu.memref_squeeze %dma_start3A_443 : memref<1x128x128xf32, #tpu.memory_space<vmem>> -> memref<128x128xf32, #tpu.memory_space<vmem>>
      %dma_start3A_445 = arith.constant 0 : i32
      %dma_start3A_446 = tpu.memref_slice %arg8[%rem3A_94, %dma_start3A_440, %dma_start3A_445] : memref<3x8x128xi32, #tpu.memory_space<vmem>> -> memref<1x1x128xi32, #tpu.memory_space<vmem>>
      %dma_start3A_447 = tpu.memref_squeeze %dma_start3A_446 : memref<1x1x128xi32, #tpu.memory_space<vmem>> -> memref<128xi32, #tpu.memory_space<vmem>>
      %dma_start3A_448 = arith.constant 0 : i32
      %dma_start3A_449 = arith.constant 0 : i32
      %dma_start3A_450 = tpu.memref_slice %arg10[%dma_start3A_448, %dma_start3A_449] : memref<10240x128xf32, #tpu.memory_space<vmem_shared>> -> memref<10240x128xf32, #tpu.memory_space<vmem_shared>>
      tpu.enqueue_indirect_dma source(%dma_start3A_444 : memref<128x128xf32, #tpu.memory_space<vmem>>) target(%dma_start3A_450 : memref<10240x128xf32, #tpu.memory_space<vmem_shared>>) offsets(%dma_start3A_447 : memref<128xi32, #tpu.memory_space<vmem>>) semaphore(%arg14 : memref<!tpu.dma_semaphore, #tpu.memory_space<semaphore_mem>>) {add = true}
      %dma_wait3A_451 = arith.constant 1 : i32
      %dma_wait3A_452 = arith.constant 0 : i32
      %dma_wait3A_453 = arith.constant 0 : i32
      %dma_wait3A_454 = arith.constant 0 : i32
      %dma_wait3A_455 = arith.constant 0 : i32
      %dma_wait3A_456 = tpu.memref_slice %arg9[%dma_wait3A_451, %dma_wait3A_454, %dma_wait3A_455] : memref<2x128x128xf32, #tpu.memory_space<vmem>> -> memref<1x128x128xf32, #tpu.memory_space<vmem>>
      %dma_wait3A_457 = tpu.memref_squeeze %dma_wait3A_456 : memref<1x128x128xf32, #tpu.memory_space<vmem>> -> memref<128x128xf32, #tpu.memory_space<vmem>>
      %dma_wait3A_458 = arith.constant 0 : i32
      %dma_wait3A_459 = tpu.memref_slice %arg8[%dma_wait3A_452, %dma_wait3A_453, %dma_wait3A_458] : memref<3x8x128xi32, #tpu.memory_space<vmem>> -> memref<1x1x128xi32, #tpu.memory_space<vmem>>
      %dma_wait3A_460 = tpu.memref_squeeze %dma_wait3A_459 : memref<1x1x128xi32, #tpu.memory_space<vmem>> -> memref<128xi32, #tpu.memory_space<vmem>>
      %dma_wait3A_461 = arith.constant 0 : i32
      %dma_wait3A_462 = arith.constant 0 : i32
      %dma_wait3A_463 = tpu.memref_slice %arg10[%dma_wait3A_461, %dma_wait3A_462] : memref<10240x128xf32, #tpu.memory_space<vmem_shared>> -> memref<10240x128xf32, #tpu.memory_space<vmem_shared>>
      tpu.wait_indirect_dma semaphore(%arg14 : memref<!tpu.dma_semaphore, #tpu.memory_space<semaphore_mem>>) src(%dma_wait3A_457 : memref<128x128xf32, #tpu.memory_space<vmem>>) dst(%dma_wait3A_463 : memref<10240x128xf32, #tpu.memory_space<vmem_shared>>)
      %dma_start3A_464 = arith.constant 7 : i32
      %dma_start3A_465 = arith.constant 1 : i32
      %dma_start3A_466 = arith.constant 0 : i32
      %dma_start3A_467 = arith.constant 0 : i32
      %dma_start3A_468 = tpu.memref_slice %arg9[%dma_start3A_465, %dma_start3A_466, %dma_start3A_467] : memref<2x128x128xf32, #tpu.memory_space<vmem>> -> memref<1x128x128xf32, #tpu.memory_space<vmem>>
      %dma_start3A_469 = tpu.memref_squeeze %dma_start3A_468 : memref<1x128x128xf32, #tpu.memory_space<vmem>> -> memref<128x128xf32, #tpu.memory_space<vmem>>
      %dma_start3A_470 = arith.constant 0 : i32
      %dma_start3A_471 = tpu.memref_slice %arg7[%rem3A_94, %dma_start3A_464, %dma_start3A_470] : memref<3x8x128xi32, #tpu.memory_space<vmem>> -> memref<1x1x128xi32, #tpu.memory_space<vmem>>
      %dma_start3A_472 = tpu.memref_squeeze %dma_start3A_471 : memref<1x1x128xi32, #tpu.memory_space<vmem>> -> memref<128xi32, #tpu.memory_space<vmem>>
      %dma_start3A_473 = arith.constant 0 : i32
      %dma_start3A_474 = arith.constant 0 : i32
      %dma_start3A_475 = tpu.memref_slice %arg2[%dma_start3A_473, %dma_start3A_474] : memref<10000x128xf32, #tpu.memory_space<hbm>> -> memref<10000x128xf32, #tpu.memory_space<hbm>>
      tpu.enqueue_indirect_dma source(%dma_start3A_475 : memref<10000x128xf32, #tpu.memory_space<hbm>>) target(%dma_start3A_469 : memref<128x128xf32, #tpu.memory_space<vmem>>) offsets(%dma_start3A_472 : memref<128xi32, #tpu.memory_space<vmem>>) semaphore(%arg12 : memref<!tpu.dma_semaphore, #tpu.memory_space<semaphore_mem>>)
      %dma_wait3A_476 = arith.constant 0 : i32
      %dma_wait3A_477 = arith.constant 0 : i32
      %dma_wait3A_478 = arith.constant 0 : i32
      %dma_wait3A_479 = arith.constant 0 : i32
      %dma_wait3A_480 = arith.constant 0 : i32
      %dma_wait3A_481 = tpu.memref_slice %arg9[%dma_wait3A_478, %dma_wait3A_479, %dma_wait3A_480] : memref<2x128x128xf32, #tpu.memory_space<vmem>> -> memref<1x128x128xf32, #tpu.memory_space<vmem>>
      %dma_wait3A_482 = tpu.memref_squeeze %dma_wait3A_481 : memref<1x128x128xf32, #tpu.memory_space<vmem>> -> memref<128x128xf32, #tpu.memory_space<vmem>>
      %dma_wait3A_483 = arith.constant 0 : i32
      %dma_wait3A_484 = tpu.memref_slice %arg7[%dma_wait3A_476, %dma_wait3A_477, %dma_wait3A_483] : memref<3x8x128xi32, #tpu.memory_space<vmem>> -> memref<1x1x128xi32, #tpu.memory_space<vmem>>
      %dma_wait3A_485 = tpu.memref_squeeze %dma_wait3A_484 : memref<1x1x128xi32, #tpu.memory_space<vmem>> -> memref<128xi32, #tpu.memory_space<vmem>>
      %dma_wait3A_486 = arith.constant 0 : i32
      %dma_wait3A_487 = arith.constant 0 : i32
      %dma_wait3A_488 = tpu.memref_slice %arg2[%dma_wait3A_486, %dma_wait3A_487] : memref<10000x128xf32, #tpu.memory_space<hbm>> -> memref<10000x128xf32, #tpu.memory_space<hbm>>
      tpu.wait_indirect_dma semaphore(%arg11 : memref<!tpu.dma_semaphore, #tpu.memory_space<semaphore_mem>>) src(%dma_wait3A_488 : memref<10000x128xf32, #tpu.memory_space<hbm>>) dst(%dma_wait3A_482 : memref<128x128xf32, #tpu.memory_space<vmem>>)
      %dma_start3A_489 = arith.constant 0 : i32
      %dma_start3A_490 = arith.constant 6 : i32
      %dma_start3A_491 = arith.constant 0 : i32
      %dma_start3A_492 = arith.constant 0 : i32
      %dma_start3A_493 = tpu.memref_slice %arg9[%dma_start3A_489, %dma_start3A_491, %dma_start3A_492] : memref<2x128x128xf32, #tpu.memory_space<vmem>> -> memref<1x128x128xf32, #tpu.memory_space<vmem>>
      %dma_start3A_494 = tpu.memref_squeeze %dma_start3A_493 : memref<1x128x128xf32, #tpu.memory_space<vmem>> -> memref<128x128xf32, #tpu.memory_space<vmem>>
      %dma_start3A_495 = arith.constant 0 : i32
      %dma_start3A_496 = tpu.memref_slice %arg8[%rem3A_94, %dma_start3A_490, %dma_start3A_495] : memref<3x8x128xi32, #tpu.memory_space<vmem>> -> memref<1x1x128xi32, #tpu.memory_space<vmem>>
      %dma_start3A_497 = tpu.memref_squeeze %dma_start3A_496 : memref<1x1x128xi32, #tpu.memory_space<vmem>> -> memref<128xi32, #tpu.memory_space<vmem>>
      %dma_start3A_498 = arith.constant 0 : i32
      %dma_start3A_499 = arith.constant 0 : i32
      %dma_start3A_500 = tpu.memref_slice %arg10[%dma_start3A_498, %dma_start3A_499] : memref<10240x128xf32, #tpu.memory_space<vmem_shared>> -> memref<10240x128xf32, #tpu.memory_space<vmem_shared>>
      tpu.enqueue_indirect_dma source(%dma_start3A_494 : memref<128x128xf32, #tpu.memory_space<vmem>>) target(%dma_start3A_500 : memref<10240x128xf32, #tpu.memory_space<vmem_shared>>) offsets(%dma_start3A_497 : memref<128xi32, #tpu.memory_space<vmem>>) semaphore(%arg13 : memref<!tpu.dma_semaphore, #tpu.memory_space<semaphore_mem>>) {add = true}
    }
    %scan3A_38 = arith.constant 10 : i32
    %dma_wait3A = arith.constant 0 : i32
    %dma_wait3A_39 = arith.constant 0 : i32
    %dma_wait3A_40 = arith.constant 1 : i32
    %dma_wait3A_41 = arith.constant 0 : i32
    %dma_wait3A_42 = arith.constant 0 : i32
    %dma_wait3A_43 = tpu.memref_slice %arg9[%dma_wait3A_40, %dma_wait3A_41, %dma_wait3A_42] : memref<2x128x128xf32, #tpu.memory_space<vmem>> -> memref<1x128x128xf32, #tpu.memory_space<vmem>>
    %dma_wait3A_44 = tpu.memref_squeeze %dma_wait3A_43 : memref<1x128x128xf32, #tpu.memory_space<vmem>> -> memref<128x128xf32, #tpu.memory_space<vmem>>
    %dma_wait3A_45 = arith.constant 0 : i32
    %dma_wait3A_46 = tpu.memref_slice %arg7[%dma_wait3A, %dma_wait3A_39, %dma_wait3A_45] : memref<3x8x128xi32, #tpu.memory_space<vmem>> -> memref<1x1x128xi32, #tpu.memory_space<vmem>>
    %dma_wait3A_47 = tpu.memref_squeeze %dma_wait3A_46 : memref<1x1x128xi32, #tpu.memory_space<vmem>> -> memref<128xi32, #tpu.memory_space<vmem>>
    %dma_wait3A_48 = arith.constant 0 : i32
    %dma_wait3A_49 = arith.constant 0 : i32
    %dma_wait3A_50 = tpu.memref_slice %arg2[%dma_wait3A_48, %dma_wait3A_49] : memref<10000x128xf32, #tpu.memory_space<hbm>> -> memref<10000x128xf32, #tpu.memory_space<hbm>>
    tpu.wait_indirect_dma semaphore(%arg12 : memref<!tpu.dma_semaphore, #tpu.memory_space<semaphore_mem>>) src(%dma_wait3A_50 : memref<10000x128xf32, #tpu.memory_space<hbm>>) dst(%dma_wait3A_44 : memref<128x128xf32, #tpu.memory_space<vmem>>)
    %dma_start3A_51 = arith.constant 1 : i32
    %dma_start3A_52 = arith.constant 0 : i32
    %dma_start3A_53 = arith.constant 7 : i32
    %dma_start3A_54 = arith.constant 0 : i32
    %dma_start3A_55 = arith.constant 0 : i32
    %dma_start3A_56 = tpu.memref_slice %arg9[%dma_start3A_51, %dma_start3A_54, %dma_start3A_55] : memref<2x128x128xf32, #tpu.memory_space<vmem>> -> memref<1x128x128xf32, #tpu.memory_space<vmem>>
    %dma_start3A_57 = tpu.memref_squeeze %dma_start3A_56 : memref<1x128x128xf32, #tpu.memory_space<vmem>> -> memref<128x128xf32, #tpu.memory_space<vmem>>
    %dma_start3A_58 = arith.constant 0 : i32
    %dma_start3A_59 = tpu.memref_slice %arg8[%dma_start3A_52, %dma_start3A_53, %dma_start3A_58] : memref<3x8x128xi32, #tpu.memory_space<vmem>> -> memref<1x1x128xi32, #tpu.memory_space<vmem>>
    %dma_start3A_60 = tpu.memref_squeeze %dma_start3A_59 : memref<1x1x128xi32, #tpu.memory_space<vmem>> -> memref<128xi32, #tpu.memory_space<vmem>>
    %dma_start3A_61 = arith.constant 0 : i32
    %dma_start3A_62 = arith.constant 0 : i32
    %dma_start3A_63 = tpu.memref_slice %arg10[%dma_start3A_61, %dma_start3A_62] : memref<10240x128xf32, #tpu.memory_space<vmem_shared>> -> memref<10240x128xf32, #tpu.memory_space<vmem_shared>>
    tpu.enqueue_indirect_dma source(%dma_start3A_57 : memref<128x128xf32, #tpu.memory_space<vmem>>) target(%dma_start3A_63 : memref<10240x128xf32, #tpu.memory_space<vmem_shared>>) offsets(%dma_start3A_60 : memref<128xi32, #tpu.memory_space<vmem>>) semaphore(%arg14 : memref<!tpu.dma_semaphore, #tpu.memory_space<semaphore_mem>>) {add = true}
    %dma_wait3A_64 = arith.constant 0 : i32
    %dma_wait3A_65 = arith.constant 0 : i32
    %dma_wait3A_66 = arith.constant 0 : i32
    %dma_wait3A_67 = arith.constant 0 : i32
    %dma_wait3A_68 = arith.constant 0 : i32
    %dma_wait3A_69 = tpu.memref_slice %arg9[%dma_wait3A_64, %dma_wait3A_67, %dma_wait3A_68] : memref<2x128x128xf32, #tpu.memory_space<vmem>> -> memref<1x128x128xf32, #tpu.memory_space<vmem>>
    %dma_wait3A_70 = tpu.memref_squeeze %dma_wait3A_69 : memref<1x128x128xf32, #tpu.memory_space<vmem>> -> memref<128x128xf32, #tpu.memory_space<vmem>>
    %dma_wait3A_71 = arith.constant 0 : i32
    %dma_wait3A_72 = tpu.memref_slice %arg8[%dma_wait3A_65, %dma_wait3A_66, %dma_wait3A_71] : memref<3x8x128xi32, #tpu.memory_space<vmem>> -> memref<1x1x128xi32, #tpu.memory_space<vmem>>
    %dma_wait3A_73 = tpu.memref_squeeze %dma_wait3A_72 : memref<1x1x128xi32, #tpu.memory_space<vmem>> -> memref<128xi32, #tpu.memory_space<vmem>>
    %dma_wait3A_74 = arith.constant 0 : i32
    %dma_wait3A_75 = arith.constant 0 : i32
    %dma_wait3A_76 = tpu.memref_slice %arg10[%dma_wait3A_74, %dma_wait3A_75] : memref<10240x128xf32, #tpu.memory_space<vmem_shared>> -> memref<10240x128xf32, #tpu.memory_space<vmem_shared>>
    tpu.wait_indirect_dma semaphore(%arg13 : memref<!tpu.dma_semaphore, #tpu.memory_space<semaphore_mem>>) src(%dma_wait3A_70 : memref<128x128xf32, #tpu.memory_space<vmem>>) dst(%dma_wait3A_76 : memref<10240x128xf32, #tpu.memory_space<vmem_shared>>)
    %dma_wait3A_77 = arith.constant 1 : i32
    %dma_wait3A_78 = arith.constant 0 : i32
    %dma_wait3A_79 = arith.constant 0 : i32
    %dma_wait3A_80 = arith.constant 0 : i32
    %dma_wait3A_81 = arith.constant 0 : i32
    %dma_wait3A_82 = tpu.memref_slice %arg9[%dma_wait3A_77, %dma_wait3A_80, %dma_wait3A_81] : memref<2x128x128xf32, #tpu.memory_space<vmem>> -> memref<1x128x128xf32, #tpu.memory_space<vmem>>
    %dma_wait3A_83 = tpu.memref_squeeze %dma_wait3A_82 : memref<1x128x128xf32, #tpu.memory_space<vmem>> -> memref<128x128xf32, #tpu.memory_space<vmem>>
    %dma_wait3A_84 = arith.constant 0 : i32
    %dma_wait3A_85 = tpu.memref_slice %arg8[%dma_wait3A_78, %dma_wait3A_79, %dma_wait3A_84] : memref<3x8x128xi32, #tpu.memory_space<vmem>> -> memref<1x1x128xi32, #tpu.memory_space<vmem>>
    %dma_wait3A_86 = tpu.memref_squeeze %dma_wait3A_85 : memref<1x1x128xi32, #tpu.memory_space<vmem>> -> memref<128xi32, #tpu.memory_space<vmem>>
    %dma_wait3A_87 = arith.constant 0 : i32
    %dma_wait3A_88 = arith.constant 0 : i32
    %dma_wait3A_89 = tpu.memref_slice %arg10[%dma_wait3A_87, %dma_wait3A_88] : memref<10240x128xf32, #tpu.memory_space<vmem_shared>> -> memref<10240x128xf32, #tpu.memory_space<vmem_shared>>
    tpu.wait_indirect_dma semaphore(%arg14 : memref<!tpu.dma_semaphore, #tpu.memory_space<semaphore_mem>>) src(%dma_wait3A_83 : memref<128x128xf32, #tpu.memory_space<vmem>>) dst(%dma_wait3A_89 : memref<10240x128xf32, #tpu.memory_space<vmem_shared>>)
    %barrier3A_90 = arith.constant 0 : index
    tpu.barrier barrier_id(%barrier3A_90)
    %mul3A_91 = arith.constant 640 : i32
    %mul3A_92 = arith.muli %arg1, %mul3A_91 : i32
    "tpu.region"() ({
      %run_scoped3A = tpu.sem_alloc : memref<!tpu.dma_semaphore, #tpu.memory_space<semaphore_mem>>
      %dma_start3A_93 = arith.constant 0 : i32
      %dma_start3A_94 = tpu.memref_slice %arg6[%arg0, %mul3A_92, %dma_start3A_93] : memref<2x10240x128xf32, #tpu.memory_space<hbm>> -> memref<1x640x128xf32, #tpu.memory_space<hbm>>
      %dma_start3A_95 = tpu.memref_squeeze %dma_start3A_94 : memref<1x640x128xf32, #tpu.memory_space<hbm>> -> memref<640x128xf32, #tpu.memory_space<hbm>>
      %dma_start3A_96 = arith.constant 0 : i32
      %dma_start3A_97 = tpu.memref_slice %arg10[%mul3A_92, %dma_start3A_96] : memref<10240x128xf32, #tpu.memory_space<vmem_shared>> -> memref<640x128xf32, #tpu.memory_space<vmem_shared>>
      tpu.enqueue_dma source(%dma_start3A_97 : memref<640x128xf32, #tpu.memory_space<vmem_shared>>) target(%dma_start3A_95 : memref<640x128xf32, #tpu.memory_space<hbm>>) target_semaphore(%run_scoped3A : memref<!tpu.dma_semaphore, #tpu.memory_space<semaphore_mem>>)
      %dma_wait3A_98 = arith.constant 0 : i32
      %dma_wait3A_99 = tpu.memref_slice %arg6[%arg0, %mul3A_92, %dma_wait3A_98] : memref<2x10240x128xf32, #tpu.memory_space<hbm>> -> memref<1x640x128xf32, #tpu.memory_space<hbm>>
      %dma_wait3A_100 = tpu.memref_squeeze %dma_wait3A_99 : memref<1x640x128xf32, #tpu.memory_space<hbm>> -> memref<640x128xf32, #tpu.memory_space<hbm>>
      %dma_wait3A_101 = arith.constant 0 : i32
      %dma_wait3A_102 = tpu.memref_slice %arg10[%mul3A_92, %dma_wait3A_101] : memref<10240x128xf32, #tpu.memory_space<vmem_shared>> -> memref<640x128xf32, #tpu.memory_space<vmem_shared>>
      tpu.wait_dma2 semaphore(%run_scoped3A : memref<!tpu.dma_semaphore, #tpu.memory_space<semaphore_mem>>) src(%dma_wait3A_102 : memref<640x128xf32, #tpu.memory_space<vmem_shared>>) dst(%dma_wait3A_100 : memref<640x128xf32, #tpu.memory_space<hbm>>)
      tpu.yield
    }) : () -> ()
    return
  }
}

#map = affine_map<(d0, d1) -> (0, 0)>
#map1 = affine_map<(d0, d1) -> (0, 0, 0, 0)>
#map2 = affine_map<(d0, d1) -> (0, 0, 0)>
module attributes {stable_mosaic.version = 14 : i64} {
  func.func @agg_kernel(%arg0: i32, %arg1: i32, %arg2: memref<20000x128xf32, #tpu.memory_space<hbm>>, %arg3: memref<2x16x80x128xi32, #tpu.memory_space<hbm>>, %arg4: memref<2x16x80x128xi32, #tpu.memory_space<hbm>>, %arg5: memref<640x128xf32, #tpu.memory_space<hbm>>, %arg6: memref<2x10240x128xf32, #tpu.memory_space<hbm>>, %arg7: memref<3x8x128xi32, #tpu.memory_space<vmem>>, %arg8: memref<3x8x128xi32, #tpu.memory_space<vmem>>, %arg9: memref<2x128x128xf32, #tpu.memory_space<vmem>>, %arg10: memref<10240x128xf32, #tpu.memory_space<vmem_shared>>, %arg11: memref<!tpu.dma_semaphore, #tpu.memory_space<semaphore_mem>>, %arg12: memref<!tpu.dma_semaphore, #tpu.memory_space<semaphore_mem>>, %arg13: memref<!tpu.dma_semaphore, #tpu.memory_space<semaphore_mem>>, %arg14: memref<!tpu.dma_semaphore, #tpu.memory_space<semaphore_mem>>, %arg15: memref<!tpu.dma_semaphore, #tpu.memory_space<semaphore_mem>>) attributes {dimension_semantics = [#tpu.dimension_semantics<core_parallel>, #tpu.dimension_semantics<subcore_parallel>], iteration_bounds = array<i64: 2, 16>, scalar_prefetch = 0 : i64, scratch_operands = 9 : i64, tpu.core_type = #tpu.core_type<sc_vector_subcore>, window_params = [{transform_indices = #map}, {transform_indices = #map1}, {transform_indices = #map1}, {transform_indices = #map}, {transform_indices = #map2}]} {
    %mul3A = arith.constant 640 : i32
    %mul3A_0 = arith.muli %arg1, %mul3A : i32
    "tpu.region"() ({
      %run_scoped3A = tpu.sem_alloc : memref<!tpu.dma_semaphore, #tpu.memory_space<semaphore_mem>>
      %dma_start3A_93 = arith.constant 0 : i32
      %dma_start3A_94 = tpu.memref_slice %arg10[%mul3A_0, %dma_start3A_93] : memref<10240x128xf32, #tpu.memory_space<vmem_shared>> -> memref<640x128xf32, #tpu.memory_space<vmem_shared>>
      tpu.enqueue_dma source(%arg5 : memref<640x128xf32, #tpu.memory_space<hbm>>) target(%dma_start3A_94 : memref<640x128xf32, #tpu.memory_space<vmem_shared>>) target_semaphore(%run_scoped3A : memref<!tpu.dma_semaphore, #tpu.memory_space<semaphore_mem>>)
      %dma_wait3A_95 = arith.constant 0 : i32
      %dma_wait3A_96 = tpu.memref_slice %arg10[%mul3A_0, %dma_wait3A_95] : memref<10240x128xf32, #tpu.memory_space<vmem_shared>> -> memref<640x128xf32, #tpu.memory_space<vmem_shared>>
      tpu.wait_dma2 semaphore(%run_scoped3A : memref<!tpu.dma_semaphore, #tpu.memory_space<semaphore_mem>>) src(%arg5 : memref<640x128xf32, #tpu.memory_space<hbm>>) dst(%dma_wait3A_96 : memref<640x128xf32, #tpu.memory_space<vmem_shared>>)
      tpu.yield
    }) : () -> ()
    %barrier3A = arith.constant 0 : index
    tpu.barrier barrier_id(%barrier3A)
    %dma_start3A = arith.constant 0 : i32
    %dma_start3A_1 = arith.constant 0 : i32
    %dma_start3A_2 = arith.constant 0 : i32
    %dma_start3A_3 = tpu.memref_slice %arg7[%dma_start3A, %dma_start3A_1, %dma_start3A_2] : memref<3x8x128xi32, #tpu.memory_space<vmem>> -> memref<1x8x128xi32, #tpu.memory_space<vmem>>
    %dma_start3A_4 = tpu.memref_squeeze %dma_start3A_3 : memref<1x8x128xi32, #tpu.memory_space<vmem>> -> memref<8x128xi32, #tpu.memory_space<vmem>>
    %dma_start3A_5 = arith.constant 0 : i32
    %dma_start3A_6 = arith.constant 0 : i32
    %dma_start3A_7 = tpu.memref_slice %arg3[%arg0, %arg1, %dma_start3A_5, %dma_start3A_6] : memref<2x16x80x128xi32, #tpu.memory_space<hbm>> -> memref<1x1x8x128xi32, #tpu.memory_space<hbm>>
    %dma_start3A_8 = tpu.memref_squeeze %dma_start3A_7 : memref<1x1x8x128xi32, #tpu.memory_space<hbm>> -> memref<8x128xi32, #tpu.memory_space<hbm>>
    %dma_start3A_9 = arith.constant 0 : i32
    %dma_start3A_10 = arith.constant 0 : i32
    %dma_start3A_11 = tpu.memref_slice %arg7[%dma_start3A, %dma_start3A_9, %dma_start3A_10] : memref<3x8x128xi32, #tpu.memory_space<vmem>> -> memref<1x8x128xi32, #tpu.memory_space<vmem>>
    %dma_start3A_12 = tpu.memref_squeeze %dma_start3A_11 : memref<1x8x128xi32, #tpu.memory_space<vmem>> -> memref<8x128xi32, #tpu.memory_space<vmem>>
    %dma_start3A_13 = arith.constant 0 : i32
    %dma_start3A_14 = arith.constant 0 : i32
    %dma_start3A_15 = tpu.memref_slice %arg3[%arg0, %arg1, %dma_start3A_13, %dma_start3A_14] : memref<2x16x80x128xi32, #tpu.memory_space<hbm>> -> memref<1x1x8x128xi32, #tpu.memory_space<hbm>>
    %dma_start3A_16 = tpu.memref_squeeze %dma_start3A_15 : memref<1x1x8x128xi32, #tpu.memory_space<hbm>> -> memref<8x128xi32, #tpu.memory_space<hbm>>
    tpu.enqueue_dma source(%dma_start3A_16 : memref<8x128xi32, #tpu.memory_space<hbm>>) target(%dma_start3A_12 : memref<8x128xi32, #tpu.memory_space<vmem>>) target_semaphore(%arg15 : memref<!tpu.dma_semaphore, #tpu.memory_space<semaphore_mem>>)
    %dma_start3A_17 = arith.constant 0 : i32
    %dma_start3A_18 = arith.constant 0 : i32
    %dma_start3A_19 = arith.constant 0 : i32
    %dma_start3A_20 = tpu.memref_slice %arg8[%dma_start3A_17, %dma_start3A_18, %dma_start3A_19] : memref<3x8x128xi32, #tpu.memory_space<vmem>> -> memref<1x8x128xi32, #tpu.memory_space<vmem>>
    %dma_start3A_21 = tpu.memref_squeeze %dma_start3A_20 : memref<1x8x128xi32, #tpu.memory_space<vmem>> -> memref<8x128xi32, #tpu.memory_space<vmem>>
    %dma_start3A_22 = arith.constant 0 : i32
    %dma_start3A_23 = arith.constant 0 : i32
    %dma_start3A_24 = tpu.memref_slice %arg4[%arg0, %arg1, %dma_start3A_22, %dma_start3A_23] : memref<2x16x80x128xi32, #tpu.memory_space<hbm>> -> memref<1x1x8x128xi32, #tpu.memory_space<hbm>>
    %dma_start3A_25 = tpu.memref_squeeze %dma_start3A_24 : memref<1x1x8x128xi32, #tpu.memory_space<hbm>> -> memref<8x128xi32, #tpu.memory_space<hbm>>
    %dma_start3A_26 = arith.constant 0 : i32
    %dma_start3A_27 = arith.constant 0 : i32
    %dma_start3A_28 = tpu.memref_slice %arg8[%dma_start3A_17, %dma_start3A_26, %dma_start3A_27] : memref<3x8x128xi32, #tpu.memory_space<vmem>> -> memref<1x8x128xi32, #tpu.memory_space<vmem>>
    %dma_start3A_29 = tpu.memref_squeeze %dma_start3A_28 : memref<1x8x128xi32, #tpu.memory_space<vmem>> -> memref<8x128xi32, #tpu.memory_space<vmem>>
    %dma_start3A_30 = arith.constant 0 : i32
    %dma_start3A_31 = arith.constant 0 : i32
    %dma_start3A_32 = tpu.memref_slice %arg4[%arg0, %arg1, %dma_start3A_30, %dma_start3A_31] : memref<2x16x80x128xi32, #tpu.memory_space<hbm>> -> memref<1x1x8x128xi32, #tpu.memory_space<hbm>>
    %dma_start3A_33 = tpu.memref_squeeze %dma_start3A_32 : memref<1x1x8x128xi32, #tpu.memory_space<hbm>> -> memref<8x128xi32, #tpu.memory_space<hbm>>
    tpu.enqueue_dma source(%dma_start3A_33 : memref<8x128xi32, #tpu.memory_space<hbm>>) target(%dma_start3A_29 : memref<8x128xi32, #tpu.memory_space<vmem>>) target_semaphore(%arg15 : memref<!tpu.dma_semaphore, #tpu.memory_space<semaphore_mem>>)
    %scan3A = arith.constant 0 : i32
    %scan3A_34 = arith.constant 0 : i32
    %scan3A_35 = arith.constant 10 : i32
    %scan3A_36 = arith.addi %scan3A_34, %scan3A_35 : i32
    %scan3A_37 = arith.constant 1 : i32
    scf.for %scan3A_93 = %scan3A_34 to %scan3A_36 step %scan3A_37  : i32 {
      %rem3A = arith.constant 3 : i32
      %rem3A_94 = arith.remsi %scan3A_93, %rem3A : i32
      %add3A = arith.constant 2 : i32
      %add3A_95 = arith.addi %scan3A_93, %add3A : i32
      %rem3A_96 = arith.constant 3 : i32
      %rem3A_97 = arith.remsi %add3A_95, %rem3A_96 : i32
      %add3A_98 = arith.constant 1 : i32
      %add3A_99 = arith.addi %scan3A_93, %add3A_98 : i32
      %rem3A_100 = arith.constant 3 : i32
      %rem3A_101 = arith.remsi %add3A_99, %rem3A_100 : i32
      %dma_wait3A_102 = arith.constant 0 : i32
      %dma_wait3A_103 = arith.constant 0 : i32
      %dma_wait3A_104 = arith.constant 0 : i32
      %dma_wait3A_105 = tpu.memref_slice %arg7[%dma_wait3A_102, %dma_wait3A_103, %dma_wait3A_104] : memref<3x8x128xi32, #tpu.memory_space<vmem>> -> memref<1x8x128xi32, #tpu.memory_space<vmem>>
      %dma_wait3A_106 = tpu.memref_squeeze %dma_wait3A_105 : memref<1x8x128xi32, #tpu.memory_space<vmem>> -> memref<8x128xi32, #tpu.memory_space<vmem>>
      %dma_wait3A_107 = arith.constant 0 : i32
      %dma_wait3A_108 = arith.constant 0 : i32
      %dma_wait3A_109 = tpu.memref_slice %arg3[%arg0, %arg1, %dma_wait3A_107, %dma_wait3A_108] : memref<2x16x80x128xi32, #tpu.memory_space<hbm>> -> memref<1x1x8x128xi32, #tpu.memory_space<hbm>>
      %dma_wait3A_110 = tpu.memref_squeeze %dma_wait3A_109 : memref<1x1x8x128xi32, #tpu.memory_space<hbm>> -> memref<8x128xi32, #tpu.memory_space<hbm>>
      %dma_wait3A_111 = arith.constant 0 : i32
      %dma_wait3A_112 = arith.constant 0 : i32
      %dma_wait3A_113 = tpu.memref_slice %arg7[%dma_wait3A_102, %dma_wait3A_111, %dma_wait3A_112] : memref<3x8x128xi32, #tpu.memory_space<vmem>> -> memref<1x8x128xi32, #tpu.memory_space<vmem>>
      %dma_wait3A_114 = tpu.memref_squeeze %dma_wait3A_113 : memref<1x8x128xi32, #tpu.memory_space<vmem>> -> memref<8x128xi32, #tpu.memory_space<vmem>>
      %dma_wait3A_115 = arith.constant 0 : i32
      %dma_wait3A_116 = arith.constant 0 : i32
      %dma_wait3A_117 = tpu.memref_slice %arg3[%arg0, %arg1, %dma_wait3A_115, %dma_wait3A_116] : memref<2x16x80x128xi32, #tpu.memory_space<hbm>> -> memref<1x1x8x128xi32, #tpu.memory_space<hbm>>
      %dma_wait3A_118 = tpu.memref_squeeze %dma_wait3A_117 : memref<1x1x8x128xi32, #tpu.memory_space<hbm>> -> memref<8x128xi32, #tpu.memory_space<hbm>>
      tpu.wait_dma2 semaphore(%arg15 : memref<!tpu.dma_semaphore, #tpu.memory_space<semaphore_mem>>) src(%dma_wait3A_118 : memref<8x128xi32, #tpu.memory_space<hbm>>) dst(%dma_wait3A_114 : memref<8x128xi32, #tpu.memory_space<vmem>>)
      %dma_wait3A_119 = arith.constant 0 : i32
      %dma_wait3A_120 = arith.constant 0 : i32
      %dma_wait3A_121 = arith.constant 0 : i32
      %dma_wait3A_122 = tpu.memref_slice %arg8[%dma_wait3A_119, %dma_wait3A_120, %dma_wait3A_121] : memref<3x8x128xi32, #tpu.memory_space<vmem>> -> memref<1x8x128xi32, #tpu.memory_space<vmem>>
      %dma_wait3A_123 = tpu.memref_squeeze %dma_wait3A_122 : memref<1x8x128xi32, #tpu.memory_space<vmem>> -> memref<8x128xi32, #tpu.memory_space<vmem>>
      %dma_wait3A_124 = arith.constant 0 : i32
      %dma_wait3A_125 = arith.constant 0 : i32
      %dma_wait3A_126 = tpu.memref_slice %arg4[%arg0, %arg1, %dma_wait3A_124, %dma_wait3A_125] : memref<2x16x80x128xi32, #tpu.memory_space<hbm>> -> memref<1x1x8x128xi32, #tpu.memory_space<hbm>>
      %dma_wait3A_127 = tpu.memref_squeeze %dma_wait3A_126 : memref<1x1x8x128xi32, #tpu.memory_space<hbm>> -> memref<8x128xi32, #tpu.memory_space<hbm>>
      %dma_wait3A_128 = arith.constant 0 : i32
      %dma_wait3A_129 = arith.constant 0 : i32
      %dma_wait3A_130 = tpu.memref_slice %arg8[%dma_wait3A_119, %dma_wait3A_128, %dma_wait3A_129] : memref<3x8x128xi32, #tpu.memory_space<vmem>> -> memref<1x8x128xi32, #tpu.memory_space<vmem>>
      %dma_wait3A_131 = tpu.memref_squeeze %dma_wait3A_130 : memref<1x8x128xi32, #tpu.memory_space<vmem>> -> memref<8x128xi32, #tpu.memory_space<vmem>>
      %dma_wait3A_132 = arith.constant 0 : i32
      %dma_wait3A_133 = arith.constant 0 : i32
      %dma_wait3A_134 = tpu.memref_slice %arg4[%arg0, %arg1, %dma_wait3A_132, %dma_wait3A_133] : memref<2x16x80x128xi32, #tpu.memory_space<hbm>> -> memref<1x1x8x128xi32, #tpu.memory_space<hbm>>
      %dma_wait3A_135 = tpu.memref_squeeze %dma_wait3A_134 : memref<1x1x8x128xi32, #tpu.memory_space<hbm>> -> memref<8x128xi32, #tpu.memory_space<hbm>>
      tpu.wait_dma2 semaphore(%arg15 : memref<!tpu.dma_semaphore, #tpu.memory_space<semaphore_mem>>) src(%dma_wait3A_135 : memref<8x128xi32, #tpu.memory_space<hbm>>) dst(%dma_wait3A_131 : memref<8x128xi32, #tpu.memory_space<vmem>>)
      %lt3A = arith.constant 9 : i32
      %lt3A_136 = arith.cmpi slt, %scan3A_93, %lt3A : i32
      %convert_element_type3A = arith.extui %lt3A_136 : i1 to i32
      %cond3A = arith.constant 0 : i32
      %cond3A_137 = arith.cmpi ne, %convert_element_type3A, %cond3A : i32
      scf.if %cond3A_137 {
        %add3A_501 = arith.constant 1 : i32
        %add3A_502 = arith.addi %scan3A_93, %add3A_501 : i32
        %mul3A_503 = arith.constant 8 : i32
        %mul3A_504 = arith.muli %add3A_502, %mul3A_503 : i32
        %dma_start3A_505 = arith.constant 0 : i32
        %dma_start3A_506 = arith.constant 0 : i32
        %dma_start3A_507 = tpu.memref_slice %arg7[%rem3A_101, %dma_start3A_505, %dma_start3A_506] : memref<3x8x128xi32, #tpu.memory_space<vmem>> -> memref<1x8x128xi32, #tpu.memory_space<vmem>>
        %dma_start3A_508 = tpu.memref_squeeze %dma_start3A_507 : memref<1x8x128xi32, #tpu.memory_space<vmem>> -> memref<8x128xi32, #tpu.memory_space<vmem>>
        %dma_start3A_509 = arith.constant 0 : i32
        %dma_start3A_510 = tpu.memref_slice %arg3[%arg0, %arg1, %mul3A_504, %dma_start3A_509] : memref<2x16x80x128xi32, #tpu.memory_space<hbm>> -> memref<1x1x8x128xi32, #tpu.memory_space<hbm>>
        %dma_start3A_511 = tpu.memref_squeeze %dma_start3A_510 : memref<1x1x8x128xi32, #tpu.memory_space<hbm>> -> memref<8x128xi32, #tpu.memory_space<hbm>>
        %dma_start3A_512 = arith.constant 0 : i32
        %dma_start3A_513 = arith.constant 0 : i32
        %dma_start3A_514 = tpu.memref_slice %arg7[%rem3A_101, %dma_start3A_512, %dma_start3A_513] : memref<3x8x128xi32, #tpu.memory_space<vmem>> -> memref<1x8x128xi32, #tpu.memory_space<vmem>>
        %dma_start3A_515 = tpu.memref_squeeze %dma_start3A_514 : memref<1x8x128xi32, #tpu.memory_space<vmem>> -> memref<8x128xi32, #tpu.memory_space<vmem>>
        %dma_start3A_516 = arith.constant 0 : i32
        %dma_start3A_517 = tpu.memref_slice %arg3[%arg0, %arg1, %mul3A_504, %dma_start3A_516] : memref<2x16x80x128xi32, #tpu.memory_space<hbm>> -> memref<1x1x8x128xi32, #tpu.memory_space<hbm>>
        %dma_start3A_518 = tpu.memref_squeeze %dma_start3A_517 : memref<1x1x8x128xi32, #tpu.memory_space<hbm>> -> memref<8x128xi32, #tpu.memory_space<hbm>>
        tpu.enqueue_dma source(%dma_start3A_518 : memref<8x128xi32, #tpu.memory_space<hbm>>) target(%dma_start3A_515 : memref<8x128xi32, #tpu.memory_space<vmem>>) target_semaphore(%arg15 : memref<!tpu.dma_semaphore, #tpu.memory_space<semaphore_mem>>)
        %mul3A_519 = arith.constant 8 : i32
        %mul3A_520 = arith.muli %add3A_502, %mul3A_519 : i32
        %dma_start3A_521 = arith.constant 0 : i32
        %dma_start3A_522 = arith.constant 0 : i32
        %dma_start3A_523 = tpu.memref_slice %arg8[%rem3A_101, %dma_start3A_521, %dma_start3A_522] : memref<3x8x128xi32, #tpu.memory_space<vmem>> -> memref<1x8x128xi32, #tpu.memory_space<vmem>>
        %dma_start3A_524 = tpu.memref_squeeze %dma_start3A_523 : memref<1x8x128xi32, #tpu.memory_space<vmem>> -> memref<8x128xi32, #tpu.memory_space<vmem>>
        %dma_start3A_525 = arith.constant 0 : i32
        %dma_start3A_526 = tpu.memref_slice %arg4[%arg0, %arg1, %mul3A_520, %dma_start3A_525] : memref<2x16x80x128xi32, #tpu.memory_space<hbm>> -> memref<1x1x8x128xi32, #tpu.memory_space<hbm>>
        %dma_start3A_527 = tpu.memref_squeeze %dma_start3A_526 : memref<1x1x8x128xi32, #tpu.memory_space<hbm>> -> memref<8x128xi32, #tpu.memory_space<hbm>>
        %dma_start3A_528 = arith.constant 0 : i32
        %dma_start3A_529 = arith.constant 0 : i32
        %dma_start3A_530 = tpu.memref_slice %arg8[%rem3A_101, %dma_start3A_528, %dma_start3A_529] : memref<3x8x128xi32, #tpu.memory_space<vmem>> -> memref<1x8x128xi32, #tpu.memory_space<vmem>>
        %dma_start3A_531 = tpu.memref_squeeze %dma_start3A_530 : memref<1x8x128xi32, #tpu.memory_space<vmem>> -> memref<8x128xi32, #tpu.memory_space<vmem>>
        %dma_start3A_532 = arith.constant 0 : i32
        %dma_start3A_533 = tpu.memref_slice %arg4[%arg0, %arg1, %mul3A_520, %dma_start3A_532] : memref<2x16x80x128xi32, #tpu.memory_space<hbm>> -> memref<1x1x8x128xi32, #tpu.memory_space<hbm>>
        %dma_start3A_534 = tpu.memref_squeeze %dma_start3A_533 : memref<1x1x8x128xi32, #tpu.memory_space<hbm>> -> memref<8x128xi32, #tpu.memory_space<hbm>>
        tpu.enqueue_dma source(%dma_start3A_534 : memref<8x128xi32, #tpu.memory_space<hbm>>) target(%dma_start3A_531 : memref<8x128xi32, #tpu.memory_space<vmem>>) target_semaphore(%arg15 : memref<!tpu.dma_semaphore, #tpu.memory_space<semaphore_mem>>)
      } else {
      }
      %ge3A = arith.constant 1 : i32
      %ge3A_138 = arith.cmpi sge, %scan3A_93, %ge3A : i32
      %convert_element_type3A_139 = arith.extui %ge3A_138 : i1 to i32
      %cond3A_140 = arith.constant 0 : i32
      %cond3A_141 = arith.cmpi ne, %convert_element_type3A_139, %cond3A_140 : i32
      scf.if %cond3A_141 {
        %dma_wait3A_501 = arith.constant 0 : i32
        %dma_wait3A_502 = arith.constant 0 : i32
        %dma_wait3A_503 = arith.constant 0 : i32
        %dma_wait3A_504 = arith.constant 0 : i32
        %dma_wait3A_505 = arith.constant 0 : i32
        %dma_wait3A_506 = tpu.memref_slice %arg9[%dma_wait3A_501, %dma_wait3A_504, %dma_wait3A_505] : memref<2x128x128xf32, #tpu.memory_space<vmem>> -> memref<1x128x128xf32, #tpu.memory_space<vmem>>
        %dma_wait3A_507 = tpu.memref_squeeze %dma_wait3A_506 : memref<1x128x128xf32, #tpu.memory_space<vmem>> -> memref<128x128xf32, #tpu.memory_space<vmem>>
        %dma_wait3A_508 = arith.constant 0 : i32
        %dma_wait3A_509 = tpu.memref_slice %arg8[%dma_wait3A_502, %dma_wait3A_503, %dma_wait3A_508] : memref<3x8x128xi32, #tpu.memory_space<vmem>> -> memref<1x1x128xi32, #tpu.memory_space<vmem>>
        %dma_wait3A_510 = tpu.memref_squeeze %dma_wait3A_509 : memref<1x1x128xi32, #tpu.memory_space<vmem>> -> memref<128xi32, #tpu.memory_space<vmem>>
        %dma_wait3A_511 = arith.constant 0 : i32
        %dma_wait3A_512 = arith.constant 0 : i32
        %dma_wait3A_513 = tpu.memref_slice %arg10[%dma_wait3A_511, %dma_wait3A_512] : memref<10240x128xf32, #tpu.memory_space<vmem_shared>> -> memref<10240x128xf32, #tpu.memory_space<vmem_shared>>
        tpu.wait_indirect_dma semaphore(%arg13 : memref<!tpu.dma_semaphore, #tpu.memory_space<semaphore_mem>>) src(%dma_wait3A_507 : memref<128x128xf32, #tpu.memory_space<vmem>>) dst(%dma_wait3A_513 : memref<10240x128xf32, #tpu.memory_space<vmem_shared>>)
      } else {
      }
      %dma_start3A_142 = arith.constant 0 : i32
      %dma_start3A_143 = arith.constant 0 : i32
      %dma_start3A_144 = arith.constant 0 : i32
      %dma_start3A_145 = arith.constant 0 : i32
      %dma_start3A_146 = tpu.memref_slice %arg9[%dma_start3A_143, %dma_start3A_144, %dma_start3A_145] : memref<2x128x128xf32, #tpu.memory_space<vmem>> -> memref<1x128x128xf32, #tpu.memory_space<vmem>>
      %dma_start3A_147 = tpu.memref_squeeze %dma_start3A_146 : memref<1x128x128xf32, #tpu.memory_space<vmem>> -> memref<128x128xf32, #tpu.memory_space<vmem>>
      %dma_start3A_148 = arith.constant 0 : i32
      %dma_start3A_149 = tpu.memref_slice %arg7[%rem3A_94, %dma_start3A_142, %dma_start3A_148] : memref<3x8x128xi32, #tpu.memory_space<vmem>> -> memref<1x1x128xi32, #tpu.memory_space<vmem>>
      %dma_start3A_150 = tpu.memref_squeeze %dma_start3A_149 : memref<1x1x128xi32, #tpu.memory_space<vmem>> -> memref<128xi32, #tpu.memory_space<vmem>>
      %dma_start3A_151 = arith.constant 0 : i32
      %dma_start3A_152 = arith.constant 0 : i32
      %dma_start3A_153 = tpu.memref_slice %arg2[%dma_start3A_151, %dma_start3A_152] : memref<20000x128xf32, #tpu.memory_space<hbm>> -> memref<20000x128xf32, #tpu.memory_space<hbm>>
      tpu.enqueue_indirect_dma source(%dma_start3A_153 : memref<20000x128xf32, #tpu.memory_space<hbm>>) target(%dma_start3A_147 : memref<128x128xf32, #tpu.memory_space<vmem>>) offsets(%dma_start3A_150 : memref<128xi32, #tpu.memory_space<vmem>>) semaphore(%arg11 : memref<!tpu.dma_semaphore, #tpu.memory_space<semaphore_mem>>)
      %ge3A_154 = arith.constant 1 : i32
      %ge3A_155 = arith.cmpi sge, %scan3A_93, %ge3A_154 : i32
      %convert_element_type3A_156 = arith.extui %ge3A_155 : i1 to i32
      %cond3A_157 = arith.constant 0 : i32
      %cond3A_158 = arith.cmpi ne, %convert_element_type3A_156, %cond3A_157 : i32
      scf.if %cond3A_158 {
        %dma_wait3A_501 = arith.constant 0 : i32
        %dma_wait3A_502 = arith.constant 0 : i32
        %dma_wait3A_503 = arith.constant 1 : i32
        %dma_wait3A_504 = arith.constant 0 : i32
        %dma_wait3A_505 = arith.constant 0 : i32
        %dma_wait3A_506 = tpu.memref_slice %arg9[%dma_wait3A_503, %dma_wait3A_504, %dma_wait3A_505] : memref<2x128x128xf32, #tpu.memory_space<vmem>> -> memref<1x128x128xf32, #tpu.memory_space<vmem>>
        %dma_wait3A_507 = tpu.memref_squeeze %dma_wait3A_506 : memref<1x128x128xf32, #tpu.memory_space<vmem>> -> memref<128x128xf32, #tpu.memory_space<vmem>>
        %dma_wait3A_508 = arith.constant 0 : i32
        %dma_wait3A_509 = tpu.memref_slice %arg7[%dma_wait3A_501, %dma_wait3A_502, %dma_wait3A_508] : memref<3x8x128xi32, #tpu.memory_space<vmem>> -> memref<1x1x128xi32, #tpu.memory_space<vmem>>
        %dma_wait3A_510 = tpu.memref_squeeze %dma_wait3A_509 : memref<1x1x128xi32, #tpu.memory_space<vmem>> -> memref<128xi32, #tpu.memory_space<vmem>>
        %dma_wait3A_511 = arith.constant 0 : i32
        %dma_wait3A_512 = arith.constant 0 : i32
        %dma_wait3A_513 = tpu.memref_slice %arg2[%dma_wait3A_511, %dma_wait3A_512] : memref<20000x128xf32, #tpu.memory_space<hbm>> -> memref<20000x128xf32, #tpu.memory_space<hbm>>
        tpu.wait_indirect_dma semaphore(%arg12 : memref<!tpu.dma_semaphore, #tpu.memory_space<semaphore_mem>>) src(%dma_wait3A_513 : memref<20000x128xf32, #tpu.memory_space<hbm>>) dst(%dma_wait3A_507 : memref<128x128xf32, #tpu.memory_space<vmem>>)
        %dma_start3A_514 = arith.constant 1 : i32
        %dma_start3A_515 = arith.constant 7 : i32
        %dma_start3A_516 = arith.constant 0 : i32
        %dma_start3A_517 = arith.constant 0 : i32
        %dma_start3A_518 = tpu.memref_slice %arg9[%dma_start3A_514, %dma_start3A_516, %dma_start3A_517] : memref<2x128x128xf32, #tpu.memory_space<vmem>> -> memref<1x128x128xf32, #tpu.memory_space<vmem>>
        %dma_start3A_519 = tpu.memref_squeeze %dma_start3A_518 : memref<1x128x128xf32, #tpu.memory_space<vmem>> -> memref<128x128xf32, #tpu.memory_space<vmem>>
        %dma_start3A_520 = arith.constant 0 : i32
        %dma_start3A_521 = tpu.memref_slice %arg8[%rem3A_97, %dma_start3A_515, %dma_start3A_520] : memref<3x8x128xi32, #tpu.memory_space<vmem>> -> memref<1x1x128xi32, #tpu.memory_space<vmem>>
        %dma_start3A_522 = tpu.memref_squeeze %dma_start3A_521 : memref<1x1x128xi32, #tpu.memory_space<vmem>> -> memref<128xi32, #tpu.memory_space<vmem>>
        %dma_start3A_523 = arith.constant 0 : i32
        %dma_start3A_524 = arith.constant 0 : i32
        %dma_start3A_525 = tpu.memref_slice %arg10[%dma_start3A_523, %dma_start3A_524] : memref<10240x128xf32, #tpu.memory_space<vmem_shared>> -> memref<10240x128xf32, #tpu.memory_space<vmem_shared>>
        tpu.enqueue_indirect_dma source(%dma_start3A_519 : memref<128x128xf32, #tpu.memory_space<vmem>>) target(%dma_start3A_525 : memref<10240x128xf32, #tpu.memory_space<vmem_shared>>) offsets(%dma_start3A_522 : memref<128xi32, #tpu.memory_space<vmem>>) semaphore(%arg14 : memref<!tpu.dma_semaphore, #tpu.memory_space<semaphore_mem>>) {add = true}
      } else {
      }
      %ge3A_159 = arith.constant 1 : i32
      %ge3A_160 = arith.cmpi sge, %scan3A_93, %ge3A_159 : i32
      %convert_element_type3A_161 = arith.extui %ge3A_160 : i1 to i32
      %cond3A_162 = arith.constant 0 : i32
      %cond3A_163 = arith.cmpi ne, %convert_element_type3A_161, %cond3A_162 : i32
      scf.if %cond3A_163 {
        %dma_wait3A_501 = arith.constant 1 : i32
        %dma_wait3A_502 = arith.constant 0 : i32
        %dma_wait3A_503 = arith.constant 0 : i32
        %dma_wait3A_504 = arith.constant 0 : i32
        %dma_wait3A_505 = arith.constant 0 : i32
        %dma_wait3A_506 = tpu.memref_slice %arg9[%dma_wait3A_501, %dma_wait3A_504, %dma_wait3A_505] : memref<2x128x128xf32, #tpu.memory_space<vmem>> -> memref<1x128x128xf32, #tpu.memory_space<vmem>>
        %dma_wait3A_507 = tpu.memref_squeeze %dma_wait3A_506 : memref<1x128x128xf32, #tpu.memory_space<vmem>> -> memref<128x128xf32, #tpu.memory_space<vmem>>
        %dma_wait3A_508 = arith.constant 0 : i32
        %dma_wait3A_509 = tpu.memref_slice %arg8[%dma_wait3A_502, %dma_wait3A_503, %dma_wait3A_508] : memref<3x8x128xi32, #tpu.memory_space<vmem>> -> memref<1x1x128xi32, #tpu.memory_space<vmem>>
        %dma_wait3A_510 = tpu.memref_squeeze %dma_wait3A_509 : memref<1x1x128xi32, #tpu.memory_space<vmem>> -> memref<128xi32, #tpu.memory_space<vmem>>
        %dma_wait3A_511 = arith.constant 0 : i32
        %dma_wait3A_512 = arith.constant 0 : i32
        %dma_wait3A_513 = tpu.memref_slice %arg10[%dma_wait3A_511, %dma_wait3A_512] : memref<10240x128xf32, #tpu.memory_space<vmem_shared>> -> memref<10240x128xf32, #tpu.memory_space<vmem_shared>>
        tpu.wait_indirect_dma semaphore(%arg14 : memref<!tpu.dma_semaphore, #tpu.memory_space<semaphore_mem>>) src(%dma_wait3A_507 : memref<128x128xf32, #tpu.memory_space<vmem>>) dst(%dma_wait3A_513 : memref<10240x128xf32, #tpu.memory_space<vmem_shared>>)
      } else {
      }
      %dma_start3A_164 = arith.constant 1 : i32
      %dma_start3A_165 = arith.constant 1 : i32
      %dma_start3A_166 = arith.constant 0 : i32
      %dma_start3A_167 = arith.constant 0 : i32
      %dma_start3A_168 = tpu.memref_slice %arg9[%dma_start3A_165, %dma_start3A_166, %dma_start3A_167] : memref<2x128x128xf32, #tpu.memory_space<vmem>> -> memref<1x128x128xf32, #tpu.memory_space<vmem>>
      %dma_start3A_169 = tpu.memref_squeeze %dma_start3A_168 : memref<1x128x128xf32, #tpu.memory_space<vmem>> -> memref<128x128xf32, #tpu.memory_space<vmem>>
      %dma_start3A_170 = arith.constant 0 : i32
      %dma_start3A_171 = tpu.memref_slice %arg7[%rem3A_94, %dma_start3A_164, %dma_start3A_170] : memref<3x8x128xi32, #tpu.memory_space<vmem>> -> memref<1x1x128xi32, #tpu.memory_space<vmem>>
      %dma_start3A_172 = tpu.memref_squeeze %dma_start3A_171 : memref<1x1x128xi32, #tpu.memory_space<vmem>> -> memref<128xi32, #tpu.memory_space<vmem>>
      %dma_start3A_173 = arith.constant 0 : i32
      %dma_start3A_174 = arith.constant 0 : i32
      %dma_start3A_175 = tpu.memref_slice %arg2[%dma_start3A_173, %dma_start3A_174] : memref<20000x128xf32, #tpu.memory_space<hbm>> -> memref<20000x128xf32, #tpu.memory_space<hbm>>
      tpu.enqueue_indirect_dma source(%dma_start3A_175 : memref<20000x128xf32, #tpu.memory_space<hbm>>) target(%dma_start3A_169 : memref<128x128xf32, #tpu.memory_space<vmem>>) offsets(%dma_start3A_172 : memref<128xi32, #tpu.memory_space<vmem>>) semaphore(%arg12 : memref<!tpu.dma_semaphore, #tpu.memory_space<semaphore_mem>>)
      %dma_wait3A_176 = arith.constant 0 : i32
      %dma_wait3A_177 = arith.constant 0 : i32
      %dma_wait3A_178 = arith.constant 0 : i32
      %dma_wait3A_179 = arith.constant 0 : i32
      %dma_wait3A_180 = arith.constant 0 : i32
      %dma_wait3A_181 = tpu.memref_slice %arg9[%dma_wait3A_178, %dma_wait3A_179, %dma_wait3A_180] : memref<2x128x128xf32, #tpu.memory_space<vmem>> -> memref<1x128x128xf32, #tpu.memory_space<vmem>>
      %dma_wait3A_182 = tpu.memref_squeeze %dma_wait3A_181 : memref<1x128x128xf32, #tpu.memory_space<vmem>> -> memref<128x128xf32, #tpu.memory_space<vmem>>
      %dma_wait3A_183 = arith.constant 0 : i32
      %dma_wait3A_184 = tpu.memref_slice %arg7[%dma_wait3A_176, %dma_wait3A_177, %dma_wait3A_183] : memref<3x8x128xi32, #tpu.memory_space<vmem>> -> memref<1x1x128xi32, #tpu.memory_space<vmem>>
      %dma_wait3A_185 = tpu.memref_squeeze %dma_wait3A_184 : memref<1x1x128xi32, #tpu.memory_space<vmem>> -> memref<128xi32, #tpu.memory_space<vmem>>
      %dma_wait3A_186 = arith.constant 0 : i32
      %dma_wait3A_187 = arith.constant 0 : i32
      %dma_wait3A_188 = tpu.memref_slice %arg2[%dma_wait3A_186, %dma_wait3A_187] : memref<20000x128xf32, #tpu.memory_space<hbm>> -> memref<20000x128xf32, #tpu.memory_space<hbm>>
      tpu.wait_indirect_dma semaphore(%arg11 : memref<!tpu.dma_semaphore, #tpu.memory_space<semaphore_mem>>) src(%dma_wait3A_188 : memref<20000x128xf32, #tpu.memory_space<hbm>>) dst(%dma_wait3A_182 : memref<128x128xf32, #tpu.memory_space<vmem>>)
      %dma_start3A_189 = arith.constant 0 : i32
      %dma_start3A_190 = arith.constant 0 : i32
      %dma_start3A_191 = arith.constant 0 : i32
      %dma_start3A_192 = arith.constant 0 : i32
      %dma_start3A_193 = tpu.memref_slice %arg9[%dma_start3A_189, %dma_start3A_191, %dma_start3A_192] : memref<2x128x128xf32, #tpu.memory_space<vmem>> -> memref<1x128x128xf32, #tpu.memory_space<vmem>>
      %dma_start3A_194 = tpu.memref_squeeze %dma_start3A_193 : memref<1x128x128xf32, #tpu.memory_space<vmem>> -> memref<128x128xf32, #tpu.memory_space<vmem>>
      %dma_start3A_195 = arith.constant 0 : i32
      %dma_start3A_196 = tpu.memref_slice %arg8[%rem3A_94, %dma_start3A_190, %dma_start3A_195] : memref<3x8x128xi32, #tpu.memory_space<vmem>> -> memref<1x1x128xi32, #tpu.memory_space<vmem>>
      %dma_start3A_197 = tpu.memref_squeeze %dma_start3A_196 : memref<1x1x128xi32, #tpu.memory_space<vmem>> -> memref<128xi32, #tpu.memory_space<vmem>>
      %dma_start3A_198 = arith.constant 0 : i32
      %dma_start3A_199 = arith.constant 0 : i32
      %dma_start3A_200 = tpu.memref_slice %arg10[%dma_start3A_198, %dma_start3A_199] : memref<10240x128xf32, #tpu.memory_space<vmem_shared>> -> memref<10240x128xf32, #tpu.memory_space<vmem_shared>>
      tpu.enqueue_indirect_dma source(%dma_start3A_194 : memref<128x128xf32, #tpu.memory_space<vmem>>) target(%dma_start3A_200 : memref<10240x128xf32, #tpu.memory_space<vmem_shared>>) offsets(%dma_start3A_197 : memref<128xi32, #tpu.memory_space<vmem>>) semaphore(%arg13 : memref<!tpu.dma_semaphore, #tpu.memory_space<semaphore_mem>>) {add = true}
      %dma_wait3A_201 = arith.constant 0 : i32
      %dma_wait3A_202 = arith.constant 0 : i32
      %dma_wait3A_203 = arith.constant 0 : i32
      %dma_wait3A_204 = arith.constant 0 : i32
      %dma_wait3A_205 = arith.constant 0 : i32
      %dma_wait3A_206 = tpu.memref_slice %arg9[%dma_wait3A_201, %dma_wait3A_204, %dma_wait3A_205] : memref<2x128x128xf32, #tpu.memory_space<vmem>> -> memref<1x128x128xf32, #tpu.memory_space<vmem>>
      %dma_wait3A_207 = tpu.memref_squeeze %dma_wait3A_206 : memref<1x128x128xf32, #tpu.memory_space<vmem>> -> memref<128x128xf32, #tpu.memory_space<vmem>>
      %dma_wait3A_208 = arith.constant 0 : i32
      %dma_wait3A_209 = tpu.memref_slice %arg8[%dma_wait3A_202, %dma_wait3A_203, %dma_wait3A_208] : memref<3x8x128xi32, #tpu.memory_space<vmem>> -> memref<1x1x128xi32, #tpu.memory_space<vmem>>
      %dma_wait3A_210 = tpu.memref_squeeze %dma_wait3A_209 : memref<1x1x128xi32, #tpu.memory_space<vmem>> -> memref<128xi32, #tpu.memory_space<vmem>>
      %dma_wait3A_211 = arith.constant 0 : i32
      %dma_wait3A_212 = arith.constant 0 : i32
      %dma_wait3A_213 = tpu.memref_slice %arg10[%dma_wait3A_211, %dma_wait3A_212] : memref<10240x128xf32, #tpu.memory_space<vmem_shared>> -> memref<10240x128xf32, #tpu.memory_space<vmem_shared>>
      tpu.wait_indirect_dma semaphore(%arg13 : memref<!tpu.dma_semaphore, #tpu.memory_space<semaphore_mem>>) src(%dma_wait3A_207 : memref<128x128xf32, #tpu.memory_space<vmem>>) dst(%dma_wait3A_213 : memref<10240x128xf32, #tpu.memory_space<vmem_shared>>)
      %dma_start3A_214 = arith.constant 2 : i32
      %dma_start3A_215 = arith.constant 0 : i32
      %dma_start3A_216 = arith.constant 0 : i32
      %dma_start3A_217 = arith.constant 0 : i32
      %dma_start3A_218 = tpu.memref_slice %arg9[%dma_start3A_215, %dma_start3A_216, %dma_start3A_217] : memref<2x128x128xf32, #tpu.memory_space<vmem>> -> memref<1x128x128xf32, #tpu.memory_space<vmem>>
      %dma_start3A_219 = tpu.memref_squeeze %dma_start3A_218 : memref<1x128x128xf32, #tpu.memory_space<vmem>> -> memref<128x128xf32, #tpu.memory_space<vmem>>
      %dma_start3A_220 = arith.constant 0 : i32
      %dma_start3A_221 = tpu.memref_slice %arg7[%rem3A_94, %dma_start3A_214, %dma_start3A_220] : memref<3x8x128xi32, #tpu.memory_space<vmem>> -> memref<1x1x128xi32, #tpu.memory_space<vmem>>
      %dma_start3A_222 = tpu.memref_squeeze %dma_start3A_221 : memref<1x1x128xi32, #tpu.memory_space<vmem>> -> memref<128xi32, #tpu.memory_space<vmem>>
      %dma_start3A_223 = arith.constant 0 : i32
      %dma_start3A_224 = arith.constant 0 : i32
      %dma_start3A_225 = tpu.memref_slice %arg2[%dma_start3A_223, %dma_start3A_224] : memref<20000x128xf32, #tpu.memory_space<hbm>> -> memref<20000x128xf32, #tpu.memory_space<hbm>>
      tpu.enqueue_indirect_dma source(%dma_start3A_225 : memref<20000x128xf32, #tpu.memory_space<hbm>>) target(%dma_start3A_219 : memref<128x128xf32, #tpu.memory_space<vmem>>) offsets(%dma_start3A_222 : memref<128xi32, #tpu.memory_space<vmem>>) semaphore(%arg11 : memref<!tpu.dma_semaphore, #tpu.memory_space<semaphore_mem>>)
      %dma_wait3A_226 = arith.constant 0 : i32
      %dma_wait3A_227 = arith.constant 0 : i32
      %dma_wait3A_228 = arith.constant 1 : i32
      %dma_wait3A_229 = arith.constant 0 : i32
      %dma_wait3A_230 = arith.constant 0 : i32
      %dma_wait3A_231 = tpu.memref_slice %arg9[%dma_wait3A_228, %dma_wait3A_229, %dma_wait3A_230] : memref<2x128x128xf32, #tpu.memory_space<vmem>> -> memref<1x128x128xf32, #tpu.memory_space<vmem>>
      %dma_wait3A_232 = tpu.memref_squeeze %dma_wait3A_231 : memref<1x128x128xf32, #tpu.memory_space<vmem>> -> memref<128x128xf32, #tpu.memory_space<vmem>>
      %dma_wait3A_233 = arith.constant 0 : i32
      %dma_wait3A_234 = tpu.memref_slice %arg7[%dma_wait3A_226, %dma_wait3A_227, %dma_wait3A_233] : memref<3x8x128xi32, #tpu.memory_space<vmem>> -> memref<1x1x128xi32, #tpu.memory_space<vmem>>
      %dma_wait3A_235 = tpu.memref_squeeze %dma_wait3A_234 : memref<1x1x128xi32, #tpu.memory_space<vmem>> -> memref<128xi32, #tpu.memory_space<vmem>>
      %dma_wait3A_236 = arith.constant 0 : i32
      %dma_wait3A_237 = arith.constant 0 : i32
      %dma_wait3A_238 = tpu.memref_slice %arg2[%dma_wait3A_236, %dma_wait3A_237] : memref<20000x128xf32, #tpu.memory_space<hbm>> -> memref<20000x128xf32, #tpu.memory_space<hbm>>
      tpu.wait_indirect_dma semaphore(%arg12 : memref<!tpu.dma_semaphore, #tpu.memory_space<semaphore_mem>>) src(%dma_wait3A_238 : memref<20000x128xf32, #tpu.memory_space<hbm>>) dst(%dma_wait3A_232 : memref<128x128xf32, #tpu.memory_space<vmem>>)
      %dma_start3A_239 = arith.constant 1 : i32
      %dma_start3A_240 = arith.constant 1 : i32
      %dma_start3A_241 = arith.constant 0 : i32
      %dma_start3A_242 = arith.constant 0 : i32
      %dma_start3A_243 = tpu.memref_slice %arg9[%dma_start3A_239, %dma_start3A_241, %dma_start3A_242] : memref<2x128x128xf32, #tpu.memory_space<vmem>> -> memref<1x128x128xf32, #tpu.memory_space<vmem>>
      %dma_start3A_244 = tpu.memref_squeeze %dma_start3A_243 : memref<1x128x128xf32, #tpu.memory_space<vmem>> -> memref<128x128xf32, #tpu.memory_space<vmem>>
      %dma_start3A_245 = arith.constant 0 : i32
      %dma_start3A_246 = tpu.memref_slice %arg8[%rem3A_94, %dma_start3A_240, %dma_start3A_245] : memref<3x8x128xi32, #tpu.memory_space<vmem>> -> memref<1x1x128xi32, #tpu.memory_space<vmem>>
      %dma_start3A_247 = tpu.memref_squeeze %dma_start3A_246 : memref<1x1x128xi32, #tpu.memory_space<vmem>> -> memref<128xi32, #tpu.memory_space<vmem>>
      %dma_start3A_248 = arith.constant 0 : i32
      %dma_start3A_249 = arith.constant 0 : i32
      %dma_start3A_250 = tpu.memref_slice %arg10[%dma_start3A_248, %dma_start3A_249] : memref<10240x128xf32, #tpu.memory_space<vmem_shared>> -> memref<10240x128xf32, #tpu.memory_space<vmem_shared>>
      tpu.enqueue_indirect_dma source(%dma_start3A_244 : memref<128x128xf32, #tpu.memory_space<vmem>>) target(%dma_start3A_250 : memref<10240x128xf32, #tpu.memory_space<vmem_shared>>) offsets(%dma_start3A_247 : memref<128xi32, #tpu.memory_space<vmem>>) semaphore(%arg14 : memref<!tpu.dma_semaphore, #tpu.memory_space<semaphore_mem>>) {add = true}
      %dma_wait3A_251 = arith.constant 1 : i32
      %dma_wait3A_252 = arith.constant 0 : i32
      %dma_wait3A_253 = arith.constant 0 : i32
      %dma_wait3A_254 = arith.constant 0 : i32
      %dma_wait3A_255 = arith.constant 0 : i32
      %dma_wait3A_256 = tpu.memref_slice %arg9[%dma_wait3A_251, %dma_wait3A_254, %dma_wait3A_255] : memref<2x128x128xf32, #tpu.memory_space<vmem>> -> memref<1x128x128xf32, #tpu.memory_space<vmem>>
      %dma_wait3A_257 = tpu.memref_squeeze %dma_wait3A_256 : memref<1x128x128xf32, #tpu.memory_space<vmem>> -> memref<128x128xf32, #tpu.memory_space<vmem>>
      %dma_wait3A_258 = arith.constant 0 : i32
      %dma_wait3A_259 = tpu.memref_slice %arg8[%dma_wait3A_252, %dma_wait3A_253, %dma_wait3A_258] : memref<3x8x128xi32, #tpu.memory_space<vmem>> -> memref<1x1x128xi32, #tpu.memory_space<vmem>>
      %dma_wait3A_260 = tpu.memref_squeeze %dma_wait3A_259 : memref<1x1x128xi32, #tpu.memory_space<vmem>> -> memref<128xi32, #tpu.memory_space<vmem>>
      %dma_wait3A_261 = arith.constant 0 : i32
      %dma_wait3A_262 = arith.constant 0 : i32
      %dma_wait3A_263 = tpu.memref_slice %arg10[%dma_wait3A_261, %dma_wait3A_262] : memref<10240x128xf32, #tpu.memory_space<vmem_shared>> -> memref<10240x128xf32, #tpu.memory_space<vmem_shared>>
      tpu.wait_indirect_dma semaphore(%arg14 : memref<!tpu.dma_semaphore, #tpu.memory_space<semaphore_mem>>) src(%dma_wait3A_257 : memref<128x128xf32, #tpu.memory_space<vmem>>) dst(%dma_wait3A_263 : memref<10240x128xf32, #tpu.memory_space<vmem_shared>>)
      %dma_start3A_264 = arith.constant 3 : i32
      %dma_start3A_265 = arith.constant 1 : i32
      %dma_start3A_266 = arith.constant 0 : i32
      %dma_start3A_267 = arith.constant 0 : i32
      %dma_start3A_268 = tpu.memref_slice %arg9[%dma_start3A_265, %dma_start3A_266, %dma_start3A_267] : memref<2x128x128xf32, #tpu.memory_space<vmem>> -> memref<1x128x128xf32, #tpu.memory_space<vmem>>
      %dma_start3A_269 = tpu.memref_squeeze %dma_start3A_268 : memref<1x128x128xf32, #tpu.memory_space<vmem>> -> memref<128x128xf32, #tpu.memory_space<vmem>>
      %dma_start3A_270 = arith.constant 0 : i32
      %dma_start3A_271 = tpu.memref_slice %arg7[%rem3A_94, %dma_start3A_264, %dma_start3A_270] : memref<3x8x128xi32, #tpu.memory_space<vmem>> -> memref<1x1x128xi32, #tpu.memory_space<vmem>>
      %dma_start3A_272 = tpu.memref_squeeze %dma_start3A_271 : memref<1x1x128xi32, #tpu.memory_space<vmem>> -> memref<128xi32, #tpu.memory_space<vmem>>
      %dma_start3A_273 = arith.constant 0 : i32
      %dma_start3A_274 = arith.constant 0 : i32
      %dma_start3A_275 = tpu.memref_slice %arg2[%dma_start3A_273, %dma_start3A_274] : memref<20000x128xf32, #tpu.memory_space<hbm>> -> memref<20000x128xf32, #tpu.memory_space<hbm>>
      tpu.enqueue_indirect_dma source(%dma_start3A_275 : memref<20000x128xf32, #tpu.memory_space<hbm>>) target(%dma_start3A_269 : memref<128x128xf32, #tpu.memory_space<vmem>>) offsets(%dma_start3A_272 : memref<128xi32, #tpu.memory_space<vmem>>) semaphore(%arg12 : memref<!tpu.dma_semaphore, #tpu.memory_space<semaphore_mem>>)
      %dma_wait3A_276 = arith.constant 0 : i32
      %dma_wait3A_277 = arith.constant 0 : i32
      %dma_wait3A_278 = arith.constant 0 : i32
      %dma_wait3A_279 = arith.constant 0 : i32
      %dma_wait3A_280 = arith.constant 0 : i32
      %dma_wait3A_281 = tpu.memref_slice %arg9[%dma_wait3A_278, %dma_wait3A_279, %dma_wait3A_280] : memref<2x128x128xf32, #tpu.memory_space<vmem>> -> memref<1x128x128xf32, #tpu.memory_space<vmem>>
      %dma_wait3A_282 = tpu.memref_squeeze %dma_wait3A_281 : memref<1x128x128xf32, #tpu.memory_space<vmem>> -> memref<128x128xf32, #tpu.memory_space<vmem>>
      %dma_wait3A_283 = arith.constant 0 : i32
      %dma_wait3A_284 = tpu.memref_slice %arg7[%dma_wait3A_276, %dma_wait3A_277, %dma_wait3A_283] : memref<3x8x128xi32, #tpu.memory_space<vmem>> -> memref<1x1x128xi32, #tpu.memory_space<vmem>>
      %dma_wait3A_285 = tpu.memref_squeeze %dma_wait3A_284 : memref<1x1x128xi32, #tpu.memory_space<vmem>> -> memref<128xi32, #tpu.memory_space<vmem>>
      %dma_wait3A_286 = arith.constant 0 : i32
      %dma_wait3A_287 = arith.constant 0 : i32
      %dma_wait3A_288 = tpu.memref_slice %arg2[%dma_wait3A_286, %dma_wait3A_287] : memref<20000x128xf32, #tpu.memory_space<hbm>> -> memref<20000x128xf32, #tpu.memory_space<hbm>>
      tpu.wait_indirect_dma semaphore(%arg11 : memref<!tpu.dma_semaphore, #tpu.memory_space<semaphore_mem>>) src(%dma_wait3A_288 : memref<20000x128xf32, #tpu.memory_space<hbm>>) dst(%dma_wait3A_282 : memref<128x128xf32, #tpu.memory_space<vmem>>)
      %dma_start3A_289 = arith.constant 0 : i32
      %dma_start3A_290 = arith.constant 2 : i32
      %dma_start3A_291 = arith.constant 0 : i32
      %dma_start3A_292 = arith.constant 0 : i32
      %dma_start3A_293 = tpu.memref_slice %arg9[%dma_start3A_289, %dma_start3A_291, %dma_start3A_292] : memref<2x128x128xf32, #tpu.memory_space<vmem>> -> memref<1x128x128xf32, #tpu.memory_space<vmem>>
      %dma_start3A_294 = tpu.memref_squeeze %dma_start3A_293 : memref<1x128x128xf32, #tpu.memory_space<vmem>> -> memref<128x128xf32, #tpu.memory_space<vmem>>
      %dma_start3A_295 = arith.constant 0 : i32
      %dma_start3A_296 = tpu.memref_slice %arg8[%rem3A_94, %dma_start3A_290, %dma_start3A_295] : memref<3x8x128xi32, #tpu.memory_space<vmem>> -> memref<1x1x128xi32, #tpu.memory_space<vmem>>
      %dma_start3A_297 = tpu.memref_squeeze %dma_start3A_296 : memref<1x1x128xi32, #tpu.memory_space<vmem>> -> memref<128xi32, #tpu.memory_space<vmem>>
      %dma_start3A_298 = arith.constant 0 : i32
      %dma_start3A_299 = arith.constant 0 : i32
      %dma_start3A_300 = tpu.memref_slice %arg10[%dma_start3A_298, %dma_start3A_299] : memref<10240x128xf32, #tpu.memory_space<vmem_shared>> -> memref<10240x128xf32, #tpu.memory_space<vmem_shared>>
      tpu.enqueue_indirect_dma source(%dma_start3A_294 : memref<128x128xf32, #tpu.memory_space<vmem>>) target(%dma_start3A_300 : memref<10240x128xf32, #tpu.memory_space<vmem_shared>>) offsets(%dma_start3A_297 : memref<128xi32, #tpu.memory_space<vmem>>) semaphore(%arg13 : memref<!tpu.dma_semaphore, #tpu.memory_space<semaphore_mem>>) {add = true}
      %dma_wait3A_301 = arith.constant 0 : i32
      %dma_wait3A_302 = arith.constant 0 : i32
      %dma_wait3A_303 = arith.constant 0 : i32
      %dma_wait3A_304 = arith.constant 0 : i32
      %dma_wait3A_305 = arith.constant 0 : i32
      %dma_wait3A_306 = tpu.memref_slice %arg9[%dma_wait3A_301, %dma_wait3A_304, %dma_wait3A_305] : memref<2x128x128xf32, #tpu.memory_space<vmem>> -> memref<1x128x128xf32, #tpu.memory_space<vmem>>
      %dma_wait3A_307 = tpu.memref_squeeze %dma_wait3A_306 : memref<1x128x128xf32, #tpu.memory_space<vmem>> -> memref<128x128xf32, #tpu.memory_space<vmem>>
      %dma_wait3A_308 = arith.constant 0 : i32
      %dma_wait3A_309 = tpu.memref_slice %arg8[%dma_wait3A_302, %dma_wait3A_303, %dma_wait3A_308] : memref<3x8x128xi32, #tpu.memory_space<vmem>> -> memref<1x1x128xi32, #tpu.memory_space<vmem>>
      %dma_wait3A_310 = tpu.memref_squeeze %dma_wait3A_309 : memref<1x1x128xi32, #tpu.memory_space<vmem>> -> memref<128xi32, #tpu.memory_space<vmem>>
      %dma_wait3A_311 = arith.constant 0 : i32
      %dma_wait3A_312 = arith.constant 0 : i32
      %dma_wait3A_313 = tpu.memref_slice %arg10[%dma_wait3A_311, %dma_wait3A_312] : memref<10240x128xf32, #tpu.memory_space<vmem_shared>> -> memref<10240x128xf32, #tpu.memory_space<vmem_shared>>
      tpu.wait_indirect_dma semaphore(%arg13 : memref<!tpu.dma_semaphore, #tpu.memory_space<semaphore_mem>>) src(%dma_wait3A_307 : memref<128x128xf32, #tpu.memory_space<vmem>>) dst(%dma_wait3A_313 : memref<10240x128xf32, #tpu.memory_space<vmem_shared>>)
      %dma_start3A_314 = arith.constant 4 : i32
      %dma_start3A_315 = arith.constant 0 : i32
      %dma_start3A_316 = arith.constant 0 : i32
      %dma_start3A_317 = arith.constant 0 : i32
      %dma_start3A_318 = tpu.memref_slice %arg9[%dma_start3A_315, %dma_start3A_316, %dma_start3A_317] : memref<2x128x128xf32, #tpu.memory_space<vmem>> -> memref<1x128x128xf32, #tpu.memory_space<vmem>>
      %dma_start3A_319 = tpu.memref_squeeze %dma_start3A_318 : memref<1x128x128xf32, #tpu.memory_space<vmem>> -> memref<128x128xf32, #tpu.memory_space<vmem>>
      %dma_start3A_320 = arith.constant 0 : i32
      %dma_start3A_321 = tpu.memref_slice %arg7[%rem3A_94, %dma_start3A_314, %dma_start3A_320] : memref<3x8x128xi32, #tpu.memory_space<vmem>> -> memref<1x1x128xi32, #tpu.memory_space<vmem>>
      %dma_start3A_322 = tpu.memref_squeeze %dma_start3A_321 : memref<1x1x128xi32, #tpu.memory_space<vmem>> -> memref<128xi32, #tpu.memory_space<vmem>>
      %dma_start3A_323 = arith.constant 0 : i32
      %dma_start3A_324 = arith.constant 0 : i32
      %dma_start3A_325 = tpu.memref_slice %arg2[%dma_start3A_323, %dma_start3A_324] : memref<20000x128xf32, #tpu.memory_space<hbm>> -> memref<20000x128xf32, #tpu.memory_space<hbm>>
      tpu.enqueue_indirect_dma source(%dma_start3A_325 : memref<20000x128xf32, #tpu.memory_space<hbm>>) target(%dma_start3A_319 : memref<128x128xf32, #tpu.memory_space<vmem>>) offsets(%dma_start3A_322 : memref<128xi32, #tpu.memory_space<vmem>>) semaphore(%arg11 : memref<!tpu.dma_semaphore, #tpu.memory_space<semaphore_mem>>)
      %dma_wait3A_326 = arith.constant 0 : i32
      %dma_wait3A_327 = arith.constant 0 : i32
      %dma_wait3A_328 = arith.constant 1 : i32
      %dma_wait3A_329 = arith.constant 0 : i32
      %dma_wait3A_330 = arith.constant 0 : i32
      %dma_wait3A_331 = tpu.memref_slice %arg9[%dma_wait3A_328, %dma_wait3A_329, %dma_wait3A_330] : memref<2x128x128xf32, #tpu.memory_space<vmem>> -> memref<1x128x128xf32, #tpu.memory_space<vmem>>
      %dma_wait3A_332 = tpu.memref_squeeze %dma_wait3A_331 : memref<1x128x128xf32, #tpu.memory_space<vmem>> -> memref<128x128xf32, #tpu.memory_space<vmem>>
      %dma_wait3A_333 = arith.constant 0 : i32
      %dma_wait3A_334 = tpu.memref_slice %arg7[%dma_wait3A_326, %dma_wait3A_327, %dma_wait3A_333] : memref<3x8x128xi32, #tpu.memory_space<vmem>> -> memref<1x1x128xi32, #tpu.memory_space<vmem>>
      %dma_wait3A_335 = tpu.memref_squeeze %dma_wait3A_334 : memref<1x1x128xi32, #tpu.memory_space<vmem>> -> memref<128xi32, #tpu.memory_space<vmem>>
      %dma_wait3A_336 = arith.constant 0 : i32
      %dma_wait3A_337 = arith.constant 0 : i32
      %dma_wait3A_338 = tpu.memref_slice %arg2[%dma_wait3A_336, %dma_wait3A_337] : memref<20000x128xf32, #tpu.memory_space<hbm>> -> memref<20000x128xf32, #tpu.memory_space<hbm>>
      tpu.wait_indirect_dma semaphore(%arg12 : memref<!tpu.dma_semaphore, #tpu.memory_space<semaphore_mem>>) src(%dma_wait3A_338 : memref<20000x128xf32, #tpu.memory_space<hbm>>) dst(%dma_wait3A_332 : memref<128x128xf32, #tpu.memory_space<vmem>>)
      %dma_start3A_339 = arith.constant 1 : i32
      %dma_start3A_340 = arith.constant 3 : i32
      %dma_start3A_341 = arith.constant 0 : i32
      %dma_start3A_342 = arith.constant 0 : i32
      %dma_start3A_343 = tpu.memref_slice %arg9[%dma_start3A_339, %dma_start3A_341, %dma_start3A_342] : memref<2x128x128xf32, #tpu.memory_space<vmem>> -> memref<1x128x128xf32, #tpu.memory_space<vmem>>
      %dma_start3A_344 = tpu.memref_squeeze %dma_start3A_343 : memref<1x128x128xf32, #tpu.memory_space<vmem>> -> memref<128x128xf32, #tpu.memory_space<vmem>>
      %dma_start3A_345 = arith.constant 0 : i32
      %dma_start3A_346 = tpu.memref_slice %arg8[%rem3A_94, %dma_start3A_340, %dma_start3A_345] : memref<3x8x128xi32, #tpu.memory_space<vmem>> -> memref<1x1x128xi32, #tpu.memory_space<vmem>>
      %dma_start3A_347 = tpu.memref_squeeze %dma_start3A_346 : memref<1x1x128xi32, #tpu.memory_space<vmem>> -> memref<128xi32, #tpu.memory_space<vmem>>
      %dma_start3A_348 = arith.constant 0 : i32
      %dma_start3A_349 = arith.constant 0 : i32
      %dma_start3A_350 = tpu.memref_slice %arg10[%dma_start3A_348, %dma_start3A_349] : memref<10240x128xf32, #tpu.memory_space<vmem_shared>> -> memref<10240x128xf32, #tpu.memory_space<vmem_shared>>
      tpu.enqueue_indirect_dma source(%dma_start3A_344 : memref<128x128xf32, #tpu.memory_space<vmem>>) target(%dma_start3A_350 : memref<10240x128xf32, #tpu.memory_space<vmem_shared>>) offsets(%dma_start3A_347 : memref<128xi32, #tpu.memory_space<vmem>>) semaphore(%arg14 : memref<!tpu.dma_semaphore, #tpu.memory_space<semaphore_mem>>) {add = true}
      %dma_wait3A_351 = arith.constant 1 : i32
      %dma_wait3A_352 = arith.constant 0 : i32
      %dma_wait3A_353 = arith.constant 0 : i32
      %dma_wait3A_354 = arith.constant 0 : i32
      %dma_wait3A_355 = arith.constant 0 : i32
      %dma_wait3A_356 = tpu.memref_slice %arg9[%dma_wait3A_351, %dma_wait3A_354, %dma_wait3A_355] : memref<2x128x128xf32, #tpu.memory_space<vmem>> -> memref<1x128x128xf32, #tpu.memory_space<vmem>>
      %dma_wait3A_357 = tpu.memref_squeeze %dma_wait3A_356 : memref<1x128x128xf32, #tpu.memory_space<vmem>> -> memref<128x128xf32, #tpu.memory_space<vmem>>
      %dma_wait3A_358 = arith.constant 0 : i32
      %dma_wait3A_359 = tpu.memref_slice %arg8[%dma_wait3A_352, %dma_wait3A_353, %dma_wait3A_358] : memref<3x8x128xi32, #tpu.memory_space<vmem>> -> memref<1x1x128xi32, #tpu.memory_space<vmem>>
      %dma_wait3A_360 = tpu.memref_squeeze %dma_wait3A_359 : memref<1x1x128xi32, #tpu.memory_space<vmem>> -> memref<128xi32, #tpu.memory_space<vmem>>
      %dma_wait3A_361 = arith.constant 0 : i32
      %dma_wait3A_362 = arith.constant 0 : i32
      %dma_wait3A_363 = tpu.memref_slice %arg10[%dma_wait3A_361, %dma_wait3A_362] : memref<10240x128xf32, #tpu.memory_space<vmem_shared>> -> memref<10240x128xf32, #tpu.memory_space<vmem_shared>>
      tpu.wait_indirect_dma semaphore(%arg14 : memref<!tpu.dma_semaphore, #tpu.memory_space<semaphore_mem>>) src(%dma_wait3A_357 : memref<128x128xf32, #tpu.memory_space<vmem>>) dst(%dma_wait3A_363 : memref<10240x128xf32, #tpu.memory_space<vmem_shared>>)
      %dma_start3A_364 = arith.constant 5 : i32
      %dma_start3A_365 = arith.constant 1 : i32
      %dma_start3A_366 = arith.constant 0 : i32
      %dma_start3A_367 = arith.constant 0 : i32
      %dma_start3A_368 = tpu.memref_slice %arg9[%dma_start3A_365, %dma_start3A_366, %dma_start3A_367] : memref<2x128x128xf32, #tpu.memory_space<vmem>> -> memref<1x128x128xf32, #tpu.memory_space<vmem>>
      %dma_start3A_369 = tpu.memref_squeeze %dma_start3A_368 : memref<1x128x128xf32, #tpu.memory_space<vmem>> -> memref<128x128xf32, #tpu.memory_space<vmem>>
      %dma_start3A_370 = arith.constant 0 : i32
      %dma_start3A_371 = tpu.memref_slice %arg7[%rem3A_94, %dma_start3A_364, %dma_start3A_370] : memref<3x8x128xi32, #tpu.memory_space<vmem>> -> memref<1x1x128xi32, #tpu.memory_space<vmem>>
      %dma_start3A_372 = tpu.memref_squeeze %dma_start3A_371 : memref<1x1x128xi32, #tpu.memory_space<vmem>> -> memref<128xi32, #tpu.memory_space<vmem>>
      %dma_start3A_373 = arith.constant 0 : i32
      %dma_start3A_374 = arith.constant 0 : i32
      %dma_start3A_375 = tpu.memref_slice %arg2[%dma_start3A_373, %dma_start3A_374] : memref<20000x128xf32, #tpu.memory_space<hbm>> -> memref<20000x128xf32, #tpu.memory_space<hbm>>
      tpu.enqueue_indirect_dma source(%dma_start3A_375 : memref<20000x128xf32, #tpu.memory_space<hbm>>) target(%dma_start3A_369 : memref<128x128xf32, #tpu.memory_space<vmem>>) offsets(%dma_start3A_372 : memref<128xi32, #tpu.memory_space<vmem>>) semaphore(%arg12 : memref<!tpu.dma_semaphore, #tpu.memory_space<semaphore_mem>>)
      %dma_wait3A_376 = arith.constant 0 : i32
      %dma_wait3A_377 = arith.constant 0 : i32
      %dma_wait3A_378 = arith.constant 0 : i32
      %dma_wait3A_379 = arith.constant 0 : i32
      %dma_wait3A_380 = arith.constant 0 : i32
      %dma_wait3A_381 = tpu.memref_slice %arg9[%dma_wait3A_378, %dma_wait3A_379, %dma_wait3A_380] : memref<2x128x128xf32, #tpu.memory_space<vmem>> -> memref<1x128x128xf32, #tpu.memory_space<vmem>>
      %dma_wait3A_382 = tpu.memref_squeeze %dma_wait3A_381 : memref<1x128x128xf32, #tpu.memory_space<vmem>> -> memref<128x128xf32, #tpu.memory_space<vmem>>
      %dma_wait3A_383 = arith.constant 0 : i32
      %dma_wait3A_384 = tpu.memref_slice %arg7[%dma_wait3A_376, %dma_wait3A_377, %dma_wait3A_383] : memref<3x8x128xi32, #tpu.memory_space<vmem>> -> memref<1x1x128xi32, #tpu.memory_space<vmem>>
      %dma_wait3A_385 = tpu.memref_squeeze %dma_wait3A_384 : memref<1x1x128xi32, #tpu.memory_space<vmem>> -> memref<128xi32, #tpu.memory_space<vmem>>
      %dma_wait3A_386 = arith.constant 0 : i32
      %dma_wait3A_387 = arith.constant 0 : i32
      %dma_wait3A_388 = tpu.memref_slice %arg2[%dma_wait3A_386, %dma_wait3A_387] : memref<20000x128xf32, #tpu.memory_space<hbm>> -> memref<20000x128xf32, #tpu.memory_space<hbm>>
      tpu.wait_indirect_dma semaphore(%arg11 : memref<!tpu.dma_semaphore, #tpu.memory_space<semaphore_mem>>) src(%dma_wait3A_388 : memref<20000x128xf32, #tpu.memory_space<hbm>>) dst(%dma_wait3A_382 : memref<128x128xf32, #tpu.memory_space<vmem>>)
      %dma_start3A_389 = arith.constant 0 : i32
      %dma_start3A_390 = arith.constant 4 : i32
      %dma_start3A_391 = arith.constant 0 : i32
      %dma_start3A_392 = arith.constant 0 : i32
      %dma_start3A_393 = tpu.memref_slice %arg9[%dma_start3A_389, %dma_start3A_391, %dma_start3A_392] : memref<2x128x128xf32, #tpu.memory_space<vmem>> -> memref<1x128x128xf32, #tpu.memory_space<vmem>>
      %dma_start3A_394 = tpu.memref_squeeze %dma_start3A_393 : memref<1x128x128xf32, #tpu.memory_space<vmem>> -> memref<128x128xf32, #tpu.memory_space<vmem>>
      %dma_start3A_395 = arith.constant 0 : i32
      %dma_start3A_396 = tpu.memref_slice %arg8[%rem3A_94, %dma_start3A_390, %dma_start3A_395] : memref<3x8x128xi32, #tpu.memory_space<vmem>> -> memref<1x1x128xi32, #tpu.memory_space<vmem>>
      %dma_start3A_397 = tpu.memref_squeeze %dma_start3A_396 : memref<1x1x128xi32, #tpu.memory_space<vmem>> -> memref<128xi32, #tpu.memory_space<vmem>>
      %dma_start3A_398 = arith.constant 0 : i32
      %dma_start3A_399 = arith.constant 0 : i32
      %dma_start3A_400 = tpu.memref_slice %arg10[%dma_start3A_398, %dma_start3A_399] : memref<10240x128xf32, #tpu.memory_space<vmem_shared>> -> memref<10240x128xf32, #tpu.memory_space<vmem_shared>>
      tpu.enqueue_indirect_dma source(%dma_start3A_394 : memref<128x128xf32, #tpu.memory_space<vmem>>) target(%dma_start3A_400 : memref<10240x128xf32, #tpu.memory_space<vmem_shared>>) offsets(%dma_start3A_397 : memref<128xi32, #tpu.memory_space<vmem>>) semaphore(%arg13 : memref<!tpu.dma_semaphore, #tpu.memory_space<semaphore_mem>>) {add = true}
      %dma_wait3A_401 = arith.constant 0 : i32
      %dma_wait3A_402 = arith.constant 0 : i32
      %dma_wait3A_403 = arith.constant 0 : i32
      %dma_wait3A_404 = arith.constant 0 : i32
      %dma_wait3A_405 = arith.constant 0 : i32
      %dma_wait3A_406 = tpu.memref_slice %arg9[%dma_wait3A_401, %dma_wait3A_404, %dma_wait3A_405] : memref<2x128x128xf32, #tpu.memory_space<vmem>> -> memref<1x128x128xf32, #tpu.memory_space<vmem>>
      %dma_wait3A_407 = tpu.memref_squeeze %dma_wait3A_406 : memref<1x128x128xf32, #tpu.memory_space<vmem>> -> memref<128x128xf32, #tpu.memory_space<vmem>>
      %dma_wait3A_408 = arith.constant 0 : i32
      %dma_wait3A_409 = tpu.memref_slice %arg8[%dma_wait3A_402, %dma_wait3A_403, %dma_wait3A_408] : memref<3x8x128xi32, #tpu.memory_space<vmem>> -> memref<1x1x128xi32, #tpu.memory_space<vmem>>
      %dma_wait3A_410 = tpu.memref_squeeze %dma_wait3A_409 : memref<1x1x128xi32, #tpu.memory_space<vmem>> -> memref<128xi32, #tpu.memory_space<vmem>>
      %dma_wait3A_411 = arith.constant 0 : i32
      %dma_wait3A_412 = arith.constant 0 : i32
      %dma_wait3A_413 = tpu.memref_slice %arg10[%dma_wait3A_411, %dma_wait3A_412] : memref<10240x128xf32, #tpu.memory_space<vmem_shared>> -> memref<10240x128xf32, #tpu.memory_space<vmem_shared>>
      tpu.wait_indirect_dma semaphore(%arg13 : memref<!tpu.dma_semaphore, #tpu.memory_space<semaphore_mem>>) src(%dma_wait3A_407 : memref<128x128xf32, #tpu.memory_space<vmem>>) dst(%dma_wait3A_413 : memref<10240x128xf32, #tpu.memory_space<vmem_shared>>)
      %dma_start3A_414 = arith.constant 6 : i32
      %dma_start3A_415 = arith.constant 0 : i32
      %dma_start3A_416 = arith.constant 0 : i32
      %dma_start3A_417 = arith.constant 0 : i32
      %dma_start3A_418 = tpu.memref_slice %arg9[%dma_start3A_415, %dma_start3A_416, %dma_start3A_417] : memref<2x128x128xf32, #tpu.memory_space<vmem>> -> memref<1x128x128xf32, #tpu.memory_space<vmem>>
      %dma_start3A_419 = tpu.memref_squeeze %dma_start3A_418 : memref<1x128x128xf32, #tpu.memory_space<vmem>> -> memref<128x128xf32, #tpu.memory_space<vmem>>
      %dma_start3A_420 = arith.constant 0 : i32
      %dma_start3A_421 = tpu.memref_slice %arg7[%rem3A_94, %dma_start3A_414, %dma_start3A_420] : memref<3x8x128xi32, #tpu.memory_space<vmem>> -> memref<1x1x128xi32, #tpu.memory_space<vmem>>
      %dma_start3A_422 = tpu.memref_squeeze %dma_start3A_421 : memref<1x1x128xi32, #tpu.memory_space<vmem>> -> memref<128xi32, #tpu.memory_space<vmem>>
      %dma_start3A_423 = arith.constant 0 : i32
      %dma_start3A_424 = arith.constant 0 : i32
      %dma_start3A_425 = tpu.memref_slice %arg2[%dma_start3A_423, %dma_start3A_424] : memref<20000x128xf32, #tpu.memory_space<hbm>> -> memref<20000x128xf32, #tpu.memory_space<hbm>>
      tpu.enqueue_indirect_dma source(%dma_start3A_425 : memref<20000x128xf32, #tpu.memory_space<hbm>>) target(%dma_start3A_419 : memref<128x128xf32, #tpu.memory_space<vmem>>) offsets(%dma_start3A_422 : memref<128xi32, #tpu.memory_space<vmem>>) semaphore(%arg11 : memref<!tpu.dma_semaphore, #tpu.memory_space<semaphore_mem>>)
      %dma_wait3A_426 = arith.constant 0 : i32
      %dma_wait3A_427 = arith.constant 0 : i32
      %dma_wait3A_428 = arith.constant 1 : i32
      %dma_wait3A_429 = arith.constant 0 : i32
      %dma_wait3A_430 = arith.constant 0 : i32
      %dma_wait3A_431 = tpu.memref_slice %arg9[%dma_wait3A_428, %dma_wait3A_429, %dma_wait3A_430] : memref<2x128x128xf32, #tpu.memory_space<vmem>> -> memref<1x128x128xf32, #tpu.memory_space<vmem>>
      %dma_wait3A_432 = tpu.memref_squeeze %dma_wait3A_431 : memref<1x128x128xf32, #tpu.memory_space<vmem>> -> memref<128x128xf32, #tpu.memory_space<vmem>>
      %dma_wait3A_433 = arith.constant 0 : i32
      %dma_wait3A_434 = tpu.memref_slice %arg7[%dma_wait3A_426, %dma_wait3A_427, %dma_wait3A_433] : memref<3x8x128xi32, #tpu.memory_space<vmem>> -> memref<1x1x128xi32, #tpu.memory_space<vmem>>
      %dma_wait3A_435 = tpu.memref_squeeze %dma_wait3A_434 : memref<1x1x128xi32, #tpu.memory_space<vmem>> -> memref<128xi32, #tpu.memory_space<vmem>>
      %dma_wait3A_436 = arith.constant 0 : i32
      %dma_wait3A_437 = arith.constant 0 : i32
      %dma_wait3A_438 = tpu.memref_slice %arg2[%dma_wait3A_436, %dma_wait3A_437] : memref<20000x128xf32, #tpu.memory_space<hbm>> -> memref<20000x128xf32, #tpu.memory_space<hbm>>
      tpu.wait_indirect_dma semaphore(%arg12 : memref<!tpu.dma_semaphore, #tpu.memory_space<semaphore_mem>>) src(%dma_wait3A_438 : memref<20000x128xf32, #tpu.memory_space<hbm>>) dst(%dma_wait3A_432 : memref<128x128xf32, #tpu.memory_space<vmem>>)
      %dma_start3A_439 = arith.constant 1 : i32
      %dma_start3A_440 = arith.constant 5 : i32
      %dma_start3A_441 = arith.constant 0 : i32
      %dma_start3A_442 = arith.constant 0 : i32
      %dma_start3A_443 = tpu.memref_slice %arg9[%dma_start3A_439, %dma_start3A_441, %dma_start3A_442] : memref<2x128x128xf32, #tpu.memory_space<vmem>> -> memref<1x128x128xf32, #tpu.memory_space<vmem>>
      %dma_start3A_444 = tpu.memref_squeeze %dma_start3A_443 : memref<1x128x128xf32, #tpu.memory_space<vmem>> -> memref<128x128xf32, #tpu.memory_space<vmem>>
      %dma_start3A_445 = arith.constant 0 : i32
      %dma_start3A_446 = tpu.memref_slice %arg8[%rem3A_94, %dma_start3A_440, %dma_start3A_445] : memref<3x8x128xi32, #tpu.memory_space<vmem>> -> memref<1x1x128xi32, #tpu.memory_space<vmem>>
      %dma_start3A_447 = tpu.memref_squeeze %dma_start3A_446 : memref<1x1x128xi32, #tpu.memory_space<vmem>> -> memref<128xi32, #tpu.memory_space<vmem>>
      %dma_start3A_448 = arith.constant 0 : i32
      %dma_start3A_449 = arith.constant 0 : i32
      %dma_start3A_450 = tpu.memref_slice %arg10[%dma_start3A_448, %dma_start3A_449] : memref<10240x128xf32, #tpu.memory_space<vmem_shared>> -> memref<10240x128xf32, #tpu.memory_space<vmem_shared>>
      tpu.enqueue_indirect_dma source(%dma_start3A_444 : memref<128x128xf32, #tpu.memory_space<vmem>>) target(%dma_start3A_450 : memref<10240x128xf32, #tpu.memory_space<vmem_shared>>) offsets(%dma_start3A_447 : memref<128xi32, #tpu.memory_space<vmem>>) semaphore(%arg14 : memref<!tpu.dma_semaphore, #tpu.memory_space<semaphore_mem>>) {add = true}
      %dma_wait3A_451 = arith.constant 1 : i32
      %dma_wait3A_452 = arith.constant 0 : i32
      %dma_wait3A_453 = arith.constant 0 : i32
      %dma_wait3A_454 = arith.constant 0 : i32
      %dma_wait3A_455 = arith.constant 0 : i32
      %dma_wait3A_456 = tpu.memref_slice %arg9[%dma_wait3A_451, %dma_wait3A_454, %dma_wait3A_455] : memref<2x128x128xf32, #tpu.memory_space<vmem>> -> memref<1x128x128xf32, #tpu.memory_space<vmem>>
      %dma_wait3A_457 = tpu.memref_squeeze %dma_wait3A_456 : memref<1x128x128xf32, #tpu.memory_space<vmem>> -> memref<128x128xf32, #tpu.memory_space<vmem>>
      %dma_wait3A_458 = arith.constant 0 : i32
      %dma_wait3A_459 = tpu.memref_slice %arg8[%dma_wait3A_452, %dma_wait3A_453, %dma_wait3A_458] : memref<3x8x128xi32, #tpu.memory_space<vmem>> -> memref<1x1x128xi32, #tpu.memory_space<vmem>>
      %dma_wait3A_460 = tpu.memref_squeeze %dma_wait3A_459 : memref<1x1x128xi32, #tpu.memory_space<vmem>> -> memref<128xi32, #tpu.memory_space<vmem>>
      %dma_wait3A_461 = arith.constant 0 : i32
      %dma_wait3A_462 = arith.constant 0 : i32
      %dma_wait3A_463 = tpu.memref_slice %arg10[%dma_wait3A_461, %dma_wait3A_462] : memref<10240x128xf32, #tpu.memory_space<vmem_shared>> -> memref<10240x128xf32, #tpu.memory_space<vmem_shared>>
      tpu.wait_indirect_dma semaphore(%arg14 : memref<!tpu.dma_semaphore, #tpu.memory_space<semaphore_mem>>) src(%dma_wait3A_457 : memref<128x128xf32, #tpu.memory_space<vmem>>) dst(%dma_wait3A_463 : memref<10240x128xf32, #tpu.memory_space<vmem_shared>>)
      %dma_start3A_464 = arith.constant 7 : i32
      %dma_start3A_465 = arith.constant 1 : i32
      %dma_start3A_466 = arith.constant 0 : i32
      %dma_start3A_467 = arith.constant 0 : i32
      %dma_start3A_468 = tpu.memref_slice %arg9[%dma_start3A_465, %dma_start3A_466, %dma_start3A_467] : memref<2x128x128xf32, #tpu.memory_space<vmem>> -> memref<1x128x128xf32, #tpu.memory_space<vmem>>
      %dma_start3A_469 = tpu.memref_squeeze %dma_start3A_468 : memref<1x128x128xf32, #tpu.memory_space<vmem>> -> memref<128x128xf32, #tpu.memory_space<vmem>>
      %dma_start3A_470 = arith.constant 0 : i32
      %dma_start3A_471 = tpu.memref_slice %arg7[%rem3A_94, %dma_start3A_464, %dma_start3A_470] : memref<3x8x128xi32, #tpu.memory_space<vmem>> -> memref<1x1x128xi32, #tpu.memory_space<vmem>>
      %dma_start3A_472 = tpu.memref_squeeze %dma_start3A_471 : memref<1x1x128xi32, #tpu.memory_space<vmem>> -> memref<128xi32, #tpu.memory_space<vmem>>
      %dma_start3A_473 = arith.constant 0 : i32
      %dma_start3A_474 = arith.constant 0 : i32
      %dma_start3A_475 = tpu.memref_slice %arg2[%dma_start3A_473, %dma_start3A_474] : memref<20000x128xf32, #tpu.memory_space<hbm>> -> memref<20000x128xf32, #tpu.memory_space<hbm>>
      tpu.enqueue_indirect_dma source(%dma_start3A_475 : memref<20000x128xf32, #tpu.memory_space<hbm>>) target(%dma_start3A_469 : memref<128x128xf32, #tpu.memory_space<vmem>>) offsets(%dma_start3A_472 : memref<128xi32, #tpu.memory_space<vmem>>) semaphore(%arg12 : memref<!tpu.dma_semaphore, #tpu.memory_space<semaphore_mem>>)
      %dma_wait3A_476 = arith.constant 0 : i32
      %dma_wait3A_477 = arith.constant 0 : i32
      %dma_wait3A_478 = arith.constant 0 : i32
      %dma_wait3A_479 = arith.constant 0 : i32
      %dma_wait3A_480 = arith.constant 0 : i32
      %dma_wait3A_481 = tpu.memref_slice %arg9[%dma_wait3A_478, %dma_wait3A_479, %dma_wait3A_480] : memref<2x128x128xf32, #tpu.memory_space<vmem>> -> memref<1x128x128xf32, #tpu.memory_space<vmem>>
      %dma_wait3A_482 = tpu.memref_squeeze %dma_wait3A_481 : memref<1x128x128xf32, #tpu.memory_space<vmem>> -> memref<128x128xf32, #tpu.memory_space<vmem>>
      %dma_wait3A_483 = arith.constant 0 : i32
      %dma_wait3A_484 = tpu.memref_slice %arg7[%dma_wait3A_476, %dma_wait3A_477, %dma_wait3A_483] : memref<3x8x128xi32, #tpu.memory_space<vmem>> -> memref<1x1x128xi32, #tpu.memory_space<vmem>>
      %dma_wait3A_485 = tpu.memref_squeeze %dma_wait3A_484 : memref<1x1x128xi32, #tpu.memory_space<vmem>> -> memref<128xi32, #tpu.memory_space<vmem>>
      %dma_wait3A_486 = arith.constant 0 : i32
      %dma_wait3A_487 = arith.constant 0 : i32
      %dma_wait3A_488 = tpu.memref_slice %arg2[%dma_wait3A_486, %dma_wait3A_487] : memref<20000x128xf32, #tpu.memory_space<hbm>> -> memref<20000x128xf32, #tpu.memory_space<hbm>>
      tpu.wait_indirect_dma semaphore(%arg11 : memref<!tpu.dma_semaphore, #tpu.memory_space<semaphore_mem>>) src(%dma_wait3A_488 : memref<20000x128xf32, #tpu.memory_space<hbm>>) dst(%dma_wait3A_482 : memref<128x128xf32, #tpu.memory_space<vmem>>)
      %dma_start3A_489 = arith.constant 0 : i32
      %dma_start3A_490 = arith.constant 6 : i32
      %dma_start3A_491 = arith.constant 0 : i32
      %dma_start3A_492 = arith.constant 0 : i32
      %dma_start3A_493 = tpu.memref_slice %arg9[%dma_start3A_489, %dma_start3A_491, %dma_start3A_492] : memref<2x128x128xf32, #tpu.memory_space<vmem>> -> memref<1x128x128xf32, #tpu.memory_space<vmem>>
      %dma_start3A_494 = tpu.memref_squeeze %dma_start3A_493 : memref<1x128x128xf32, #tpu.memory_space<vmem>> -> memref<128x128xf32, #tpu.memory_space<vmem>>
      %dma_start3A_495 = arith.constant 0 : i32
      %dma_start3A_496 = tpu.memref_slice %arg8[%rem3A_94, %dma_start3A_490, %dma_start3A_495] : memref<3x8x128xi32, #tpu.memory_space<vmem>> -> memref<1x1x128xi32, #tpu.memory_space<vmem>>
      %dma_start3A_497 = tpu.memref_squeeze %dma_start3A_496 : memref<1x1x128xi32, #tpu.memory_space<vmem>> -> memref<128xi32, #tpu.memory_space<vmem>>
      %dma_start3A_498 = arith.constant 0 : i32
      %dma_start3A_499 = arith.constant 0 : i32
      %dma_start3A_500 = tpu.memref_slice %arg10[%dma_start3A_498, %dma_start3A_499] : memref<10240x128xf32, #tpu.memory_space<vmem_shared>> -> memref<10240x128xf32, #tpu.memory_space<vmem_shared>>
      tpu.enqueue_indirect_dma source(%dma_start3A_494 : memref<128x128xf32, #tpu.memory_space<vmem>>) target(%dma_start3A_500 : memref<10240x128xf32, #tpu.memory_space<vmem_shared>>) offsets(%dma_start3A_497 : memref<128xi32, #tpu.memory_space<vmem>>) semaphore(%arg13 : memref<!tpu.dma_semaphore, #tpu.memory_space<semaphore_mem>>) {add = true}
    }
    %scan3A_38 = arith.constant 10 : i32
    %dma_wait3A = arith.constant 0 : i32
    %dma_wait3A_39 = arith.constant 0 : i32
    %dma_wait3A_40 = arith.constant 1 : i32
    %dma_wait3A_41 = arith.constant 0 : i32
    %dma_wait3A_42 = arith.constant 0 : i32
    %dma_wait3A_43 = tpu.memref_slice %arg9[%dma_wait3A_40, %dma_wait3A_41, %dma_wait3A_42] : memref<2x128x128xf32, #tpu.memory_space<vmem>> -> memref<1x128x128xf32, #tpu.memory_space<vmem>>
    %dma_wait3A_44 = tpu.memref_squeeze %dma_wait3A_43 : memref<1x128x128xf32, #tpu.memory_space<vmem>> -> memref<128x128xf32, #tpu.memory_space<vmem>>
    %dma_wait3A_45 = arith.constant 0 : i32
    %dma_wait3A_46 = tpu.memref_slice %arg7[%dma_wait3A, %dma_wait3A_39, %dma_wait3A_45] : memref<3x8x128xi32, #tpu.memory_space<vmem>> -> memref<1x1x128xi32, #tpu.memory_space<vmem>>
    %dma_wait3A_47 = tpu.memref_squeeze %dma_wait3A_46 : memref<1x1x128xi32, #tpu.memory_space<vmem>> -> memref<128xi32, #tpu.memory_space<vmem>>
    %dma_wait3A_48 = arith.constant 0 : i32
    %dma_wait3A_49 = arith.constant 0 : i32
    %dma_wait3A_50 = tpu.memref_slice %arg2[%dma_wait3A_48, %dma_wait3A_49] : memref<20000x128xf32, #tpu.memory_space<hbm>> -> memref<20000x128xf32, #tpu.memory_space<hbm>>
    tpu.wait_indirect_dma semaphore(%arg12 : memref<!tpu.dma_semaphore, #tpu.memory_space<semaphore_mem>>) src(%dma_wait3A_50 : memref<20000x128xf32, #tpu.memory_space<hbm>>) dst(%dma_wait3A_44 : memref<128x128xf32, #tpu.memory_space<vmem>>)
    %dma_start3A_51 = arith.constant 1 : i32
    %dma_start3A_52 = arith.constant 0 : i32
    %dma_start3A_53 = arith.constant 7 : i32
    %dma_start3A_54 = arith.constant 0 : i32
    %dma_start3A_55 = arith.constant 0 : i32
    %dma_start3A_56 = tpu.memref_slice %arg9[%dma_start3A_51, %dma_start3A_54, %dma_start3A_55] : memref<2x128x128xf32, #tpu.memory_space<vmem>> -> memref<1x128x128xf32, #tpu.memory_space<vmem>>
    %dma_start3A_57 = tpu.memref_squeeze %dma_start3A_56 : memref<1x128x128xf32, #tpu.memory_space<vmem>> -> memref<128x128xf32, #tpu.memory_space<vmem>>
    %dma_start3A_58 = arith.constant 0 : i32
    %dma_start3A_59 = tpu.memref_slice %arg8[%dma_start3A_52, %dma_start3A_53, %dma_start3A_58] : memref<3x8x128xi32, #tpu.memory_space<vmem>> -> memref<1x1x128xi32, #tpu.memory_space<vmem>>
    %dma_start3A_60 = tpu.memref_squeeze %dma_start3A_59 : memref<1x1x128xi32, #tpu.memory_space<vmem>> -> memref<128xi32, #tpu.memory_space<vmem>>
    %dma_start3A_61 = arith.constant 0 : i32
    %dma_start3A_62 = arith.constant 0 : i32
    %dma_start3A_63 = tpu.memref_slice %arg10[%dma_start3A_61, %dma_start3A_62] : memref<10240x128xf32, #tpu.memory_space<vmem_shared>> -> memref<10240x128xf32, #tpu.memory_space<vmem_shared>>
    tpu.enqueue_indirect_dma source(%dma_start3A_57 : memref<128x128xf32, #tpu.memory_space<vmem>>) target(%dma_start3A_63 : memref<10240x128xf32, #tpu.memory_space<vmem_shared>>) offsets(%dma_start3A_60 : memref<128xi32, #tpu.memory_space<vmem>>) semaphore(%arg14 : memref<!tpu.dma_semaphore, #tpu.memory_space<semaphore_mem>>) {add = true}
    %dma_wait3A_64 = arith.constant 0 : i32
    %dma_wait3A_65 = arith.constant 0 : i32
    %dma_wait3A_66 = arith.constant 0 : i32
    %dma_wait3A_67 = arith.constant 0 : i32
    %dma_wait3A_68 = arith.constant 0 : i32
    %dma_wait3A_69 = tpu.memref_slice %arg9[%dma_wait3A_64, %dma_wait3A_67, %dma_wait3A_68] : memref<2x128x128xf32, #tpu.memory_space<vmem>> -> memref<1x128x128xf32, #tpu.memory_space<vmem>>
    %dma_wait3A_70 = tpu.memref_squeeze %dma_wait3A_69 : memref<1x128x128xf32, #tpu.memory_space<vmem>> -> memref<128x128xf32, #tpu.memory_space<vmem>>
    %dma_wait3A_71 = arith.constant 0 : i32
    %dma_wait3A_72 = tpu.memref_slice %arg8[%dma_wait3A_65, %dma_wait3A_66, %dma_wait3A_71] : memref<3x8x128xi32, #tpu.memory_space<vmem>> -> memref<1x1x128xi32, #tpu.memory_space<vmem>>
    %dma_wait3A_73 = tpu.memref_squeeze %dma_wait3A_72 : memref<1x1x128xi32, #tpu.memory_space<vmem>> -> memref<128xi32, #tpu.memory_space<vmem>>
    %dma_wait3A_74 = arith.constant 0 : i32
    %dma_wait3A_75 = arith.constant 0 : i32
    %dma_wait3A_76 = tpu.memref_slice %arg10[%dma_wait3A_74, %dma_wait3A_75] : memref<10240x128xf32, #tpu.memory_space<vmem_shared>> -> memref<10240x128xf32, #tpu.memory_space<vmem_shared>>
    tpu.wait_indirect_dma semaphore(%arg13 : memref<!tpu.dma_semaphore, #tpu.memory_space<semaphore_mem>>) src(%dma_wait3A_70 : memref<128x128xf32, #tpu.memory_space<vmem>>) dst(%dma_wait3A_76 : memref<10240x128xf32, #tpu.memory_space<vmem_shared>>)
    %dma_wait3A_77 = arith.constant 1 : i32
    %dma_wait3A_78 = arith.constant 0 : i32
    %dma_wait3A_79 = arith.constant 0 : i32
    %dma_wait3A_80 = arith.constant 0 : i32
    %dma_wait3A_81 = arith.constant 0 : i32
    %dma_wait3A_82 = tpu.memref_slice %arg9[%dma_wait3A_77, %dma_wait3A_80, %dma_wait3A_81] : memref<2x128x128xf32, #tpu.memory_space<vmem>> -> memref<1x128x128xf32, #tpu.memory_space<vmem>>
    %dma_wait3A_83 = tpu.memref_squeeze %dma_wait3A_82 : memref<1x128x128xf32, #tpu.memory_space<vmem>> -> memref<128x128xf32, #tpu.memory_space<vmem>>
    %dma_wait3A_84 = arith.constant 0 : i32
    %dma_wait3A_85 = tpu.memref_slice %arg8[%dma_wait3A_78, %dma_wait3A_79, %dma_wait3A_84] : memref<3x8x128xi32, #tpu.memory_space<vmem>> -> memref<1x1x128xi32, #tpu.memory_space<vmem>>
    %dma_wait3A_86 = tpu.memref_squeeze %dma_wait3A_85 : memref<1x1x128xi32, #tpu.memory_space<vmem>> -> memref<128xi32, #tpu.memory_space<vmem>>
    %dma_wait3A_87 = arith.constant 0 : i32
    %dma_wait3A_88 = arith.constant 0 : i32
    %dma_wait3A_89 = tpu.memref_slice %arg10[%dma_wait3A_87, %dma_wait3A_88] : memref<10240x128xf32, #tpu.memory_space<vmem_shared>> -> memref<10240x128xf32, #tpu.memory_space<vmem_shared>>
    tpu.wait_indirect_dma semaphore(%arg14 : memref<!tpu.dma_semaphore, #tpu.memory_space<semaphore_mem>>) src(%dma_wait3A_83 : memref<128x128xf32, #tpu.memory_space<vmem>>) dst(%dma_wait3A_89 : memref<10240x128xf32, #tpu.memory_space<vmem_shared>>)
    %barrier3A_90 = arith.constant 0 : index
    tpu.barrier barrier_id(%barrier3A_90)
    %mul3A_91 = arith.constant 640 : i32
    %mul3A_92 = arith.muli %arg1, %mul3A_91 : i32
    "tpu.region"() ({
      %run_scoped3A = tpu.sem_alloc : memref<!tpu.dma_semaphore, #tpu.memory_space<semaphore_mem>>
      %dma_start3A_93 = arith.constant 0 : i32
      %dma_start3A_94 = tpu.memref_slice %arg6[%arg0, %mul3A_92, %dma_start3A_93] : memref<2x10240x128xf32, #tpu.memory_space<hbm>> -> memref<1x640x128xf32, #tpu.memory_space<hbm>>
      %dma_start3A_95 = tpu.memref_squeeze %dma_start3A_94 : memref<1x640x128xf32, #tpu.memory_space<hbm>> -> memref<640x128xf32, #tpu.memory_space<hbm>>
      %dma_start3A_96 = arith.constant 0 : i32
      %dma_start3A_97 = tpu.memref_slice %arg10[%mul3A_92, %dma_start3A_96] : memref<10240x128xf32, #tpu.memory_space<vmem_shared>> -> memref<640x128xf32, #tpu.memory_space<vmem_shared>>
      tpu.enqueue_dma source(%dma_start3A_97 : memref<640x128xf32, #tpu.memory_space<vmem_shared>>) target(%dma_start3A_95 : memref<640x128xf32, #tpu.memory_space<hbm>>) target_semaphore(%run_scoped3A : memref<!tpu.dma_semaphore, #tpu.memory_space<semaphore_mem>>)
      %dma_wait3A_98 = arith.constant 0 : i32
      %dma_wait3A_99 = tpu.memref_slice %arg6[%arg0, %mul3A_92, %dma_wait3A_98] : memref<2x10240x128xf32, #tpu.memory_space<hbm>> -> memref<1x640x128xf32, #tpu.memory_space<hbm>>
      %dma_wait3A_100 = tpu.memref_squeeze %dma_wait3A_99 : memref<1x640x128xf32, #tpu.memory_space<hbm>> -> memref<640x128xf32, #tpu.memory_space<hbm>>
      %dma_wait3A_101 = arith.constant 0 : i32
      %dma_wait3A_102 = tpu.memref_slice %arg10[%mul3A_92, %dma_wait3A_101] : memref<10240x128xf32, #tpu.memory_space<vmem_shared>> -> memref<640x128xf32, #tpu.memory_space<vmem_shared>>
      tpu.wait_dma2 semaphore(%run_scoped3A : memref<!tpu.dma_semaphore, #tpu.memory_space<semaphore_mem>>) src(%dma_wait3A_102 : memref<640x128xf32, #tpu.memory_space<vmem_shared>>) dst(%dma_wait3A_100 : memref<640x128xf32, #tpu.memory_space<hbm>>)
      tpu.yield
    }) : () -> ()
    return
  }
}

#map = affine_map<(d0, d1) -> (0, 0)>
#map1 = affine_map<(d0, d1) -> (0, 0, 0, 0)>
#map2 = affine_map<(d0, d1) -> (0, 0, 0)>
module attributes {stable_mosaic.version = 14 : i64} {
  func.func @agg_kernel(%arg0: i32, %arg1: i32, %arg2: memref<10000x128xf32, #tpu.memory_space<hbm>>, %arg3: memref<2x16x80x128xi32, #tpu.memory_space<hbm>>, %arg4: memref<2x16x80x128xi32, #tpu.memory_space<hbm>>, %arg5: memref<640x128xf32, #tpu.memory_space<hbm>>, %arg6: memref<2x10240x128xf32, #tpu.memory_space<hbm>>, %arg7: memref<3x8x128xi32, #tpu.memory_space<vmem>>, %arg8: memref<3x8x128xi32, #tpu.memory_space<vmem>>, %arg9: memref<2x128x128xf32, #tpu.memory_space<vmem>>, %arg10: memref<10240x128xf32, #tpu.memory_space<vmem_shared>>, %arg11: memref<!tpu.dma_semaphore, #tpu.memory_space<semaphore_mem>>, %arg12: memref<!tpu.dma_semaphore, #tpu.memory_space<semaphore_mem>>, %arg13: memref<!tpu.dma_semaphore, #tpu.memory_space<semaphore_mem>>, %arg14: memref<!tpu.dma_semaphore, #tpu.memory_space<semaphore_mem>>, %arg15: memref<!tpu.dma_semaphore, #tpu.memory_space<semaphore_mem>>) attributes {dimension_semantics = [#tpu.dimension_semantics<core_parallel>, #tpu.dimension_semantics<subcore_parallel>], iteration_bounds = array<i64: 2, 16>, scalar_prefetch = 0 : i64, scratch_operands = 9 : i64, tpu.core_type = #tpu.core_type<sc_vector_subcore>, window_params = [{transform_indices = #map}, {transform_indices = #map1}, {transform_indices = #map1}, {transform_indices = #map}, {transform_indices = #map2}]} {
    %mul3A = arith.constant 640 : i32
    %mul3A_0 = arith.muli %arg1, %mul3A : i32
    "tpu.region"() ({
      %run_scoped3A = tpu.sem_alloc : memref<!tpu.dma_semaphore, #tpu.memory_space<semaphore_mem>>
      %dma_start3A_93 = arith.constant 0 : i32
      %dma_start3A_94 = tpu.memref_slice %arg10[%mul3A_0, %dma_start3A_93] : memref<10240x128xf32, #tpu.memory_space<vmem_shared>> -> memref<640x128xf32, #tpu.memory_space<vmem_shared>>
      tpu.enqueue_dma source(%arg5 : memref<640x128xf32, #tpu.memory_space<hbm>>) target(%dma_start3A_94 : memref<640x128xf32, #tpu.memory_space<vmem_shared>>) target_semaphore(%run_scoped3A : memref<!tpu.dma_semaphore, #tpu.memory_space<semaphore_mem>>)
      %dma_wait3A_95 = arith.constant 0 : i32
      %dma_wait3A_96 = tpu.memref_slice %arg10[%mul3A_0, %dma_wait3A_95] : memref<10240x128xf32, #tpu.memory_space<vmem_shared>> -> memref<640x128xf32, #tpu.memory_space<vmem_shared>>
      tpu.wait_dma2 semaphore(%run_scoped3A : memref<!tpu.dma_semaphore, #tpu.memory_space<semaphore_mem>>) src(%arg5 : memref<640x128xf32, #tpu.memory_space<hbm>>) dst(%dma_wait3A_96 : memref<640x128xf32, #tpu.memory_space<vmem_shared>>)
      tpu.yield
    }) : () -> ()
    %barrier3A = arith.constant 0 : index
    tpu.barrier barrier_id(%barrier3A)
    %dma_start3A = arith.constant 0 : i32
    %dma_start3A_1 = arith.constant 0 : i32
    %dma_start3A_2 = arith.constant 0 : i32
    %dma_start3A_3 = tpu.memref_slice %arg7[%dma_start3A, %dma_start3A_1, %dma_start3A_2] : memref<3x8x128xi32, #tpu.memory_space<vmem>> -> memref<1x8x128xi32, #tpu.memory_space<vmem>>
    %dma_start3A_4 = tpu.memref_squeeze %dma_start3A_3 : memref<1x8x128xi32, #tpu.memory_space<vmem>> -> memref<8x128xi32, #tpu.memory_space<vmem>>
    %dma_start3A_5 = arith.constant 0 : i32
    %dma_start3A_6 = arith.constant 0 : i32
    %dma_start3A_7 = tpu.memref_slice %arg3[%arg0, %arg1, %dma_start3A_5, %dma_start3A_6] : memref<2x16x80x128xi32, #tpu.memory_space<hbm>> -> memref<1x1x8x128xi32, #tpu.memory_space<hbm>>
    %dma_start3A_8 = tpu.memref_squeeze %dma_start3A_7 : memref<1x1x8x128xi32, #tpu.memory_space<hbm>> -> memref<8x128xi32, #tpu.memory_space<hbm>>
    %dma_start3A_9 = arith.constant 0 : i32
    %dma_start3A_10 = arith.constant 0 : i32
    %dma_start3A_11 = tpu.memref_slice %arg7[%dma_start3A, %dma_start3A_9, %dma_start3A_10] : memref<3x8x128xi32, #tpu.memory_space<vmem>> -> memref<1x8x128xi32, #tpu.memory_space<vmem>>
    %dma_start3A_12 = tpu.memref_squeeze %dma_start3A_11 : memref<1x8x128xi32, #tpu.memory_space<vmem>> -> memref<8x128xi32, #tpu.memory_space<vmem>>
    %dma_start3A_13 = arith.constant 0 : i32
    %dma_start3A_14 = arith.constant 0 : i32
    %dma_start3A_15 = tpu.memref_slice %arg3[%arg0, %arg1, %dma_start3A_13, %dma_start3A_14] : memref<2x16x80x128xi32, #tpu.memory_space<hbm>> -> memref<1x1x8x128xi32, #tpu.memory_space<hbm>>
    %dma_start3A_16 = tpu.memref_squeeze %dma_start3A_15 : memref<1x1x8x128xi32, #tpu.memory_space<hbm>> -> memref<8x128xi32, #tpu.memory_space<hbm>>
    tpu.enqueue_dma source(%dma_start3A_16 : memref<8x128xi32, #tpu.memory_space<hbm>>) target(%dma_start3A_12 : memref<8x128xi32, #tpu.memory_space<vmem>>) target_semaphore(%arg15 : memref<!tpu.dma_semaphore, #tpu.memory_space<semaphore_mem>>)
    %dma_start3A_17 = arith.constant 0 : i32
    %dma_start3A_18 = arith.constant 0 : i32
    %dma_start3A_19 = arith.constant 0 : i32
    %dma_start3A_20 = tpu.memref_slice %arg8[%dma_start3A_17, %dma_start3A_18, %dma_start3A_19] : memref<3x8x128xi32, #tpu.memory_space<vmem>> -> memref<1x8x128xi32, #tpu.memory_space<vmem>>
    %dma_start3A_21 = tpu.memref_squeeze %dma_start3A_20 : memref<1x8x128xi32, #tpu.memory_space<vmem>> -> memref<8x128xi32, #tpu.memory_space<vmem>>
    %dma_start3A_22 = arith.constant 0 : i32
    %dma_start3A_23 = arith.constant 0 : i32
    %dma_start3A_24 = tpu.memref_slice %arg4[%arg0, %arg1, %dma_start3A_22, %dma_start3A_23] : memref<2x16x80x128xi32, #tpu.memory_space<hbm>> -> memref<1x1x8x128xi32, #tpu.memory_space<hbm>>
    %dma_start3A_25 = tpu.memref_squeeze %dma_start3A_24 : memref<1x1x8x128xi32, #tpu.memory_space<hbm>> -> memref<8x128xi32, #tpu.memory_space<hbm>>
    %dma_start3A_26 = arith.constant 0 : i32
    %dma_start3A_27 = arith.constant 0 : i32
    %dma_start3A_28 = tpu.memref_slice %arg8[%dma_start3A_17, %dma_start3A_26, %dma_start3A_27] : memref<3x8x128xi32, #tpu.memory_space<vmem>> -> memref<1x8x128xi32, #tpu.memory_space<vmem>>
    %dma_start3A_29 = tpu.memref_squeeze %dma_start3A_28 : memref<1x8x128xi32, #tpu.memory_space<vmem>> -> memref<8x128xi32, #tpu.memory_space<vmem>>
    %dma_start3A_30 = arith.constant 0 : i32
    %dma_start3A_31 = arith.constant 0 : i32
    %dma_start3A_32 = tpu.memref_slice %arg4[%arg0, %arg1, %dma_start3A_30, %dma_start3A_31] : memref<2x16x80x128xi32, #tpu.memory_space<hbm>> -> memref<1x1x8x128xi32, #tpu.memory_space<hbm>>
    %dma_start3A_33 = tpu.memref_squeeze %dma_start3A_32 : memref<1x1x8x128xi32, #tpu.memory_space<hbm>> -> memref<8x128xi32, #tpu.memory_space<hbm>>
    tpu.enqueue_dma source(%dma_start3A_33 : memref<8x128xi32, #tpu.memory_space<hbm>>) target(%dma_start3A_29 : memref<8x128xi32, #tpu.memory_space<vmem>>) target_semaphore(%arg15 : memref<!tpu.dma_semaphore, #tpu.memory_space<semaphore_mem>>)
    %scan3A = arith.constant 0 : i32
    %scan3A_34 = arith.constant 0 : i32
    %scan3A_35 = arith.constant 10 : i32
    %scan3A_36 = arith.addi %scan3A_34, %scan3A_35 : i32
    %scan3A_37 = arith.constant 1 : i32
    scf.for %scan3A_93 = %scan3A_34 to %scan3A_36 step %scan3A_37  : i32 {
      %rem3A = arith.constant 3 : i32
      %rem3A_94 = arith.remsi %scan3A_93, %rem3A : i32
      %add3A = arith.constant 2 : i32
      %add3A_95 = arith.addi %scan3A_93, %add3A : i32
      %rem3A_96 = arith.constant 3 : i32
      %rem3A_97 = arith.remsi %add3A_95, %rem3A_96 : i32
      %add3A_98 = arith.constant 1 : i32
      %add3A_99 = arith.addi %scan3A_93, %add3A_98 : i32
      %rem3A_100 = arith.constant 3 : i32
      %rem3A_101 = arith.remsi %add3A_99, %rem3A_100 : i32
      %dma_wait3A_102 = arith.constant 0 : i32
      %dma_wait3A_103 = arith.constant 0 : i32
      %dma_wait3A_104 = arith.constant 0 : i32
      %dma_wait3A_105 = tpu.memref_slice %arg7[%dma_wait3A_102, %dma_wait3A_103, %dma_wait3A_104] : memref<3x8x128xi32, #tpu.memory_space<vmem>> -> memref<1x8x128xi32, #tpu.memory_space<vmem>>
      %dma_wait3A_106 = tpu.memref_squeeze %dma_wait3A_105 : memref<1x8x128xi32, #tpu.memory_space<vmem>> -> memref<8x128xi32, #tpu.memory_space<vmem>>
      %dma_wait3A_107 = arith.constant 0 : i32
      %dma_wait3A_108 = arith.constant 0 : i32
      %dma_wait3A_109 = tpu.memref_slice %arg3[%arg0, %arg1, %dma_wait3A_107, %dma_wait3A_108] : memref<2x16x80x128xi32, #tpu.memory_space<hbm>> -> memref<1x1x8x128xi32, #tpu.memory_space<hbm>>
      %dma_wait3A_110 = tpu.memref_squeeze %dma_wait3A_109 : memref<1x1x8x128xi32, #tpu.memory_space<hbm>> -> memref<8x128xi32, #tpu.memory_space<hbm>>
      %dma_wait3A_111 = arith.constant 0 : i32
      %dma_wait3A_112 = arith.constant 0 : i32
      %dma_wait3A_113 = tpu.memref_slice %arg7[%dma_wait3A_102, %dma_wait3A_111, %dma_wait3A_112] : memref<3x8x128xi32, #tpu.memory_space<vmem>> -> memref<1x8x128xi32, #tpu.memory_space<vmem>>
      %dma_wait3A_114 = tpu.memref_squeeze %dma_wait3A_113 : memref<1x8x128xi32, #tpu.memory_space<vmem>> -> memref<8x128xi32, #tpu.memory_space<vmem>>
      %dma_wait3A_115 = arith.constant 0 : i32
      %dma_wait3A_116 = arith.constant 0 : i32
      %dma_wait3A_117 = tpu.memref_slice %arg3[%arg0, %arg1, %dma_wait3A_115, %dma_wait3A_116] : memref<2x16x80x128xi32, #tpu.memory_space<hbm>> -> memref<1x1x8x128xi32, #tpu.memory_space<hbm>>
      %dma_wait3A_118 = tpu.memref_squeeze %dma_wait3A_117 : memref<1x1x8x128xi32, #tpu.memory_space<hbm>> -> memref<8x128xi32, #tpu.memory_space<hbm>>
      tpu.wait_dma2 semaphore(%arg15 : memref<!tpu.dma_semaphore, #tpu.memory_space<semaphore_mem>>) src(%dma_wait3A_118 : memref<8x128xi32, #tpu.memory_space<hbm>>) dst(%dma_wait3A_114 : memref<8x128xi32, #tpu.memory_space<vmem>>)
      %dma_wait3A_119 = arith.constant 0 : i32
      %dma_wait3A_120 = arith.constant 0 : i32
      %dma_wait3A_121 = arith.constant 0 : i32
      %dma_wait3A_122 = tpu.memref_slice %arg8[%dma_wait3A_119, %dma_wait3A_120, %dma_wait3A_121] : memref<3x8x128xi32, #tpu.memory_space<vmem>> -> memref<1x8x128xi32, #tpu.memory_space<vmem>>
      %dma_wait3A_123 = tpu.memref_squeeze %dma_wait3A_122 : memref<1x8x128xi32, #tpu.memory_space<vmem>> -> memref<8x128xi32, #tpu.memory_space<vmem>>
      %dma_wait3A_124 = arith.constant 0 : i32
      %dma_wait3A_125 = arith.constant 0 : i32
      %dma_wait3A_126 = tpu.memref_slice %arg4[%arg0, %arg1, %dma_wait3A_124, %dma_wait3A_125] : memref<2x16x80x128xi32, #tpu.memory_space<hbm>> -> memref<1x1x8x128xi32, #tpu.memory_space<hbm>>
      %dma_wait3A_127 = tpu.memref_squeeze %dma_wait3A_126 : memref<1x1x8x128xi32, #tpu.memory_space<hbm>> -> memref<8x128xi32, #tpu.memory_space<hbm>>
      %dma_wait3A_128 = arith.constant 0 : i32
      %dma_wait3A_129 = arith.constant 0 : i32
      %dma_wait3A_130 = tpu.memref_slice %arg8[%dma_wait3A_119, %dma_wait3A_128, %dma_wait3A_129] : memref<3x8x128xi32, #tpu.memory_space<vmem>> -> memref<1x8x128xi32, #tpu.memory_space<vmem>>
      %dma_wait3A_131 = tpu.memref_squeeze %dma_wait3A_130 : memref<1x8x128xi32, #tpu.memory_space<vmem>> -> memref<8x128xi32, #tpu.memory_space<vmem>>
      %dma_wait3A_132 = arith.constant 0 : i32
      %dma_wait3A_133 = arith.constant 0 : i32
      %dma_wait3A_134 = tpu.memref_slice %arg4[%arg0, %arg1, %dma_wait3A_132, %dma_wait3A_133] : memref<2x16x80x128xi32, #tpu.memory_space<hbm>> -> memref<1x1x8x128xi32, #tpu.memory_space<hbm>>
      %dma_wait3A_135 = tpu.memref_squeeze %dma_wait3A_134 : memref<1x1x8x128xi32, #tpu.memory_space<hbm>> -> memref<8x128xi32, #tpu.memory_space<hbm>>
      tpu.wait_dma2 semaphore(%arg15 : memref<!tpu.dma_semaphore, #tpu.memory_space<semaphore_mem>>) src(%dma_wait3A_135 : memref<8x128xi32, #tpu.memory_space<hbm>>) dst(%dma_wait3A_131 : memref<8x128xi32, #tpu.memory_space<vmem>>)
      %lt3A = arith.constant 9 : i32
      %lt3A_136 = arith.cmpi slt, %scan3A_93, %lt3A : i32
      %convert_element_type3A = arith.extui %lt3A_136 : i1 to i32
      %cond3A = arith.constant 0 : i32
      %cond3A_137 = arith.cmpi ne, %convert_element_type3A, %cond3A : i32
      scf.if %cond3A_137 {
        %add3A_501 = arith.constant 1 : i32
        %add3A_502 = arith.addi %scan3A_93, %add3A_501 : i32
        %mul3A_503 = arith.constant 8 : i32
        %mul3A_504 = arith.muli %add3A_502, %mul3A_503 : i32
        %dma_start3A_505 = arith.constant 0 : i32
        %dma_start3A_506 = arith.constant 0 : i32
        %dma_start3A_507 = tpu.memref_slice %arg7[%rem3A_101, %dma_start3A_505, %dma_start3A_506] : memref<3x8x128xi32, #tpu.memory_space<vmem>> -> memref<1x8x128xi32, #tpu.memory_space<vmem>>
        %dma_start3A_508 = tpu.memref_squeeze %dma_start3A_507 : memref<1x8x128xi32, #tpu.memory_space<vmem>> -> memref<8x128xi32, #tpu.memory_space<vmem>>
        %dma_start3A_509 = arith.constant 0 : i32
        %dma_start3A_510 = tpu.memref_slice %arg3[%arg0, %arg1, %mul3A_504, %dma_start3A_509] : memref<2x16x80x128xi32, #tpu.memory_space<hbm>> -> memref<1x1x8x128xi32, #tpu.memory_space<hbm>>
        %dma_start3A_511 = tpu.memref_squeeze %dma_start3A_510 : memref<1x1x8x128xi32, #tpu.memory_space<hbm>> -> memref<8x128xi32, #tpu.memory_space<hbm>>
        %dma_start3A_512 = arith.constant 0 : i32
        %dma_start3A_513 = arith.constant 0 : i32
        %dma_start3A_514 = tpu.memref_slice %arg7[%rem3A_101, %dma_start3A_512, %dma_start3A_513] : memref<3x8x128xi32, #tpu.memory_space<vmem>> -> memref<1x8x128xi32, #tpu.memory_space<vmem>>
        %dma_start3A_515 = tpu.memref_squeeze %dma_start3A_514 : memref<1x8x128xi32, #tpu.memory_space<vmem>> -> memref<8x128xi32, #tpu.memory_space<vmem>>
        %dma_start3A_516 = arith.constant 0 : i32
        %dma_start3A_517 = tpu.memref_slice %arg3[%arg0, %arg1, %mul3A_504, %dma_start3A_516] : memref<2x16x80x128xi32, #tpu.memory_space<hbm>> -> memref<1x1x8x128xi32, #tpu.memory_space<hbm>>
        %dma_start3A_518 = tpu.memref_squeeze %dma_start3A_517 : memref<1x1x8x128xi32, #tpu.memory_space<hbm>> -> memref<8x128xi32, #tpu.memory_space<hbm>>
        tpu.enqueue_dma source(%dma_start3A_518 : memref<8x128xi32, #tpu.memory_space<hbm>>) target(%dma_start3A_515 : memref<8x128xi32, #tpu.memory_space<vmem>>) target_semaphore(%arg15 : memref<!tpu.dma_semaphore, #tpu.memory_space<semaphore_mem>>)
        %mul3A_519 = arith.constant 8 : i32
        %mul3A_520 = arith.muli %add3A_502, %mul3A_519 : i32
        %dma_start3A_521 = arith.constant 0 : i32
        %dma_start3A_522 = arith.constant 0 : i32
        %dma_start3A_523 = tpu.memref_slice %arg8[%rem3A_101, %dma_start3A_521, %dma_start3A_522] : memref<3x8x128xi32, #tpu.memory_space<vmem>> -> memref<1x8x128xi32, #tpu.memory_space<vmem>>
        %dma_start3A_524 = tpu.memref_squeeze %dma_start3A_523 : memref<1x8x128xi32, #tpu.memory_space<vmem>> -> memref<8x128xi32, #tpu.memory_space<vmem>>
        %dma_start3A_525 = arith.constant 0 : i32
        %dma_start3A_526 = tpu.memref_slice %arg4[%arg0, %arg1, %mul3A_520, %dma_start3A_525] : memref<2x16x80x128xi32, #tpu.memory_space<hbm>> -> memref<1x1x8x128xi32, #tpu.memory_space<hbm>>
        %dma_start3A_527 = tpu.memref_squeeze %dma_start3A_526 : memref<1x1x8x128xi32, #tpu.memory_space<hbm>> -> memref<8x128xi32, #tpu.memory_space<hbm>>
        %dma_start3A_528 = arith.constant 0 : i32
        %dma_start3A_529 = arith.constant 0 : i32
        %dma_start3A_530 = tpu.memref_slice %arg8[%rem3A_101, %dma_start3A_528, %dma_start3A_529] : memref<3x8x128xi32, #tpu.memory_space<vmem>> -> memref<1x8x128xi32, #tpu.memory_space<vmem>>
        %dma_start3A_531 = tpu.memref_squeeze %dma_start3A_530 : memref<1x8x128xi32, #tpu.memory_space<vmem>> -> memref<8x128xi32, #tpu.memory_space<vmem>>
        %dma_start3A_532 = arith.constant 0 : i32
        %dma_start3A_533 = tpu.memref_slice %arg4[%arg0, %arg1, %mul3A_520, %dma_start3A_532] : memref<2x16x80x128xi32, #tpu.memory_space<hbm>> -> memref<1x1x8x128xi32, #tpu.memory_space<hbm>>
        %dma_start3A_534 = tpu.memref_squeeze %dma_start3A_533 : memref<1x1x8x128xi32, #tpu.memory_space<hbm>> -> memref<8x128xi32, #tpu.memory_space<hbm>>
        tpu.enqueue_dma source(%dma_start3A_534 : memref<8x128xi32, #tpu.memory_space<hbm>>) target(%dma_start3A_531 : memref<8x128xi32, #tpu.memory_space<vmem>>) target_semaphore(%arg15 : memref<!tpu.dma_semaphore, #tpu.memory_space<semaphore_mem>>)
      } else {
      }
      %ge3A = arith.constant 1 : i32
      %ge3A_138 = arith.cmpi sge, %scan3A_93, %ge3A : i32
      %convert_element_type3A_139 = arith.extui %ge3A_138 : i1 to i32
      %cond3A_140 = arith.constant 0 : i32
      %cond3A_141 = arith.cmpi ne, %convert_element_type3A_139, %cond3A_140 : i32
      scf.if %cond3A_141 {
        %dma_wait3A_501 = arith.constant 0 : i32
        %dma_wait3A_502 = arith.constant 0 : i32
        %dma_wait3A_503 = arith.constant 0 : i32
        %dma_wait3A_504 = arith.constant 0 : i32
        %dma_wait3A_505 = arith.constant 0 : i32
        %dma_wait3A_506 = tpu.memref_slice %arg9[%dma_wait3A_501, %dma_wait3A_504, %dma_wait3A_505] : memref<2x128x128xf32, #tpu.memory_space<vmem>> -> memref<1x128x128xf32, #tpu.memory_space<vmem>>
        %dma_wait3A_507 = tpu.memref_squeeze %dma_wait3A_506 : memref<1x128x128xf32, #tpu.memory_space<vmem>> -> memref<128x128xf32, #tpu.memory_space<vmem>>
        %dma_wait3A_508 = arith.constant 0 : i32
        %dma_wait3A_509 = tpu.memref_slice %arg8[%dma_wait3A_502, %dma_wait3A_503, %dma_wait3A_508] : memref<3x8x128xi32, #tpu.memory_space<vmem>> -> memref<1x1x128xi32, #tpu.memory_space<vmem>>
        %dma_wait3A_510 = tpu.memref_squeeze %dma_wait3A_509 : memref<1x1x128xi32, #tpu.memory_space<vmem>> -> memref<128xi32, #tpu.memory_space<vmem>>
        %dma_wait3A_511 = arith.constant 0 : i32
        %dma_wait3A_512 = arith.constant 0 : i32
        %dma_wait3A_513 = tpu.memref_slice %arg10[%dma_wait3A_511, %dma_wait3A_512] : memref<10240x128xf32, #tpu.memory_space<vmem_shared>> -> memref<10240x128xf32, #tpu.memory_space<vmem_shared>>
        tpu.wait_indirect_dma semaphore(%arg13 : memref<!tpu.dma_semaphore, #tpu.memory_space<semaphore_mem>>) src(%dma_wait3A_507 : memref<128x128xf32, #tpu.memory_space<vmem>>) dst(%dma_wait3A_513 : memref<10240x128xf32, #tpu.memory_space<vmem_shared>>)
      } else {
      }
      %dma_start3A_142 = arith.constant 0 : i32
      %dma_start3A_143 = arith.constant 0 : i32
      %dma_start3A_144 = arith.constant 0 : i32
      %dma_start3A_145 = arith.constant 0 : i32
      %dma_start3A_146 = tpu.memref_slice %arg9[%dma_start3A_143, %dma_start3A_144, %dma_start3A_145] : memref<2x128x128xf32, #tpu.memory_space<vmem>> -> memref<1x128x128xf32, #tpu.memory_space<vmem>>
      %dma_start3A_147 = tpu.memref_squeeze %dma_start3A_146 : memref<1x128x128xf32, #tpu.memory_space<vmem>> -> memref<128x128xf32, #tpu.memory_space<vmem>>
      %dma_start3A_148 = arith.constant 0 : i32
      %dma_start3A_149 = tpu.memref_slice %arg7[%rem3A_94, %dma_start3A_142, %dma_start3A_148] : memref<3x8x128xi32, #tpu.memory_space<vmem>> -> memref<1x1x128xi32, #tpu.memory_space<vmem>>
      %dma_start3A_150 = tpu.memref_squeeze %dma_start3A_149 : memref<1x1x128xi32, #tpu.memory_space<vmem>> -> memref<128xi32, #tpu.memory_space<vmem>>
      %dma_start3A_151 = arith.constant 0 : i32
      %dma_start3A_152 = arith.constant 0 : i32
      %dma_start3A_153 = tpu.memref_slice %arg2[%dma_start3A_151, %dma_start3A_152] : memref<10000x128xf32, #tpu.memory_space<hbm>> -> memref<10000x128xf32, #tpu.memory_space<hbm>>
      tpu.enqueue_indirect_dma source(%dma_start3A_153 : memref<10000x128xf32, #tpu.memory_space<hbm>>) target(%dma_start3A_147 : memref<128x128xf32, #tpu.memory_space<vmem>>) offsets(%dma_start3A_150 : memref<128xi32, #tpu.memory_space<vmem>>) semaphore(%arg11 : memref<!tpu.dma_semaphore, #tpu.memory_space<semaphore_mem>>)
      %ge3A_154 = arith.constant 1 : i32
      %ge3A_155 = arith.cmpi sge, %scan3A_93, %ge3A_154 : i32
      %convert_element_type3A_156 = arith.extui %ge3A_155 : i1 to i32
      %cond3A_157 = arith.constant 0 : i32
      %cond3A_158 = arith.cmpi ne, %convert_element_type3A_156, %cond3A_157 : i32
      scf.if %cond3A_158 {
        %dma_wait3A_501 = arith.constant 0 : i32
        %dma_wait3A_502 = arith.constant 0 : i32
        %dma_wait3A_503 = arith.constant 1 : i32
        %dma_wait3A_504 = arith.constant 0 : i32
        %dma_wait3A_505 = arith.constant 0 : i32
        %dma_wait3A_506 = tpu.memref_slice %arg9[%dma_wait3A_503, %dma_wait3A_504, %dma_wait3A_505] : memref<2x128x128xf32, #tpu.memory_space<vmem>> -> memref<1x128x128xf32, #tpu.memory_space<vmem>>
        %dma_wait3A_507 = tpu.memref_squeeze %dma_wait3A_506 : memref<1x128x128xf32, #tpu.memory_space<vmem>> -> memref<128x128xf32, #tpu.memory_space<vmem>>
        %dma_wait3A_508 = arith.constant 0 : i32
        %dma_wait3A_509 = tpu.memref_slice %arg7[%dma_wait3A_501, %dma_wait3A_502, %dma_wait3A_508] : memref<3x8x128xi32, #tpu.memory_space<vmem>> -> memref<1x1x128xi32, #tpu.memory_space<vmem>>
        %dma_wait3A_510 = tpu.memref_squeeze %dma_wait3A_509 : memref<1x1x128xi32, #tpu.memory_space<vmem>> -> memref<128xi32, #tpu.memory_space<vmem>>
        %dma_wait3A_511 = arith.constant 0 : i32
        %dma_wait3A_512 = arith.constant 0 : i32
        %dma_wait3A_513 = tpu.memref_slice %arg2[%dma_wait3A_511, %dma_wait3A_512] : memref<10000x128xf32, #tpu.memory_space<hbm>> -> memref<10000x128xf32, #tpu.memory_space<hbm>>
        tpu.wait_indirect_dma semaphore(%arg12 : memref<!tpu.dma_semaphore, #tpu.memory_space<semaphore_mem>>) src(%dma_wait3A_513 : memref<10000x128xf32, #tpu.memory_space<hbm>>) dst(%dma_wait3A_507 : memref<128x128xf32, #tpu.memory_space<vmem>>)
        %dma_start3A_514 = arith.constant 1 : i32
        %dma_start3A_515 = arith.constant 7 : i32
        %dma_start3A_516 = arith.constant 0 : i32
        %dma_start3A_517 = arith.constant 0 : i32
        %dma_start3A_518 = tpu.memref_slice %arg9[%dma_start3A_514, %dma_start3A_516, %dma_start3A_517] : memref<2x128x128xf32, #tpu.memory_space<vmem>> -> memref<1x128x128xf32, #tpu.memory_space<vmem>>
        %dma_start3A_519 = tpu.memref_squeeze %dma_start3A_518 : memref<1x128x128xf32, #tpu.memory_space<vmem>> -> memref<128x128xf32, #tpu.memory_space<vmem>>
        %dma_start3A_520 = arith.constant 0 : i32
        %dma_start3A_521 = tpu.memref_slice %arg8[%rem3A_97, %dma_start3A_515, %dma_start3A_520] : memref<3x8x128xi32, #tpu.memory_space<vmem>> -> memref<1x1x128xi32, #tpu.memory_space<vmem>>
        %dma_start3A_522 = tpu.memref_squeeze %dma_start3A_521 : memref<1x1x128xi32, #tpu.memory_space<vmem>> -> memref<128xi32, #tpu.memory_space<vmem>>
        %dma_start3A_523 = arith.constant 0 : i32
        %dma_start3A_524 = arith.constant 0 : i32
        %dma_start3A_525 = tpu.memref_slice %arg10[%dma_start3A_523, %dma_start3A_524] : memref<10240x128xf32, #tpu.memory_space<vmem_shared>> -> memref<10240x128xf32, #tpu.memory_space<vmem_shared>>
        tpu.enqueue_indirect_dma source(%dma_start3A_519 : memref<128x128xf32, #tpu.memory_space<vmem>>) target(%dma_start3A_525 : memref<10240x128xf32, #tpu.memory_space<vmem_shared>>) offsets(%dma_start3A_522 : memref<128xi32, #tpu.memory_space<vmem>>) semaphore(%arg14 : memref<!tpu.dma_semaphore, #tpu.memory_space<semaphore_mem>>) {add = true}
      } else {
      }
      %ge3A_159 = arith.constant 1 : i32
      %ge3A_160 = arith.cmpi sge, %scan3A_93, %ge3A_159 : i32
      %convert_element_type3A_161 = arith.extui %ge3A_160 : i1 to i32
      %cond3A_162 = arith.constant 0 : i32
      %cond3A_163 = arith.cmpi ne, %convert_element_type3A_161, %cond3A_162 : i32
      scf.if %cond3A_163 {
        %dma_wait3A_501 = arith.constant 1 : i32
        %dma_wait3A_502 = arith.constant 0 : i32
        %dma_wait3A_503 = arith.constant 0 : i32
        %dma_wait3A_504 = arith.constant 0 : i32
        %dma_wait3A_505 = arith.constant 0 : i32
        %dma_wait3A_506 = tpu.memref_slice %arg9[%dma_wait3A_501, %dma_wait3A_504, %dma_wait3A_505] : memref<2x128x128xf32, #tpu.memory_space<vmem>> -> memref<1x128x128xf32, #tpu.memory_space<vmem>>
        %dma_wait3A_507 = tpu.memref_squeeze %dma_wait3A_506 : memref<1x128x128xf32, #tpu.memory_space<vmem>> -> memref<128x128xf32, #tpu.memory_space<vmem>>
        %dma_wait3A_508 = arith.constant 0 : i32
        %dma_wait3A_509 = tpu.memref_slice %arg8[%dma_wait3A_502, %dma_wait3A_503, %dma_wait3A_508] : memref<3x8x128xi32, #tpu.memory_space<vmem>> -> memref<1x1x128xi32, #tpu.memory_space<vmem>>
        %dma_wait3A_510 = tpu.memref_squeeze %dma_wait3A_509 : memref<1x1x128xi32, #tpu.memory_space<vmem>> -> memref<128xi32, #tpu.memory_space<vmem>>
        %dma_wait3A_511 = arith.constant 0 : i32
        %dma_wait3A_512 = arith.constant 0 : i32
        %dma_wait3A_513 = tpu.memref_slice %arg10[%dma_wait3A_511, %dma_wait3A_512] : memref<10240x128xf32, #tpu.memory_space<vmem_shared>> -> memref<10240x128xf32, #tpu.memory_space<vmem_shared>>
        tpu.wait_indirect_dma semaphore(%arg14 : memref<!tpu.dma_semaphore, #tpu.memory_space<semaphore_mem>>) src(%dma_wait3A_507 : memref<128x128xf32, #tpu.memory_space<vmem>>) dst(%dma_wait3A_513 : memref<10240x128xf32, #tpu.memory_space<vmem_shared>>)
      } else {
      }
      %dma_start3A_164 = arith.constant 1 : i32
      %dma_start3A_165 = arith.constant 1 : i32
      %dma_start3A_166 = arith.constant 0 : i32
      %dma_start3A_167 = arith.constant 0 : i32
      %dma_start3A_168 = tpu.memref_slice %arg9[%dma_start3A_165, %dma_start3A_166, %dma_start3A_167] : memref<2x128x128xf32, #tpu.memory_space<vmem>> -> memref<1x128x128xf32, #tpu.memory_space<vmem>>
      %dma_start3A_169 = tpu.memref_squeeze %dma_start3A_168 : memref<1x128x128xf32, #tpu.memory_space<vmem>> -> memref<128x128xf32, #tpu.memory_space<vmem>>
      %dma_start3A_170 = arith.constant 0 : i32
      %dma_start3A_171 = tpu.memref_slice %arg7[%rem3A_94, %dma_start3A_164, %dma_start3A_170] : memref<3x8x128xi32, #tpu.memory_space<vmem>> -> memref<1x1x128xi32, #tpu.memory_space<vmem>>
      %dma_start3A_172 = tpu.memref_squeeze %dma_start3A_171 : memref<1x1x128xi32, #tpu.memory_space<vmem>> -> memref<128xi32, #tpu.memory_space<vmem>>
      %dma_start3A_173 = arith.constant 0 : i32
      %dma_start3A_174 = arith.constant 0 : i32
      %dma_start3A_175 = tpu.memref_slice %arg2[%dma_start3A_173, %dma_start3A_174] : memref<10000x128xf32, #tpu.memory_space<hbm>> -> memref<10000x128xf32, #tpu.memory_space<hbm>>
      tpu.enqueue_indirect_dma source(%dma_start3A_175 : memref<10000x128xf32, #tpu.memory_space<hbm>>) target(%dma_start3A_169 : memref<128x128xf32, #tpu.memory_space<vmem>>) offsets(%dma_start3A_172 : memref<128xi32, #tpu.memory_space<vmem>>) semaphore(%arg12 : memref<!tpu.dma_semaphore, #tpu.memory_space<semaphore_mem>>)
      %dma_wait3A_176 = arith.constant 0 : i32
      %dma_wait3A_177 = arith.constant 0 : i32
      %dma_wait3A_178 = arith.constant 0 : i32
      %dma_wait3A_179 = arith.constant 0 : i32
      %dma_wait3A_180 = arith.constant 0 : i32
      %dma_wait3A_181 = tpu.memref_slice %arg9[%dma_wait3A_178, %dma_wait3A_179, %dma_wait3A_180] : memref<2x128x128xf32, #tpu.memory_space<vmem>> -> memref<1x128x128xf32, #tpu.memory_space<vmem>>
      %dma_wait3A_182 = tpu.memref_squeeze %dma_wait3A_181 : memref<1x128x128xf32, #tpu.memory_space<vmem>> -> memref<128x128xf32, #tpu.memory_space<vmem>>
      %dma_wait3A_183 = arith.constant 0 : i32
      %dma_wait3A_184 = tpu.memref_slice %arg7[%dma_wait3A_176, %dma_wait3A_177, %dma_wait3A_183] : memref<3x8x128xi32, #tpu.memory_space<vmem>> -> memref<1x1x128xi32, #tpu.memory_space<vmem>>
      %dma_wait3A_185 = tpu.memref_squeeze %dma_wait3A_184 : memref<1x1x128xi32, #tpu.memory_space<vmem>> -> memref<128xi32, #tpu.memory_space<vmem>>
      %dma_wait3A_186 = arith.constant 0 : i32
      %dma_wait3A_187 = arith.constant 0 : i32
      %dma_wait3A_188 = tpu.memref_slice %arg2[%dma_wait3A_186, %dma_wait3A_187] : memref<10000x128xf32, #tpu.memory_space<hbm>> -> memref<10000x128xf32, #tpu.memory_space<hbm>>
      tpu.wait_indirect_dma semaphore(%arg11 : memref<!tpu.dma_semaphore, #tpu.memory_space<semaphore_mem>>) src(%dma_wait3A_188 : memref<10000x128xf32, #tpu.memory_space<hbm>>) dst(%dma_wait3A_182 : memref<128x128xf32, #tpu.memory_space<vmem>>)
      %dma_start3A_189 = arith.constant 0 : i32
      %dma_start3A_190 = arith.constant 0 : i32
      %dma_start3A_191 = arith.constant 0 : i32
      %dma_start3A_192 = arith.constant 0 : i32
      %dma_start3A_193 = tpu.memref_slice %arg9[%dma_start3A_189, %dma_start3A_191, %dma_start3A_192] : memref<2x128x128xf32, #tpu.memory_space<vmem>> -> memref<1x128x128xf32, #tpu.memory_space<vmem>>
      %dma_start3A_194 = tpu.memref_squeeze %dma_start3A_193 : memref<1x128x128xf32, #tpu.memory_space<vmem>> -> memref<128x128xf32, #tpu.memory_space<vmem>>
      %dma_start3A_195 = arith.constant 0 : i32
      %dma_start3A_196 = tpu.memref_slice %arg8[%rem3A_94, %dma_start3A_190, %dma_start3A_195] : memref<3x8x128xi32, #tpu.memory_space<vmem>> -> memref<1x1x128xi32, #tpu.memory_space<vmem>>
      %dma_start3A_197 = tpu.memref_squeeze %dma_start3A_196 : memref<1x1x128xi32, #tpu.memory_space<vmem>> -> memref<128xi32, #tpu.memory_space<vmem>>
      %dma_start3A_198 = arith.constant 0 : i32
      %dma_start3A_199 = arith.constant 0 : i32
      %dma_start3A_200 = tpu.memref_slice %arg10[%dma_start3A_198, %dma_start3A_199] : memref<10240x128xf32, #tpu.memory_space<vmem_shared>> -> memref<10240x128xf32, #tpu.memory_space<vmem_shared>>
      tpu.enqueue_indirect_dma source(%dma_start3A_194 : memref<128x128xf32, #tpu.memory_space<vmem>>) target(%dma_start3A_200 : memref<10240x128xf32, #tpu.memory_space<vmem_shared>>) offsets(%dma_start3A_197 : memref<128xi32, #tpu.memory_space<vmem>>) semaphore(%arg13 : memref<!tpu.dma_semaphore, #tpu.memory_space<semaphore_mem>>) {add = true}
      %dma_wait3A_201 = arith.constant 0 : i32
      %dma_wait3A_202 = arith.constant 0 : i32
      %dma_wait3A_203 = arith.constant 0 : i32
      %dma_wait3A_204 = arith.constant 0 : i32
      %dma_wait3A_205 = arith.constant 0 : i32
      %dma_wait3A_206 = tpu.memref_slice %arg9[%dma_wait3A_201, %dma_wait3A_204, %dma_wait3A_205] : memref<2x128x128xf32, #tpu.memory_space<vmem>> -> memref<1x128x128xf32, #tpu.memory_space<vmem>>
      %dma_wait3A_207 = tpu.memref_squeeze %dma_wait3A_206 : memref<1x128x128xf32, #tpu.memory_space<vmem>> -> memref<128x128xf32, #tpu.memory_space<vmem>>
      %dma_wait3A_208 = arith.constant 0 : i32
      %dma_wait3A_209 = tpu.memref_slice %arg8[%dma_wait3A_202, %dma_wait3A_203, %dma_wait3A_208] : memref<3x8x128xi32, #tpu.memory_space<vmem>> -> memref<1x1x128xi32, #tpu.memory_space<vmem>>
      %dma_wait3A_210 = tpu.memref_squeeze %dma_wait3A_209 : memref<1x1x128xi32, #tpu.memory_space<vmem>> -> memref<128xi32, #tpu.memory_space<vmem>>
      %dma_wait3A_211 = arith.constant 0 : i32
      %dma_wait3A_212 = arith.constant 0 : i32
      %dma_wait3A_213 = tpu.memref_slice %arg10[%dma_wait3A_211, %dma_wait3A_212] : memref<10240x128xf32, #tpu.memory_space<vmem_shared>> -> memref<10240x128xf32, #tpu.memory_space<vmem_shared>>
      tpu.wait_indirect_dma semaphore(%arg13 : memref<!tpu.dma_semaphore, #tpu.memory_space<semaphore_mem>>) src(%dma_wait3A_207 : memref<128x128xf32, #tpu.memory_space<vmem>>) dst(%dma_wait3A_213 : memref<10240x128xf32, #tpu.memory_space<vmem_shared>>)
      %dma_start3A_214 = arith.constant 2 : i32
      %dma_start3A_215 = arith.constant 0 : i32
      %dma_start3A_216 = arith.constant 0 : i32
      %dma_start3A_217 = arith.constant 0 : i32
      %dma_start3A_218 = tpu.memref_slice %arg9[%dma_start3A_215, %dma_start3A_216, %dma_start3A_217] : memref<2x128x128xf32, #tpu.memory_space<vmem>> -> memref<1x128x128xf32, #tpu.memory_space<vmem>>
      %dma_start3A_219 = tpu.memref_squeeze %dma_start3A_218 : memref<1x128x128xf32, #tpu.memory_space<vmem>> -> memref<128x128xf32, #tpu.memory_space<vmem>>
      %dma_start3A_220 = arith.constant 0 : i32
      %dma_start3A_221 = tpu.memref_slice %arg7[%rem3A_94, %dma_start3A_214, %dma_start3A_220] : memref<3x8x128xi32, #tpu.memory_space<vmem>> -> memref<1x1x128xi32, #tpu.memory_space<vmem>>
      %dma_start3A_222 = tpu.memref_squeeze %dma_start3A_221 : memref<1x1x128xi32, #tpu.memory_space<vmem>> -> memref<128xi32, #tpu.memory_space<vmem>>
      %dma_start3A_223 = arith.constant 0 : i32
      %dma_start3A_224 = arith.constant 0 : i32
      %dma_start3A_225 = tpu.memref_slice %arg2[%dma_start3A_223, %dma_start3A_224] : memref<10000x128xf32, #tpu.memory_space<hbm>> -> memref<10000x128xf32, #tpu.memory_space<hbm>>
      tpu.enqueue_indirect_dma source(%dma_start3A_225 : memref<10000x128xf32, #tpu.memory_space<hbm>>) target(%dma_start3A_219 : memref<128x128xf32, #tpu.memory_space<vmem>>) offsets(%dma_start3A_222 : memref<128xi32, #tpu.memory_space<vmem>>) semaphore(%arg11 : memref<!tpu.dma_semaphore, #tpu.memory_space<semaphore_mem>>)
      %dma_wait3A_226 = arith.constant 0 : i32
      %dma_wait3A_227 = arith.constant 0 : i32
      %dma_wait3A_228 = arith.constant 1 : i32
      %dma_wait3A_229 = arith.constant 0 : i32
      %dma_wait3A_230 = arith.constant 0 : i32
      %dma_wait3A_231 = tpu.memref_slice %arg9[%dma_wait3A_228, %dma_wait3A_229, %dma_wait3A_230] : memref<2x128x128xf32, #tpu.memory_space<vmem>> -> memref<1x128x128xf32, #tpu.memory_space<vmem>>
      %dma_wait3A_232 = tpu.memref_squeeze %dma_wait3A_231 : memref<1x128x128xf32, #tpu.memory_space<vmem>> -> memref<128x128xf32, #tpu.memory_space<vmem>>
      %dma_wait3A_233 = arith.constant 0 : i32
      %dma_wait3A_234 = tpu.memref_slice %arg7[%dma_wait3A_226, %dma_wait3A_227, %dma_wait3A_233] : memref<3x8x128xi32, #tpu.memory_space<vmem>> -> memref<1x1x128xi32, #tpu.memory_space<vmem>>
      %dma_wait3A_235 = tpu.memref_squeeze %dma_wait3A_234 : memref<1x1x128xi32, #tpu.memory_space<vmem>> -> memref<128xi32, #tpu.memory_space<vmem>>
      %dma_wait3A_236 = arith.constant 0 : i32
      %dma_wait3A_237 = arith.constant 0 : i32
      %dma_wait3A_238 = tpu.memref_slice %arg2[%dma_wait3A_236, %dma_wait3A_237] : memref<10000x128xf32, #tpu.memory_space<hbm>> -> memref<10000x128xf32, #tpu.memory_space<hbm>>
      tpu.wait_indirect_dma semaphore(%arg12 : memref<!tpu.dma_semaphore, #tpu.memory_space<semaphore_mem>>) src(%dma_wait3A_238 : memref<10000x128xf32, #tpu.memory_space<hbm>>) dst(%dma_wait3A_232 : memref<128x128xf32, #tpu.memory_space<vmem>>)
      %dma_start3A_239 = arith.constant 1 : i32
      %dma_start3A_240 = arith.constant 1 : i32
      %dma_start3A_241 = arith.constant 0 : i32
      %dma_start3A_242 = arith.constant 0 : i32
      %dma_start3A_243 = tpu.memref_slice %arg9[%dma_start3A_239, %dma_start3A_241, %dma_start3A_242] : memref<2x128x128xf32, #tpu.memory_space<vmem>> -> memref<1x128x128xf32, #tpu.memory_space<vmem>>
      %dma_start3A_244 = tpu.memref_squeeze %dma_start3A_243 : memref<1x128x128xf32, #tpu.memory_space<vmem>> -> memref<128x128xf32, #tpu.memory_space<vmem>>
      %dma_start3A_245 = arith.constant 0 : i32
      %dma_start3A_246 = tpu.memref_slice %arg8[%rem3A_94, %dma_start3A_240, %dma_start3A_245] : memref<3x8x128xi32, #tpu.memory_space<vmem>> -> memref<1x1x128xi32, #tpu.memory_space<vmem>>
      %dma_start3A_247 = tpu.memref_squeeze %dma_start3A_246 : memref<1x1x128xi32, #tpu.memory_space<vmem>> -> memref<128xi32, #tpu.memory_space<vmem>>
      %dma_start3A_248 = arith.constant 0 : i32
      %dma_start3A_249 = arith.constant 0 : i32
      %dma_start3A_250 = tpu.memref_slice %arg10[%dma_start3A_248, %dma_start3A_249] : memref<10240x128xf32, #tpu.memory_space<vmem_shared>> -> memref<10240x128xf32, #tpu.memory_space<vmem_shared>>
      tpu.enqueue_indirect_dma source(%dma_start3A_244 : memref<128x128xf32, #tpu.memory_space<vmem>>) target(%dma_start3A_250 : memref<10240x128xf32, #tpu.memory_space<vmem_shared>>) offsets(%dma_start3A_247 : memref<128xi32, #tpu.memory_space<vmem>>) semaphore(%arg14 : memref<!tpu.dma_semaphore, #tpu.memory_space<semaphore_mem>>) {add = true}
      %dma_wait3A_251 = arith.constant 1 : i32
      %dma_wait3A_252 = arith.constant 0 : i32
      %dma_wait3A_253 = arith.constant 0 : i32
      %dma_wait3A_254 = arith.constant 0 : i32
      %dma_wait3A_255 = arith.constant 0 : i32
      %dma_wait3A_256 = tpu.memref_slice %arg9[%dma_wait3A_251, %dma_wait3A_254, %dma_wait3A_255] : memref<2x128x128xf32, #tpu.memory_space<vmem>> -> memref<1x128x128xf32, #tpu.memory_space<vmem>>
      %dma_wait3A_257 = tpu.memref_squeeze %dma_wait3A_256 : memref<1x128x128xf32, #tpu.memory_space<vmem>> -> memref<128x128xf32, #tpu.memory_space<vmem>>
      %dma_wait3A_258 = arith.constant 0 : i32
      %dma_wait3A_259 = tpu.memref_slice %arg8[%dma_wait3A_252, %dma_wait3A_253, %dma_wait3A_258] : memref<3x8x128xi32, #tpu.memory_space<vmem>> -> memref<1x1x128xi32, #tpu.memory_space<vmem>>
      %dma_wait3A_260 = tpu.memref_squeeze %dma_wait3A_259 : memref<1x1x128xi32, #tpu.memory_space<vmem>> -> memref<128xi32, #tpu.memory_space<vmem>>
      %dma_wait3A_261 = arith.constant 0 : i32
      %dma_wait3A_262 = arith.constant 0 : i32
      %dma_wait3A_263 = tpu.memref_slice %arg10[%dma_wait3A_261, %dma_wait3A_262] : memref<10240x128xf32, #tpu.memory_space<vmem_shared>> -> memref<10240x128xf32, #tpu.memory_space<vmem_shared>>
      tpu.wait_indirect_dma semaphore(%arg14 : memref<!tpu.dma_semaphore, #tpu.memory_space<semaphore_mem>>) src(%dma_wait3A_257 : memref<128x128xf32, #tpu.memory_space<vmem>>) dst(%dma_wait3A_263 : memref<10240x128xf32, #tpu.memory_space<vmem_shared>>)
      %dma_start3A_264 = arith.constant 3 : i32
      %dma_start3A_265 = arith.constant 1 : i32
      %dma_start3A_266 = arith.constant 0 : i32
      %dma_start3A_267 = arith.constant 0 : i32
      %dma_start3A_268 = tpu.memref_slice %arg9[%dma_start3A_265, %dma_start3A_266, %dma_start3A_267] : memref<2x128x128xf32, #tpu.memory_space<vmem>> -> memref<1x128x128xf32, #tpu.memory_space<vmem>>
      %dma_start3A_269 = tpu.memref_squeeze %dma_start3A_268 : memref<1x128x128xf32, #tpu.memory_space<vmem>> -> memref<128x128xf32, #tpu.memory_space<vmem>>
      %dma_start3A_270 = arith.constant 0 : i32
      %dma_start3A_271 = tpu.memref_slice %arg7[%rem3A_94, %dma_start3A_264, %dma_start3A_270] : memref<3x8x128xi32, #tpu.memory_space<vmem>> -> memref<1x1x128xi32, #tpu.memory_space<vmem>>
      %dma_start3A_272 = tpu.memref_squeeze %dma_start3A_271 : memref<1x1x128xi32, #tpu.memory_space<vmem>> -> memref<128xi32, #tpu.memory_space<vmem>>
      %dma_start3A_273 = arith.constant 0 : i32
      %dma_start3A_274 = arith.constant 0 : i32
      %dma_start3A_275 = tpu.memref_slice %arg2[%dma_start3A_273, %dma_start3A_274] : memref<10000x128xf32, #tpu.memory_space<hbm>> -> memref<10000x128xf32, #tpu.memory_space<hbm>>
      tpu.enqueue_indirect_dma source(%dma_start3A_275 : memref<10000x128xf32, #tpu.memory_space<hbm>>) target(%dma_start3A_269 : memref<128x128xf32, #tpu.memory_space<vmem>>) offsets(%dma_start3A_272 : memref<128xi32, #tpu.memory_space<vmem>>) semaphore(%arg12 : memref<!tpu.dma_semaphore, #tpu.memory_space<semaphore_mem>>)
      %dma_wait3A_276 = arith.constant 0 : i32
      %dma_wait3A_277 = arith.constant 0 : i32
      %dma_wait3A_278 = arith.constant 0 : i32
      %dma_wait3A_279 = arith.constant 0 : i32
      %dma_wait3A_280 = arith.constant 0 : i32
      %dma_wait3A_281 = tpu.memref_slice %arg9[%dma_wait3A_278, %dma_wait3A_279, %dma_wait3A_280] : memref<2x128x128xf32, #tpu.memory_space<vmem>> -> memref<1x128x128xf32, #tpu.memory_space<vmem>>
      %dma_wait3A_282 = tpu.memref_squeeze %dma_wait3A_281 : memref<1x128x128xf32, #tpu.memory_space<vmem>> -> memref<128x128xf32, #tpu.memory_space<vmem>>
      %dma_wait3A_283 = arith.constant 0 : i32
      %dma_wait3A_284 = tpu.memref_slice %arg7[%dma_wait3A_276, %dma_wait3A_277, %dma_wait3A_283] : memref<3x8x128xi32, #tpu.memory_space<vmem>> -> memref<1x1x128xi32, #tpu.memory_space<vmem>>
      %dma_wait3A_285 = tpu.memref_squeeze %dma_wait3A_284 : memref<1x1x128xi32, #tpu.memory_space<vmem>> -> memref<128xi32, #tpu.memory_space<vmem>>
      %dma_wait3A_286 = arith.constant 0 : i32
      %dma_wait3A_287 = arith.constant 0 : i32
      %dma_wait3A_288 = tpu.memref_slice %arg2[%dma_wait3A_286, %dma_wait3A_287] : memref<10000x128xf32, #tpu.memory_space<hbm>> -> memref<10000x128xf32, #tpu.memory_space<hbm>>
      tpu.wait_indirect_dma semaphore(%arg11 : memref<!tpu.dma_semaphore, #tpu.memory_space<semaphore_mem>>) src(%dma_wait3A_288 : memref<10000x128xf32, #tpu.memory_space<hbm>>) dst(%dma_wait3A_282 : memref<128x128xf32, #tpu.memory_space<vmem>>)
      %dma_start3A_289 = arith.constant 0 : i32
      %dma_start3A_290 = arith.constant 2 : i32
      %dma_start3A_291 = arith.constant 0 : i32
      %dma_start3A_292 = arith.constant 0 : i32
      %dma_start3A_293 = tpu.memref_slice %arg9[%dma_start3A_289, %dma_start3A_291, %dma_start3A_292] : memref<2x128x128xf32, #tpu.memory_space<vmem>> -> memref<1x128x128xf32, #tpu.memory_space<vmem>>
      %dma_start3A_294 = tpu.memref_squeeze %dma_start3A_293 : memref<1x128x128xf32, #tpu.memory_space<vmem>> -> memref<128x128xf32, #tpu.memory_space<vmem>>
      %dma_start3A_295 = arith.constant 0 : i32
      %dma_start3A_296 = tpu.memref_slice %arg8[%rem3A_94, %dma_start3A_290, %dma_start3A_295] : memref<3x8x128xi32, #tpu.memory_space<vmem>> -> memref<1x1x128xi32, #tpu.memory_space<vmem>>
      %dma_start3A_297 = tpu.memref_squeeze %dma_start3A_296 : memref<1x1x128xi32, #tpu.memory_space<vmem>> -> memref<128xi32, #tpu.memory_space<vmem>>
      %dma_start3A_298 = arith.constant 0 : i32
      %dma_start3A_299 = arith.constant 0 : i32
      %dma_start3A_300 = tpu.memref_slice %arg10[%dma_start3A_298, %dma_start3A_299] : memref<10240x128xf32, #tpu.memory_space<vmem_shared>> -> memref<10240x128xf32, #tpu.memory_space<vmem_shared>>
      tpu.enqueue_indirect_dma source(%dma_start3A_294 : memref<128x128xf32, #tpu.memory_space<vmem>>) target(%dma_start3A_300 : memref<10240x128xf32, #tpu.memory_space<vmem_shared>>) offsets(%dma_start3A_297 : memref<128xi32, #tpu.memory_space<vmem>>) semaphore(%arg13 : memref<!tpu.dma_semaphore, #tpu.memory_space<semaphore_mem>>) {add = true}
      %dma_wait3A_301 = arith.constant 0 : i32
      %dma_wait3A_302 = arith.constant 0 : i32
      %dma_wait3A_303 = arith.constant 0 : i32
      %dma_wait3A_304 = arith.constant 0 : i32
      %dma_wait3A_305 = arith.constant 0 : i32
      %dma_wait3A_306 = tpu.memref_slice %arg9[%dma_wait3A_301, %dma_wait3A_304, %dma_wait3A_305] : memref<2x128x128xf32, #tpu.memory_space<vmem>> -> memref<1x128x128xf32, #tpu.memory_space<vmem>>
      %dma_wait3A_307 = tpu.memref_squeeze %dma_wait3A_306 : memref<1x128x128xf32, #tpu.memory_space<vmem>> -> memref<128x128xf32, #tpu.memory_space<vmem>>
      %dma_wait3A_308 = arith.constant 0 : i32
      %dma_wait3A_309 = tpu.memref_slice %arg8[%dma_wait3A_302, %dma_wait3A_303, %dma_wait3A_308] : memref<3x8x128xi32, #tpu.memory_space<vmem>> -> memref<1x1x128xi32, #tpu.memory_space<vmem>>
      %dma_wait3A_310 = tpu.memref_squeeze %dma_wait3A_309 : memref<1x1x128xi32, #tpu.memory_space<vmem>> -> memref<128xi32, #tpu.memory_space<vmem>>
      %dma_wait3A_311 = arith.constant 0 : i32
      %dma_wait3A_312 = arith.constant 0 : i32
      %dma_wait3A_313 = tpu.memref_slice %arg10[%dma_wait3A_311, %dma_wait3A_312] : memref<10240x128xf32, #tpu.memory_space<vmem_shared>> -> memref<10240x128xf32, #tpu.memory_space<vmem_shared>>
      tpu.wait_indirect_dma semaphore(%arg13 : memref<!tpu.dma_semaphore, #tpu.memory_space<semaphore_mem>>) src(%dma_wait3A_307 : memref<128x128xf32, #tpu.memory_space<vmem>>) dst(%dma_wait3A_313 : memref<10240x128xf32, #tpu.memory_space<vmem_shared>>)
      %dma_start3A_314 = arith.constant 4 : i32
      %dma_start3A_315 = arith.constant 0 : i32
      %dma_start3A_316 = arith.constant 0 : i32
      %dma_start3A_317 = arith.constant 0 : i32
      %dma_start3A_318 = tpu.memref_slice %arg9[%dma_start3A_315, %dma_start3A_316, %dma_start3A_317] : memref<2x128x128xf32, #tpu.memory_space<vmem>> -> memref<1x128x128xf32, #tpu.memory_space<vmem>>
      %dma_start3A_319 = tpu.memref_squeeze %dma_start3A_318 : memref<1x128x128xf32, #tpu.memory_space<vmem>> -> memref<128x128xf32, #tpu.memory_space<vmem>>
      %dma_start3A_320 = arith.constant 0 : i32
      %dma_start3A_321 = tpu.memref_slice %arg7[%rem3A_94, %dma_start3A_314, %dma_start3A_320] : memref<3x8x128xi32, #tpu.memory_space<vmem>> -> memref<1x1x128xi32, #tpu.memory_space<vmem>>
      %dma_start3A_322 = tpu.memref_squeeze %dma_start3A_321 : memref<1x1x128xi32, #tpu.memory_space<vmem>> -> memref<128xi32, #tpu.memory_space<vmem>>
      %dma_start3A_323 = arith.constant 0 : i32
      %dma_start3A_324 = arith.constant 0 : i32
      %dma_start3A_325 = tpu.memref_slice %arg2[%dma_start3A_323, %dma_start3A_324] : memref<10000x128xf32, #tpu.memory_space<hbm>> -> memref<10000x128xf32, #tpu.memory_space<hbm>>
      tpu.enqueue_indirect_dma source(%dma_start3A_325 : memref<10000x128xf32, #tpu.memory_space<hbm>>) target(%dma_start3A_319 : memref<128x128xf32, #tpu.memory_space<vmem>>) offsets(%dma_start3A_322 : memref<128xi32, #tpu.memory_space<vmem>>) semaphore(%arg11 : memref<!tpu.dma_semaphore, #tpu.memory_space<semaphore_mem>>)
      %dma_wait3A_326 = arith.constant 0 : i32
      %dma_wait3A_327 = arith.constant 0 : i32
      %dma_wait3A_328 = arith.constant 1 : i32
      %dma_wait3A_329 = arith.constant 0 : i32
      %dma_wait3A_330 = arith.constant 0 : i32
      %dma_wait3A_331 = tpu.memref_slice %arg9[%dma_wait3A_328, %dma_wait3A_329, %dma_wait3A_330] : memref<2x128x128xf32, #tpu.memory_space<vmem>> -> memref<1x128x128xf32, #tpu.memory_space<vmem>>
      %dma_wait3A_332 = tpu.memref_squeeze %dma_wait3A_331 : memref<1x128x128xf32, #tpu.memory_space<vmem>> -> memref<128x128xf32, #tpu.memory_space<vmem>>
      %dma_wait3A_333 = arith.constant 0 : i32
      %dma_wait3A_334 = tpu.memref_slice %arg7[%dma_wait3A_326, %dma_wait3A_327, %dma_wait3A_333] : memref<3x8x128xi32, #tpu.memory_space<vmem>> -> memref<1x1x128xi32, #tpu.memory_space<vmem>>
      %dma_wait3A_335 = tpu.memref_squeeze %dma_wait3A_334 : memref<1x1x128xi32, #tpu.memory_space<vmem>> -> memref<128xi32, #tpu.memory_space<vmem>>
      %dma_wait3A_336 = arith.constant 0 : i32
      %dma_wait3A_337 = arith.constant 0 : i32
      %dma_wait3A_338 = tpu.memref_slice %arg2[%dma_wait3A_336, %dma_wait3A_337] : memref<10000x128xf32, #tpu.memory_space<hbm>> -> memref<10000x128xf32, #tpu.memory_space<hbm>>
      tpu.wait_indirect_dma semaphore(%arg12 : memref<!tpu.dma_semaphore, #tpu.memory_space<semaphore_mem>>) src(%dma_wait3A_338 : memref<10000x128xf32, #tpu.memory_space<hbm>>) dst(%dma_wait3A_332 : memref<128x128xf32, #tpu.memory_space<vmem>>)
      %dma_start3A_339 = arith.constant 1 : i32
      %dma_start3A_340 = arith.constant 3 : i32
      %dma_start3A_341 = arith.constant 0 : i32
      %dma_start3A_342 = arith.constant 0 : i32
      %dma_start3A_343 = tpu.memref_slice %arg9[%dma_start3A_339, %dma_start3A_341, %dma_start3A_342] : memref<2x128x128xf32, #tpu.memory_space<vmem>> -> memref<1x128x128xf32, #tpu.memory_space<vmem>>
      %dma_start3A_344 = tpu.memref_squeeze %dma_start3A_343 : memref<1x128x128xf32, #tpu.memory_space<vmem>> -> memref<128x128xf32, #tpu.memory_space<vmem>>
      %dma_start3A_345 = arith.constant 0 : i32
      %dma_start3A_346 = tpu.memref_slice %arg8[%rem3A_94, %dma_start3A_340, %dma_start3A_345] : memref<3x8x128xi32, #tpu.memory_space<vmem>> -> memref<1x1x128xi32, #tpu.memory_space<vmem>>
      %dma_start3A_347 = tpu.memref_squeeze %dma_start3A_346 : memref<1x1x128xi32, #tpu.memory_space<vmem>> -> memref<128xi32, #tpu.memory_space<vmem>>
      %dma_start3A_348 = arith.constant 0 : i32
      %dma_start3A_349 = arith.constant 0 : i32
      %dma_start3A_350 = tpu.memref_slice %arg10[%dma_start3A_348, %dma_start3A_349] : memref<10240x128xf32, #tpu.memory_space<vmem_shared>> -> memref<10240x128xf32, #tpu.memory_space<vmem_shared>>
      tpu.enqueue_indirect_dma source(%dma_start3A_344 : memref<128x128xf32, #tpu.memory_space<vmem>>) target(%dma_start3A_350 : memref<10240x128xf32, #tpu.memory_space<vmem_shared>>) offsets(%dma_start3A_347 : memref<128xi32, #tpu.memory_space<vmem>>) semaphore(%arg14 : memref<!tpu.dma_semaphore, #tpu.memory_space<semaphore_mem>>) {add = true}
      %dma_wait3A_351 = arith.constant 1 : i32
      %dma_wait3A_352 = arith.constant 0 : i32
      %dma_wait3A_353 = arith.constant 0 : i32
      %dma_wait3A_354 = arith.constant 0 : i32
      %dma_wait3A_355 = arith.constant 0 : i32
      %dma_wait3A_356 = tpu.memref_slice %arg9[%dma_wait3A_351, %dma_wait3A_354, %dma_wait3A_355] : memref<2x128x128xf32, #tpu.memory_space<vmem>> -> memref<1x128x128xf32, #tpu.memory_space<vmem>>
      %dma_wait3A_357 = tpu.memref_squeeze %dma_wait3A_356 : memref<1x128x128xf32, #tpu.memory_space<vmem>> -> memref<128x128xf32, #tpu.memory_space<vmem>>
      %dma_wait3A_358 = arith.constant 0 : i32
      %dma_wait3A_359 = tpu.memref_slice %arg8[%dma_wait3A_352, %dma_wait3A_353, %dma_wait3A_358] : memref<3x8x128xi32, #tpu.memory_space<vmem>> -> memref<1x1x128xi32, #tpu.memory_space<vmem>>
      %dma_wait3A_360 = tpu.memref_squeeze %dma_wait3A_359 : memref<1x1x128xi32, #tpu.memory_space<vmem>> -> memref<128xi32, #tpu.memory_space<vmem>>
      %dma_wait3A_361 = arith.constant 0 : i32
      %dma_wait3A_362 = arith.constant 0 : i32
      %dma_wait3A_363 = tpu.memref_slice %arg10[%dma_wait3A_361, %dma_wait3A_362] : memref<10240x128xf32, #tpu.memory_space<vmem_shared>> -> memref<10240x128xf32, #tpu.memory_space<vmem_shared>>
      tpu.wait_indirect_dma semaphore(%arg14 : memref<!tpu.dma_semaphore, #tpu.memory_space<semaphore_mem>>) src(%dma_wait3A_357 : memref<128x128xf32, #tpu.memory_space<vmem>>) dst(%dma_wait3A_363 : memref<10240x128xf32, #tpu.memory_space<vmem_shared>>)
      %dma_start3A_364 = arith.constant 5 : i32
      %dma_start3A_365 = arith.constant 1 : i32
      %dma_start3A_366 = arith.constant 0 : i32
      %dma_start3A_367 = arith.constant 0 : i32
      %dma_start3A_368 = tpu.memref_slice %arg9[%dma_start3A_365, %dma_start3A_366, %dma_start3A_367] : memref<2x128x128xf32, #tpu.memory_space<vmem>> -> memref<1x128x128xf32, #tpu.memory_space<vmem>>
      %dma_start3A_369 = tpu.memref_squeeze %dma_start3A_368 : memref<1x128x128xf32, #tpu.memory_space<vmem>> -> memref<128x128xf32, #tpu.memory_space<vmem>>
      %dma_start3A_370 = arith.constant 0 : i32
      %dma_start3A_371 = tpu.memref_slice %arg7[%rem3A_94, %dma_start3A_364, %dma_start3A_370] : memref<3x8x128xi32, #tpu.memory_space<vmem>> -> memref<1x1x128xi32, #tpu.memory_space<vmem>>
      %dma_start3A_372 = tpu.memref_squeeze %dma_start3A_371 : memref<1x1x128xi32, #tpu.memory_space<vmem>> -> memref<128xi32, #tpu.memory_space<vmem>>
      %dma_start3A_373 = arith.constant 0 : i32
      %dma_start3A_374 = arith.constant 0 : i32
      %dma_start3A_375 = tpu.memref_slice %arg2[%dma_start3A_373, %dma_start3A_374] : memref<10000x128xf32, #tpu.memory_space<hbm>> -> memref<10000x128xf32, #tpu.memory_space<hbm>>
      tpu.enqueue_indirect_dma source(%dma_start3A_375 : memref<10000x128xf32, #tpu.memory_space<hbm>>) target(%dma_start3A_369 : memref<128x128xf32, #tpu.memory_space<vmem>>) offsets(%dma_start3A_372 : memref<128xi32, #tpu.memory_space<vmem>>) semaphore(%arg12 : memref<!tpu.dma_semaphore, #tpu.memory_space<semaphore_mem>>)
      %dma_wait3A_376 = arith.constant 0 : i32
      %dma_wait3A_377 = arith.constant 0 : i32
      %dma_wait3A_378 = arith.constant 0 : i32
      %dma_wait3A_379 = arith.constant 0 : i32
      %dma_wait3A_380 = arith.constant 0 : i32
      %dma_wait3A_381 = tpu.memref_slice %arg9[%dma_wait3A_378, %dma_wait3A_379, %dma_wait3A_380] : memref<2x128x128xf32, #tpu.memory_space<vmem>> -> memref<1x128x128xf32, #tpu.memory_space<vmem>>
      %dma_wait3A_382 = tpu.memref_squeeze %dma_wait3A_381 : memref<1x128x128xf32, #tpu.memory_space<vmem>> -> memref<128x128xf32, #tpu.memory_space<vmem>>
      %dma_wait3A_383 = arith.constant 0 : i32
      %dma_wait3A_384 = tpu.memref_slice %arg7[%dma_wait3A_376, %dma_wait3A_377, %dma_wait3A_383] : memref<3x8x128xi32, #tpu.memory_space<vmem>> -> memref<1x1x128xi32, #tpu.memory_space<vmem>>
      %dma_wait3A_385 = tpu.memref_squeeze %dma_wait3A_384 : memref<1x1x128xi32, #tpu.memory_space<vmem>> -> memref<128xi32, #tpu.memory_space<vmem>>
      %dma_wait3A_386 = arith.constant 0 : i32
      %dma_wait3A_387 = arith.constant 0 : i32
      %dma_wait3A_388 = tpu.memref_slice %arg2[%dma_wait3A_386, %dma_wait3A_387] : memref<10000x128xf32, #tpu.memory_space<hbm>> -> memref<10000x128xf32, #tpu.memory_space<hbm>>
      tpu.wait_indirect_dma semaphore(%arg11 : memref<!tpu.dma_semaphore, #tpu.memory_space<semaphore_mem>>) src(%dma_wait3A_388 : memref<10000x128xf32, #tpu.memory_space<hbm>>) dst(%dma_wait3A_382 : memref<128x128xf32, #tpu.memory_space<vmem>>)
      %dma_start3A_389 = arith.constant 0 : i32
      %dma_start3A_390 = arith.constant 4 : i32
      %dma_start3A_391 = arith.constant 0 : i32
      %dma_start3A_392 = arith.constant 0 : i32
      %dma_start3A_393 = tpu.memref_slice %arg9[%dma_start3A_389, %dma_start3A_391, %dma_start3A_392] : memref<2x128x128xf32, #tpu.memory_space<vmem>> -> memref<1x128x128xf32, #tpu.memory_space<vmem>>
      %dma_start3A_394 = tpu.memref_squeeze %dma_start3A_393 : memref<1x128x128xf32, #tpu.memory_space<vmem>> -> memref<128x128xf32, #tpu.memory_space<vmem>>
      %dma_start3A_395 = arith.constant 0 : i32
      %dma_start3A_396 = tpu.memref_slice %arg8[%rem3A_94, %dma_start3A_390, %dma_start3A_395] : memref<3x8x128xi32, #tpu.memory_space<vmem>> -> memref<1x1x128xi32, #tpu.memory_space<vmem>>
      %dma_start3A_397 = tpu.memref_squeeze %dma_start3A_396 : memref<1x1x128xi32, #tpu.memory_space<vmem>> -> memref<128xi32, #tpu.memory_space<vmem>>
      %dma_start3A_398 = arith.constant 0 : i32
      %dma_start3A_399 = arith.constant 0 : i32
      %dma_start3A_400 = tpu.memref_slice %arg10[%dma_start3A_398, %dma_start3A_399] : memref<10240x128xf32, #tpu.memory_space<vmem_shared>> -> memref<10240x128xf32, #tpu.memory_space<vmem_shared>>
      tpu.enqueue_indirect_dma source(%dma_start3A_394 : memref<128x128xf32, #tpu.memory_space<vmem>>) target(%dma_start3A_400 : memref<10240x128xf32, #tpu.memory_space<vmem_shared>>) offsets(%dma_start3A_397 : memref<128xi32, #tpu.memory_space<vmem>>) semaphore(%arg13 : memref<!tpu.dma_semaphore, #tpu.memory_space<semaphore_mem>>) {add = true}
      %dma_wait3A_401 = arith.constant 0 : i32
      %dma_wait3A_402 = arith.constant 0 : i32
      %dma_wait3A_403 = arith.constant 0 : i32
      %dma_wait3A_404 = arith.constant 0 : i32
      %dma_wait3A_405 = arith.constant 0 : i32
      %dma_wait3A_406 = tpu.memref_slice %arg9[%dma_wait3A_401, %dma_wait3A_404, %dma_wait3A_405] : memref<2x128x128xf32, #tpu.memory_space<vmem>> -> memref<1x128x128xf32, #tpu.memory_space<vmem>>
      %dma_wait3A_407 = tpu.memref_squeeze %dma_wait3A_406 : memref<1x128x128xf32, #tpu.memory_space<vmem>> -> memref<128x128xf32, #tpu.memory_space<vmem>>
      %dma_wait3A_408 = arith.constant 0 : i32
      %dma_wait3A_409 = tpu.memref_slice %arg8[%dma_wait3A_402, %dma_wait3A_403, %dma_wait3A_408] : memref<3x8x128xi32, #tpu.memory_space<vmem>> -> memref<1x1x128xi32, #tpu.memory_space<vmem>>
      %dma_wait3A_410 = tpu.memref_squeeze %dma_wait3A_409 : memref<1x1x128xi32, #tpu.memory_space<vmem>> -> memref<128xi32, #tpu.memory_space<vmem>>
      %dma_wait3A_411 = arith.constant 0 : i32
      %dma_wait3A_412 = arith.constant 0 : i32
      %dma_wait3A_413 = tpu.memref_slice %arg10[%dma_wait3A_411, %dma_wait3A_412] : memref<10240x128xf32, #tpu.memory_space<vmem_shared>> -> memref<10240x128xf32, #tpu.memory_space<vmem_shared>>
      tpu.wait_indirect_dma semaphore(%arg13 : memref<!tpu.dma_semaphore, #tpu.memory_space<semaphore_mem>>) src(%dma_wait3A_407 : memref<128x128xf32, #tpu.memory_space<vmem>>) dst(%dma_wait3A_413 : memref<10240x128xf32, #tpu.memory_space<vmem_shared>>)
      %dma_start3A_414 = arith.constant 6 : i32
      %dma_start3A_415 = arith.constant 0 : i32
      %dma_start3A_416 = arith.constant 0 : i32
      %dma_start3A_417 = arith.constant 0 : i32
      %dma_start3A_418 = tpu.memref_slice %arg9[%dma_start3A_415, %dma_start3A_416, %dma_start3A_417] : memref<2x128x128xf32, #tpu.memory_space<vmem>> -> memref<1x128x128xf32, #tpu.memory_space<vmem>>
      %dma_start3A_419 = tpu.memref_squeeze %dma_start3A_418 : memref<1x128x128xf32, #tpu.memory_space<vmem>> -> memref<128x128xf32, #tpu.memory_space<vmem>>
      %dma_start3A_420 = arith.constant 0 : i32
      %dma_start3A_421 = tpu.memref_slice %arg7[%rem3A_94, %dma_start3A_414, %dma_start3A_420] : memref<3x8x128xi32, #tpu.memory_space<vmem>> -> memref<1x1x128xi32, #tpu.memory_space<vmem>>
      %dma_start3A_422 = tpu.memref_squeeze %dma_start3A_421 : memref<1x1x128xi32, #tpu.memory_space<vmem>> -> memref<128xi32, #tpu.memory_space<vmem>>
      %dma_start3A_423 = arith.constant 0 : i32
      %dma_start3A_424 = arith.constant 0 : i32
      %dma_start3A_425 = tpu.memref_slice %arg2[%dma_start3A_423, %dma_start3A_424] : memref<10000x128xf32, #tpu.memory_space<hbm>> -> memref<10000x128xf32, #tpu.memory_space<hbm>>
      tpu.enqueue_indirect_dma source(%dma_start3A_425 : memref<10000x128xf32, #tpu.memory_space<hbm>>) target(%dma_start3A_419 : memref<128x128xf32, #tpu.memory_space<vmem>>) offsets(%dma_start3A_422 : memref<128xi32, #tpu.memory_space<vmem>>) semaphore(%arg11 : memref<!tpu.dma_semaphore, #tpu.memory_space<semaphore_mem>>)
      %dma_wait3A_426 = arith.constant 0 : i32
      %dma_wait3A_427 = arith.constant 0 : i32
      %dma_wait3A_428 = arith.constant 1 : i32
      %dma_wait3A_429 = arith.constant 0 : i32
      %dma_wait3A_430 = arith.constant 0 : i32
      %dma_wait3A_431 = tpu.memref_slice %arg9[%dma_wait3A_428, %dma_wait3A_429, %dma_wait3A_430] : memref<2x128x128xf32, #tpu.memory_space<vmem>> -> memref<1x128x128xf32, #tpu.memory_space<vmem>>
      %dma_wait3A_432 = tpu.memref_squeeze %dma_wait3A_431 : memref<1x128x128xf32, #tpu.memory_space<vmem>> -> memref<128x128xf32, #tpu.memory_space<vmem>>
      %dma_wait3A_433 = arith.constant 0 : i32
      %dma_wait3A_434 = tpu.memref_slice %arg7[%dma_wait3A_426, %dma_wait3A_427, %dma_wait3A_433] : memref<3x8x128xi32, #tpu.memory_space<vmem>> -> memref<1x1x128xi32, #tpu.memory_space<vmem>>
      %dma_wait3A_435 = tpu.memref_squeeze %dma_wait3A_434 : memref<1x1x128xi32, #tpu.memory_space<vmem>> -> memref<128xi32, #tpu.memory_space<vmem>>
      %dma_wait3A_436 = arith.constant 0 : i32
      %dma_wait3A_437 = arith.constant 0 : i32
      %dma_wait3A_438 = tpu.memref_slice %arg2[%dma_wait3A_436, %dma_wait3A_437] : memref<10000x128xf32, #tpu.memory_space<hbm>> -> memref<10000x128xf32, #tpu.memory_space<hbm>>
      tpu.wait_indirect_dma semaphore(%arg12 : memref<!tpu.dma_semaphore, #tpu.memory_space<semaphore_mem>>) src(%dma_wait3A_438 : memref<10000x128xf32, #tpu.memory_space<hbm>>) dst(%dma_wait3A_432 : memref<128x128xf32, #tpu.memory_space<vmem>>)
      %dma_start3A_439 = arith.constant 1 : i32
      %dma_start3A_440 = arith.constant 5 : i32
      %dma_start3A_441 = arith.constant 0 : i32
      %dma_start3A_442 = arith.constant 0 : i32
      %dma_start3A_443 = tpu.memref_slice %arg9[%dma_start3A_439, %dma_start3A_441, %dma_start3A_442] : memref<2x128x128xf32, #tpu.memory_space<vmem>> -> memref<1x128x128xf32, #tpu.memory_space<vmem>>
      %dma_start3A_444 = tpu.memref_squeeze %dma_start3A_443 : memref<1x128x128xf32, #tpu.memory_space<vmem>> -> memref<128x128xf32, #tpu.memory_space<vmem>>
      %dma_start3A_445 = arith.constant 0 : i32
      %dma_start3A_446 = tpu.memref_slice %arg8[%rem3A_94, %dma_start3A_440, %dma_start3A_445] : memref<3x8x128xi32, #tpu.memory_space<vmem>> -> memref<1x1x128xi32, #tpu.memory_space<vmem>>
      %dma_start3A_447 = tpu.memref_squeeze %dma_start3A_446 : memref<1x1x128xi32, #tpu.memory_space<vmem>> -> memref<128xi32, #tpu.memory_space<vmem>>
      %dma_start3A_448 = arith.constant 0 : i32
      %dma_start3A_449 = arith.constant 0 : i32
      %dma_start3A_450 = tpu.memref_slice %arg10[%dma_start3A_448, %dma_start3A_449] : memref<10240x128xf32, #tpu.memory_space<vmem_shared>> -> memref<10240x128xf32, #tpu.memory_space<vmem_shared>>
      tpu.enqueue_indirect_dma source(%dma_start3A_444 : memref<128x128xf32, #tpu.memory_space<vmem>>) target(%dma_start3A_450 : memref<10240x128xf32, #tpu.memory_space<vmem_shared>>) offsets(%dma_start3A_447 : memref<128xi32, #tpu.memory_space<vmem>>) semaphore(%arg14 : memref<!tpu.dma_semaphore, #tpu.memory_space<semaphore_mem>>) {add = true}
      %dma_wait3A_451 = arith.constant 1 : i32
      %dma_wait3A_452 = arith.constant 0 : i32
      %dma_wait3A_453 = arith.constant 0 : i32
      %dma_wait3A_454 = arith.constant 0 : i32
      %dma_wait3A_455 = arith.constant 0 : i32
      %dma_wait3A_456 = tpu.memref_slice %arg9[%dma_wait3A_451, %dma_wait3A_454, %dma_wait3A_455] : memref<2x128x128xf32, #tpu.memory_space<vmem>> -> memref<1x128x128xf32, #tpu.memory_space<vmem>>
      %dma_wait3A_457 = tpu.memref_squeeze %dma_wait3A_456 : memref<1x128x128xf32, #tpu.memory_space<vmem>> -> memref<128x128xf32, #tpu.memory_space<vmem>>
      %dma_wait3A_458 = arith.constant 0 : i32
      %dma_wait3A_459 = tpu.memref_slice %arg8[%dma_wait3A_452, %dma_wait3A_453, %dma_wait3A_458] : memref<3x8x128xi32, #tpu.memory_space<vmem>> -> memref<1x1x128xi32, #tpu.memory_space<vmem>>
      %dma_wait3A_460 = tpu.memref_squeeze %dma_wait3A_459 : memref<1x1x128xi32, #tpu.memory_space<vmem>> -> memref<128xi32, #tpu.memory_space<vmem>>
      %dma_wait3A_461 = arith.constant 0 : i32
      %dma_wait3A_462 = arith.constant 0 : i32
      %dma_wait3A_463 = tpu.memref_slice %arg10[%dma_wait3A_461, %dma_wait3A_462] : memref<10240x128xf32, #tpu.memory_space<vmem_shared>> -> memref<10240x128xf32, #tpu.memory_space<vmem_shared>>
      tpu.wait_indirect_dma semaphore(%arg14 : memref<!tpu.dma_semaphore, #tpu.memory_space<semaphore_mem>>) src(%dma_wait3A_457 : memref<128x128xf32, #tpu.memory_space<vmem>>) dst(%dma_wait3A_463 : memref<10240x128xf32, #tpu.memory_space<vmem_shared>>)
      %dma_start3A_464 = arith.constant 7 : i32
      %dma_start3A_465 = arith.constant 1 : i32
      %dma_start3A_466 = arith.constant 0 : i32
      %dma_start3A_467 = arith.constant 0 : i32
      %dma_start3A_468 = tpu.memref_slice %arg9[%dma_start3A_465, %dma_start3A_466, %dma_start3A_467] : memref<2x128x128xf32, #tpu.memory_space<vmem>> -> memref<1x128x128xf32, #tpu.memory_space<vmem>>
      %dma_start3A_469 = tpu.memref_squeeze %dma_start3A_468 : memref<1x128x128xf32, #tpu.memory_space<vmem>> -> memref<128x128xf32, #tpu.memory_space<vmem>>
      %dma_start3A_470 = arith.constant 0 : i32
      %dma_start3A_471 = tpu.memref_slice %arg7[%rem3A_94, %dma_start3A_464, %dma_start3A_470] : memref<3x8x128xi32, #tpu.memory_space<vmem>> -> memref<1x1x128xi32, #tpu.memory_space<vmem>>
      %dma_start3A_472 = tpu.memref_squeeze %dma_start3A_471 : memref<1x1x128xi32, #tpu.memory_space<vmem>> -> memref<128xi32, #tpu.memory_space<vmem>>
      %dma_start3A_473 = arith.constant 0 : i32
      %dma_start3A_474 = arith.constant 0 : i32
      %dma_start3A_475 = tpu.memref_slice %arg2[%dma_start3A_473, %dma_start3A_474] : memref<10000x128xf32, #tpu.memory_space<hbm>> -> memref<10000x128xf32, #tpu.memory_space<hbm>>
      tpu.enqueue_indirect_dma source(%dma_start3A_475 : memref<10000x128xf32, #tpu.memory_space<hbm>>) target(%dma_start3A_469 : memref<128x128xf32, #tpu.memory_space<vmem>>) offsets(%dma_start3A_472 : memref<128xi32, #tpu.memory_space<vmem>>) semaphore(%arg12 : memref<!tpu.dma_semaphore, #tpu.memory_space<semaphore_mem>>)
      %dma_wait3A_476 = arith.constant 0 : i32
      %dma_wait3A_477 = arith.constant 0 : i32
      %dma_wait3A_478 = arith.constant 0 : i32
      %dma_wait3A_479 = arith.constant 0 : i32
      %dma_wait3A_480 = arith.constant 0 : i32
      %dma_wait3A_481 = tpu.memref_slice %arg9[%dma_wait3A_478, %dma_wait3A_479, %dma_wait3A_480] : memref<2x128x128xf32, #tpu.memory_space<vmem>> -> memref<1x128x128xf32, #tpu.memory_space<vmem>>
      %dma_wait3A_482 = tpu.memref_squeeze %dma_wait3A_481 : memref<1x128x128xf32, #tpu.memory_space<vmem>> -> memref<128x128xf32, #tpu.memory_space<vmem>>
      %dma_wait3A_483 = arith.constant 0 : i32
      %dma_wait3A_484 = tpu.memref_slice %arg7[%dma_wait3A_476, %dma_wait3A_477, %dma_wait3A_483] : memref<3x8x128xi32, #tpu.memory_space<vmem>> -> memref<1x1x128xi32, #tpu.memory_space<vmem>>
      %dma_wait3A_485 = tpu.memref_squeeze %dma_wait3A_484 : memref<1x1x128xi32, #tpu.memory_space<vmem>> -> memref<128xi32, #tpu.memory_space<vmem>>
      %dma_wait3A_486 = arith.constant 0 : i32
      %dma_wait3A_487 = arith.constant 0 : i32
      %dma_wait3A_488 = tpu.memref_slice %arg2[%dma_wait3A_486, %dma_wait3A_487] : memref<10000x128xf32, #tpu.memory_space<hbm>> -> memref<10000x128xf32, #tpu.memory_space<hbm>>
      tpu.wait_indirect_dma semaphore(%arg11 : memref<!tpu.dma_semaphore, #tpu.memory_space<semaphore_mem>>) src(%dma_wait3A_488 : memref<10000x128xf32, #tpu.memory_space<hbm>>) dst(%dma_wait3A_482 : memref<128x128xf32, #tpu.memory_space<vmem>>)
      %dma_start3A_489 = arith.constant 0 : i32
      %dma_start3A_490 = arith.constant 6 : i32
      %dma_start3A_491 = arith.constant 0 : i32
      %dma_start3A_492 = arith.constant 0 : i32
      %dma_start3A_493 = tpu.memref_slice %arg9[%dma_start3A_489, %dma_start3A_491, %dma_start3A_492] : memref<2x128x128xf32, #tpu.memory_space<vmem>> -> memref<1x128x128xf32, #tpu.memory_space<vmem>>
      %dma_start3A_494 = tpu.memref_squeeze %dma_start3A_493 : memref<1x128x128xf32, #tpu.memory_space<vmem>> -> memref<128x128xf32, #tpu.memory_space<vmem>>
      %dma_start3A_495 = arith.constant 0 : i32
      %dma_start3A_496 = tpu.memref_slice %arg8[%rem3A_94, %dma_start3A_490, %dma_start3A_495] : memref<3x8x128xi32, #tpu.memory_space<vmem>> -> memref<1x1x128xi32, #tpu.memory_space<vmem>>
      %dma_start3A_497 = tpu.memref_squeeze %dma_start3A_496 : memref<1x1x128xi32, #tpu.memory_space<vmem>> -> memref<128xi32, #tpu.memory_space<vmem>>
      %dma_start3A_498 = arith.constant 0 : i32
      %dma_start3A_499 = arith.constant 0 : i32
      %dma_start3A_500 = tpu.memref_slice %arg10[%dma_start3A_498, %dma_start3A_499] : memref<10240x128xf32, #tpu.memory_space<vmem_shared>> -> memref<10240x128xf32, #tpu.memory_space<vmem_shared>>
      tpu.enqueue_indirect_dma source(%dma_start3A_494 : memref<128x128xf32, #tpu.memory_space<vmem>>) target(%dma_start3A_500 : memref<10240x128xf32, #tpu.memory_space<vmem_shared>>) offsets(%dma_start3A_497 : memref<128xi32, #tpu.memory_space<vmem>>) semaphore(%arg13 : memref<!tpu.dma_semaphore, #tpu.memory_space<semaphore_mem>>) {add = true}
    }
    %scan3A_38 = arith.constant 10 : i32
    %dma_wait3A = arith.constant 0 : i32
    %dma_wait3A_39 = arith.constant 0 : i32
    %dma_wait3A_40 = arith.constant 1 : i32
    %dma_wait3A_41 = arith.constant 0 : i32
    %dma_wait3A_42 = arith.constant 0 : i32
    %dma_wait3A_43 = tpu.memref_slice %arg9[%dma_wait3A_40, %dma_wait3A_41, %dma_wait3A_42] : memref<2x128x128xf32, #tpu.memory_space<vmem>> -> memref<1x128x128xf32, #tpu.memory_space<vmem>>
    %dma_wait3A_44 = tpu.memref_squeeze %dma_wait3A_43 : memref<1x128x128xf32, #tpu.memory_space<vmem>> -> memref<128x128xf32, #tpu.memory_space<vmem>>
    %dma_wait3A_45 = arith.constant 0 : i32
    %dma_wait3A_46 = tpu.memref_slice %arg7[%dma_wait3A, %dma_wait3A_39, %dma_wait3A_45] : memref<3x8x128xi32, #tpu.memory_space<vmem>> -> memref<1x1x128xi32, #tpu.memory_space<vmem>>
    %dma_wait3A_47 = tpu.memref_squeeze %dma_wait3A_46 : memref<1x1x128xi32, #tpu.memory_space<vmem>> -> memref<128xi32, #tpu.memory_space<vmem>>
    %dma_wait3A_48 = arith.constant 0 : i32
    %dma_wait3A_49 = arith.constant 0 : i32
    %dma_wait3A_50 = tpu.memref_slice %arg2[%dma_wait3A_48, %dma_wait3A_49] : memref<10000x128xf32, #tpu.memory_space<hbm>> -> memref<10000x128xf32, #tpu.memory_space<hbm>>
    tpu.wait_indirect_dma semaphore(%arg12 : memref<!tpu.dma_semaphore, #tpu.memory_space<semaphore_mem>>) src(%dma_wait3A_50 : memref<10000x128xf32, #tpu.memory_space<hbm>>) dst(%dma_wait3A_44 : memref<128x128xf32, #tpu.memory_space<vmem>>)
    %dma_start3A_51 = arith.constant 1 : i32
    %dma_start3A_52 = arith.constant 0 : i32
    %dma_start3A_53 = arith.constant 7 : i32
    %dma_start3A_54 = arith.constant 0 : i32
    %dma_start3A_55 = arith.constant 0 : i32
    %dma_start3A_56 = tpu.memref_slice %arg9[%dma_start3A_51, %dma_start3A_54, %dma_start3A_55] : memref<2x128x128xf32, #tpu.memory_space<vmem>> -> memref<1x128x128xf32, #tpu.memory_space<vmem>>
    %dma_start3A_57 = tpu.memref_squeeze %dma_start3A_56 : memref<1x128x128xf32, #tpu.memory_space<vmem>> -> memref<128x128xf32, #tpu.memory_space<vmem>>
    %dma_start3A_58 = arith.constant 0 : i32
    %dma_start3A_59 = tpu.memref_slice %arg8[%dma_start3A_52, %dma_start3A_53, %dma_start3A_58] : memref<3x8x128xi32, #tpu.memory_space<vmem>> -> memref<1x1x128xi32, #tpu.memory_space<vmem>>
    %dma_start3A_60 = tpu.memref_squeeze %dma_start3A_59 : memref<1x1x128xi32, #tpu.memory_space<vmem>> -> memref<128xi32, #tpu.memory_space<vmem>>
    %dma_start3A_61 = arith.constant 0 : i32
    %dma_start3A_62 = arith.constant 0 : i32
    %dma_start3A_63 = tpu.memref_slice %arg10[%dma_start3A_61, %dma_start3A_62] : memref<10240x128xf32, #tpu.memory_space<vmem_shared>> -> memref<10240x128xf32, #tpu.memory_space<vmem_shared>>
    tpu.enqueue_indirect_dma source(%dma_start3A_57 : memref<128x128xf32, #tpu.memory_space<vmem>>) target(%dma_start3A_63 : memref<10240x128xf32, #tpu.memory_space<vmem_shared>>) offsets(%dma_start3A_60 : memref<128xi32, #tpu.memory_space<vmem>>) semaphore(%arg14 : memref<!tpu.dma_semaphore, #tpu.memory_space<semaphore_mem>>) {add = true}
    %dma_wait3A_64 = arith.constant 0 : i32
    %dma_wait3A_65 = arith.constant 0 : i32
    %dma_wait3A_66 = arith.constant 0 : i32
    %dma_wait3A_67 = arith.constant 0 : i32
    %dma_wait3A_68 = arith.constant 0 : i32
    %dma_wait3A_69 = tpu.memref_slice %arg9[%dma_wait3A_64, %dma_wait3A_67, %dma_wait3A_68] : memref<2x128x128xf32, #tpu.memory_space<vmem>> -> memref<1x128x128xf32, #tpu.memory_space<vmem>>
    %dma_wait3A_70 = tpu.memref_squeeze %dma_wait3A_69 : memref<1x128x128xf32, #tpu.memory_space<vmem>> -> memref<128x128xf32, #tpu.memory_space<vmem>>
    %dma_wait3A_71 = arith.constant 0 : i32
    %dma_wait3A_72 = tpu.memref_slice %arg8[%dma_wait3A_65, %dma_wait3A_66, %dma_wait3A_71] : memref<3x8x128xi32, #tpu.memory_space<vmem>> -> memref<1x1x128xi32, #tpu.memory_space<vmem>>
    %dma_wait3A_73 = tpu.memref_squeeze %dma_wait3A_72 : memref<1x1x128xi32, #tpu.memory_space<vmem>> -> memref<128xi32, #tpu.memory_space<vmem>>
    %dma_wait3A_74 = arith.constant 0 : i32
    %dma_wait3A_75 = arith.constant 0 : i32
    %dma_wait3A_76 = tpu.memref_slice %arg10[%dma_wait3A_74, %dma_wait3A_75] : memref<10240x128xf32, #tpu.memory_space<vmem_shared>> -> memref<10240x128xf32, #tpu.memory_space<vmem_shared>>
    tpu.wait_indirect_dma semaphore(%arg13 : memref<!tpu.dma_semaphore, #tpu.memory_space<semaphore_mem>>) src(%dma_wait3A_70 : memref<128x128xf32, #tpu.memory_space<vmem>>) dst(%dma_wait3A_76 : memref<10240x128xf32, #tpu.memory_space<vmem_shared>>)
    %dma_wait3A_77 = arith.constant 1 : i32
    %dma_wait3A_78 = arith.constant 0 : i32
    %dma_wait3A_79 = arith.constant 0 : i32
    %dma_wait3A_80 = arith.constant 0 : i32
    %dma_wait3A_81 = arith.constant 0 : i32
    %dma_wait3A_82 = tpu.memref_slice %arg9[%dma_wait3A_77, %dma_wait3A_80, %dma_wait3A_81] : memref<2x128x128xf32, #tpu.memory_space<vmem>> -> memref<1x128x128xf32, #tpu.memory_space<vmem>>
    %dma_wait3A_83 = tpu.memref_squeeze %dma_wait3A_82 : memref<1x128x128xf32, #tpu.memory_space<vmem>> -> memref<128x128xf32, #tpu.memory_space<vmem>>
    %dma_wait3A_84 = arith.constant 0 : i32
    %dma_wait3A_85 = tpu.memref_slice %arg8[%dma_wait3A_78, %dma_wait3A_79, %dma_wait3A_84] : memref<3x8x128xi32, #tpu.memory_space<vmem>> -> memref<1x1x128xi32, #tpu.memory_space<vmem>>
    %dma_wait3A_86 = tpu.memref_squeeze %dma_wait3A_85 : memref<1x1x128xi32, #tpu.memory_space<vmem>> -> memref<128xi32, #tpu.memory_space<vmem>>
    %dma_wait3A_87 = arith.constant 0 : i32
    %dma_wait3A_88 = arith.constant 0 : i32
    %dma_wait3A_89 = tpu.memref_slice %arg10[%dma_wait3A_87, %dma_wait3A_88] : memref<10240x128xf32, #tpu.memory_space<vmem_shared>> -> memref<10240x128xf32, #tpu.memory_space<vmem_shared>>
    tpu.wait_indirect_dma semaphore(%arg14 : memref<!tpu.dma_semaphore, #tpu.memory_space<semaphore_mem>>) src(%dma_wait3A_83 : memref<128x128xf32, #tpu.memory_space<vmem>>) dst(%dma_wait3A_89 : memref<10240x128xf32, #tpu.memory_space<vmem_shared>>)
    %barrier3A_90 = arith.constant 0 : index
    tpu.barrier barrier_id(%barrier3A_90)
    %mul3A_91 = arith.constant 640 : i32
    %mul3A_92 = arith.muli %arg1, %mul3A_91 : i32
    "tpu.region"() ({
      %run_scoped3A = tpu.sem_alloc : memref<!tpu.dma_semaphore, #tpu.memory_space<semaphore_mem>>
      %dma_start3A_93 = arith.constant 0 : i32
      %dma_start3A_94 = tpu.memref_slice %arg6[%arg0, %mul3A_92, %dma_start3A_93] : memref<2x10240x128xf32, #tpu.memory_space<hbm>> -> memref<1x640x128xf32, #tpu.memory_space<hbm>>
      %dma_start3A_95 = tpu.memref_squeeze %dma_start3A_94 : memref<1x640x128xf32, #tpu.memory_space<hbm>> -> memref<640x128xf32, #tpu.memory_space<hbm>>
      %dma_start3A_96 = arith.constant 0 : i32
      %dma_start3A_97 = tpu.memref_slice %arg10[%mul3A_92, %dma_start3A_96] : memref<10240x128xf32, #tpu.memory_space<vmem_shared>> -> memref<640x128xf32, #tpu.memory_space<vmem_shared>>
      tpu.enqueue_dma source(%dma_start3A_97 : memref<640x128xf32, #tpu.memory_space<vmem_shared>>) target(%dma_start3A_95 : memref<640x128xf32, #tpu.memory_space<hbm>>) target_semaphore(%run_scoped3A : memref<!tpu.dma_semaphore, #tpu.memory_space<semaphore_mem>>)
      %dma_wait3A_98 = arith.constant 0 : i32
      %dma_wait3A_99 = tpu.memref_slice %arg6[%arg0, %mul3A_92, %dma_wait3A_98] : memref<2x10240x128xf32, #tpu.memory_space<hbm>> -> memref<1x640x128xf32, #tpu.memory_space<hbm>>
      %dma_wait3A_100 = tpu.memref_squeeze %dma_wait3A_99 : memref<1x640x128xf32, #tpu.memory_space<hbm>> -> memref<640x128xf32, #tpu.memory_space<hbm>>
      %dma_wait3A_101 = arith.constant 0 : i32
      %dma_wait3A_102 = tpu.memref_slice %arg10[%mul3A_92, %dma_wait3A_101] : memref<10240x128xf32, #tpu.memory_space<vmem_shared>> -> memref<640x128xf32, #tpu.memory_space<vmem_shared>>
      tpu.wait_dma2 semaphore(%run_scoped3A : memref<!tpu.dma_semaphore, #tpu.memory_space<semaphore_mem>>) src(%dma_wait3A_102 : memref<640x128xf32, #tpu.memory_space<vmem_shared>>) dst(%dma_wait3A_100 : memref<640x128xf32, #tpu.memory_space<hbm>>)
      tpu.yield
    }) : () -> ()
    return
  }
}

#map = affine_map<(d0, d1) -> (0, 0)>
#map1 = affine_map<(d0, d1) -> (0, 0, 0, 0)>
#map2 = affine_map<(d0, d1) -> (0, 0, 0)>
module attributes {stable_mosaic.version = 14 : i64} {
  func.func @agg_kernel(%arg0: i32, %arg1: i32, %arg2: memref<20000x128xf32, #tpu.memory_space<hbm>>, %arg3: memref<2x16x80x128xi32, #tpu.memory_space<hbm>>, %arg4: memref<2x16x80x128xi32, #tpu.memory_space<hbm>>, %arg5: memref<640x128xf32, #tpu.memory_space<hbm>>, %arg6: memref<2x10240x128xf32, #tpu.memory_space<hbm>>, %arg7: memref<3x8x128xi32, #tpu.memory_space<vmem>>, %arg8: memref<3x8x128xi32, #tpu.memory_space<vmem>>, %arg9: memref<2x128x128xf32, #tpu.memory_space<vmem>>, %arg10: memref<10240x128xf32, #tpu.memory_space<vmem_shared>>, %arg11: memref<!tpu.dma_semaphore, #tpu.memory_space<semaphore_mem>>, %arg12: memref<!tpu.dma_semaphore, #tpu.memory_space<semaphore_mem>>, %arg13: memref<!tpu.dma_semaphore, #tpu.memory_space<semaphore_mem>>, %arg14: memref<!tpu.dma_semaphore, #tpu.memory_space<semaphore_mem>>, %arg15: memref<!tpu.dma_semaphore, #tpu.memory_space<semaphore_mem>>) attributes {dimension_semantics = [#tpu.dimension_semantics<core_parallel>, #tpu.dimension_semantics<subcore_parallel>], iteration_bounds = array<i64: 2, 16>, scalar_prefetch = 0 : i64, scratch_operands = 9 : i64, tpu.core_type = #tpu.core_type<sc_vector_subcore>, window_params = [{transform_indices = #map}, {transform_indices = #map1}, {transform_indices = #map1}, {transform_indices = #map}, {transform_indices = #map2}]} {
    %mul3A = arith.constant 640 : i32
    %mul3A_0 = arith.muli %arg1, %mul3A : i32
    "tpu.region"() ({
      %run_scoped3A = tpu.sem_alloc : memref<!tpu.dma_semaphore, #tpu.memory_space<semaphore_mem>>
      %dma_start3A_93 = arith.constant 0 : i32
      %dma_start3A_94 = tpu.memref_slice %arg10[%mul3A_0, %dma_start3A_93] : memref<10240x128xf32, #tpu.memory_space<vmem_shared>> -> memref<640x128xf32, #tpu.memory_space<vmem_shared>>
      tpu.enqueue_dma source(%arg5 : memref<640x128xf32, #tpu.memory_space<hbm>>) target(%dma_start3A_94 : memref<640x128xf32, #tpu.memory_space<vmem_shared>>) target_semaphore(%run_scoped3A : memref<!tpu.dma_semaphore, #tpu.memory_space<semaphore_mem>>)
      %dma_wait3A_95 = arith.constant 0 : i32
      %dma_wait3A_96 = tpu.memref_slice %arg10[%mul3A_0, %dma_wait3A_95] : memref<10240x128xf32, #tpu.memory_space<vmem_shared>> -> memref<640x128xf32, #tpu.memory_space<vmem_shared>>
      tpu.wait_dma2 semaphore(%run_scoped3A : memref<!tpu.dma_semaphore, #tpu.memory_space<semaphore_mem>>) src(%arg5 : memref<640x128xf32, #tpu.memory_space<hbm>>) dst(%dma_wait3A_96 : memref<640x128xf32, #tpu.memory_space<vmem_shared>>)
      tpu.yield
    }) : () -> ()
    %barrier3A = arith.constant 0 : index
    tpu.barrier barrier_id(%barrier3A)
    %dma_start3A = arith.constant 0 : i32
    %dma_start3A_1 = arith.constant 0 : i32
    %dma_start3A_2 = arith.constant 0 : i32
    %dma_start3A_3 = tpu.memref_slice %arg7[%dma_start3A, %dma_start3A_1, %dma_start3A_2] : memref<3x8x128xi32, #tpu.memory_space<vmem>> -> memref<1x8x128xi32, #tpu.memory_space<vmem>>
    %dma_start3A_4 = tpu.memref_squeeze %dma_start3A_3 : memref<1x8x128xi32, #tpu.memory_space<vmem>> -> memref<8x128xi32, #tpu.memory_space<vmem>>
    %dma_start3A_5 = arith.constant 0 : i32
    %dma_start3A_6 = arith.constant 0 : i32
    %dma_start3A_7 = tpu.memref_slice %arg3[%arg0, %arg1, %dma_start3A_5, %dma_start3A_6] : memref<2x16x80x128xi32, #tpu.memory_space<hbm>> -> memref<1x1x8x128xi32, #tpu.memory_space<hbm>>
    %dma_start3A_8 = tpu.memref_squeeze %dma_start3A_7 : memref<1x1x8x128xi32, #tpu.memory_space<hbm>> -> memref<8x128xi32, #tpu.memory_space<hbm>>
    %dma_start3A_9 = arith.constant 0 : i32
    %dma_start3A_10 = arith.constant 0 : i32
    %dma_start3A_11 = tpu.memref_slice %arg7[%dma_start3A, %dma_start3A_9, %dma_start3A_10] : memref<3x8x128xi32, #tpu.memory_space<vmem>> -> memref<1x8x128xi32, #tpu.memory_space<vmem>>
    %dma_start3A_12 = tpu.memref_squeeze %dma_start3A_11 : memref<1x8x128xi32, #tpu.memory_space<vmem>> -> memref<8x128xi32, #tpu.memory_space<vmem>>
    %dma_start3A_13 = arith.constant 0 : i32
    %dma_start3A_14 = arith.constant 0 : i32
    %dma_start3A_15 = tpu.memref_slice %arg3[%arg0, %arg1, %dma_start3A_13, %dma_start3A_14] : memref<2x16x80x128xi32, #tpu.memory_space<hbm>> -> memref<1x1x8x128xi32, #tpu.memory_space<hbm>>
    %dma_start3A_16 = tpu.memref_squeeze %dma_start3A_15 : memref<1x1x8x128xi32, #tpu.memory_space<hbm>> -> memref<8x128xi32, #tpu.memory_space<hbm>>
    tpu.enqueue_dma source(%dma_start3A_16 : memref<8x128xi32, #tpu.memory_space<hbm>>) target(%dma_start3A_12 : memref<8x128xi32, #tpu.memory_space<vmem>>) target_semaphore(%arg15 : memref<!tpu.dma_semaphore, #tpu.memory_space<semaphore_mem>>)
    %dma_start3A_17 = arith.constant 0 : i32
    %dma_start3A_18 = arith.constant 0 : i32
    %dma_start3A_19 = arith.constant 0 : i32
    %dma_start3A_20 = tpu.memref_slice %arg8[%dma_start3A_17, %dma_start3A_18, %dma_start3A_19] : memref<3x8x128xi32, #tpu.memory_space<vmem>> -> memref<1x8x128xi32, #tpu.memory_space<vmem>>
    %dma_start3A_21 = tpu.memref_squeeze %dma_start3A_20 : memref<1x8x128xi32, #tpu.memory_space<vmem>> -> memref<8x128xi32, #tpu.memory_space<vmem>>
    %dma_start3A_22 = arith.constant 0 : i32
    %dma_start3A_23 = arith.constant 0 : i32
    %dma_start3A_24 = tpu.memref_slice %arg4[%arg0, %arg1, %dma_start3A_22, %dma_start3A_23] : memref<2x16x80x128xi32, #tpu.memory_space<hbm>> -> memref<1x1x8x128xi32, #tpu.memory_space<hbm>>
    %dma_start3A_25 = tpu.memref_squeeze %dma_start3A_24 : memref<1x1x8x128xi32, #tpu.memory_space<hbm>> -> memref<8x128xi32, #tpu.memory_space<hbm>>
    %dma_start3A_26 = arith.constant 0 : i32
    %dma_start3A_27 = arith.constant 0 : i32
    %dma_start3A_28 = tpu.memref_slice %arg8[%dma_start3A_17, %dma_start3A_26, %dma_start3A_27] : memref<3x8x128xi32, #tpu.memory_space<vmem>> -> memref<1x8x128xi32, #tpu.memory_space<vmem>>
    %dma_start3A_29 = tpu.memref_squeeze %dma_start3A_28 : memref<1x8x128xi32, #tpu.memory_space<vmem>> -> memref<8x128xi32, #tpu.memory_space<vmem>>
    %dma_start3A_30 = arith.constant 0 : i32
    %dma_start3A_31 = arith.constant 0 : i32
    %dma_start3A_32 = tpu.memref_slice %arg4[%arg0, %arg1, %dma_start3A_30, %dma_start3A_31] : memref<2x16x80x128xi32, #tpu.memory_space<hbm>> -> memref<1x1x8x128xi32, #tpu.memory_space<hbm>>
    %dma_start3A_33 = tpu.memref_squeeze %dma_start3A_32 : memref<1x1x8x128xi32, #tpu.memory_space<hbm>> -> memref<8x128xi32, #tpu.memory_space<hbm>>
    tpu.enqueue_dma source(%dma_start3A_33 : memref<8x128xi32, #tpu.memory_space<hbm>>) target(%dma_start3A_29 : memref<8x128xi32, #tpu.memory_space<vmem>>) target_semaphore(%arg15 : memref<!tpu.dma_semaphore, #tpu.memory_space<semaphore_mem>>)
    %scan3A = arith.constant 0 : i32
    %scan3A_34 = arith.constant 0 : i32
    %scan3A_35 = arith.constant 10 : i32
    %scan3A_36 = arith.addi %scan3A_34, %scan3A_35 : i32
    %scan3A_37 = arith.constant 1 : i32
    scf.for %scan3A_93 = %scan3A_34 to %scan3A_36 step %scan3A_37  : i32 {
      %rem3A = arith.constant 3 : i32
      %rem3A_94 = arith.remsi %scan3A_93, %rem3A : i32
      %add3A = arith.constant 2 : i32
      %add3A_95 = arith.addi %scan3A_93, %add3A : i32
      %rem3A_96 = arith.constant 3 : i32
      %rem3A_97 = arith.remsi %add3A_95, %rem3A_96 : i32
      %add3A_98 = arith.constant 1 : i32
      %add3A_99 = arith.addi %scan3A_93, %add3A_98 : i32
      %rem3A_100 = arith.constant 3 : i32
      %rem3A_101 = arith.remsi %add3A_99, %rem3A_100 : i32
      %dma_wait3A_102 = arith.constant 0 : i32
      %dma_wait3A_103 = arith.constant 0 : i32
      %dma_wait3A_104 = arith.constant 0 : i32
      %dma_wait3A_105 = tpu.memref_slice %arg7[%dma_wait3A_102, %dma_wait3A_103, %dma_wait3A_104] : memref<3x8x128xi32, #tpu.memory_space<vmem>> -> memref<1x8x128xi32, #tpu.memory_space<vmem>>
      %dma_wait3A_106 = tpu.memref_squeeze %dma_wait3A_105 : memref<1x8x128xi32, #tpu.memory_space<vmem>> -> memref<8x128xi32, #tpu.memory_space<vmem>>
      %dma_wait3A_107 = arith.constant 0 : i32
      %dma_wait3A_108 = arith.constant 0 : i32
      %dma_wait3A_109 = tpu.memref_slice %arg3[%arg0, %arg1, %dma_wait3A_107, %dma_wait3A_108] : memref<2x16x80x128xi32, #tpu.memory_space<hbm>> -> memref<1x1x8x128xi32, #tpu.memory_space<hbm>>
      %dma_wait3A_110 = tpu.memref_squeeze %dma_wait3A_109 : memref<1x1x8x128xi32, #tpu.memory_space<hbm>> -> memref<8x128xi32, #tpu.memory_space<hbm>>
      %dma_wait3A_111 = arith.constant 0 : i32
      %dma_wait3A_112 = arith.constant 0 : i32
      %dma_wait3A_113 = tpu.memref_slice %arg7[%dma_wait3A_102, %dma_wait3A_111, %dma_wait3A_112] : memref<3x8x128xi32, #tpu.memory_space<vmem>> -> memref<1x8x128xi32, #tpu.memory_space<vmem>>
      %dma_wait3A_114 = tpu.memref_squeeze %dma_wait3A_113 : memref<1x8x128xi32, #tpu.memory_space<vmem>> -> memref<8x128xi32, #tpu.memory_space<vmem>>
      %dma_wait3A_115 = arith.constant 0 : i32
      %dma_wait3A_116 = arith.constant 0 : i32
      %dma_wait3A_117 = tpu.memref_slice %arg3[%arg0, %arg1, %dma_wait3A_115, %dma_wait3A_116] : memref<2x16x80x128xi32, #tpu.memory_space<hbm>> -> memref<1x1x8x128xi32, #tpu.memory_space<hbm>>
      %dma_wait3A_118 = tpu.memref_squeeze %dma_wait3A_117 : memref<1x1x8x128xi32, #tpu.memory_space<hbm>> -> memref<8x128xi32, #tpu.memory_space<hbm>>
      tpu.wait_dma2 semaphore(%arg15 : memref<!tpu.dma_semaphore, #tpu.memory_space<semaphore_mem>>) src(%dma_wait3A_118 : memref<8x128xi32, #tpu.memory_space<hbm>>) dst(%dma_wait3A_114 : memref<8x128xi32, #tpu.memory_space<vmem>>)
      %dma_wait3A_119 = arith.constant 0 : i32
      %dma_wait3A_120 = arith.constant 0 : i32
      %dma_wait3A_121 = arith.constant 0 : i32
      %dma_wait3A_122 = tpu.memref_slice %arg8[%dma_wait3A_119, %dma_wait3A_120, %dma_wait3A_121] : memref<3x8x128xi32, #tpu.memory_space<vmem>> -> memref<1x8x128xi32, #tpu.memory_space<vmem>>
      %dma_wait3A_123 = tpu.memref_squeeze %dma_wait3A_122 : memref<1x8x128xi32, #tpu.memory_space<vmem>> -> memref<8x128xi32, #tpu.memory_space<vmem>>
      %dma_wait3A_124 = arith.constant 0 : i32
      %dma_wait3A_125 = arith.constant 0 : i32
      %dma_wait3A_126 = tpu.memref_slice %arg4[%arg0, %arg1, %dma_wait3A_124, %dma_wait3A_125] : memref<2x16x80x128xi32, #tpu.memory_space<hbm>> -> memref<1x1x8x128xi32, #tpu.memory_space<hbm>>
      %dma_wait3A_127 = tpu.memref_squeeze %dma_wait3A_126 : memref<1x1x8x128xi32, #tpu.memory_space<hbm>> -> memref<8x128xi32, #tpu.memory_space<hbm>>
      %dma_wait3A_128 = arith.constant 0 : i32
      %dma_wait3A_129 = arith.constant 0 : i32
      %dma_wait3A_130 = tpu.memref_slice %arg8[%dma_wait3A_119, %dma_wait3A_128, %dma_wait3A_129] : memref<3x8x128xi32, #tpu.memory_space<vmem>> -> memref<1x8x128xi32, #tpu.memory_space<vmem>>
      %dma_wait3A_131 = tpu.memref_squeeze %dma_wait3A_130 : memref<1x8x128xi32, #tpu.memory_space<vmem>> -> memref<8x128xi32, #tpu.memory_space<vmem>>
      %dma_wait3A_132 = arith.constant 0 : i32
      %dma_wait3A_133 = arith.constant 0 : i32
      %dma_wait3A_134 = tpu.memref_slice %arg4[%arg0, %arg1, %dma_wait3A_132, %dma_wait3A_133] : memref<2x16x80x128xi32, #tpu.memory_space<hbm>> -> memref<1x1x8x128xi32, #tpu.memory_space<hbm>>
      %dma_wait3A_135 = tpu.memref_squeeze %dma_wait3A_134 : memref<1x1x8x128xi32, #tpu.memory_space<hbm>> -> memref<8x128xi32, #tpu.memory_space<hbm>>
      tpu.wait_dma2 semaphore(%arg15 : memref<!tpu.dma_semaphore, #tpu.memory_space<semaphore_mem>>) src(%dma_wait3A_135 : memref<8x128xi32, #tpu.memory_space<hbm>>) dst(%dma_wait3A_131 : memref<8x128xi32, #tpu.memory_space<vmem>>)
      %lt3A = arith.constant 9 : i32
      %lt3A_136 = arith.cmpi slt, %scan3A_93, %lt3A : i32
      %convert_element_type3A = arith.extui %lt3A_136 : i1 to i32
      %cond3A = arith.constant 0 : i32
      %cond3A_137 = arith.cmpi ne, %convert_element_type3A, %cond3A : i32
      scf.if %cond3A_137 {
        %add3A_501 = arith.constant 1 : i32
        %add3A_502 = arith.addi %scan3A_93, %add3A_501 : i32
        %mul3A_503 = arith.constant 8 : i32
        %mul3A_504 = arith.muli %add3A_502, %mul3A_503 : i32
        %dma_start3A_505 = arith.constant 0 : i32
        %dma_start3A_506 = arith.constant 0 : i32
        %dma_start3A_507 = tpu.memref_slice %arg7[%rem3A_101, %dma_start3A_505, %dma_start3A_506] : memref<3x8x128xi32, #tpu.memory_space<vmem>> -> memref<1x8x128xi32, #tpu.memory_space<vmem>>
        %dma_start3A_508 = tpu.memref_squeeze %dma_start3A_507 : memref<1x8x128xi32, #tpu.memory_space<vmem>> -> memref<8x128xi32, #tpu.memory_space<vmem>>
        %dma_start3A_509 = arith.constant 0 : i32
        %dma_start3A_510 = tpu.memref_slice %arg3[%arg0, %arg1, %mul3A_504, %dma_start3A_509] : memref<2x16x80x128xi32, #tpu.memory_space<hbm>> -> memref<1x1x8x128xi32, #tpu.memory_space<hbm>>
        %dma_start3A_511 = tpu.memref_squeeze %dma_start3A_510 : memref<1x1x8x128xi32, #tpu.memory_space<hbm>> -> memref<8x128xi32, #tpu.memory_space<hbm>>
        %dma_start3A_512 = arith.constant 0 : i32
        %dma_start3A_513 = arith.constant 0 : i32
        %dma_start3A_514 = tpu.memref_slice %arg7[%rem3A_101, %dma_start3A_512, %dma_start3A_513] : memref<3x8x128xi32, #tpu.memory_space<vmem>> -> memref<1x8x128xi32, #tpu.memory_space<vmem>>
        %dma_start3A_515 = tpu.memref_squeeze %dma_start3A_514 : memref<1x8x128xi32, #tpu.memory_space<vmem>> -> memref<8x128xi32, #tpu.memory_space<vmem>>
        %dma_start3A_516 = arith.constant 0 : i32
        %dma_start3A_517 = tpu.memref_slice %arg3[%arg0, %arg1, %mul3A_504, %dma_start3A_516] : memref<2x16x80x128xi32, #tpu.memory_space<hbm>> -> memref<1x1x8x128xi32, #tpu.memory_space<hbm>>
        %dma_start3A_518 = tpu.memref_squeeze %dma_start3A_517 : memref<1x1x8x128xi32, #tpu.memory_space<hbm>> -> memref<8x128xi32, #tpu.memory_space<hbm>>
        tpu.enqueue_dma source(%dma_start3A_518 : memref<8x128xi32, #tpu.memory_space<hbm>>) target(%dma_start3A_515 : memref<8x128xi32, #tpu.memory_space<vmem>>) target_semaphore(%arg15 : memref<!tpu.dma_semaphore, #tpu.memory_space<semaphore_mem>>)
        %mul3A_519 = arith.constant 8 : i32
        %mul3A_520 = arith.muli %add3A_502, %mul3A_519 : i32
        %dma_start3A_521 = arith.constant 0 : i32
        %dma_start3A_522 = arith.constant 0 : i32
        %dma_start3A_523 = tpu.memref_slice %arg8[%rem3A_101, %dma_start3A_521, %dma_start3A_522] : memref<3x8x128xi32, #tpu.memory_space<vmem>> -> memref<1x8x128xi32, #tpu.memory_space<vmem>>
        %dma_start3A_524 = tpu.memref_squeeze %dma_start3A_523 : memref<1x8x128xi32, #tpu.memory_space<vmem>> -> memref<8x128xi32, #tpu.memory_space<vmem>>
        %dma_start3A_525 = arith.constant 0 : i32
        %dma_start3A_526 = tpu.memref_slice %arg4[%arg0, %arg1, %mul3A_520, %dma_start3A_525] : memref<2x16x80x128xi32, #tpu.memory_space<hbm>> -> memref<1x1x8x128xi32, #tpu.memory_space<hbm>>
        %dma_start3A_527 = tpu.memref_squeeze %dma_start3A_526 : memref<1x1x8x128xi32, #tpu.memory_space<hbm>> -> memref<8x128xi32, #tpu.memory_space<hbm>>
        %dma_start3A_528 = arith.constant 0 : i32
        %dma_start3A_529 = arith.constant 0 : i32
        %dma_start3A_530 = tpu.memref_slice %arg8[%rem3A_101, %dma_start3A_528, %dma_start3A_529] : memref<3x8x128xi32, #tpu.memory_space<vmem>> -> memref<1x8x128xi32, #tpu.memory_space<vmem>>
        %dma_start3A_531 = tpu.memref_squeeze %dma_start3A_530 : memref<1x8x128xi32, #tpu.memory_space<vmem>> -> memref<8x128xi32, #tpu.memory_space<vmem>>
        %dma_start3A_532 = arith.constant 0 : i32
        %dma_start3A_533 = tpu.memref_slice %arg4[%arg0, %arg1, %mul3A_520, %dma_start3A_532] : memref<2x16x80x128xi32, #tpu.memory_space<hbm>> -> memref<1x1x8x128xi32, #tpu.memory_space<hbm>>
        %dma_start3A_534 = tpu.memref_squeeze %dma_start3A_533 : memref<1x1x8x128xi32, #tpu.memory_space<hbm>> -> memref<8x128xi32, #tpu.memory_space<hbm>>
        tpu.enqueue_dma source(%dma_start3A_534 : memref<8x128xi32, #tpu.memory_space<hbm>>) target(%dma_start3A_531 : memref<8x128xi32, #tpu.memory_space<vmem>>) target_semaphore(%arg15 : memref<!tpu.dma_semaphore, #tpu.memory_space<semaphore_mem>>)
      } else {
      }
      %ge3A = arith.constant 1 : i32
      %ge3A_138 = arith.cmpi sge, %scan3A_93, %ge3A : i32
      %convert_element_type3A_139 = arith.extui %ge3A_138 : i1 to i32
      %cond3A_140 = arith.constant 0 : i32
      %cond3A_141 = arith.cmpi ne, %convert_element_type3A_139, %cond3A_140 : i32
      scf.if %cond3A_141 {
        %dma_wait3A_501 = arith.constant 0 : i32
        %dma_wait3A_502 = arith.constant 0 : i32
        %dma_wait3A_503 = arith.constant 0 : i32
        %dma_wait3A_504 = arith.constant 0 : i32
        %dma_wait3A_505 = arith.constant 0 : i32
        %dma_wait3A_506 = tpu.memref_slice %arg9[%dma_wait3A_501, %dma_wait3A_504, %dma_wait3A_505] : memref<2x128x128xf32, #tpu.memory_space<vmem>> -> memref<1x128x128xf32, #tpu.memory_space<vmem>>
        %dma_wait3A_507 = tpu.memref_squeeze %dma_wait3A_506 : memref<1x128x128xf32, #tpu.memory_space<vmem>> -> memref<128x128xf32, #tpu.memory_space<vmem>>
        %dma_wait3A_508 = arith.constant 0 : i32
        %dma_wait3A_509 = tpu.memref_slice %arg8[%dma_wait3A_502, %dma_wait3A_503, %dma_wait3A_508] : memref<3x8x128xi32, #tpu.memory_space<vmem>> -> memref<1x1x128xi32, #tpu.memory_space<vmem>>
        %dma_wait3A_510 = tpu.memref_squeeze %dma_wait3A_509 : memref<1x1x128xi32, #tpu.memory_space<vmem>> -> memref<128xi32, #tpu.memory_space<vmem>>
        %dma_wait3A_511 = arith.constant 0 : i32
        %dma_wait3A_512 = arith.constant 0 : i32
        %dma_wait3A_513 = tpu.memref_slice %arg10[%dma_wait3A_511, %dma_wait3A_512] : memref<10240x128xf32, #tpu.memory_space<vmem_shared>> -> memref<10240x128xf32, #tpu.memory_space<vmem_shared>>
        tpu.wait_indirect_dma semaphore(%arg13 : memref<!tpu.dma_semaphore, #tpu.memory_space<semaphore_mem>>) src(%dma_wait3A_507 : memref<128x128xf32, #tpu.memory_space<vmem>>) dst(%dma_wait3A_513 : memref<10240x128xf32, #tpu.memory_space<vmem_shared>>)
      } else {
      }
      %dma_start3A_142 = arith.constant 0 : i32
      %dma_start3A_143 = arith.constant 0 : i32
      %dma_start3A_144 = arith.constant 0 : i32
      %dma_start3A_145 = arith.constant 0 : i32
      %dma_start3A_146 = tpu.memref_slice %arg9[%dma_start3A_143, %dma_start3A_144, %dma_start3A_145] : memref<2x128x128xf32, #tpu.memory_space<vmem>> -> memref<1x128x128xf32, #tpu.memory_space<vmem>>
      %dma_start3A_147 = tpu.memref_squeeze %dma_start3A_146 : memref<1x128x128xf32, #tpu.memory_space<vmem>> -> memref<128x128xf32, #tpu.memory_space<vmem>>
      %dma_start3A_148 = arith.constant 0 : i32
      %dma_start3A_149 = tpu.memref_slice %arg7[%rem3A_94, %dma_start3A_142, %dma_start3A_148] : memref<3x8x128xi32, #tpu.memory_space<vmem>> -> memref<1x1x128xi32, #tpu.memory_space<vmem>>
      %dma_start3A_150 = tpu.memref_squeeze %dma_start3A_149 : memref<1x1x128xi32, #tpu.memory_space<vmem>> -> memref<128xi32, #tpu.memory_space<vmem>>
      %dma_start3A_151 = arith.constant 0 : i32
      %dma_start3A_152 = arith.constant 0 : i32
      %dma_start3A_153 = tpu.memref_slice %arg2[%dma_start3A_151, %dma_start3A_152] : memref<20000x128xf32, #tpu.memory_space<hbm>> -> memref<20000x128xf32, #tpu.memory_space<hbm>>
      tpu.enqueue_indirect_dma source(%dma_start3A_153 : memref<20000x128xf32, #tpu.memory_space<hbm>>) target(%dma_start3A_147 : memref<128x128xf32, #tpu.memory_space<vmem>>) offsets(%dma_start3A_150 : memref<128xi32, #tpu.memory_space<vmem>>) semaphore(%arg11 : memref<!tpu.dma_semaphore, #tpu.memory_space<semaphore_mem>>)
      %ge3A_154 = arith.constant 1 : i32
      %ge3A_155 = arith.cmpi sge, %scan3A_93, %ge3A_154 : i32
      %convert_element_type3A_156 = arith.extui %ge3A_155 : i1 to i32
      %cond3A_157 = arith.constant 0 : i32
      %cond3A_158 = arith.cmpi ne, %convert_element_type3A_156, %cond3A_157 : i32
      scf.if %cond3A_158 {
        %dma_wait3A_501 = arith.constant 0 : i32
        %dma_wait3A_502 = arith.constant 0 : i32
        %dma_wait3A_503 = arith.constant 1 : i32
        %dma_wait3A_504 = arith.constant 0 : i32
        %dma_wait3A_505 = arith.constant 0 : i32
        %dma_wait3A_506 = tpu.memref_slice %arg9[%dma_wait3A_503, %dma_wait3A_504, %dma_wait3A_505] : memref<2x128x128xf32, #tpu.memory_space<vmem>> -> memref<1x128x128xf32, #tpu.memory_space<vmem>>
        %dma_wait3A_507 = tpu.memref_squeeze %dma_wait3A_506 : memref<1x128x128xf32, #tpu.memory_space<vmem>> -> memref<128x128xf32, #tpu.memory_space<vmem>>
        %dma_wait3A_508 = arith.constant 0 : i32
        %dma_wait3A_509 = tpu.memref_slice %arg7[%dma_wait3A_501, %dma_wait3A_502, %dma_wait3A_508] : memref<3x8x128xi32, #tpu.memory_space<vmem>> -> memref<1x1x128xi32, #tpu.memory_space<vmem>>
        %dma_wait3A_510 = tpu.memref_squeeze %dma_wait3A_509 : memref<1x1x128xi32, #tpu.memory_space<vmem>> -> memref<128xi32, #tpu.memory_space<vmem>>
        %dma_wait3A_511 = arith.constant 0 : i32
        %dma_wait3A_512 = arith.constant 0 : i32
        %dma_wait3A_513 = tpu.memref_slice %arg2[%dma_wait3A_511, %dma_wait3A_512] : memref<20000x128xf32, #tpu.memory_space<hbm>> -> memref<20000x128xf32, #tpu.memory_space<hbm>>
        tpu.wait_indirect_dma semaphore(%arg12 : memref<!tpu.dma_semaphore, #tpu.memory_space<semaphore_mem>>) src(%dma_wait3A_513 : memref<20000x128xf32, #tpu.memory_space<hbm>>) dst(%dma_wait3A_507 : memref<128x128xf32, #tpu.memory_space<vmem>>)
        %dma_start3A_514 = arith.constant 1 : i32
        %dma_start3A_515 = arith.constant 7 : i32
        %dma_start3A_516 = arith.constant 0 : i32
        %dma_start3A_517 = arith.constant 0 : i32
        %dma_start3A_518 = tpu.memref_slice %arg9[%dma_start3A_514, %dma_start3A_516, %dma_start3A_517] : memref<2x128x128xf32, #tpu.memory_space<vmem>> -> memref<1x128x128xf32, #tpu.memory_space<vmem>>
        %dma_start3A_519 = tpu.memref_squeeze %dma_start3A_518 : memref<1x128x128xf32, #tpu.memory_space<vmem>> -> memref<128x128xf32, #tpu.memory_space<vmem>>
        %dma_start3A_520 = arith.constant 0 : i32
        %dma_start3A_521 = tpu.memref_slice %arg8[%rem3A_97, %dma_start3A_515, %dma_start3A_520] : memref<3x8x128xi32, #tpu.memory_space<vmem>> -> memref<1x1x128xi32, #tpu.memory_space<vmem>>
        %dma_start3A_522 = tpu.memref_squeeze %dma_start3A_521 : memref<1x1x128xi32, #tpu.memory_space<vmem>> -> memref<128xi32, #tpu.memory_space<vmem>>
        %dma_start3A_523 = arith.constant 0 : i32
        %dma_start3A_524 = arith.constant 0 : i32
        %dma_start3A_525 = tpu.memref_slice %arg10[%dma_start3A_523, %dma_start3A_524] : memref<10240x128xf32, #tpu.memory_space<vmem_shared>> -> memref<10240x128xf32, #tpu.memory_space<vmem_shared>>
        tpu.enqueue_indirect_dma source(%dma_start3A_519 : memref<128x128xf32, #tpu.memory_space<vmem>>) target(%dma_start3A_525 : memref<10240x128xf32, #tpu.memory_space<vmem_shared>>) offsets(%dma_start3A_522 : memref<128xi32, #tpu.memory_space<vmem>>) semaphore(%arg14 : memref<!tpu.dma_semaphore, #tpu.memory_space<semaphore_mem>>) {add = true}
      } else {
      }
      %ge3A_159 = arith.constant 1 : i32
      %ge3A_160 = arith.cmpi sge, %scan3A_93, %ge3A_159 : i32
      %convert_element_type3A_161 = arith.extui %ge3A_160 : i1 to i32
      %cond3A_162 = arith.constant 0 : i32
      %cond3A_163 = arith.cmpi ne, %convert_element_type3A_161, %cond3A_162 : i32
      scf.if %cond3A_163 {
        %dma_wait3A_501 = arith.constant 1 : i32
        %dma_wait3A_502 = arith.constant 0 : i32
        %dma_wait3A_503 = arith.constant 0 : i32
        %dma_wait3A_504 = arith.constant 0 : i32
        %dma_wait3A_505 = arith.constant 0 : i32
        %dma_wait3A_506 = tpu.memref_slice %arg9[%dma_wait3A_501, %dma_wait3A_504, %dma_wait3A_505] : memref<2x128x128xf32, #tpu.memory_space<vmem>> -> memref<1x128x128xf32, #tpu.memory_space<vmem>>
        %dma_wait3A_507 = tpu.memref_squeeze %dma_wait3A_506 : memref<1x128x128xf32, #tpu.memory_space<vmem>> -> memref<128x128xf32, #tpu.memory_space<vmem>>
        %dma_wait3A_508 = arith.constant 0 : i32
        %dma_wait3A_509 = tpu.memref_slice %arg8[%dma_wait3A_502, %dma_wait3A_503, %dma_wait3A_508] : memref<3x8x128xi32, #tpu.memory_space<vmem>> -> memref<1x1x128xi32, #tpu.memory_space<vmem>>
        %dma_wait3A_510 = tpu.memref_squeeze %dma_wait3A_509 : memref<1x1x128xi32, #tpu.memory_space<vmem>> -> memref<128xi32, #tpu.memory_space<vmem>>
        %dma_wait3A_511 = arith.constant 0 : i32
        %dma_wait3A_512 = arith.constant 0 : i32
        %dma_wait3A_513 = tpu.memref_slice %arg10[%dma_wait3A_511, %dma_wait3A_512] : memref<10240x128xf32, #tpu.memory_space<vmem_shared>> -> memref<10240x128xf32, #tpu.memory_space<vmem_shared>>
        tpu.wait_indirect_dma semaphore(%arg14 : memref<!tpu.dma_semaphore, #tpu.memory_space<semaphore_mem>>) src(%dma_wait3A_507 : memref<128x128xf32, #tpu.memory_space<vmem>>) dst(%dma_wait3A_513 : memref<10240x128xf32, #tpu.memory_space<vmem_shared>>)
      } else {
      }
      %dma_start3A_164 = arith.constant 1 : i32
      %dma_start3A_165 = arith.constant 1 : i32
      %dma_start3A_166 = arith.constant 0 : i32
      %dma_start3A_167 = arith.constant 0 : i32
      %dma_start3A_168 = tpu.memref_slice %arg9[%dma_start3A_165, %dma_start3A_166, %dma_start3A_167] : memref<2x128x128xf32, #tpu.memory_space<vmem>> -> memref<1x128x128xf32, #tpu.memory_space<vmem>>
      %dma_start3A_169 = tpu.memref_squeeze %dma_start3A_168 : memref<1x128x128xf32, #tpu.memory_space<vmem>> -> memref<128x128xf32, #tpu.memory_space<vmem>>
      %dma_start3A_170 = arith.constant 0 : i32
      %dma_start3A_171 = tpu.memref_slice %arg7[%rem3A_94, %dma_start3A_164, %dma_start3A_170] : memref<3x8x128xi32, #tpu.memory_space<vmem>> -> memref<1x1x128xi32, #tpu.memory_space<vmem>>
      %dma_start3A_172 = tpu.memref_squeeze %dma_start3A_171 : memref<1x1x128xi32, #tpu.memory_space<vmem>> -> memref<128xi32, #tpu.memory_space<vmem>>
      %dma_start3A_173 = arith.constant 0 : i32
      %dma_start3A_174 = arith.constant 0 : i32
      %dma_start3A_175 = tpu.memref_slice %arg2[%dma_start3A_173, %dma_start3A_174] : memref<20000x128xf32, #tpu.memory_space<hbm>> -> memref<20000x128xf32, #tpu.memory_space<hbm>>
      tpu.enqueue_indirect_dma source(%dma_start3A_175 : memref<20000x128xf32, #tpu.memory_space<hbm>>) target(%dma_start3A_169 : memref<128x128xf32, #tpu.memory_space<vmem>>) offsets(%dma_start3A_172 : memref<128xi32, #tpu.memory_space<vmem>>) semaphore(%arg12 : memref<!tpu.dma_semaphore, #tpu.memory_space<semaphore_mem>>)
      %dma_wait3A_176 = arith.constant 0 : i32
      %dma_wait3A_177 = arith.constant 0 : i32
      %dma_wait3A_178 = arith.constant 0 : i32
      %dma_wait3A_179 = arith.constant 0 : i32
      %dma_wait3A_180 = arith.constant 0 : i32
      %dma_wait3A_181 = tpu.memref_slice %arg9[%dma_wait3A_178, %dma_wait3A_179, %dma_wait3A_180] : memref<2x128x128xf32, #tpu.memory_space<vmem>> -> memref<1x128x128xf32, #tpu.memory_space<vmem>>
      %dma_wait3A_182 = tpu.memref_squeeze %dma_wait3A_181 : memref<1x128x128xf32, #tpu.memory_space<vmem>> -> memref<128x128xf32, #tpu.memory_space<vmem>>
      %dma_wait3A_183 = arith.constant 0 : i32
      %dma_wait3A_184 = tpu.memref_slice %arg7[%dma_wait3A_176, %dma_wait3A_177, %dma_wait3A_183] : memref<3x8x128xi32, #tpu.memory_space<vmem>> -> memref<1x1x128xi32, #tpu.memory_space<vmem>>
      %dma_wait3A_185 = tpu.memref_squeeze %dma_wait3A_184 : memref<1x1x128xi32, #tpu.memory_space<vmem>> -> memref<128xi32, #tpu.memory_space<vmem>>
      %dma_wait3A_186 = arith.constant 0 : i32
      %dma_wait3A_187 = arith.constant 0 : i32
      %dma_wait3A_188 = tpu.memref_slice %arg2[%dma_wait3A_186, %dma_wait3A_187] : memref<20000x128xf32, #tpu.memory_space<hbm>> -> memref<20000x128xf32, #tpu.memory_space<hbm>>
      tpu.wait_indirect_dma semaphore(%arg11 : memref<!tpu.dma_semaphore, #tpu.memory_space<semaphore_mem>>) src(%dma_wait3A_188 : memref<20000x128xf32, #tpu.memory_space<hbm>>) dst(%dma_wait3A_182 : memref<128x128xf32, #tpu.memory_space<vmem>>)
      %dma_start3A_189 = arith.constant 0 : i32
      %dma_start3A_190 = arith.constant 0 : i32
      %dma_start3A_191 = arith.constant 0 : i32
      %dma_start3A_192 = arith.constant 0 : i32
      %dma_start3A_193 = tpu.memref_slice %arg9[%dma_start3A_189, %dma_start3A_191, %dma_start3A_192] : memref<2x128x128xf32, #tpu.memory_space<vmem>> -> memref<1x128x128xf32, #tpu.memory_space<vmem>>
      %dma_start3A_194 = tpu.memref_squeeze %dma_start3A_193 : memref<1x128x128xf32, #tpu.memory_space<vmem>> -> memref<128x128xf32, #tpu.memory_space<vmem>>
      %dma_start3A_195 = arith.constant 0 : i32
      %dma_start3A_196 = tpu.memref_slice %arg8[%rem3A_94, %dma_start3A_190, %dma_start3A_195] : memref<3x8x128xi32, #tpu.memory_space<vmem>> -> memref<1x1x128xi32, #tpu.memory_space<vmem>>
      %dma_start3A_197 = tpu.memref_squeeze %dma_start3A_196 : memref<1x1x128xi32, #tpu.memory_space<vmem>> -> memref<128xi32, #tpu.memory_space<vmem>>
      %dma_start3A_198 = arith.constant 0 : i32
      %dma_start3A_199 = arith.constant 0 : i32
      %dma_start3A_200 = tpu.memref_slice %arg10[%dma_start3A_198, %dma_start3A_199] : memref<10240x128xf32, #tpu.memory_space<vmem_shared>> -> memref<10240x128xf32, #tpu.memory_space<vmem_shared>>
      tpu.enqueue_indirect_dma source(%dma_start3A_194 : memref<128x128xf32, #tpu.memory_space<vmem>>) target(%dma_start3A_200 : memref<10240x128xf32, #tpu.memory_space<vmem_shared>>) offsets(%dma_start3A_197 : memref<128xi32, #tpu.memory_space<vmem>>) semaphore(%arg13 : memref<!tpu.dma_semaphore, #tpu.memory_space<semaphore_mem>>) {add = true}
      %dma_wait3A_201 = arith.constant 0 : i32
      %dma_wait3A_202 = arith.constant 0 : i32
      %dma_wait3A_203 = arith.constant 0 : i32
      %dma_wait3A_204 = arith.constant 0 : i32
      %dma_wait3A_205 = arith.constant 0 : i32
      %dma_wait3A_206 = tpu.memref_slice %arg9[%dma_wait3A_201, %dma_wait3A_204, %dma_wait3A_205] : memref<2x128x128xf32, #tpu.memory_space<vmem>> -> memref<1x128x128xf32, #tpu.memory_space<vmem>>
      %dma_wait3A_207 = tpu.memref_squeeze %dma_wait3A_206 : memref<1x128x128xf32, #tpu.memory_space<vmem>> -> memref<128x128xf32, #tpu.memory_space<vmem>>
      %dma_wait3A_208 = arith.constant 0 : i32
      %dma_wait3A_209 = tpu.memref_slice %arg8[%dma_wait3A_202, %dma_wait3A_203, %dma_wait3A_208] : memref<3x8x128xi32, #tpu.memory_space<vmem>> -> memref<1x1x128xi32, #tpu.memory_space<vmem>>
      %dma_wait3A_210 = tpu.memref_squeeze %dma_wait3A_209 : memref<1x1x128xi32, #tpu.memory_space<vmem>> -> memref<128xi32, #tpu.memory_space<vmem>>
      %dma_wait3A_211 = arith.constant 0 : i32
      %dma_wait3A_212 = arith.constant 0 : i32
      %dma_wait3A_213 = tpu.memref_slice %arg10[%dma_wait3A_211, %dma_wait3A_212] : memref<10240x128xf32, #tpu.memory_space<vmem_shared>> -> memref<10240x128xf32, #tpu.memory_space<vmem_shared>>
      tpu.wait_indirect_dma semaphore(%arg13 : memref<!tpu.dma_semaphore, #tpu.memory_space<semaphore_mem>>) src(%dma_wait3A_207 : memref<128x128xf32, #tpu.memory_space<vmem>>) dst(%dma_wait3A_213 : memref<10240x128xf32, #tpu.memory_space<vmem_shared>>)
      %dma_start3A_214 = arith.constant 2 : i32
      %dma_start3A_215 = arith.constant 0 : i32
      %dma_start3A_216 = arith.constant 0 : i32
      %dma_start3A_217 = arith.constant 0 : i32
      %dma_start3A_218 = tpu.memref_slice %arg9[%dma_start3A_215, %dma_start3A_216, %dma_start3A_217] : memref<2x128x128xf32, #tpu.memory_space<vmem>> -> memref<1x128x128xf32, #tpu.memory_space<vmem>>
      %dma_start3A_219 = tpu.memref_squeeze %dma_start3A_218 : memref<1x128x128xf32, #tpu.memory_space<vmem>> -> memref<128x128xf32, #tpu.memory_space<vmem>>
      %dma_start3A_220 = arith.constant 0 : i32
      %dma_start3A_221 = tpu.memref_slice %arg7[%rem3A_94, %dma_start3A_214, %dma_start3A_220] : memref<3x8x128xi32, #tpu.memory_space<vmem>> -> memref<1x1x128xi32, #tpu.memory_space<vmem>>
      %dma_start3A_222 = tpu.memref_squeeze %dma_start3A_221 : memref<1x1x128xi32, #tpu.memory_space<vmem>> -> memref<128xi32, #tpu.memory_space<vmem>>
      %dma_start3A_223 = arith.constant 0 : i32
      %dma_start3A_224 = arith.constant 0 : i32
      %dma_start3A_225 = tpu.memref_slice %arg2[%dma_start3A_223, %dma_start3A_224] : memref<20000x128xf32, #tpu.memory_space<hbm>> -> memref<20000x128xf32, #tpu.memory_space<hbm>>
      tpu.enqueue_indirect_dma source(%dma_start3A_225 : memref<20000x128xf32, #tpu.memory_space<hbm>>) target(%dma_start3A_219 : memref<128x128xf32, #tpu.memory_space<vmem>>) offsets(%dma_start3A_222 : memref<128xi32, #tpu.memory_space<vmem>>) semaphore(%arg11 : memref<!tpu.dma_semaphore, #tpu.memory_space<semaphore_mem>>)
      %dma_wait3A_226 = arith.constant 0 : i32
      %dma_wait3A_227 = arith.constant 0 : i32
      %dma_wait3A_228 = arith.constant 1 : i32
      %dma_wait3A_229 = arith.constant 0 : i32
      %dma_wait3A_230 = arith.constant 0 : i32
      %dma_wait3A_231 = tpu.memref_slice %arg9[%dma_wait3A_228, %dma_wait3A_229, %dma_wait3A_230] : memref<2x128x128xf32, #tpu.memory_space<vmem>> -> memref<1x128x128xf32, #tpu.memory_space<vmem>>
      %dma_wait3A_232 = tpu.memref_squeeze %dma_wait3A_231 : memref<1x128x128xf32, #tpu.memory_space<vmem>> -> memref<128x128xf32, #tpu.memory_space<vmem>>
      %dma_wait3A_233 = arith.constant 0 : i32
      %dma_wait3A_234 = tpu.memref_slice %arg7[%dma_wait3A_226, %dma_wait3A_227, %dma_wait3A_233] : memref<3x8x128xi32, #tpu.memory_space<vmem>> -> memref<1x1x128xi32, #tpu.memory_space<vmem>>
      %dma_wait3A_235 = tpu.memref_squeeze %dma_wait3A_234 : memref<1x1x128xi32, #tpu.memory_space<vmem>> -> memref<128xi32, #tpu.memory_space<vmem>>
      %dma_wait3A_236 = arith.constant 0 : i32
      %dma_wait3A_237 = arith.constant 0 : i32
      %dma_wait3A_238 = tpu.memref_slice %arg2[%dma_wait3A_236, %dma_wait3A_237] : memref<20000x128xf32, #tpu.memory_space<hbm>> -> memref<20000x128xf32, #tpu.memory_space<hbm>>
      tpu.wait_indirect_dma semaphore(%arg12 : memref<!tpu.dma_semaphore, #tpu.memory_space<semaphore_mem>>) src(%dma_wait3A_238 : memref<20000x128xf32, #tpu.memory_space<hbm>>) dst(%dma_wait3A_232 : memref<128x128xf32, #tpu.memory_space<vmem>>)
      %dma_start3A_239 = arith.constant 1 : i32
      %dma_start3A_240 = arith.constant 1 : i32
      %dma_start3A_241 = arith.constant 0 : i32
      %dma_start3A_242 = arith.constant 0 : i32
      %dma_start3A_243 = tpu.memref_slice %arg9[%dma_start3A_239, %dma_start3A_241, %dma_start3A_242] : memref<2x128x128xf32, #tpu.memory_space<vmem>> -> memref<1x128x128xf32, #tpu.memory_space<vmem>>
      %dma_start3A_244 = tpu.memref_squeeze %dma_start3A_243 : memref<1x128x128xf32, #tpu.memory_space<vmem>> -> memref<128x128xf32, #tpu.memory_space<vmem>>
      %dma_start3A_245 = arith.constant 0 : i32
      %dma_start3A_246 = tpu.memref_slice %arg8[%rem3A_94, %dma_start3A_240, %dma_start3A_245] : memref<3x8x128xi32, #tpu.memory_space<vmem>> -> memref<1x1x128xi32, #tpu.memory_space<vmem>>
      %dma_start3A_247 = tpu.memref_squeeze %dma_start3A_246 : memref<1x1x128xi32, #tpu.memory_space<vmem>> -> memref<128xi32, #tpu.memory_space<vmem>>
      %dma_start3A_248 = arith.constant 0 : i32
      %dma_start3A_249 = arith.constant 0 : i32
      %dma_start3A_250 = tpu.memref_slice %arg10[%dma_start3A_248, %dma_start3A_249] : memref<10240x128xf32, #tpu.memory_space<vmem_shared>> -> memref<10240x128xf32, #tpu.memory_space<vmem_shared>>
      tpu.enqueue_indirect_dma source(%dma_start3A_244 : memref<128x128xf32, #tpu.memory_space<vmem>>) target(%dma_start3A_250 : memref<10240x128xf32, #tpu.memory_space<vmem_shared>>) offsets(%dma_start3A_247 : memref<128xi32, #tpu.memory_space<vmem>>) semaphore(%arg14 : memref<!tpu.dma_semaphore, #tpu.memory_space<semaphore_mem>>) {add = true}
      %dma_wait3A_251 = arith.constant 1 : i32
      %dma_wait3A_252 = arith.constant 0 : i32
      %dma_wait3A_253 = arith.constant 0 : i32
      %dma_wait3A_254 = arith.constant 0 : i32
      %dma_wait3A_255 = arith.constant 0 : i32
      %dma_wait3A_256 = tpu.memref_slice %arg9[%dma_wait3A_251, %dma_wait3A_254, %dma_wait3A_255] : memref<2x128x128xf32, #tpu.memory_space<vmem>> -> memref<1x128x128xf32, #tpu.memory_space<vmem>>
      %dma_wait3A_257 = tpu.memref_squeeze %dma_wait3A_256 : memref<1x128x128xf32, #tpu.memory_space<vmem>> -> memref<128x128xf32, #tpu.memory_space<vmem>>
      %dma_wait3A_258 = arith.constant 0 : i32
      %dma_wait3A_259 = tpu.memref_slice %arg8[%dma_wait3A_252, %dma_wait3A_253, %dma_wait3A_258] : memref<3x8x128xi32, #tpu.memory_space<vmem>> -> memref<1x1x128xi32, #tpu.memory_space<vmem>>
      %dma_wait3A_260 = tpu.memref_squeeze %dma_wait3A_259 : memref<1x1x128xi32, #tpu.memory_space<vmem>> -> memref<128xi32, #tpu.memory_space<vmem>>
      %dma_wait3A_261 = arith.constant 0 : i32
      %dma_wait3A_262 = arith.constant 0 : i32
      %dma_wait3A_263 = tpu.memref_slice %arg10[%dma_wait3A_261, %dma_wait3A_262] : memref<10240x128xf32, #tpu.memory_space<vmem_shared>> -> memref<10240x128xf32, #tpu.memory_space<vmem_shared>>
      tpu.wait_indirect_dma semaphore(%arg14 : memref<!tpu.dma_semaphore, #tpu.memory_space<semaphore_mem>>) src(%dma_wait3A_257 : memref<128x128xf32, #tpu.memory_space<vmem>>) dst(%dma_wait3A_263 : memref<10240x128xf32, #tpu.memory_space<vmem_shared>>)
      %dma_start3A_264 = arith.constant 3 : i32
      %dma_start3A_265 = arith.constant 1 : i32
      %dma_start3A_266 = arith.constant 0 : i32
      %dma_start3A_267 = arith.constant 0 : i32
      %dma_start3A_268 = tpu.memref_slice %arg9[%dma_start3A_265, %dma_start3A_266, %dma_start3A_267] : memref<2x128x128xf32, #tpu.memory_space<vmem>> -> memref<1x128x128xf32, #tpu.memory_space<vmem>>
      %dma_start3A_269 = tpu.memref_squeeze %dma_start3A_268 : memref<1x128x128xf32, #tpu.memory_space<vmem>> -> memref<128x128xf32, #tpu.memory_space<vmem>>
      %dma_start3A_270 = arith.constant 0 : i32
      %dma_start3A_271 = tpu.memref_slice %arg7[%rem3A_94, %dma_start3A_264, %dma_start3A_270] : memref<3x8x128xi32, #tpu.memory_space<vmem>> -> memref<1x1x128xi32, #tpu.memory_space<vmem>>
      %dma_start3A_272 = tpu.memref_squeeze %dma_start3A_271 : memref<1x1x128xi32, #tpu.memory_space<vmem>> -> memref<128xi32, #tpu.memory_space<vmem>>
      %dma_start3A_273 = arith.constant 0 : i32
      %dma_start3A_274 = arith.constant 0 : i32
      %dma_start3A_275 = tpu.memref_slice %arg2[%dma_start3A_273, %dma_start3A_274] : memref<20000x128xf32, #tpu.memory_space<hbm>> -> memref<20000x128xf32, #tpu.memory_space<hbm>>
      tpu.enqueue_indirect_dma source(%dma_start3A_275 : memref<20000x128xf32, #tpu.memory_space<hbm>>) target(%dma_start3A_269 : memref<128x128xf32, #tpu.memory_space<vmem>>) offsets(%dma_start3A_272 : memref<128xi32, #tpu.memory_space<vmem>>) semaphore(%arg12 : memref<!tpu.dma_semaphore, #tpu.memory_space<semaphore_mem>>)
      %dma_wait3A_276 = arith.constant 0 : i32
      %dma_wait3A_277 = arith.constant 0 : i32
      %dma_wait3A_278 = arith.constant 0 : i32
      %dma_wait3A_279 = arith.constant 0 : i32
      %dma_wait3A_280 = arith.constant 0 : i32
      %dma_wait3A_281 = tpu.memref_slice %arg9[%dma_wait3A_278, %dma_wait3A_279, %dma_wait3A_280] : memref<2x128x128xf32, #tpu.memory_space<vmem>> -> memref<1x128x128xf32, #tpu.memory_space<vmem>>
      %dma_wait3A_282 = tpu.memref_squeeze %dma_wait3A_281 : memref<1x128x128xf32, #tpu.memory_space<vmem>> -> memref<128x128xf32, #tpu.memory_space<vmem>>
      %dma_wait3A_283 = arith.constant 0 : i32
      %dma_wait3A_284 = tpu.memref_slice %arg7[%dma_wait3A_276, %dma_wait3A_277, %dma_wait3A_283] : memref<3x8x128xi32, #tpu.memory_space<vmem>> -> memref<1x1x128xi32, #tpu.memory_space<vmem>>
      %dma_wait3A_285 = tpu.memref_squeeze %dma_wait3A_284 : memref<1x1x128xi32, #tpu.memory_space<vmem>> -> memref<128xi32, #tpu.memory_space<vmem>>
      %dma_wait3A_286 = arith.constant 0 : i32
      %dma_wait3A_287 = arith.constant 0 : i32
      %dma_wait3A_288 = tpu.memref_slice %arg2[%dma_wait3A_286, %dma_wait3A_287] : memref<20000x128xf32, #tpu.memory_space<hbm>> -> memref<20000x128xf32, #tpu.memory_space<hbm>>
      tpu.wait_indirect_dma semaphore(%arg11 : memref<!tpu.dma_semaphore, #tpu.memory_space<semaphore_mem>>) src(%dma_wait3A_288 : memref<20000x128xf32, #tpu.memory_space<hbm>>) dst(%dma_wait3A_282 : memref<128x128xf32, #tpu.memory_space<vmem>>)
      %dma_start3A_289 = arith.constant 0 : i32
      %dma_start3A_290 = arith.constant 2 : i32
      %dma_start3A_291 = arith.constant 0 : i32
      %dma_start3A_292 = arith.constant 0 : i32
      %dma_start3A_293 = tpu.memref_slice %arg9[%dma_start3A_289, %dma_start3A_291, %dma_start3A_292] : memref<2x128x128xf32, #tpu.memory_space<vmem>> -> memref<1x128x128xf32, #tpu.memory_space<vmem>>
      %dma_start3A_294 = tpu.memref_squeeze %dma_start3A_293 : memref<1x128x128xf32, #tpu.memory_space<vmem>> -> memref<128x128xf32, #tpu.memory_space<vmem>>
      %dma_start3A_295 = arith.constant 0 : i32
      %dma_start3A_296 = tpu.memref_slice %arg8[%rem3A_94, %dma_start3A_290, %dma_start3A_295] : memref<3x8x128xi32, #tpu.memory_space<vmem>> -> memref<1x1x128xi32, #tpu.memory_space<vmem>>
      %dma_start3A_297 = tpu.memref_squeeze %dma_start3A_296 : memref<1x1x128xi32, #tpu.memory_space<vmem>> -> memref<128xi32, #tpu.memory_space<vmem>>
      %dma_start3A_298 = arith.constant 0 : i32
      %dma_start3A_299 = arith.constant 0 : i32
      %dma_start3A_300 = tpu.memref_slice %arg10[%dma_start3A_298, %dma_start3A_299] : memref<10240x128xf32, #tpu.memory_space<vmem_shared>> -> memref<10240x128xf32, #tpu.memory_space<vmem_shared>>
      tpu.enqueue_indirect_dma source(%dma_start3A_294 : memref<128x128xf32, #tpu.memory_space<vmem>>) target(%dma_start3A_300 : memref<10240x128xf32, #tpu.memory_space<vmem_shared>>) offsets(%dma_start3A_297 : memref<128xi32, #tpu.memory_space<vmem>>) semaphore(%arg13 : memref<!tpu.dma_semaphore, #tpu.memory_space<semaphore_mem>>) {add = true}
      %dma_wait3A_301 = arith.constant 0 : i32
      %dma_wait3A_302 = arith.constant 0 : i32
      %dma_wait3A_303 = arith.constant 0 : i32
      %dma_wait3A_304 = arith.constant 0 : i32
      %dma_wait3A_305 = arith.constant 0 : i32
      %dma_wait3A_306 = tpu.memref_slice %arg9[%dma_wait3A_301, %dma_wait3A_304, %dma_wait3A_305] : memref<2x128x128xf32, #tpu.memory_space<vmem>> -> memref<1x128x128xf32, #tpu.memory_space<vmem>>
      %dma_wait3A_307 = tpu.memref_squeeze %dma_wait3A_306 : memref<1x128x128xf32, #tpu.memory_space<vmem>> -> memref<128x128xf32, #tpu.memory_space<vmem>>
      %dma_wait3A_308 = arith.constant 0 : i32
      %dma_wait3A_309 = tpu.memref_slice %arg8[%dma_wait3A_302, %dma_wait3A_303, %dma_wait3A_308] : memref<3x8x128xi32, #tpu.memory_space<vmem>> -> memref<1x1x128xi32, #tpu.memory_space<vmem>>
      %dma_wait3A_310 = tpu.memref_squeeze %dma_wait3A_309 : memref<1x1x128xi32, #tpu.memory_space<vmem>> -> memref<128xi32, #tpu.memory_space<vmem>>
      %dma_wait3A_311 = arith.constant 0 : i32
      %dma_wait3A_312 = arith.constant 0 : i32
      %dma_wait3A_313 = tpu.memref_slice %arg10[%dma_wait3A_311, %dma_wait3A_312] : memref<10240x128xf32, #tpu.memory_space<vmem_shared>> -> memref<10240x128xf32, #tpu.memory_space<vmem_shared>>
      tpu.wait_indirect_dma semaphore(%arg13 : memref<!tpu.dma_semaphore, #tpu.memory_space<semaphore_mem>>) src(%dma_wait3A_307 : memref<128x128xf32, #tpu.memory_space<vmem>>) dst(%dma_wait3A_313 : memref<10240x128xf32, #tpu.memory_space<vmem_shared>>)
      %dma_start3A_314 = arith.constant 4 : i32
      %dma_start3A_315 = arith.constant 0 : i32
      %dma_start3A_316 = arith.constant 0 : i32
      %dma_start3A_317 = arith.constant 0 : i32
      %dma_start3A_318 = tpu.memref_slice %arg9[%dma_start3A_315, %dma_start3A_316, %dma_start3A_317] : memref<2x128x128xf32, #tpu.memory_space<vmem>> -> memref<1x128x128xf32, #tpu.memory_space<vmem>>
      %dma_start3A_319 = tpu.memref_squeeze %dma_start3A_318 : memref<1x128x128xf32, #tpu.memory_space<vmem>> -> memref<128x128xf32, #tpu.memory_space<vmem>>
      %dma_start3A_320 = arith.constant 0 : i32
      %dma_start3A_321 = tpu.memref_slice %arg7[%rem3A_94, %dma_start3A_314, %dma_start3A_320] : memref<3x8x128xi32, #tpu.memory_space<vmem>> -> memref<1x1x128xi32, #tpu.memory_space<vmem>>
      %dma_start3A_322 = tpu.memref_squeeze %dma_start3A_321 : memref<1x1x128xi32, #tpu.memory_space<vmem>> -> memref<128xi32, #tpu.memory_space<vmem>>
      %dma_start3A_323 = arith.constant 0 : i32
      %dma_start3A_324 = arith.constant 0 : i32
      %dma_start3A_325 = tpu.memref_slice %arg2[%dma_start3A_323, %dma_start3A_324] : memref<20000x128xf32, #tpu.memory_space<hbm>> -> memref<20000x128xf32, #tpu.memory_space<hbm>>
      tpu.enqueue_indirect_dma source(%dma_start3A_325 : memref<20000x128xf32, #tpu.memory_space<hbm>>) target(%dma_start3A_319 : memref<128x128xf32, #tpu.memory_space<vmem>>) offsets(%dma_start3A_322 : memref<128xi32, #tpu.memory_space<vmem>>) semaphore(%arg11 : memref<!tpu.dma_semaphore, #tpu.memory_space<semaphore_mem>>)
      %dma_wait3A_326 = arith.constant 0 : i32
      %dma_wait3A_327 = arith.constant 0 : i32
      %dma_wait3A_328 = arith.constant 1 : i32
      %dma_wait3A_329 = arith.constant 0 : i32
      %dma_wait3A_330 = arith.constant 0 : i32
      %dma_wait3A_331 = tpu.memref_slice %arg9[%dma_wait3A_328, %dma_wait3A_329, %dma_wait3A_330] : memref<2x128x128xf32, #tpu.memory_space<vmem>> -> memref<1x128x128xf32, #tpu.memory_space<vmem>>
      %dma_wait3A_332 = tpu.memref_squeeze %dma_wait3A_331 : memref<1x128x128xf32, #tpu.memory_space<vmem>> -> memref<128x128xf32, #tpu.memory_space<vmem>>
      %dma_wait3A_333 = arith.constant 0 : i32
      %dma_wait3A_334 = tpu.memref_slice %arg7[%dma_wait3A_326, %dma_wait3A_327, %dma_wait3A_333] : memref<3x8x128xi32, #tpu.memory_space<vmem>> -> memref<1x1x128xi32, #tpu.memory_space<vmem>>
      %dma_wait3A_335 = tpu.memref_squeeze %dma_wait3A_334 : memref<1x1x128xi32, #tpu.memory_space<vmem>> -> memref<128xi32, #tpu.memory_space<vmem>>
      %dma_wait3A_336 = arith.constant 0 : i32
      %dma_wait3A_337 = arith.constant 0 : i32
      %dma_wait3A_338 = tpu.memref_slice %arg2[%dma_wait3A_336, %dma_wait3A_337] : memref<20000x128xf32, #tpu.memory_space<hbm>> -> memref<20000x128xf32, #tpu.memory_space<hbm>>
      tpu.wait_indirect_dma semaphore(%arg12 : memref<!tpu.dma_semaphore, #tpu.memory_space<semaphore_mem>>) src(%dma_wait3A_338 : memref<20000x128xf32, #tpu.memory_space<hbm>>) dst(%dma_wait3A_332 : memref<128x128xf32, #tpu.memory_space<vmem>>)
      %dma_start3A_339 = arith.constant 1 : i32
      %dma_start3A_340 = arith.constant 3 : i32
      %dma_start3A_341 = arith.constant 0 : i32
      %dma_start3A_342 = arith.constant 0 : i32
      %dma_start3A_343 = tpu.memref_slice %arg9[%dma_start3A_339, %dma_start3A_341, %dma_start3A_342] : memref<2x128x128xf32, #tpu.memory_space<vmem>> -> memref<1x128x128xf32, #tpu.memory_space<vmem>>
      %dma_start3A_344 = tpu.memref_squeeze %dma_start3A_343 : memref<1x128x128xf32, #tpu.memory_space<vmem>> -> memref<128x128xf32, #tpu.memory_space<vmem>>
      %dma_start3A_345 = arith.constant 0 : i32
      %dma_start3A_346 = tpu.memref_slice %arg8[%rem3A_94, %dma_start3A_340, %dma_start3A_345] : memref<3x8x128xi32, #tpu.memory_space<vmem>> -> memref<1x1x128xi32, #tpu.memory_space<vmem>>
      %dma_start3A_347 = tpu.memref_squeeze %dma_start3A_346 : memref<1x1x128xi32, #tpu.memory_space<vmem>> -> memref<128xi32, #tpu.memory_space<vmem>>
      %dma_start3A_348 = arith.constant 0 : i32
      %dma_start3A_349 = arith.constant 0 : i32
      %dma_start3A_350 = tpu.memref_slice %arg10[%dma_start3A_348, %dma_start3A_349] : memref<10240x128xf32, #tpu.memory_space<vmem_shared>> -> memref<10240x128xf32, #tpu.memory_space<vmem_shared>>
      tpu.enqueue_indirect_dma source(%dma_start3A_344 : memref<128x128xf32, #tpu.memory_space<vmem>>) target(%dma_start3A_350 : memref<10240x128xf32, #tpu.memory_space<vmem_shared>>) offsets(%dma_start3A_347 : memref<128xi32, #tpu.memory_space<vmem>>) semaphore(%arg14 : memref<!tpu.dma_semaphore, #tpu.memory_space<semaphore_mem>>) {add = true}
      %dma_wait3A_351 = arith.constant 1 : i32
      %dma_wait3A_352 = arith.constant 0 : i32
      %dma_wait3A_353 = arith.constant 0 : i32
      %dma_wait3A_354 = arith.constant 0 : i32
      %dma_wait3A_355 = arith.constant 0 : i32
      %dma_wait3A_356 = tpu.memref_slice %arg9[%dma_wait3A_351, %dma_wait3A_354, %dma_wait3A_355] : memref<2x128x128xf32, #tpu.memory_space<vmem>> -> memref<1x128x128xf32, #tpu.memory_space<vmem>>
      %dma_wait3A_357 = tpu.memref_squeeze %dma_wait3A_356 : memref<1x128x128xf32, #tpu.memory_space<vmem>> -> memref<128x128xf32, #tpu.memory_space<vmem>>
      %dma_wait3A_358 = arith.constant 0 : i32
      %dma_wait3A_359 = tpu.memref_slice %arg8[%dma_wait3A_352, %dma_wait3A_353, %dma_wait3A_358] : memref<3x8x128xi32, #tpu.memory_space<vmem>> -> memref<1x1x128xi32, #tpu.memory_space<vmem>>
      %dma_wait3A_360 = tpu.memref_squeeze %dma_wait3A_359 : memref<1x1x128xi32, #tpu.memory_space<vmem>> -> memref<128xi32, #tpu.memory_space<vmem>>
      %dma_wait3A_361 = arith.constant 0 : i32
      %dma_wait3A_362 = arith.constant 0 : i32
      %dma_wait3A_363 = tpu.memref_slice %arg10[%dma_wait3A_361, %dma_wait3A_362] : memref<10240x128xf32, #tpu.memory_space<vmem_shared>> -> memref<10240x128xf32, #tpu.memory_space<vmem_shared>>
      tpu.wait_indirect_dma semaphore(%arg14 : memref<!tpu.dma_semaphore, #tpu.memory_space<semaphore_mem>>) src(%dma_wait3A_357 : memref<128x128xf32, #tpu.memory_space<vmem>>) dst(%dma_wait3A_363 : memref<10240x128xf32, #tpu.memory_space<vmem_shared>>)
      %dma_start3A_364 = arith.constant 5 : i32
      %dma_start3A_365 = arith.constant 1 : i32
      %dma_start3A_366 = arith.constant 0 : i32
      %dma_start3A_367 = arith.constant 0 : i32
      %dma_start3A_368 = tpu.memref_slice %arg9[%dma_start3A_365, %dma_start3A_366, %dma_start3A_367] : memref<2x128x128xf32, #tpu.memory_space<vmem>> -> memref<1x128x128xf32, #tpu.memory_space<vmem>>
      %dma_start3A_369 = tpu.memref_squeeze %dma_start3A_368 : memref<1x128x128xf32, #tpu.memory_space<vmem>> -> memref<128x128xf32, #tpu.memory_space<vmem>>
      %dma_start3A_370 = arith.constant 0 : i32
      %dma_start3A_371 = tpu.memref_slice %arg7[%rem3A_94, %dma_start3A_364, %dma_start3A_370] : memref<3x8x128xi32, #tpu.memory_space<vmem>> -> memref<1x1x128xi32, #tpu.memory_space<vmem>>
      %dma_start3A_372 = tpu.memref_squeeze %dma_start3A_371 : memref<1x1x128xi32, #tpu.memory_space<vmem>> -> memref<128xi32, #tpu.memory_space<vmem>>
      %dma_start3A_373 = arith.constant 0 : i32
      %dma_start3A_374 = arith.constant 0 : i32
      %dma_start3A_375 = tpu.memref_slice %arg2[%dma_start3A_373, %dma_start3A_374] : memref<20000x128xf32, #tpu.memory_space<hbm>> -> memref<20000x128xf32, #tpu.memory_space<hbm>>
      tpu.enqueue_indirect_dma source(%dma_start3A_375 : memref<20000x128xf32, #tpu.memory_space<hbm>>) target(%dma_start3A_369 : memref<128x128xf32, #tpu.memory_space<vmem>>) offsets(%dma_start3A_372 : memref<128xi32, #tpu.memory_space<vmem>>) semaphore(%arg12 : memref<!tpu.dma_semaphore, #tpu.memory_space<semaphore_mem>>)
      %dma_wait3A_376 = arith.constant 0 : i32
      %dma_wait3A_377 = arith.constant 0 : i32
      %dma_wait3A_378 = arith.constant 0 : i32
      %dma_wait3A_379 = arith.constant 0 : i32
      %dma_wait3A_380 = arith.constant 0 : i32
      %dma_wait3A_381 = tpu.memref_slice %arg9[%dma_wait3A_378, %dma_wait3A_379, %dma_wait3A_380] : memref<2x128x128xf32, #tpu.memory_space<vmem>> -> memref<1x128x128xf32, #tpu.memory_space<vmem>>
      %dma_wait3A_382 = tpu.memref_squeeze %dma_wait3A_381 : memref<1x128x128xf32, #tpu.memory_space<vmem>> -> memref<128x128xf32, #tpu.memory_space<vmem>>
      %dma_wait3A_383 = arith.constant 0 : i32
      %dma_wait3A_384 = tpu.memref_slice %arg7[%dma_wait3A_376, %dma_wait3A_377, %dma_wait3A_383] : memref<3x8x128xi32, #tpu.memory_space<vmem>> -> memref<1x1x128xi32, #tpu.memory_space<vmem>>
      %dma_wait3A_385 = tpu.memref_squeeze %dma_wait3A_384 : memref<1x1x128xi32, #tpu.memory_space<vmem>> -> memref<128xi32, #tpu.memory_space<vmem>>
      %dma_wait3A_386 = arith.constant 0 : i32
      %dma_wait3A_387 = arith.constant 0 : i32
      %dma_wait3A_388 = tpu.memref_slice %arg2[%dma_wait3A_386, %dma_wait3A_387] : memref<20000x128xf32, #tpu.memory_space<hbm>> -> memref<20000x128xf32, #tpu.memory_space<hbm>>
      tpu.wait_indirect_dma semaphore(%arg11 : memref<!tpu.dma_semaphore, #tpu.memory_space<semaphore_mem>>) src(%dma_wait3A_388 : memref<20000x128xf32, #tpu.memory_space<hbm>>) dst(%dma_wait3A_382 : memref<128x128xf32, #tpu.memory_space<vmem>>)
      %dma_start3A_389 = arith.constant 0 : i32
      %dma_start3A_390 = arith.constant 4 : i32
      %dma_start3A_391 = arith.constant 0 : i32
      %dma_start3A_392 = arith.constant 0 : i32
      %dma_start3A_393 = tpu.memref_slice %arg9[%dma_start3A_389, %dma_start3A_391, %dma_start3A_392] : memref<2x128x128xf32, #tpu.memory_space<vmem>> -> memref<1x128x128xf32, #tpu.memory_space<vmem>>
      %dma_start3A_394 = tpu.memref_squeeze %dma_start3A_393 : memref<1x128x128xf32, #tpu.memory_space<vmem>> -> memref<128x128xf32, #tpu.memory_space<vmem>>
      %dma_start3A_395 = arith.constant 0 : i32
      %dma_start3A_396 = tpu.memref_slice %arg8[%rem3A_94, %dma_start3A_390, %dma_start3A_395] : memref<3x8x128xi32, #tpu.memory_space<vmem>> -> memref<1x1x128xi32, #tpu.memory_space<vmem>>
      %dma_start3A_397 = tpu.memref_squeeze %dma_start3A_396 : memref<1x1x128xi32, #tpu.memory_space<vmem>> -> memref<128xi32, #tpu.memory_space<vmem>>
      %dma_start3A_398 = arith.constant 0 : i32
      %dma_start3A_399 = arith.constant 0 : i32
      %dma_start3A_400 = tpu.memref_slice %arg10[%dma_start3A_398, %dma_start3A_399] : memref<10240x128xf32, #tpu.memory_space<vmem_shared>> -> memref<10240x128xf32, #tpu.memory_space<vmem_shared>>
      tpu.enqueue_indirect_dma source(%dma_start3A_394 : memref<128x128xf32, #tpu.memory_space<vmem>>) target(%dma_start3A_400 : memref<10240x128xf32, #tpu.memory_space<vmem_shared>>) offsets(%dma_start3A_397 : memref<128xi32, #tpu.memory_space<vmem>>) semaphore(%arg13 : memref<!tpu.dma_semaphore, #tpu.memory_space<semaphore_mem>>) {add = true}
      %dma_wait3A_401 = arith.constant 0 : i32
      %dma_wait3A_402 = arith.constant 0 : i32
      %dma_wait3A_403 = arith.constant 0 : i32
      %dma_wait3A_404 = arith.constant 0 : i32
      %dma_wait3A_405 = arith.constant 0 : i32
      %dma_wait3A_406 = tpu.memref_slice %arg9[%dma_wait3A_401, %dma_wait3A_404, %dma_wait3A_405] : memref<2x128x128xf32, #tpu.memory_space<vmem>> -> memref<1x128x128xf32, #tpu.memory_space<vmem>>
      %dma_wait3A_407 = tpu.memref_squeeze %dma_wait3A_406 : memref<1x128x128xf32, #tpu.memory_space<vmem>> -> memref<128x128xf32, #tpu.memory_space<vmem>>
      %dma_wait3A_408 = arith.constant 0 : i32
      %dma_wait3A_409 = tpu.memref_slice %arg8[%dma_wait3A_402, %dma_wait3A_403, %dma_wait3A_408] : memref<3x8x128xi32, #tpu.memory_space<vmem>> -> memref<1x1x128xi32, #tpu.memory_space<vmem>>
      %dma_wait3A_410 = tpu.memref_squeeze %dma_wait3A_409 : memref<1x1x128xi32, #tpu.memory_space<vmem>> -> memref<128xi32, #tpu.memory_space<vmem>>
      %dma_wait3A_411 = arith.constant 0 : i32
      %dma_wait3A_412 = arith.constant 0 : i32
      %dma_wait3A_413 = tpu.memref_slice %arg10[%dma_wait3A_411, %dma_wait3A_412] : memref<10240x128xf32, #tpu.memory_space<vmem_shared>> -> memref<10240x128xf32, #tpu.memory_space<vmem_shared>>
      tpu.wait_indirect_dma semaphore(%arg13 : memref<!tpu.dma_semaphore, #tpu.memory_space<semaphore_mem>>) src(%dma_wait3A_407 : memref<128x128xf32, #tpu.memory_space<vmem>>) dst(%dma_wait3A_413 : memref<10240x128xf32, #tpu.memory_space<vmem_shared>>)
      %dma_start3A_414 = arith.constant 6 : i32
      %dma_start3A_415 = arith.constant 0 : i32
      %dma_start3A_416 = arith.constant 0 : i32
      %dma_start3A_417 = arith.constant 0 : i32
      %dma_start3A_418 = tpu.memref_slice %arg9[%dma_start3A_415, %dma_start3A_416, %dma_start3A_417] : memref<2x128x128xf32, #tpu.memory_space<vmem>> -> memref<1x128x128xf32, #tpu.memory_space<vmem>>
      %dma_start3A_419 = tpu.memref_squeeze %dma_start3A_418 : memref<1x128x128xf32, #tpu.memory_space<vmem>> -> memref<128x128xf32, #tpu.memory_space<vmem>>
      %dma_start3A_420 = arith.constant 0 : i32
      %dma_start3A_421 = tpu.memref_slice %arg7[%rem3A_94, %dma_start3A_414, %dma_start3A_420] : memref<3x8x128xi32, #tpu.memory_space<vmem>> -> memref<1x1x128xi32, #tpu.memory_space<vmem>>
      %dma_start3A_422 = tpu.memref_squeeze %dma_start3A_421 : memref<1x1x128xi32, #tpu.memory_space<vmem>> -> memref<128xi32, #tpu.memory_space<vmem>>
      %dma_start3A_423 = arith.constant 0 : i32
      %dma_start3A_424 = arith.constant 0 : i32
      %dma_start3A_425 = tpu.memref_slice %arg2[%dma_start3A_423, %dma_start3A_424] : memref<20000x128xf32, #tpu.memory_space<hbm>> -> memref<20000x128xf32, #tpu.memory_space<hbm>>
      tpu.enqueue_indirect_dma source(%dma_start3A_425 : memref<20000x128xf32, #tpu.memory_space<hbm>>) target(%dma_start3A_419 : memref<128x128xf32, #tpu.memory_space<vmem>>) offsets(%dma_start3A_422 : memref<128xi32, #tpu.memory_space<vmem>>) semaphore(%arg11 : memref<!tpu.dma_semaphore, #tpu.memory_space<semaphore_mem>>)
      %dma_wait3A_426 = arith.constant 0 : i32
      %dma_wait3A_427 = arith.constant 0 : i32
      %dma_wait3A_428 = arith.constant 1 : i32
      %dma_wait3A_429 = arith.constant 0 : i32
      %dma_wait3A_430 = arith.constant 0 : i32
      %dma_wait3A_431 = tpu.memref_slice %arg9[%dma_wait3A_428, %dma_wait3A_429, %dma_wait3A_430] : memref<2x128x128xf32, #tpu.memory_space<vmem>> -> memref<1x128x128xf32, #tpu.memory_space<vmem>>
      %dma_wait3A_432 = tpu.memref_squeeze %dma_wait3A_431 : memref<1x128x128xf32, #tpu.memory_space<vmem>> -> memref<128x128xf32, #tpu.memory_space<vmem>>
      %dma_wait3A_433 = arith.constant 0 : i32
      %dma_wait3A_434 = tpu.memref_slice %arg7[%dma_wait3A_426, %dma_wait3A_427, %dma_wait3A_433] : memref<3x8x128xi32, #tpu.memory_space<vmem>> -> memref<1x1x128xi32, #tpu.memory_space<vmem>>
      %dma_wait3A_435 = tpu.memref_squeeze %dma_wait3A_434 : memref<1x1x128xi32, #tpu.memory_space<vmem>> -> memref<128xi32, #tpu.memory_space<vmem>>
      %dma_wait3A_436 = arith.constant 0 : i32
      %dma_wait3A_437 = arith.constant 0 : i32
      %dma_wait3A_438 = tpu.memref_slice %arg2[%dma_wait3A_436, %dma_wait3A_437] : memref<20000x128xf32, #tpu.memory_space<hbm>> -> memref<20000x128xf32, #tpu.memory_space<hbm>>
      tpu.wait_indirect_dma semaphore(%arg12 : memref<!tpu.dma_semaphore, #tpu.memory_space<semaphore_mem>>) src(%dma_wait3A_438 : memref<20000x128xf32, #tpu.memory_space<hbm>>) dst(%dma_wait3A_432 : memref<128x128xf32, #tpu.memory_space<vmem>>)
      %dma_start3A_439 = arith.constant 1 : i32
      %dma_start3A_440 = arith.constant 5 : i32
      %dma_start3A_441 = arith.constant 0 : i32
      %dma_start3A_442 = arith.constant 0 : i32
      %dma_start3A_443 = tpu.memref_slice %arg9[%dma_start3A_439, %dma_start3A_441, %dma_start3A_442] : memref<2x128x128xf32, #tpu.memory_space<vmem>> -> memref<1x128x128xf32, #tpu.memory_space<vmem>>
      %dma_start3A_444 = tpu.memref_squeeze %dma_start3A_443 : memref<1x128x128xf32, #tpu.memory_space<vmem>> -> memref<128x128xf32, #tpu.memory_space<vmem>>
      %dma_start3A_445 = arith.constant 0 : i32
      %dma_start3A_446 = tpu.memref_slice %arg8[%rem3A_94, %dma_start3A_440, %dma_start3A_445] : memref<3x8x128xi32, #tpu.memory_space<vmem>> -> memref<1x1x128xi32, #tpu.memory_space<vmem>>
      %dma_start3A_447 = tpu.memref_squeeze %dma_start3A_446 : memref<1x1x128xi32, #tpu.memory_space<vmem>> -> memref<128xi32, #tpu.memory_space<vmem>>
      %dma_start3A_448 = arith.constant 0 : i32
      %dma_start3A_449 = arith.constant 0 : i32
      %dma_start3A_450 = tpu.memref_slice %arg10[%dma_start3A_448, %dma_start3A_449] : memref<10240x128xf32, #tpu.memory_space<vmem_shared>> -> memref<10240x128xf32, #tpu.memory_space<vmem_shared>>
      tpu.enqueue_indirect_dma source(%dma_start3A_444 : memref<128x128xf32, #tpu.memory_space<vmem>>) target(%dma_start3A_450 : memref<10240x128xf32, #tpu.memory_space<vmem_shared>>) offsets(%dma_start3A_447 : memref<128xi32, #tpu.memory_space<vmem>>) semaphore(%arg14 : memref<!tpu.dma_semaphore, #tpu.memory_space<semaphore_mem>>) {add = true}
      %dma_wait3A_451 = arith.constant 1 : i32
      %dma_wait3A_452 = arith.constant 0 : i32
      %dma_wait3A_453 = arith.constant 0 : i32
      %dma_wait3A_454 = arith.constant 0 : i32
      %dma_wait3A_455 = arith.constant 0 : i32
      %dma_wait3A_456 = tpu.memref_slice %arg9[%dma_wait3A_451, %dma_wait3A_454, %dma_wait3A_455] : memref<2x128x128xf32, #tpu.memory_space<vmem>> -> memref<1x128x128xf32, #tpu.memory_space<vmem>>
      %dma_wait3A_457 = tpu.memref_squeeze %dma_wait3A_456 : memref<1x128x128xf32, #tpu.memory_space<vmem>> -> memref<128x128xf32, #tpu.memory_space<vmem>>
      %dma_wait3A_458 = arith.constant 0 : i32
      %dma_wait3A_459 = tpu.memref_slice %arg8[%dma_wait3A_452, %dma_wait3A_453, %dma_wait3A_458] : memref<3x8x128xi32, #tpu.memory_space<vmem>> -> memref<1x1x128xi32, #tpu.memory_space<vmem>>
      %dma_wait3A_460 = tpu.memref_squeeze %dma_wait3A_459 : memref<1x1x128xi32, #tpu.memory_space<vmem>> -> memref<128xi32, #tpu.memory_space<vmem>>
      %dma_wait3A_461 = arith.constant 0 : i32
      %dma_wait3A_462 = arith.constant 0 : i32
      %dma_wait3A_463 = tpu.memref_slice %arg10[%dma_wait3A_461, %dma_wait3A_462] : memref<10240x128xf32, #tpu.memory_space<vmem_shared>> -> memref<10240x128xf32, #tpu.memory_space<vmem_shared>>
      tpu.wait_indirect_dma semaphore(%arg14 : memref<!tpu.dma_semaphore, #tpu.memory_space<semaphore_mem>>) src(%dma_wait3A_457 : memref<128x128xf32, #tpu.memory_space<vmem>>) dst(%dma_wait3A_463 : memref<10240x128xf32, #tpu.memory_space<vmem_shared>>)
      %dma_start3A_464 = arith.constant 7 : i32
      %dma_start3A_465 = arith.constant 1 : i32
      %dma_start3A_466 = arith.constant 0 : i32
      %dma_start3A_467 = arith.constant 0 : i32
      %dma_start3A_468 = tpu.memref_slice %arg9[%dma_start3A_465, %dma_start3A_466, %dma_start3A_467] : memref<2x128x128xf32, #tpu.memory_space<vmem>> -> memref<1x128x128xf32, #tpu.memory_space<vmem>>
      %dma_start3A_469 = tpu.memref_squeeze %dma_start3A_468 : memref<1x128x128xf32, #tpu.memory_space<vmem>> -> memref<128x128xf32, #tpu.memory_space<vmem>>
      %dma_start3A_470 = arith.constant 0 : i32
      %dma_start3A_471 = tpu.memref_slice %arg7[%rem3A_94, %dma_start3A_464, %dma_start3A_470] : memref<3x8x128xi32, #tpu.memory_space<vmem>> -> memref<1x1x128xi32, #tpu.memory_space<vmem>>
      %dma_start3A_472 = tpu.memref_squeeze %dma_start3A_471 : memref<1x1x128xi32, #tpu.memory_space<vmem>> -> memref<128xi32, #tpu.memory_space<vmem>>
      %dma_start3A_473 = arith.constant 0 : i32
      %dma_start3A_474 = arith.constant 0 : i32
      %dma_start3A_475 = tpu.memref_slice %arg2[%dma_start3A_473, %dma_start3A_474] : memref<20000x128xf32, #tpu.memory_space<hbm>> -> memref<20000x128xf32, #tpu.memory_space<hbm>>
      tpu.enqueue_indirect_dma source(%dma_start3A_475 : memref<20000x128xf32, #tpu.memory_space<hbm>>) target(%dma_start3A_469 : memref<128x128xf32, #tpu.memory_space<vmem>>) offsets(%dma_start3A_472 : memref<128xi32, #tpu.memory_space<vmem>>) semaphore(%arg12 : memref<!tpu.dma_semaphore, #tpu.memory_space<semaphore_mem>>)
      %dma_wait3A_476 = arith.constant 0 : i32
      %dma_wait3A_477 = arith.constant 0 : i32
      %dma_wait3A_478 = arith.constant 0 : i32
      %dma_wait3A_479 = arith.constant 0 : i32
      %dma_wait3A_480 = arith.constant 0 : i32
      %dma_wait3A_481 = tpu.memref_slice %arg9[%dma_wait3A_478, %dma_wait3A_479, %dma_wait3A_480] : memref<2x128x128xf32, #tpu.memory_space<vmem>> -> memref<1x128x128xf32, #tpu.memory_space<vmem>>
      %dma_wait3A_482 = tpu.memref_squeeze %dma_wait3A_481 : memref<1x128x128xf32, #tpu.memory_space<vmem>> -> memref<128x128xf32, #tpu.memory_space<vmem>>
      %dma_wait3A_483 = arith.constant 0 : i32
      %dma_wait3A_484 = tpu.memref_slice %arg7[%dma_wait3A_476, %dma_wait3A_477, %dma_wait3A_483] : memref<3x8x128xi32, #tpu.memory_space<vmem>> -> memref<1x1x128xi32, #tpu.memory_space<vmem>>
      %dma_wait3A_485 = tpu.memref_squeeze %dma_wait3A_484 : memref<1x1x128xi32, #tpu.memory_space<vmem>> -> memref<128xi32, #tpu.memory_space<vmem>>
      %dma_wait3A_486 = arith.constant 0 : i32
      %dma_wait3A_487 = arith.constant 0 : i32
      %dma_wait3A_488 = tpu.memref_slice %arg2[%dma_wait3A_486, %dma_wait3A_487] : memref<20000x128xf32, #tpu.memory_space<hbm>> -> memref<20000x128xf32, #tpu.memory_space<hbm>>
      tpu.wait_indirect_dma semaphore(%arg11 : memref<!tpu.dma_semaphore, #tpu.memory_space<semaphore_mem>>) src(%dma_wait3A_488 : memref<20000x128xf32, #tpu.memory_space<hbm>>) dst(%dma_wait3A_482 : memref<128x128xf32, #tpu.memory_space<vmem>>)
      %dma_start3A_489 = arith.constant 0 : i32
      %dma_start3A_490 = arith.constant 6 : i32
      %dma_start3A_491 = arith.constant 0 : i32
      %dma_start3A_492 = arith.constant 0 : i32
      %dma_start3A_493 = tpu.memref_slice %arg9[%dma_start3A_489, %dma_start3A_491, %dma_start3A_492] : memref<2x128x128xf32, #tpu.memory_space<vmem>> -> memref<1x128x128xf32, #tpu.memory_space<vmem>>
      %dma_start3A_494 = tpu.memref_squeeze %dma_start3A_493 : memref<1x128x128xf32, #tpu.memory_space<vmem>> -> memref<128x128xf32, #tpu.memory_space<vmem>>
      %dma_start3A_495 = arith.constant 0 : i32
      %dma_start3A_496 = tpu.memref_slice %arg8[%rem3A_94, %dma_start3A_490, %dma_start3A_495] : memref<3x8x128xi32, #tpu.memory_space<vmem>> -> memref<1x1x128xi32, #tpu.memory_space<vmem>>
      %dma_start3A_497 = tpu.memref_squeeze %dma_start3A_496 : memref<1x1x128xi32, #tpu.memory_space<vmem>> -> memref<128xi32, #tpu.memory_space<vmem>>
      %dma_start3A_498 = arith.constant 0 : i32
      %dma_start3A_499 = arith.constant 0 : i32
      %dma_start3A_500 = tpu.memref_slice %arg10[%dma_start3A_498, %dma_start3A_499] : memref<10240x128xf32, #tpu.memory_space<vmem_shared>> -> memref<10240x128xf32, #tpu.memory_space<vmem_shared>>
      tpu.enqueue_indirect_dma source(%dma_start3A_494 : memref<128x128xf32, #tpu.memory_space<vmem>>) target(%dma_start3A_500 : memref<10240x128xf32, #tpu.memory_space<vmem_shared>>) offsets(%dma_start3A_497 : memref<128xi32, #tpu.memory_space<vmem>>) semaphore(%arg13 : memref<!tpu.dma_semaphore, #tpu.memory_space<semaphore_mem>>) {add = true}
    }
    %scan3A_38 = arith.constant 10 : i32
    %dma_wait3A = arith.constant 0 : i32
    %dma_wait3A_39 = arith.constant 0 : i32
    %dma_wait3A_40 = arith.constant 1 : i32
    %dma_wait3A_41 = arith.constant 0 : i32
    %dma_wait3A_42 = arith.constant 0 : i32
    %dma_wait3A_43 = tpu.memref_slice %arg9[%dma_wait3A_40, %dma_wait3A_41, %dma_wait3A_42] : memref<2x128x128xf32, #tpu.memory_space<vmem>> -> memref<1x128x128xf32, #tpu.memory_space<vmem>>
    %dma_wait3A_44 = tpu.memref_squeeze %dma_wait3A_43 : memref<1x128x128xf32, #tpu.memory_space<vmem>> -> memref<128x128xf32, #tpu.memory_space<vmem>>
    %dma_wait3A_45 = arith.constant 0 : i32
    %dma_wait3A_46 = tpu.memref_slice %arg7[%dma_wait3A, %dma_wait3A_39, %dma_wait3A_45] : memref<3x8x128xi32, #tpu.memory_space<vmem>> -> memref<1x1x128xi32, #tpu.memory_space<vmem>>
    %dma_wait3A_47 = tpu.memref_squeeze %dma_wait3A_46 : memref<1x1x128xi32, #tpu.memory_space<vmem>> -> memref<128xi32, #tpu.memory_space<vmem>>
    %dma_wait3A_48 = arith.constant 0 : i32
    %dma_wait3A_49 = arith.constant 0 : i32
    %dma_wait3A_50 = tpu.memref_slice %arg2[%dma_wait3A_48, %dma_wait3A_49] : memref<20000x128xf32, #tpu.memory_space<hbm>> -> memref<20000x128xf32, #tpu.memory_space<hbm>>
    tpu.wait_indirect_dma semaphore(%arg12 : memref<!tpu.dma_semaphore, #tpu.memory_space<semaphore_mem>>) src(%dma_wait3A_50 : memref<20000x128xf32, #tpu.memory_space<hbm>>) dst(%dma_wait3A_44 : memref<128x128xf32, #tpu.memory_space<vmem>>)
    %dma_start3A_51 = arith.constant 1 : i32
    %dma_start3A_52 = arith.constant 0 : i32
    %dma_start3A_53 = arith.constant 7 : i32
    %dma_start3A_54 = arith.constant 0 : i32
    %dma_start3A_55 = arith.constant 0 : i32
    %dma_start3A_56 = tpu.memref_slice %arg9[%dma_start3A_51, %dma_start3A_54, %dma_start3A_55] : memref<2x128x128xf32, #tpu.memory_space<vmem>> -> memref<1x128x128xf32, #tpu.memory_space<vmem>>
    %dma_start3A_57 = tpu.memref_squeeze %dma_start3A_56 : memref<1x128x128xf32, #tpu.memory_space<vmem>> -> memref<128x128xf32, #tpu.memory_space<vmem>>
    %dma_start3A_58 = arith.constant 0 : i32
    %dma_start3A_59 = tpu.memref_slice %arg8[%dma_start3A_52, %dma_start3A_53, %dma_start3A_58] : memref<3x8x128xi32, #tpu.memory_space<vmem>> -> memref<1x1x128xi32, #tpu.memory_space<vmem>>
    %dma_start3A_60 = tpu.memref_squeeze %dma_start3A_59 : memref<1x1x128xi32, #tpu.memory_space<vmem>> -> memref<128xi32, #tpu.memory_space<vmem>>
    %dma_start3A_61 = arith.constant 0 : i32
    %dma_start3A_62 = arith.constant 0 : i32
    %dma_start3A_63 = tpu.memref_slice %arg10[%dma_start3A_61, %dma_start3A_62] : memref<10240x128xf32, #tpu.memory_space<vmem_shared>> -> memref<10240x128xf32, #tpu.memory_space<vmem_shared>>
    tpu.enqueue_indirect_dma source(%dma_start3A_57 : memref<128x128xf32, #tpu.memory_space<vmem>>) target(%dma_start3A_63 : memref<10240x128xf32, #tpu.memory_space<vmem_shared>>) offsets(%dma_start3A_60 : memref<128xi32, #tpu.memory_space<vmem>>) semaphore(%arg14 : memref<!tpu.dma_semaphore, #tpu.memory_space<semaphore_mem>>) {add = true}
    %dma_wait3A_64 = arith.constant 0 : i32
    %dma_wait3A_65 = arith.constant 0 : i32
    %dma_wait3A_66 = arith.constant 0 : i32
    %dma_wait3A_67 = arith.constant 0 : i32
    %dma_wait3A_68 = arith.constant 0 : i32
    %dma_wait3A_69 = tpu.memref_slice %arg9[%dma_wait3A_64, %dma_wait3A_67, %dma_wait3A_68] : memref<2x128x128xf32, #tpu.memory_space<vmem>> -> memref<1x128x128xf32, #tpu.memory_space<vmem>>
    %dma_wait3A_70 = tpu.memref_squeeze %dma_wait3A_69 : memref<1x128x128xf32, #tpu.memory_space<vmem>> -> memref<128x128xf32, #tpu.memory_space<vmem>>
    %dma_wait3A_71 = arith.constant 0 : i32
    %dma_wait3A_72 = tpu.memref_slice %arg8[%dma_wait3A_65, %dma_wait3A_66, %dma_wait3A_71] : memref<3x8x128xi32, #tpu.memory_space<vmem>> -> memref<1x1x128xi32, #tpu.memory_space<vmem>>
    %dma_wait3A_73 = tpu.memref_squeeze %dma_wait3A_72 : memref<1x1x128xi32, #tpu.memory_space<vmem>> -> memref<128xi32, #tpu.memory_space<vmem>>
    %dma_wait3A_74 = arith.constant 0 : i32
    %dma_wait3A_75 = arith.constant 0 : i32
    %dma_wait3A_76 = tpu.memref_slice %arg10[%dma_wait3A_74, %dma_wait3A_75] : memref<10240x128xf32, #tpu.memory_space<vmem_shared>> -> memref<10240x128xf32, #tpu.memory_space<vmem_shared>>
    tpu.wait_indirect_dma semaphore(%arg13 : memref<!tpu.dma_semaphore, #tpu.memory_space<semaphore_mem>>) src(%dma_wait3A_70 : memref<128x128xf32, #tpu.memory_space<vmem>>) dst(%dma_wait3A_76 : memref<10240x128xf32, #tpu.memory_space<vmem_shared>>)
    %dma_wait3A_77 = arith.constant 1 : i32
    %dma_wait3A_78 = arith.constant 0 : i32
    %dma_wait3A_79 = arith.constant 0 : i32
    %dma_wait3A_80 = arith.constant 0 : i32
    %dma_wait3A_81 = arith.constant 0 : i32
    %dma_wait3A_82 = tpu.memref_slice %arg9[%dma_wait3A_77, %dma_wait3A_80, %dma_wait3A_81] : memref<2x128x128xf32, #tpu.memory_space<vmem>> -> memref<1x128x128xf32, #tpu.memory_space<vmem>>
    %dma_wait3A_83 = tpu.memref_squeeze %dma_wait3A_82 : memref<1x128x128xf32, #tpu.memory_space<vmem>> -> memref<128x128xf32, #tpu.memory_space<vmem>>
    %dma_wait3A_84 = arith.constant 0 : i32
    %dma_wait3A_85 = tpu.memref_slice %arg8[%dma_wait3A_78, %dma_wait3A_79, %dma_wait3A_84] : memref<3x8x128xi32, #tpu.memory_space<vmem>> -> memref<1x1x128xi32, #tpu.memory_space<vmem>>
    %dma_wait3A_86 = tpu.memref_squeeze %dma_wait3A_85 : memref<1x1x128xi32, #tpu.memory_space<vmem>> -> memref<128xi32, #tpu.memory_space<vmem>>
    %dma_wait3A_87 = arith.constant 0 : i32
    %dma_wait3A_88 = arith.constant 0 : i32
    %dma_wait3A_89 = tpu.memref_slice %arg10[%dma_wait3A_87, %dma_wait3A_88] : memref<10240x128xf32, #tpu.memory_space<vmem_shared>> -> memref<10240x128xf32, #tpu.memory_space<vmem_shared>>
    tpu.wait_indirect_dma semaphore(%arg14 : memref<!tpu.dma_semaphore, #tpu.memory_space<semaphore_mem>>) src(%dma_wait3A_83 : memref<128x128xf32, #tpu.memory_space<vmem>>) dst(%dma_wait3A_89 : memref<10240x128xf32, #tpu.memory_space<vmem_shared>>)
    %barrier3A_90 = arith.constant 0 : index
    tpu.barrier barrier_id(%barrier3A_90)
    %mul3A_91 = arith.constant 640 : i32
    %mul3A_92 = arith.muli %arg1, %mul3A_91 : i32
    "tpu.region"() ({
      %run_scoped3A = tpu.sem_alloc : memref<!tpu.dma_semaphore, #tpu.memory_space<semaphore_mem>>
      %dma_start3A_93 = arith.constant 0 : i32
      %dma_start3A_94 = tpu.memref_slice %arg6[%arg0, %mul3A_92, %dma_start3A_93] : memref<2x10240x128xf32, #tpu.memory_space<hbm>> -> memref<1x640x128xf32, #tpu.memory_space<hbm>>
      %dma_start3A_95 = tpu.memref_squeeze %dma_start3A_94 : memref<1x640x128xf32, #tpu.memory_space<hbm>> -> memref<640x128xf32, #tpu.memory_space<hbm>>
      %dma_start3A_96 = arith.constant 0 : i32
      %dma_start3A_97 = tpu.memref_slice %arg10[%mul3A_92, %dma_start3A_96] : memref<10240x128xf32, #tpu.memory_space<vmem_shared>> -> memref<640x128xf32, #tpu.memory_space<vmem_shared>>
      tpu.enqueue_dma source(%dma_start3A_97 : memref<640x128xf32, #tpu.memory_space<vmem_shared>>) target(%dma_start3A_95 : memref<640x128xf32, #tpu.memory_space<hbm>>) target_semaphore(%run_scoped3A : memref<!tpu.dma_semaphore, #tpu.memory_space<semaphore_mem>>)
      %dma_wait3A_98 = arith.constant 0 : i32
      %dma_wait3A_99 = tpu.memref_slice %arg6[%arg0, %mul3A_92, %dma_wait3A_98] : memref<2x10240x128xf32, #tpu.memory_space<hbm>> -> memref<1x640x128xf32, #tpu.memory_space<hbm>>
      %dma_wait3A_100 = tpu.memref_squeeze %dma_wait3A_99 : memref<1x640x128xf32, #tpu.memory_space<hbm>> -> memref<640x128xf32, #tpu.memory_space<hbm>>
      %dma_wait3A_101 = arith.constant 0 : i32
      %dma_wait3A_102 = tpu.memref_slice %arg10[%mul3A_92, %dma_wait3A_101] : memref<10240x128xf32, #tpu.memory_space<vmem_shared>> -> memref<640x128xf32, #tpu.memory_space<vmem_shared>>
      tpu.wait_dma2 semaphore(%run_scoped3A : memref<!tpu.dma_semaphore, #tpu.memory_space<semaphore_mem>>) src(%dma_wait3A_102 : memref<640x128xf32, #tpu.memory_space<vmem_shared>>) dst(%dma_wait3A_100 : memref<640x128xf32, #tpu.memory_space<hbm>>)
      tpu.yield
    }) : () -> ()
    return
  }
}

module attributes {stable_mosaic.version = 14 : i64} {
  func.func @body(%arg0: memref<10000x128xf32, #tpu.memory_space<vmem>>, %arg1: memref<2x10240x128xf32, #tpu.memory_space<vmem>>, %arg2: memref<1x1xf32, #tpu.memory_space<vmem>>, %arg3: memref<128x128xf32, #tpu.memory_space<vmem>>, %arg4: memref<1x128xf32, #tpu.memory_space<vmem>>, %arg5: memref<1x128xf32, #tpu.memory_space<vmem>>, %arg6: memref<1x128xf32, #tpu.memory_space<vmem>>, %arg7: memref<128x128xf32, #tpu.memory_space<vmem>>, %arg8: memref<1x128xf32, #tpu.memory_space<vmem>>, %arg9: memref<10000x128xf32, #tpu.memory_space<vmem>>) attributes {dimension_semantics = [], scalar_prefetch = 0 : i64, scratch_operands = 0 : i64, tpu.core_type = #tpu.core_type<tc>} {
    %get3A = arith.constant 0 : index
    %get3A_0 = arith.constant 0 : index
    %get3A_1 = vector.load %arg2[%get3A, %get3A_0] : memref<1x1xf32, #tpu.memory_space<vmem>>, vector<1x1xf32>
    %get3A_2 = vector.shape_cast %get3A_1 : vector<1x1xf32> to vector<1xf32>
    %get3A_3 = arith.constant 0 : index
    %get3A_4 = arith.constant 0 : index
    %get3A_5 = vector.load %arg0[%get3A_3, %get3A_4] : memref<10000x128xf32, #tpu.memory_space<vmem>>, vector<10000x128xf32>
    %broadcast_in_dim3A = vector.shape_cast %get3A_2 : vector<1xf32> to vector<1x1xf32>
    %mul3A = vector.broadcast %broadcast_in_dim3A : vector<1x1xf32> to vector<10000x128xf32>
    %mul3A_6 = arith.mulf %mul3A, %get3A_5 : vector<10000x128xf32>
    %get3A_7 = arith.constant 0 : index
    %get3A_8 = arith.constant 0 : index
    %get3A_9 = arith.constant 0 : index
    %get3A_10 = vector.load %arg1[%get3A_7, %get3A_8, %get3A_9] : memref<2x10240x128xf32, #tpu.memory_space<vmem>>, vector<1x10000x128xf32>
    %get3A_11 = vector.shape_cast %get3A_10 : vector<1x10000x128xf32> to vector<10000x128xf32>
    %add3A = arith.addf %mul3A_6, %get3A_11 : vector<10000x128xf32>
    %get3A_12 = arith.constant 1 : index
    %get3A_13 = arith.constant 0 : index
    %get3A_14 = arith.constant 0 : index
    %get3A_15 = vector.load %arg1[%get3A_12, %get3A_13, %get3A_14] : memref<2x10240x128xf32, #tpu.memory_space<vmem>>, vector<1x10000x128xf32>
    %get3A_16 = vector.shape_cast %get3A_15 : vector<1x10000x128xf32> to vector<10000x128xf32>
    %add3A_17 = arith.addf %add3A, %get3A_16 : vector<10000x128xf32>
    %get3A_18 = arith.constant 0 : index
    %get3A_19 = arith.constant 0 : index
    %get3A_20 = vector.load %arg3[%get3A_18, %get3A_19] : memref<128x128xf32, #tpu.memory_space<vmem>>, vector<128x128xf32>
    %dot_general3A = arith.constant dense<0.000000e+00> : vector<10000x128xf32>
    %dot_general3A_21 = tpu.matmul %add3A_17, %get3A_20, %dot_general3A {dimension_numbers = #tpu.dot_dimension_numbers<[1], [0], [0], [1], [0, 0, 1, 1], [], []>, precision = #tpu.contract_precision<fp32>, transpose_lhs_hint = false} : vector<10000x128xf32>, vector<128x128xf32>, vector<10000x128xf32> -> vector<10000x128xf32>
    %get3A_22 = arith.constant 0 : index
    %get3A_23 = arith.constant 0 : index
    %get3A_24 = vector.load %arg4[%get3A_22, %get3A_23] : memref<1x128xf32, #tpu.memory_space<vmem>>, vector<1x128xf32>
    %add3A_25 = vector.broadcast %get3A_24 : vector<1x128xf32> to vector<10000x128xf32>
    %add3A_26 = arith.addf %dot_general3A_21, %add3A_25 : vector<10000x128xf32>
    %reduce_sum3A = arith.constant dense<0.000000e+00> : vector<128xf32>
    %reduce_sum3A_27 = vector.multi_reduction <add>, %add3A_26, %reduce_sum3A [0] : vector<10000x128xf32> to vector<128xf32>
    %broadcast_in_dim3A_28 = vector.shape_cast %reduce_sum3A_27 : vector<128xf32> to vector<1x128xf32>
    %div3A = arith.constant 1.000000e+04 : f32
    %div3A_29 = vector.broadcast %div3A : f32 to vector<1x128xf32>
    %div3A_30 = arith.divf %broadcast_in_dim3A_28, %div3A_29 : vector<1x128xf32>
    %sub3A = vector.broadcast %div3A_30 : vector<1x128xf32> to vector<10000x128xf32>
    %sub3A_31 = arith.subf %add3A_26, %sub3A : vector<10000x128xf32>
    %square3A = arith.mulf %sub3A_31, %sub3A_31 : vector<10000x128xf32>
    %reduce_sum3A_32 = arith.constant dense<0.000000e+00> : vector<128xf32>
    %reduce_sum3A_33 = vector.multi_reduction <add>, %square3A, %reduce_sum3A_32 [0] : vector<10000x128xf32> to vector<128xf32>
    %broadcast_in_dim3A_34 = vector.shape_cast %reduce_sum3A_33 : vector<128xf32> to vector<1x128xf32>
    %div3A_35 = arith.constant 1.000000e+04 : f32
    %div3A_36 = vector.broadcast %div3A_35 : f32 to vector<1x128xf32>
    %div3A_37 = arith.divf %broadcast_in_dim3A_34, %div3A_36 : vector<1x128xf32>
    %get3A_38 = arith.constant 0 : index
    %get3A_39 = arith.constant 0 : index
    %get3A_40 = vector.load %arg5[%get3A_38, %get3A_39] : memref<1x128xf32, #tpu.memory_space<vmem>>, vector<1x128xf32>
    %sub3A_41 = vector.broadcast %div3A_30 : vector<1x128xf32> to vector<10000x128xf32>
    %sub3A_42 = arith.subf %add3A_26, %sub3A_41 : vector<10000x128xf32>
    %mul3A_43 = vector.broadcast %get3A_40 : vector<1x128xf32> to vector<10000x128xf32>
    %mul3A_44 = arith.mulf %mul3A_43, %sub3A_42 : vector<10000x128xf32>
    %add3A_45 = arith.constant 9.99999974E-6 : f32
    %add3A_46 = vector.broadcast %add3A_45 : f32 to vector<1x128xf32>
    %add3A_47 = arith.addf %div3A_37, %add3A_46 : vector<1x128xf32>
    %sqrt3A = math.sqrt %add3A_47 : vector<1x128xf32>
    %div3A_48 = vector.broadcast %sqrt3A : vector<1x128xf32> to vector<10000x128xf32>
    %div3A_49 = arith.divf %mul3A_44, %div3A_48 : vector<10000x128xf32>
    %get3A_50 = arith.constant 0 : index
    %get3A_51 = arith.constant 0 : index
    %get3A_52 = vector.load %arg6[%get3A_50, %get3A_51] : memref<1x128xf32, #tpu.memory_space<vmem>>, vector<1x128xf32>
    %add3A_53 = vector.broadcast %get3A_52 : vector<1x128xf32> to vector<10000x128xf32>
    %add3A_54 = arith.addf %div3A_49, %add3A_53 : vector<10000x128xf32>
    %max3A = arith.constant 0.000000e+00 : f32
    %max3A_55 = vector.broadcast %max3A : f32 to vector<10000x128xf32>
    %max3A_56 = arith.maximumf %add3A_54, %max3A_55 : vector<10000x128xf32>
    %get3A_57 = arith.constant 0 : index
    %get3A_58 = arith.constant 0 : index
    %get3A_59 = vector.load %arg7[%get3A_57, %get3A_58] : memref<128x128xf32, #tpu.memory_space<vmem>>, vector<128x128xf32>
    %dot_general3A_60 = arith.constant dense<0.000000e+00> : vector<10000x128xf32>
    %dot_general3A_61 = tpu.matmul %max3A_56, %get3A_59, %dot_general3A_60 {dimension_numbers = #tpu.dot_dimension_numbers<[1], [0], [0], [1], [0, 0, 1, 1], [], []>, precision = #tpu.contract_precision<fp32>, transpose_lhs_hint = false} : vector<10000x128xf32>, vector<128x128xf32>, vector<10000x128xf32> -> vector<10000x128xf32>
    %get3A_62 = arith.constant 0 : index
    %get3A_63 = arith.constant 0 : index
    %get3A_64 = vector.load %arg8[%get3A_62, %get3A_63] : memref<1x128xf32, #tpu.memory_space<vmem>>, vector<1x128xf32>
    %add3A_65 = vector.broadcast %get3A_64 : vector<1x128xf32> to vector<10000x128xf32>
    %add3A_66 = arith.addf %dot_general3A_61, %add3A_65 : vector<10000x128xf32>
    %max3A_67 = arith.constant 0.000000e+00 : f32
    %max3A_68 = vector.broadcast %max3A_67 : f32 to vector<10000x128xf32>
    %max3A_69 = arith.maximumf %add3A_66, %max3A_68 : vector<10000x128xf32>
    %swap3A = arith.constant 0 : index
    %swap3A_70 = arith.constant 0 : index
    %swap3A_71 = vector.load %arg9[%swap3A, %swap3A_70] : memref<10000x128xf32, #tpu.memory_space<vmem>>, vector<10000x128xf32>
    tpu.vector_store %arg9[%swap3A, %swap3A_70], %max3A_69 {strides = array<i32>} : memref<10000x128xf32, #tpu.memory_space<vmem>>, vector<10000x128xf32>,
    return
  }
}

module attributes {stable_mosaic.version = 14 : i64} {
  func.func @body(%arg0: memref<10000x128xf32, #tpu.memory_space<vmem>>, %arg1: memref<2x10240x128xf32, #tpu.memory_space<vmem>>, %arg2: memref<1x1xf32, #tpu.memory_space<vmem>>, %arg3: memref<128x128xf32, #tpu.memory_space<vmem>>, %arg4: memref<1x128xf32, #tpu.memory_space<vmem>>, %arg5: memref<1x128xf32, #tpu.memory_space<vmem>>, %arg6: memref<1x128xf32, #tpu.memory_space<vmem>>, %arg7: memref<128x128xf32, #tpu.memory_space<vmem>>, %arg8: memref<1x128xf32, #tpu.memory_space<vmem>>, %arg9: memref<10000x128xf32, #tpu.memory_space<vmem>>) attributes {dimension_semantics = [], scalar_prefetch = 0 : i64, scratch_operands = 0 : i64, tpu.core_type = #tpu.core_type<tc>} {
    %get3A = arith.constant 0 : index
    %get3A_0 = arith.constant 0 : index
    %get3A_1 = vector.load %arg2[%get3A, %get3A_0] : memref<1x1xf32, #tpu.memory_space<vmem>>, vector<1x1xf32>
    %get3A_2 = vector.shape_cast %get3A_1 : vector<1x1xf32> to vector<1xf32>
    %get3A_3 = arith.constant 0 : index
    %get3A_4 = arith.constant 0 : index
    %get3A_5 = vector.load %arg0[%get3A_3, %get3A_4] : memref<10000x128xf32, #tpu.memory_space<vmem>>, vector<10000x128xf32>
    %broadcast_in_dim3A = vector.shape_cast %get3A_2 : vector<1xf32> to vector<1x1xf32>
    %mul3A = vector.broadcast %broadcast_in_dim3A : vector<1x1xf32> to vector<10000x128xf32>
    %mul3A_6 = arith.mulf %mul3A, %get3A_5 : vector<10000x128xf32>
    %get3A_7 = arith.constant 0 : index
    %get3A_8 = arith.constant 0 : index
    %get3A_9 = arith.constant 0 : index
    %get3A_10 = vector.load %arg1[%get3A_7, %get3A_8, %get3A_9] : memref<2x10240x128xf32, #tpu.memory_space<vmem>>, vector<1x10000x128xf32>
    %get3A_11 = vector.shape_cast %get3A_10 : vector<1x10000x128xf32> to vector<10000x128xf32>
    %add3A = arith.addf %mul3A_6, %get3A_11 : vector<10000x128xf32>
    %get3A_12 = arith.constant 1 : index
    %get3A_13 = arith.constant 0 : index
    %get3A_14 = arith.constant 0 : index
    %get3A_15 = vector.load %arg1[%get3A_12, %get3A_13, %get3A_14] : memref<2x10240x128xf32, #tpu.memory_space<vmem>>, vector<1x10000x128xf32>
    %get3A_16 = vector.shape_cast %get3A_15 : vector<1x10000x128xf32> to vector<10000x128xf32>
    %add3A_17 = arith.addf %add3A, %get3A_16 : vector<10000x128xf32>
    %get3A_18 = arith.constant 0 : index
    %get3A_19 = arith.constant 0 : index
    %get3A_20 = vector.load %arg3[%get3A_18, %get3A_19] : memref<128x128xf32, #tpu.memory_space<vmem>>, vector<128x128xf32>
    %dot_general3A = arith.constant dense<0.000000e+00> : vector<10000x128xf32>
    %dot_general3A_21 = tpu.matmul %add3A_17, %get3A_20, %dot_general3A {dimension_numbers = #tpu.dot_dimension_numbers<[1], [0], [0], [1], [0, 0, 1, 1], [], []>, precision = #tpu.contract_precision<fp32>, transpose_lhs_hint = false} : vector<10000x128xf32>, vector<128x128xf32>, vector<10000x128xf32> -> vector<10000x128xf32>
    %get3A_22 = arith.constant 0 : index
    %get3A_23 = arith.constant 0 : index
    %get3A_24 = vector.load %arg4[%get3A_22, %get3A_23] : memref<1x128xf32, #tpu.memory_space<vmem>>, vector<1x128xf32>
    %add3A_25 = vector.broadcast %get3A_24 : vector<1x128xf32> to vector<10000x128xf32>
    %add3A_26 = arith.addf %dot_general3A_21, %add3A_25 : vector<10000x128xf32>
    %reduce_sum3A = arith.constant dense<0.000000e+00> : vector<128xf32>
    %reduce_sum3A_27 = vector.multi_reduction <add>, %add3A_26, %reduce_sum3A [0] : vector<10000x128xf32> to vector<128xf32>
    %broadcast_in_dim3A_28 = vector.shape_cast %reduce_sum3A_27 : vector<128xf32> to vector<1x128xf32>
    %div3A = arith.constant 1.000000e+04 : f32
    %div3A_29 = vector.broadcast %div3A : f32 to vector<1x128xf32>
    %div3A_30 = arith.divf %broadcast_in_dim3A_28, %div3A_29 : vector<1x128xf32>
    %sub3A = vector.broadcast %div3A_30 : vector<1x128xf32> to vector<10000x128xf32>
    %sub3A_31 = arith.subf %add3A_26, %sub3A : vector<10000x128xf32>
    %square3A = arith.mulf %sub3A_31, %sub3A_31 : vector<10000x128xf32>
    %reduce_sum3A_32 = arith.constant dense<0.000000e+00> : vector<128xf32>
    %reduce_sum3A_33 = vector.multi_reduction <add>, %square3A, %reduce_sum3A_32 [0] : vector<10000x128xf32> to vector<128xf32>
    %broadcast_in_dim3A_34 = vector.shape_cast %reduce_sum3A_33 : vector<128xf32> to vector<1x128xf32>
    %div3A_35 = arith.constant 1.000000e+04 : f32
    %div3A_36 = vector.broadcast %div3A_35 : f32 to vector<1x128xf32>
    %div3A_37 = arith.divf %broadcast_in_dim3A_34, %div3A_36 : vector<1x128xf32>
    %get3A_38 = arith.constant 0 : index
    %get3A_39 = arith.constant 0 : index
    %get3A_40 = vector.load %arg5[%get3A_38, %get3A_39] : memref<1x128xf32, #tpu.memory_space<vmem>>, vector<1x128xf32>
    %sub3A_41 = vector.broadcast %div3A_30 : vector<1x128xf32> to vector<10000x128xf32>
    %sub3A_42 = arith.subf %add3A_26, %sub3A_41 : vector<10000x128xf32>
    %mul3A_43 = vector.broadcast %get3A_40 : vector<1x128xf32> to vector<10000x128xf32>
    %mul3A_44 = arith.mulf %mul3A_43, %sub3A_42 : vector<10000x128xf32>
    %add3A_45 = arith.constant 9.99999974E-6 : f32
    %add3A_46 = vector.broadcast %add3A_45 : f32 to vector<1x128xf32>
    %add3A_47 = arith.addf %div3A_37, %add3A_46 : vector<1x128xf32>
    %sqrt3A = math.sqrt %add3A_47 : vector<1x128xf32>
    %div3A_48 = vector.broadcast %sqrt3A : vector<1x128xf32> to vector<10000x128xf32>
    %div3A_49 = arith.divf %mul3A_44, %div3A_48 : vector<10000x128xf32>
    %get3A_50 = arith.constant 0 : index
    %get3A_51 = arith.constant 0 : index
    %get3A_52 = vector.load %arg6[%get3A_50, %get3A_51] : memref<1x128xf32, #tpu.memory_space<vmem>>, vector<1x128xf32>
    %add3A_53 = vector.broadcast %get3A_52 : vector<1x128xf32> to vector<10000x128xf32>
    %add3A_54 = arith.addf %div3A_49, %add3A_53 : vector<10000x128xf32>
    %max3A = arith.constant 0.000000e+00 : f32
    %max3A_55 = vector.broadcast %max3A : f32 to vector<10000x128xf32>
    %max3A_56 = arith.maximumf %add3A_54, %max3A_55 : vector<10000x128xf32>
    %get3A_57 = arith.constant 0 : index
    %get3A_58 = arith.constant 0 : index
    %get3A_59 = vector.load %arg7[%get3A_57, %get3A_58] : memref<128x128xf32, #tpu.memory_space<vmem>>, vector<128x128xf32>
    %dot_general3A_60 = arith.constant dense<0.000000e+00> : vector<10000x128xf32>
    %dot_general3A_61 = tpu.matmul %max3A_56, %get3A_59, %dot_general3A_60 {dimension_numbers = #tpu.dot_dimension_numbers<[1], [0], [0], [1], [0, 0, 1, 1], [], []>, precision = #tpu.contract_precision<fp32>, transpose_lhs_hint = false} : vector<10000x128xf32>, vector<128x128xf32>, vector<10000x128xf32> -> vector<10000x128xf32>
    %get3A_62 = arith.constant 0 : index
    %get3A_63 = arith.constant 0 : index
    %get3A_64 = vector.load %arg8[%get3A_62, %get3A_63] : memref<1x128xf32, #tpu.memory_space<vmem>>, vector<1x128xf32>
    %add3A_65 = vector.broadcast %get3A_64 : vector<1x128xf32> to vector<10000x128xf32>
    %add3A_66 = arith.addf %dot_general3A_61, %add3A_65 : vector<10000x128xf32>
    %swap3A = arith.constant 0 : index
    %swap3A_67 = arith.constant 0 : index
    %swap3A_68 = vector.load %arg9[%swap3A, %swap3A_67] : memref<10000x128xf32, #tpu.memory_space<vmem>>, vector<10000x128xf32>
    tpu.vector_store %arg9[%swap3A, %swap3A_67], %add3A_66 {strides = array<i32>} : memref<10000x128xf32, #tpu.memory_space<vmem>>, vector<10000x128xf32>,
    return
  }
}

module attributes {stable_mosaic.version = 14 : i64} {
  func.func @body(%arg0: memref<10000x128xf32, #tpu.memory_space<vmem>>, %arg1: memref<10000x128xf32, #tpu.memory_space<vmem>>, %arg2: memref<1x10000xi32, #tpu.memory_space<vmem>>, %arg3: memref<2x128x128xf32, #tpu.memory_space<vmem>>, %arg4: memref<1x128xf32, #tpu.memory_space<vmem>>, %arg5: memref<128x128xf32, #tpu.memory_space<vmem>>, %arg6: memref<1x128xf32, #tpu.memory_space<vmem>>, %arg7: memref<128x128xf32, #tpu.memory_space<vmem>>, %arg8: memref<1x128xf32, #tpu.memory_space<vmem>>, %arg9: memref<128x128xf32, #tpu.memory_space<vmem>>) attributes {dimension_semantics = [], scalar_prefetch = 0 : i64, scratch_operands = 0 : i64, tpu.core_type = #tpu.core_type<tc>} {
    %iota3A = tpu.iota {dimensions = array<i32: 0>} : vector<128x10000xi32>
    %get3A = arith.constant 0 : index
    %get3A_0 = arith.constant 0 : index
    %get3A_1 = vector.load %arg2[%get3A, %get3A_0] : memref<1x10000xi32, #tpu.memory_space<vmem>>, vector<1x10000xi32>
    %eq3A = vector.broadcast %get3A_1 : vector<1x10000xi32> to vector<128x10000xi32>
    %eq3A_2 = arith.cmpi eq, %iota3A, %eq3A : vector<128x10000xi32>
    %jit3A = arith.constant 1.000000e+00 : f32
    %jit3A_3 = arith.constant 0.000000e+00 : f32
    %broadcast_in_dim3A = vector.broadcast %jit3A : f32 to vector<128x10000xf32>
    %broadcast_in_dim3A_4 = vector.broadcast %jit3A_3 : f32 to vector<128x10000xf32>
    %select_n3A = arith.select %eq3A_2, %broadcast_in_dim3A, %broadcast_in_dim3A_4 : vector<128x10000xi1>, vector<128x10000xf32>
    %get3A_5 = arith.constant 0 : index
    %get3A_6 = arith.constant 0 : index
    %get3A_7 = vector.load %arg0[%get3A_5, %get3A_6] : memref<10000x128xf32, #tpu.memory_space<vmem>>, vector<10000x128xf32>
    %dot_general3A = arith.constant dense<0.000000e+00> : vector<128x128xf32>
    %dot_general3A_8 = tpu.matmul %select_n3A, %get3A_7, %dot_general3A {dimension_numbers = #tpu.dot_dimension_numbers<[1], [0], [0], [1], [0, 0, 1, 1], [], []>, precision = #tpu.contract_precision<fp32>, transpose_lhs_hint = false} : vector<128x10000xf32>, vector<10000x128xf32>, vector<128x128xf32> -> vector<128x128xf32>
    %get3A_9 = arith.constant 0 : index
    %get3A_10 = arith.constant 0 : index
    %get3A_11 = vector.load %arg1[%get3A_9, %get3A_10] : memref<10000x128xf32, #tpu.memory_space<vmem>>, vector<10000x128xf32>
    %dot_general3A_12 = arith.constant dense<0.000000e+00> : vector<128x128xf32>
    %dot_general3A_13 = tpu.matmul %select_n3A, %get3A_11, %dot_general3A_12 {dimension_numbers = #tpu.dot_dimension_numbers<[1], [0], [0], [1], [0, 0, 1, 1], [], []>, precision = #tpu.contract_precision<fp32>, transpose_lhs_hint = false} : vector<128x10000xf32>, vector<10000x128xf32>, vector<128x128xf32> -> vector<128x128xf32>
    %get3A_14 = arith.constant 0 : index
    %get3A_15 = arith.constant 0 : index
    %get3A_16 = arith.constant 0 : index
    %get3A_17 = vector.load %arg3[%get3A_14, %get3A_15, %get3A_16] : memref<2x128x128xf32, #tpu.memory_space<vmem>>, vector<1x128x128xf32>
    %get3A_18 = vector.shape_cast %get3A_17 : vector<1x128x128xf32> to vector<128x128xf32>
    %dot_general3A_19 = arith.constant dense<0.000000e+00> : vector<128x128xf32>
    %dot_general3A_20 = tpu.matmul %dot_general3A_8, %get3A_18, %dot_general3A_19 {dimension_numbers = #tpu.dot_dimension_numbers<[1], [0], [0], [1], [0, 0, 1, 1], [], []>, precision = #tpu.contract_precision<fp32>, transpose_lhs_hint = false} : vector<128x128xf32>, vector<128x128xf32>, vector<128x128xf32> -> vector<128x128xf32>
    %get3A_21 = arith.constant 1 : index
    %get3A_22 = arith.constant 0 : index
    %get3A_23 = arith.constant 0 : index
    %get3A_24 = vector.load %arg3[%get3A_21, %get3A_22, %get3A_23] : memref<2x128x128xf32, #tpu.memory_space<vmem>>, vector<1x128x128xf32>
    %get3A_25 = vector.shape_cast %get3A_24 : vector<1x128x128xf32> to vector<128x128xf32>
    %dot_general3A_26 = arith.constant dense<0.000000e+00> : vector<128x128xf32>
    %dot_general3A_27 = tpu.matmul %dot_general3A_13, %get3A_25, %dot_general3A_26 {dimension_numbers = #tpu.dot_dimension_numbers<[1], [0], [0], [1], [0, 0, 1, 1], [], []>, precision = #tpu.contract_precision<fp32>, transpose_lhs_hint = false} : vector<128x128xf32>, vector<128x128xf32>, vector<128x128xf32> -> vector<128x128xf32>
    %add3A = arith.addf %dot_general3A_20, %dot_general3A_27 : vector<128x128xf32>
    %get3A_28 = arith.constant 0 : index
    %get3A_29 = arith.constant 0 : index
    %get3A_30 = vector.load %arg4[%get3A_28, %get3A_29] : memref<1x128xf32, #tpu.memory_space<vmem>>, vector<1x128xf32>
    %add3A_31 = vector.broadcast %get3A_30 : vector<1x128xf32> to vector<128x128xf32>
    %add3A_32 = arith.addf %add3A, %add3A_31 : vector<128x128xf32>
    %max3A = arith.constant 0.000000e+00 : f32
    %max3A_33 = vector.broadcast %max3A : f32 to vector<128x128xf32>
    %max3A_34 = arith.maximumf %add3A_32, %max3A_33 : vector<128x128xf32>
    %get3A_35 = arith.constant 0 : index
    %get3A_36 = arith.constant 0 : index
    %get3A_37 = vector.load %arg5[%get3A_35, %get3A_36] : memref<128x128xf32, #tpu.memory_space<vmem>>, vector<128x128xf32>
    %dot_general3A_38 = arith.constant dense<0.000000e+00> : vector<128x128xf32>
    %dot_general3A_39 = tpu.matmul %max3A_34, %get3A_37, %dot_general3A_38 {dimension_numbers = #tpu.dot_dimension_numbers<[1], [0], [0], [1], [0, 0, 1, 1], [], []>, precision = #tpu.contract_precision<fp32>, transpose_lhs_hint = false} : vector<128x128xf32>, vector<128x128xf32>, vector<128x128xf32> -> vector<128x128xf32>
    %get3A_40 = arith.constant 0 : index
    %get3A_41 = arith.constant 0 : index
    %get3A_42 = vector.load %arg6[%get3A_40, %get3A_41] : memref<1x128xf32, #tpu.memory_space<vmem>>, vector<1x128xf32>
    %add3A_43 = vector.broadcast %get3A_42 : vector<1x128xf32> to vector<128x128xf32>
    %add3A_44 = arith.addf %dot_general3A_39, %add3A_43 : vector<128x128xf32>
    %max3A_45 = arith.constant 0.000000e+00 : f32
    %max3A_46 = vector.broadcast %max3A_45 : f32 to vector<128x128xf32>
    %max3A_47 = arith.maximumf %add3A_44, %max3A_46 : vector<128x128xf32>
    %get3A_48 = arith.constant 0 : index
    %get3A_49 = arith.constant 0 : index
    %get3A_50 = vector.load %arg7[%get3A_48, %get3A_49] : memref<128x128xf32, #tpu.memory_space<vmem>>, vector<128x128xf32>
    %dot_general3A_51 = arith.constant dense<0.000000e+00> : vector<128x128xf32>
    %dot_general3A_52 = tpu.matmul %max3A_47, %get3A_50, %dot_general3A_51 {dimension_numbers = #tpu.dot_dimension_numbers<[1], [0], [0], [1], [0, 0, 1, 1], [], []>, precision = #tpu.contract_precision<fp32>, transpose_lhs_hint = false} : vector<128x128xf32>, vector<128x128xf32>, vector<128x128xf32> -> vector<128x128xf32>
    %get3A_53 = arith.constant 0 : index
    %get3A_54 = arith.constant 0 : index
    %get3A_55 = vector.load %arg8[%get3A_53, %get3A_54] : memref<1x128xf32, #tpu.memory_space<vmem>>, vector<1x128xf32>
    %add3A_56 = vector.broadcast %get3A_55 : vector<1x128xf32> to vector<128x128xf32>
    %add3A_57 = arith.addf %dot_general3A_52, %add3A_56 : vector<128x128xf32>
    %swap3A = arith.constant 0 : index
    %swap3A_58 = arith.constant 0 : index
    %swap3A_59 = vector.load %arg9[%swap3A, %swap3A_58] : memref<128x128xf32, #tpu.memory_space<vmem>>, vector<128x128xf32>
    tpu.vector_store %arg9[%swap3A, %swap3A_58], %add3A_57 {strides = array<i32>} : memref<128x128xf32, #tpu.memory_space<vmem>>, vector<128x128xf32>,
    return
  }
}

</mosaic_0001>

<sc_bundles>
// kernel: kernel.11.cloned.1.call-start
scs
__scs_entry_jumppad:
0x0: {  	(pc) =	sbr.rel $0x88, $3  }
0x1: {  	(tag) =	ssettag $0x0;
	lr =	simm.s32 $0x1  }
0x2: {  	[smem:$0x3F90] =	sst lr;
	_ =	strace $0xD0000000  }
0x3: {  	_ = 	snop  }
0x4: {  	_ = 	snop  }
0x5: {  	_ = 	snop  }
0x6: {  	_ = 	snop  }
0x7: {  	_ = 	snop  }
__scs_overlays_trampoline_lowered:
0x8: {  	[smem:$0x3F9F] =	sst s0  }
0x9: {  	[smem:$0x3FA0] =	sst s1  }
0xa: {  	[smem:$0x3FA1] =	sst s2  }
0xb: {  	[smem:$0x3FA2] =	sst s3  }
0xc: {  	[smem:$0x3FA3] =	sst s4  }
0xd: {  	[smem:$0x3FA4] =	sst s5  }
0xe: {  	[smem:$0x3FA5] =	sst s6  }
0xf: {  	[smem:$0x3FA6] =	sst s7  }
0x10: {  	[smem:$0x3FA7] =	sst s8  }
0x11: {  	[smem:$0x3FA8] =	sst s9;
	s0 =	simm.s32 @!p0 $0x0  }
0x12: {  	s1 =	sld [smem:$0x3F8E];
	s0 =	simm.s32 @p0 $0x1  }
0x13: {  	[smem:$0x3FA9] =	sst s0;
	s0 =	simm.s32 @!p1 $0x0  }
0x14: {  	s2 =	sld [smem:$0x3F8D];
	s0 =	simm.s32 @p1 $0x1  }
0x15: {  	[smem:$0x3FAA] =	sst s0;
	s0 =	simm.s32 @!p2 $0x0  }
0x16: {  	s3 =	sld [smem:$0x3FDB];
	s0 =	simm.s32 @p2 $0x1  }
0x17: {  	s4 =	simm.s32 $0x1BF5;
	[smem:$0x3FAC] =	sst s0  }
0x18: {  	s0 =	sld [smem:$0x3F8F];
	_ =	swait.ge [sflag:s4], $0x0  }
0x19: {  	s7 =	sld [smem:$0x3F90]  }
0x1a: {  	s8 =	sadd.s32 $0xFFFFE003, lr  }
0x1b: {  	s9 =	sadd.s32 $0xFFFFFEF7, lr;
	s5 =	simm.s32 $0xFFFFFFFF;
	p2 =	slt.u32 s8, $0xFFFFF086  }
0x1c: {  	p1 =	slt.u32 s9, $0xF7A;
	s5 =	simm.s32 @!p2 $0x0  }
0x1d: {  	s5 =	simm.s32 @p1 $0x1;
	p0 =	seq.s32 s7, s2  }
0x1e: {  	s7 =	smul.u32 @!p0 $0xF7A, s2;
	p2 =	seq.s32 @!p0 s5, $0x0  }
0x1f: {  	s9 =	smul.u32 $0xF7A, s1;
	s8 =	simm.s32 @!p0 $0x1BF5;
	p2 =	por !p2, p0  }
0x20: {  	[sflag:s8] =	ssyncset.s32 @!p0 $0xFFFFF086;
	s6 =	sadd.s32 @!p0 s3, s7;
	s7 =	simm.s32 @!p0 $0x108  }
0x21: {  	s3 =	sadd.s32 s3, s9;
	s6 =	sadd.s32 @!p0 $0x88, s6;
	s7 =	simm.s32 @p2 $0x1082  }
0x22: {  	[simem:s7], [sflag:s8] =	dma.local @!p0 [hbm:s6], $0xF7A  }
0x23: {  	s9 =	sor.u32 $0xD0000000, s2;
	s6 =	simm.s32 $0x108;
	_ =	swait.ge @!p0 [sflag:s8], $0x0  }
0x24: {  	s3 =	sadd.s32 $0x88, s3;
	s6 =	simm.s32 @!p1 $0x1082;
	[sflag:s4] =	ssyncset.s32 $0xFFFFF086  }
0x25: {  	[simem:s6], [sflag:s4] =	dma.local [hbm:s3], $0xF7A  }
0x26: {  	[smem:$0x3F90] =	sst s1;
	(tag) =	ssettag s2;
	_ =	strace s9  }
0x27: {  	s1 =	sld [smem:$0x3FA0]  }
0x28: {  	s2 =	sld [smem:$0x3FA1]  }
0x29: {  	s4 =	sld [smem:$0x3FA3]  }
0x2a: {  	p0 =	seq.s32 s5, $0x0;
	s5 =	sld [smem:$0x3FA4]  }
0x2b: {  	s6 =	sld [smem:$0x3FA5]  }
0x2c: {  	s7 =	sld [smem:$0x3FA6]  }
0x2d: {  	s3 =	simm.s32 $0x108;
	s8 =	sld [smem:$0x3FA7]  }
0x2e: {  	s3 =	simm.s32 @!p0 $0x1082;
	s9 =	sld [smem:$0x3FA8]  }
0x2f: {  	lr =	sadd.s32 s0, s3;
	s0 =	sld [smem:$0x3F9F]  }
0x30: {  	s3 =	sld [smem:$0x3FA2]  }
0x31: {  	[smem:$0x3FAB] =	sst s10  }
0x32: {  	s10 =	sld [smem:$0x3FA9];
	_ =	sdelay $0x3  }
0x33: {  	p0 =	seq.s32 s10, $0x1;
	s10 =	sld [smem:$0x3FAB];
	_ =	sdelay $0x3  }
0x34: {  	[smem:$0x3FAB] =	sst s10  }
0x35: {  	s10 =	sld [smem:$0x3FAA];
	_ =	sdelay $0x3  }
0x36: {  	p1 =	seq.s32 s10, $0x1;
	s10 =	sld [smem:$0x3FAB];
	_ =	sdelay $0x3  }
0x37: {  	[smem:$0x3FAB] =	sst s10  }
0x38: {  	s10 =	sld [smem:$0x3FAC]  }
0x39: {  	_ = 	snop;
	(pc) =	sbr.ind lr, $3  }
0x3a: {  	_ = 	snop  }
0x3b: {  	_ = 	snop  }
0x3c: {  	p2 =	seq.s32 s10, $0x1;
	s10 =	sld [smem:$0x3FAB]  }
0x3d: {  	_ =	shalt  }
0x3e: {  	_ =	shalt  }
0x3f: {  	_ =	shalt  }
0x40: {  	_ =	shalt  }
0x41: {  	_ =	shalt  }
0x42: {  	_ =	shalt  }
0x43: {  	_ =	shalt  }
0x44: {  	_ =	shalt  }
0x45: {  	_ =	shalt  }
0x46: {  	_ =	shalt  }
0x47: {  	_ =	shalt  }
0x48: {  	_ =	shalt  }
0x49: {  	_ =	shalt  }
0x4a: {  	_ =	shalt  }
0x4b: {  	_ =	shalt  }
0x4c: {  	_ =	shalt  }
0x4d: {  	_ =	shalt  }
0x4e: {  	_ =	shalt  }
0x4f: {  	_ =	shalt  }
0x50: {  	_ =	shalt  }
0x51: {  	_ =	shalt  }
0x52: {  	_ =	shalt  }
0x53: {  	_ =	shalt  }
0x54: {  	_ =	shalt  }
0x55: {  	_ =	shalt  }
0x56: {  	_ =	shalt  }
0x57: {  	_ =	shalt  }
0x58: {  	_ =	shalt  }
0x59: {  	_ =	shalt  }
0x5a: {  	_ =	shalt  }
0x5b: {  	_ =	shalt  }
0x5c: {  	_ =	shalt  }
0x5d: {  	_ =	shalt  }
0x5e: {  	_ =	shalt  }
0x5f: {  	_ =	shalt  }
0x60: {  	_ =	shalt  }
0x61: {  	_ =	shalt  }
0x62: {  	_ =	shalt  }
0x63: {  	_ =	shalt  }
0x64: {  	_ =	shalt  }
0x65: {  	_ =	shalt  }
0x66: {  	_ =	shalt  }
0x67: {  	_ =	shalt  }
0x68: {  	_ =	shalt  }
0x69: {  	_ =	shalt  }
0x6a: {  	_ =	shalt  }
0x6b: {  	_ =	shalt  }
0x6c: {  	_ =	shalt  }
0x6d: {  	_ =	shalt  }
0x6e: {  	_ =	shalt  }
0x6f: {  	_ =	shalt  }
0x70: {  	_ =	shalt  }
0x71: {  	_ =	shalt  }
0x72: {  	_ =	shalt  }
0x73: {  	_ =	shalt  }
0x74: {  	_ =	shalt  }
0x75: {  	_ =	shalt  }
0x76: {  	_ =	shalt  }
0x77: {  	_ =	shalt  }
0x78: {  	_ =	shalt  }
0x79: {  	_ =	shalt  }
0x7a: {  	_ =	shalt  }
0x7b: {  	_ =	shalt  }
0x7c: {  	_ =	shalt  }
0x7d: {  	_ =	shalt  }
0x7e: {  	_ =	shalt  }
0x7f: {  	_ =	shalt  }
0x80: {  	_ =	shalt  }
0x81: {  	_ =	shalt  }
0x82: {  	_ =	shalt  }
0x83: {  	_ =	shalt  }
0x84: {  	_ =	shalt  }
0x85: {  	_ =	shalt  }
0x86: {  	_ =	shalt  }
0x87: {  	_ =	shalt  }
.Lfunc_end0:
.L_simem_size_0:
called_computation_lowered:
.L_overlay_start_0:
0x88: {  	s2 =	sld [smem:$0x3FD9]  }
0x89: {  	s3 =	sld [smem:$0x3FFE];
	_ =	sdelay $0x1  }
0x8a: {  	s1 =	srdreg.scid  }
0x8b: {  	s0 =	sand.u32 $0x1, s1  }
0x8c: {  	s17 =	sshll.u32 s0, $0xA;
	s2 =	sadd.s32 s3, s2  }
0x8d: {  	s2 =	sadd.s32 s2, s17  }
0x8e: {  	[smem:$0x3FB7] =	sst s2  }
0x8f: {  	_ = 	snop  }
0x90: {  	s2 =	sld [smem:$0x3FC9];
	(tm) =	ssettm $0x1  }
0x91: {  	s18 =	sld [smem:$0x3FFB];
	_ =	sdelay $0x3  }
0x92: {  	_ =	strace s18  }
0x93: {  	s3 =	sld [smem:$0x3FFC];
	_ =	sdelay $0x3  }
0x94: {  	_ =	strace s3  }
0x95: {  	s3 =	sld [smem:$0x3FFD];
	_ =	sdelay $0x3  }
0x96: {  	_ =	strace s3  }
0x97: {  	_ =	strace $0x8FFFFFFF  }
0x98: {  	s19 =	sld [smem:$0x3FDB];
	_ =	sdelay $0x1  }
0x99: {  	s4 =	simm.s32 $_scs_section_size  }
0x9a: {  	s5 =	simm.s32 $_size__tile_overlayer_lowered;
	s6 =	simm.s32 $_tile_overlayer_lowered  }
0x9b: {  	s22 =	simm.s32 $0x1BFF;
	s21 =	sshll.u32 s6, $0x1;
	s3 =	sadd.s32 s4, s19  }
0x9c: {  	s7 =	simm.s32 $0x0;
	s20 =	sshll.u32 s5, $0x1;
	s5 =	sadd.s32 s21, s3  }
0x9d: {  	[timem:s7], [sflag:s22] =	dma.local [hbm:s5], s20  }
0x9e: {  	_ =	swait.ge [sflag:s22], s20  }
0x9f: {  	s4 =	ssub.s32 $0x0, s20;
	[sflag:s22] =	ssyncset.done $0x0  }
0xa0: {  	[sflag:s22] =	ssyncadd.s32 s4;
	_ =	sdelay $0x1  }
0xa1: {  	s23 =	simm.s32 $0x1B8B  }
0xa2: {  	_ =	swait.ge [sflag:s23], $0x1  }
0xa3: {  	[sflag:s23] =	ssyncset.done $0x0  }
0xa4: {  	s25 =	simm.s32 $0x1B8E;
	s24 =	sld [smem:$0x3FFE];
	[sflag:s23] =	ssyncadd.s32 $0xFFFFFFFF  }
0xa5: {  	s26 =	simm.s32 $execute0_lowered;
	[smem:$0x3FD2] =	sst s25  }
0xa6: {  	s5 =	sshll.u32 s26, $0x1;
	_ =	strace $0x80000046;
	[dreg:$0x1] =	wrdreg $0xFFFFFFFF  }
0xa7: {  	s28 =	simm.s32 $_size_execute0_lowered;
	s3 =	sadd.s32 s3, s5;
	[dreg:$0x0] =	wrdreg $0x0  }
0xa8: {  	s5 =	sshll.u32 s28, $0x1;
	[dreg:$0x2] =	wrdreg s3  }
0xa9: {  	[dreg:$0x3] =	wrdreg s5  }
0xaa: {  	[dreg:$0x4] =	wrdreg $0xC0  }
0xab: {  	_ =	task [dreg:s7], $0x5FFFF  }
0xac: {  	[dreg:$0x1] =	wrdreg $0xFFFFFFFF  }
0xad: {  	[dreg:$0x0] =	wrdreg $0x60  }
0xae: {  	[dreg:$0x2] =	wrdreg s2  }
0xaf: {  	[dreg:$0x3] =	wrdreg s24  }
0xb0: {  	[dreg:$0x4] =	wrdreg $0x98000  }
0xb1: {  	[dreg:$0x5] =	wrdreg $0x9  }
0xb2: {  	_ =	task.clear_ibuf [dreg:s7], $0x6FFFF;
	_ =	strace $0x90000046  }
0xb3: {  	s29 =	simm.s32 $0x9;
	_ =	strace $0x80000048  }
0xb4: {  	_ =	swait.ge [sflag:s29], $0x1  }
0xb5: {  	[sflag:s29] =	ssyncadd.s32 $0xFFFFFFFF  }
0xb6: {  	_ =	strace $0x90000048  }
0xb7: {  	_ =	sfence  }
0xb8: {  	s30 =	sld [smem:$0x0];
	_ =	sdelay $0x2  }
0xb9: {  	s31 =	sshll.u32 s1, $0xD;
	s1 =	sshrl.u32 s1, $0x2  }
0xba: {  	s3 =	sand.u32 $0x4000, s31;
	s1 =	sadd.s32 s1, s30  }
0xbb: {  	s0 =	sor.u32 s3, s0;
	s1 =	sshll.u32 s1, $0x11  }
0xbc: {  	s0 =	sor.u32 s1, s0  }
0xbd: {  	s0 =	sadd.s32 $0x8F2B, s0  }
0xbe: {  	[sflag:s0] =	ssyncadd.remote.s32 $0x1  }
0xbf: {  	_ =	sfence.sel $0xFFFF  }
0xc0: {  	[dreg:$0x0] =	wrdreg $0xFFFFFFFF;
	(pc) =	sbr.abs _section_cstart, $3  }
0xc1: {  	[dreg:$0x1] =	wrdreg $0xFFFFFFFF  }
0xc2: {  	_ =	task.clear_ibuf [dreg:s7], $0x2FFFF;
	_ =	strace $0x9FFFFFFF  }
0xc3: {  	(tm) =	ssettm $0x7FFFFFFF  }
tec
execute0_lowered:
.L_overlay_start_1:
0x0: {  	(tag) =	ssettag $0x1  }
0x1: {  	s1 =	rddreg [dreg:$0x0]  }
0x2: {  	s6 =	rddreg [dreg:$0x1]  }
0x3: {  	s2 =	rddreg [dreg:$0x2];
	s4 =	simm.s32 $0x0;
	s3 =	srdreg.scid  }
0x4: {  	s0 =	stileid.u32;
	s17 =	simm.s32 $0x80;
	s18 =	simm.s32 $0x1800  }
0x5: {  	s19 =	simm.s32 $0x5800;
	s20 =	simm.s32 $0x1;
	s21 =	simm.s32 $0x3  }
0x6: {  	s22 =	simm.s32 $0x2;
	s23 =	simm.s32 $0x4;
	s8 =	smul.u32 $0x14000, s0  }
0x7: {  	[smem:$0x7FF] =	sst s4;
	s5 =	sand.u32 $0x1, s3;
	s9 =	smul.u32 $0x50000, s0  }
0x8: {  	s12 =	sadd.s32 $0xF200, s6;
	s11 =	sadd.s32 $0x19200, s6;
	s14 =	smul.u32 $0x2800, s0  }
0x9: {  	s26 =	sshll.u32 s0, $0x6;
	s7 =	smul.u32 $0x140000, s5;
	_ =	strace $0x80000047  }
0xa: {  	s24 =	ssub.s32 $0x2, s5;
	s10 =	smul.u32 $0x28000, s5;
	s5 =	sadd.s32 $0x2D200, s6  }
0xb: {  	s13 =	sshrl.u32 s24, $0x1;
	s25 =	sshrl.u32 s9, $0x2;
	s7 =	sadd.s32 s8, s7  }
0xc: {  	s13 =	ssub.s32 s24, s13;
	s28 =	sadd.s32 s14, s10;
	s29 =	sadd.s32 s25, s2  }
0xd: {  	s14 =	simm.s32 $0x6;
	s24 =	simm.s32 $0xF80;
	s25 =	simm.s32 $0x0  }
0xe: {  	s7 =	sshrl.u32 s7, $0x3;
	s30 =	sshrl.u32 s28, $0x3;
	s16 =	sor.u32 $0x400, s28  }
0xf: {  	s10 =	smax.u32 s13, $0x1;
	s13 =	sshrl.u32 s29, $0x3;
	s15 =	sadd.s32 s7, s6  }
0x10: {  	s6 =	sor.u32 $0x1C06, s26;
	s7 =	sadd.s32 s12, s30;
	s8 =	sadd.s32 s11, s30  }
0x11: {  	s31 =	sshrl.u32 s16, $0x3;
	s16 =	simm.s32 $0x5;
	s9 =	sadd.s32 $0x2FA00, s15  }
0x12: {  	s11 =	sadd.s32 s31, s11;
	s12 =	sadd.s32 s31, s12;
	s15 =	simm.s32 $0xC00  }
.LBB2_1:
0x13: {  	[spmem:s13], [sflag:s6] =	dma.local [hbm:s5], $0x2800  }
0x14: {  	_ =	swait.ge [sflag:s14], $0x2800  }
0x15: {  	[sflag:s14] =	ssyncset.done $0x0  }
0x16: {  	[sflag:s14] =	ssyncadd.s32 $0xFFFFD800  }
0x17: {  	[bflag:$0x0] =	sbarrier.arrive $0xFFFF  }
0x18: {  	[tilespmem:s4], [sflag:$0x5] =	stream.linear.gather [hbm4b:s7+s4], $0x400, $0x38;
	[tilespmem:$0x1D800] =	vst v63  }
0x19: {  	s26 =	smov.u32 s12;
	s28 =	smov.u32 s11;
	s30 =	simm.s32 $0x0  }
0x1a: {  	[tilespmem:s15], [sflag:$0x5] =	stream.linear.gather [hbm4b:s8+s4], $0x400, $0x38;
	[tilespmem:$0x1D800] =	vst v63  }
.LBB2_2:
0x1b: {  	s29 =	sadd.s32 $0x1, s30;
	p0 =	seq.s32 s30, $0x9  }
0x1c: {  	s31 =	smul.u32 @!p0 $0xAB, s29;
	_ =	sdelay $0x1  }
0x1d: {  	s31 =	sshrl.u32 @!p0 s31, $0x9  }
0x1e: {  	_ =	swait.ge [sflag:s16], $0x400;
	s31 =	sand.u32 @!p0 $0x7F, s31  }
0x1f: {  	[sflag:s16] =	ssyncset.done $0x0;
	s31 =	smul.u32 @!p0 $0x3, s31  }
0x20: {  	[sflag:s16] =	ssyncadd.s32 $0xFFFFFC00  }
0x21: {  	_ =	swait.ge [sflag:s16], $0x400;
	s31 =	ssub.s32 @!p0 s29, s31  }
0x22: {  	[sflag:s16] =	ssyncset.done $0x0;
	s31 =	sand.u32 @!p0 $0xFF, s31  }
0x23: {  	s0 =	simm.s32 @!p0 $0x0;
	[sflag:s16] =	ssyncadd.s32 $0xFFFFFC00;
	s31 =	sshll.u32 @!p0 s31, $0xA  }
0x24: {  	[tilespmem:s31], [sflag:$0x5] =	stream.linear.gather @!p0 [hbm4b:s26+s0], $0x400, $0x38;
	[tilespmem:$0x1D800] =	vst v63  }
0x25: {  	p1 =	sne.s32 @!p0 s30, $0x0;
	s31 =	sadd.s32 @!p0 $0xC00, s31  }
0x26: {  	[tilespmem:s31], [sflag:$0x5] =	stream.linear.gather @!p0 [hbm4b:s28+s0], $0x400, $0x38;
	[tilespmem:$0x1D800] =	vst v63  }
0x27: {  	p0 =	por p0, p1  }
0x28: {  	s30 =	simm.s32 @!p0 $0x0  }
0x29: {  	[tilespmem:s18], [sflag:$0x1] =	stream.indirect.gather @!p0 [hbm4b:s1+s17], $0x80, s30, s17, $0xb8;
	[tilespmem:$0x1D800] =	vst v63  }
0x2a: {  	s0 =	smul.u32 @p0 $0xAB, s30  }
0x2b: {  	s31 =	sadd.s32 @p0 $0x2, s30  }
0x2c: {  	s3 =	sand.u32 @p0 $0xFF, s31;
	s0 =	sshrl.u32 @p0 s0, $0x9  }
0x2d: {  	s3 =	smul.u32 @p0 $0xAB, s3;
	s0 =	sand.u32 @p0 $0x7F, s0  }
0x2e: {  	s0 =	smul.u32 @p0 $0x3, s0  }
0x2f: {  	s3 =	sshrl.u32 @p0 s3, $0x9  }
0x30: {  	_ =	swait.ge @p0 [sflag:s21], $0x4000;
	s3 =	smul.u32 @p0 $0x3, s3;
	s0 =	ssub.s32 @p0 s30, s0  }
0x31: {  	[sflag:s21] =	ssyncset.done @p0 $0x0;
	s0 =	sand.u32 @p0 $0xFF, s0  }
0x32: {  	[sflag:s21] =	ssyncadd.s32 @p0 $0xFFFFC000;
	s3 =	ssub.s32 @p0 s31, s3;
	s30 =	sshll.u32 @p0 s0, $0xA  }
0x33: {  	[tilespmem:s18], [sflag:$0x1] =	stream.indirect.gather @p0 [hbm4b:s1+s17], $0x80, s30, s17, $0xb8;
	[tilespmem:$0x1D800] =	vst v63  }
0x34: {  	s0 =	sand.u32 @p0 $0xFF, s3;
	_ =	swait.ge @p0 [sflag:s22], $0x4000  }
0x35: {  	s0 =	sshll.u32 @p0 s0, $0xA;
	[sflag:s22] =	ssyncset.done @p0 $0x0  }
0x36: {  	s0 =	sadd.s32 @p0 $0xF80, s0;
	[sflag:s22] =	ssyncadd.s32 @p0 $0xFFFFC000  }
0x37: {  	[spmem:s2] =	stream.indirect.scatter.add.f32 @p0 [tilespmem:s19], [sflag:$0x4], $0x80, s0, s17, $0xb8;
	[tilespmem:$0x1D800] =	vst v63  }
0x38: {  	_ =	swait.ge @p0 [sflag:s23], $0x4000  }
0x39: {  	[sflag:s23] =	ssyncset.done @p0 $0x0  }
0x3a: {  	s3 =	sor.u32 $0x80, s30;
	[sflag:s23] =	ssyncadd.s32 @p0 $0xFFFFC000  }
0x3b: {  	[tilespmem:s19], [sflag:$0x2] =	stream.indirect.gather [hbm4b:s1+s17], $0x80, s3, s17, $0xb8;
	[tilespmem:$0x1D800] =	vst v63  }
0x3c: {  	_ =	swait.ge [sflag:s20], $0x4000  }
0x3d: {  	[sflag:s20] =	ssyncset.done $0x0  }
0x3e: {  	s31 =	sadd.s32 $0xC00, s30;
	[sflag:s20] =	ssyncadd.s32 $0xFFFFC000  }
0x3f: {  	[spmem:s2] =	stream.indirect.scatter.add.f32 [tilespmem:s18], [sflag:$0x3], $0x80, s31, s17, $0xb8;
	[tilespmem:$0x1D800] =	vst v63  }
0x40: {  	_ =	swait.ge [sflag:s21], $0x4000  }
0x41: {  	[sflag:s21] =	ssyncset.done $0x0  }
0x42: {  	s3 =	sor.u32 $0x100, s30;
	[sflag:s21] =	ssyncadd.s32 $0xFFFFC000  }
0x43: {  	[tilespmem:s18], [sflag:$0x1] =	stream.indirect.gather [hbm4b:s1+s17], $0x80, s3, s17, $0xb8;
	[tilespmem:$0x1D800] =	vst v63  }
0x44: {  	_ =	swait.ge [sflag:s22], $0x4000  }
0x45: {  	[sflag:s22] =	ssyncset.done $0x0  }
0x46: {  	s31 =	sadd.s32 $0xC80, s30;
	[sflag:s22] =	ssyncadd.s32 $0xFFFFC000  }
0x47: {  	[spmem:s2] =	stream.indirect.scatter.add.f32 [tilespmem:s19], [sflag:$0x4], $0x80, s31, s17, $0xb8;
	[tilespmem:$0x1D800] =	vst v63  }
0x48: {  	_ =	swait.ge [sflag:s23], $0x4000  }
0x49: {  	[sflag:s23] =	ssyncset.done $0x0  }
0x4a: {  	s3 =	sor.u32 $0x180, s30;
	[sflag:s23] =	ssyncadd.s32 $0xFFFFC000  }
0x4b: {  	[tilespmem:s19], [sflag:$0x2] =	stream.indirect.gather [hbm4b:s1+s17], $0x80, s3, s17, $0xb8;
	[tilespmem:$0x1D800] =	vst v63  }
0x4c: {  	_ =	swait.ge [sflag:s20], $0x4000  }
0x4d: {  	[sflag:s20] =	ssyncset.done $0x0  }
0x4e: {  	s31 =	sadd.s32 $0xD00, s30;
	[sflag:s20] =	ssyncadd.s32 $0xFFFFC000  }
0x4f: {  	[spmem:s2] =	stream.indirect.scatter.add.f32 [tilespmem:s18], [sflag:$0x3], $0x80, s31, s17, $0xb8;
	[tilespmem:$0x1D800] =	vst v63  }
0x50: {  	_ =	swait.ge [sflag:s21], $0x4000  }
0x51: {  	[sflag:s21] =	ssyncset.done $0x0  }
0x52: {  	s3 =	sor.u32 $0x200, s30;
	[sflag:s21] =	ssyncadd.s32 $0xFFFFC000  }
0x53: {  	[tilespmem:s18], [sflag:$0x1] =	stream.indirect.gather [hbm4b:s1+s17], $0x80, s3, s17, $0xb8;
	[tilespmem:$0x1D800] =	vst v63  }
0x54: {  	_ =	swait.ge [sflag:s22], $0x4000  }
0x55: {  	[sflag:s22] =	ssyncset.done $0x0  }
0x56: {  	s31 =	sadd.s32 $0xD80, s30;
	[sflag:s22] =	ssyncadd.s32 $0xFFFFC000  }
0x57: {  	[spmem:s2] =	stream.indirect.scatter.add.f32 [tilespmem:s19], [sflag:$0x4], $0x80, s31, s17, $0xb8;
	[tilespmem:$0x1D800] =	vst v63  }
0x58: {  	_ =	swait.ge [sflag:s23], $0x4000  }
0x59: {  	[sflag:s23] =	ssyncset.done $0x0  }
0x5a: {  	s3 =	sor.u32 $0x280, s30;
	[sflag:s23] =	ssyncadd.s32 $0xFFFFC000  }
0x5b: {  	[tilespmem:s19], [sflag:$0x2] =	stream.indirect.gather [hbm4b:s1+s17], $0x80, s3, s17, $0xb8;
	[tilespmem:$0x1D800] =	vst v63  }
0x5c: {  	_ =	swait.ge [sflag:s20], $0x4000  }
0x5d: {  	[sflag:s20] =	ssyncset.done $0x0  }
0x5e: {  	s31 =	sadd.s32 $0xE00, s30;
	[sflag:s20] =	ssyncadd.s32 $0xFFFFC000  }
0x5f: {  	[spmem:s2] =	stream.indirect.scatter.add.f32 [tilespmem:s18], [sflag:$0x3], $0x80, s31, s17, $0xb8;
	[tilespmem:$0x1D800] =	vst v63  }
0x60: {  	_ =	swait.ge [sflag:s21], $0x4000  }
0x61: {  	[sflag:s21] =	ssyncset.done $0x0  }
0x62: {  	s3 =	sor.u32 $0x300, s30;
	[sflag:s21] =	ssyncadd.s32 $0xFFFFC000  }
0x63: {  	[tilespmem:s18], [sflag:$0x1] =	stream.indirect.gather [hbm4b:s1+s17], $0x80, s3, s17, $0xb8;
	[tilespmem:$0x1D800] =	vst v63  }
0x64: {  	_ =	swait.ge [sflag:s22], $0x4000  }
0x65: {  	[sflag:s22] =	ssyncset.done $0x0  }
0x66: {  	s31 =	sadd.s32 $0xE80, s30;
	[sflag:s22] =	ssyncadd.s32 $0xFFFFC000  }
0x67: {  	[spmem:s2] =	stream.indirect.scatter.add.f32 [tilespmem:s19], [sflag:$0x4], $0x80, s31, s17, $0xb8;
	[tilespmem:$0x1D800] =	vst v63  }
0x68: {  	_ =	swait.ge [sflag:s23], $0x4000  }
0x69: {  	[sflag:s23] =	ssyncset.done $0x0  }
0x6a: {  	p0 =	sne.s32 s29, $0xA;
	s3 =	sadd.s32 $0x380, s30;
	[sflag:s23] =	ssyncadd.s32 $0xFFFFC000  }
0x6b: {  	[tilespmem:s19], [sflag:$0x2] =	stream.indirect.gather [hbm4b:s1+s17], $0x80, s3, s17, $0xb8;
	[tilespmem:$0x1D800] =	vst v63  }
.Ltmp0:
0x6c: {  	_ = 	snop;
	(pc) =	sbr.rel @p0 .LBB2_2-.Ltmp0, $4  }
0x6d: {  	_ =	swait.ge [sflag:s20], $0x4000  }
0x6e: {  	s26 =	sadd.s32 $0x80, s26;
	s28 =	sadd.s32 $0x80, s28;
	[sflag:s20] =	ssyncset.done $0x0  }
0x6f: {  	s31 =	sadd.s32 $0xF00, s30;
	s30 =	smov.u32 s29;
	[sflag:s20] =	ssyncadd.s32 $0xFFFFC000  }
0x70: {  	[spmem:s2] =	stream.indirect.scatter.add.f32 [tilespmem:s18], [sflag:$0x3], $0x80, s31, s17, $0xb8;
	[tilespmem:$0x1D800] =	vst v63  }
0x71: {  	_ =	swait.ge [sflag:s22], $0x4000  }
0x72: {  	[sflag:s22] =	ssyncset.done $0x0  }
0x73: {  	[sflag:s22] =	ssyncadd.s32 $0xFFFFC000  }
0x74: {  	[spmem:s2] =	stream.indirect.scatter.add.f32 [tilespmem:s19], [sflag:$0x4], $0x80, s24, s17, $0xb8;
	[tilespmem:$0x1D800] =	vst v63  }
0x75: {  	_ =	swait.ge [sflag:s21], $0x4000  }
0x76: {  	[sflag:s21] =	ssyncset.done $0x0  }
0x77: {  	[sflag:s21] =	ssyncadd.s32 $0xFFFFC000  }
0x78: {  	_ =	swait.ge [sflag:s23], $0x4000  }
0x79: {  	s25 =	sadd.s32 $0x1, s25;
	[sflag:s23] =	ssyncset.done $0x0  }
0x7a: {  	p0 =	sne.s32 s25, s10;
	[sflag:s23] =	ssyncadd.s32 $0xFFFFC000  }
.Ltmp1:
0x7b: {  	[bflag:$0x0] =	sbarrier.arrive $0xFFFF;
	(pc) =	sbr.rel @p0 .LBB2_1-.Ltmp1, $4  }
0x7c: {  	[hbm:s9], [sflag:s6] =	dma.local [spmem:s13], $0x2800  }
0x7d: {  	_ =	swait.ge [sflag:s14], $0x2800  }
0x7e: {  	[sflag:s14] =	ssyncset.done $0x0  }
0x7f: {  	[sflag:s14] =	ssyncadd.s32 $0xFFFFD800  }
0x80: {  	_ =	sfence.sel $0x180000  }
0x81: {  	[bflag:$0x0] =	sbarrier.arrive $0xFFFF  }
0x82: {  	_ =	strace $0x90000047  }
0x83: {  	s0 =	stileid.u32;
	[bflag:$0x2] =	sbarrier.arrive $0xFFFF  }
0x84: {  	p0 =	sne.s32 s0, $0x0;
	s0 =	rddreg [dreg:$0x3]  }
0x85: {  	s0 =	sadd.s32 @!p0 $0x100000, s0  }
0x86: {  	[sflag:s0] =	ssyncadd.tile.s32 @!p0 $0x1;
	_ =	shalt  }
.Lfunc_end2:
_tile_overlayer_lowered:
.L_overlay_start_2:
0x87: {  	(tag) =	ssettag $0x2  }
0x88: {  	s0 =	rddreg [dreg:$0x0];
	s2 =	stileid.u32  }
0x89: {  	s1 =	rddreg [dreg:$0x1];
	p0 =	sne.s32 s2, $0x0  }
0x8a: {  	s3 =	rddreg [dreg:$0x2];
	[bflag:$0x3] =	sbarrier.arrive $0xFFFF;
	s2 =	simm.s32 @!p0 $0x1C06  }
0x8b: {  	[timem:s3], [sflag:s2] =	dma.local @!p0 [hbm:s0], s1  }
0x8c: {  	s0 =	simm.s32 @!p0 $0x6  }
0x8d: {  	_ =	swait.ge @!p0 [sflag:s0], s1  }
0x8e: {  	s1 =	ssub.s32 @!p0 $0x0, s1;
	[sflag:s0] =	ssyncset.done @!p0 $0x0  }
0x8f: {  	[sflag:s0] =	ssyncadd.s32 @!p0 s1  }
0x90: {  	[bflag:$0x3] =	sbarrier.arrive $0xFFFF  }
0x91: {  	_ =	shalt  }

// kernel: kernel.14.cloned.1.call-start
scs
__scs_entry_jumppad:
0x0: {  	(pc) =	sbr.rel $0x88, $3  }
0x1: {  	(tag) =	ssettag $0x0;
	lr =	simm.s32 $0x1  }
0x2: {  	[smem:$0x3F90] =	sst lr;
	_ =	strace $0xD0000000  }
0x3: {  	_ = 	snop  }
0x4: {  	_ = 	snop  }
0x5: {  	_ = 	snop  }
0x6: {  	_ = 	snop  }
0x7: {  	_ = 	snop  }
__scs_overlays_trampoline_lowered:
0x8: {  	[smem:$0x3F9F] =	sst s0  }
0x9: {  	[smem:$0x3FA0] =	sst s1  }
0xa: {  	[smem:$0x3FA1] =	sst s2  }
0xb: {  	[smem:$0x3FA2] =	sst s3  }
0xc: {  	[smem:$0x3FA3] =	sst s4  }
0xd: {  	[smem:$0x3FA4] =	sst s5  }
0xe: {  	[smem:$0x3FA5] =	sst s6  }
0xf: {  	[smem:$0x3FA6] =	sst s7  }
0x10: {  	[smem:$0x3FA7] =	sst s8  }
0x11: {  	[smem:$0x3FA8] =	sst s9;
	s0 =	simm.s32 @!p0 $0x0  }
0x12: {  	s1 =	sld [smem:$0x3F8E];
	s0 =	simm.s32 @p0 $0x1  }
0x13: {  	[smem:$0x3FA9] =	sst s0;
	s0 =	simm.s32 @!p1 $0x0  }
0x14: {  	s2 =	sld [smem:$0x3F8D];
	s0 =	simm.s32 @p1 $0x1  }
0x15: {  	[smem:$0x3FAA] =	sst s0;
	s0 =	simm.s32 @!p2 $0x0  }
0x16: {  	s3 =	sld [smem:$0x3FDB];
	s0 =	simm.s32 @p2 $0x1  }
0x17: {  	s4 =	simm.s32 $0x1BF5;
	[smem:$0x3FAC] =	sst s0  }
0x18: {  	s0 =	sld [smem:$0x3F8F];
	_ =	swait.ge [sflag:s4], $0x0  }
0x19: {  	s7 =	sld [smem:$0x3F90]  }
0x1a: {  	s8 =	sadd.s32 $0xFFFFE003, lr  }
0x1b: {  	s9 =	sadd.s32 $0xFFFFFEF7, lr;
	s5 =	simm.s32 $0xFFFFFFFF;
	p2 =	slt.u32 s8, $0xFFFFF086  }
0x1c: {  	p1 =	slt.u32 s9, $0xF7A;
	s5 =	simm.s32 @!p2 $0x0  }
0x1d: {  	s5 =	simm.s32 @p1 $0x1;
	p0 =	seq.s32 s7, s2  }
0x1e: {  	s7 =	smul.u32 @!p0 $0xF7A, s2;
	p2 =	seq.s32 @!p0 s5, $0x0  }
0x1f: {  	s9 =	smul.u32 $0xF7A, s1;
	s8 =	simm.s32 @!p0 $0x1BF5;
	p2 =	por !p2, p0  }
0x20: {  	[sflag:s8] =	ssyncset.s32 @!p0 $0xFFFFF086;
	s6 =	sadd.s32 @!p0 s3, s7;
	s7 =	simm.s32 @!p0 $0x108  }
0x21: {  	s3 =	sadd.s32 s3, s9;
	s6 =	sadd.s32 @!p0 $0x88, s6;
	s7 =	simm.s32 @p2 $0x1082  }
0x22: {  	[simem:s7], [sflag:s8] =	dma.local @!p0 [hbm:s6], $0xF7A  }
0x23: {  	s9 =	sor.u32 $0xD0000000, s2;
	s6 =	simm.s32 $0x108;
	_ =	swait.ge @!p0 [sflag:s8], $0x0  }
0x24: {  	s3 =	sadd.s32 $0x88, s3;
	s6 =	simm.s32 @!p1 $0x1082;
	[sflag:s4] =	ssyncset.s32 $0xFFFFF086  }
0x25: {  	[simem:s6], [sflag:s4] =	dma.local [hbm:s3], $0xF7A  }
0x26: {  	[smem:$0x3F90] =	sst s1;
	(tag) =	ssettag s2;
	_ =	strace s9  }
0x27: {  	s1 =	sld [smem:$0x3FA0]  }
0x28: {  	s2 =	sld [smem:$0x3FA1]  }
0x29: {  	s4 =	sld [smem:$0x3FA3]  }
0x2a: {  	p0 =	seq.s32 s5, $0x0;
	s5 =	sld [smem:$0x3FA4]  }
0x2b: {  	s6 =	sld [smem:$0x3FA5]  }
0x2c: {  	s7 =	sld [smem:$0x3FA6]  }
0x2d: {  	s3 =	simm.s32 $0x108;
	s8 =	sld [smem:$0x3FA7]  }
0x2e: {  	s3 =	simm.s32 @!p0 $0x1082;
	s9 =	sld [smem:$0x3FA8]  }
0x2f: {  	lr =	sadd.s32 s0, s3;
	s0 =	sld [smem:$0x3F9F]  }
0x30: {  	s3 =	sld [smem:$0x3FA2]  }
0x31: {  	[smem:$0x3FAB] =	sst s10  }
0x32: {  	s10 =	sld [smem:$0x3FA9];
	_ =	sdelay $0x3  }
0x33: {  	p0 =	seq.s32 s10, $0x1;
	s10 =	sld [smem:$0x3FAB];
	_ =	sdelay $0x3  }
0x34: {  	[smem:$0x3FAB] =	sst s10  }
0x35: {  	s10 =	sld [smem:$0x3FAA];
	_ =	sdelay $0x3  }
0x36: {  	p1 =	seq.s32 s10, $0x1;
	s10 =	sld [smem:$0x3FAB];
	_ =	sdelay $0x3  }
0x37: {  	[smem:$0x3FAB] =	sst s10  }
0x38: {  	s10 =	sld [smem:$0x3FAC]  }
0x39: {  	_ = 	snop;
	(pc) =	sbr.ind lr, $3  }
0x3a: {  	_ = 	snop  }
0x3b: {  	_ = 	snop  }
0x3c: {  	p2 =	seq.s32 s10, $0x1;
	s10 =	sld [smem:$0x3FAB]  }
0x3d: {  	_ =	shalt  }
0x3e: {  	_ =	shalt  }
0x3f: {  	_ =	shalt  }
0x40: {  	_ =	shalt  }
0x41: {  	_ =	shalt  }
0x42: {  	_ =	shalt  }
0x43: {  	_ =	shalt  }
0x44: {  	_ =	shalt  }
0x45: {  	_ =	shalt  }
0x46: {  	_ =	shalt  }
0x47: {  	_ =	shalt  }
0x48: {  	_ =	shalt  }
0x49: {  	_ =	shalt  }
0x4a: {  	_ =	shalt  }
0x4b: {  	_ =	shalt  }
0x4c: {  	_ =	shalt  }
0x4d: {  	_ =	shalt  }
0x4e: {  	_ =	shalt  }
0x4f: {  	_ =	shalt  }
0x50: {  	_ =	shalt  }
0x51: {  	_ =	shalt  }
0x52: {  	_ =	shalt  }
0x53: {  	_ =	shalt  }
0x54: {  	_ =	shalt  }
0x55: {  	_ =	shalt  }
0x56: {  	_ =	shalt  }
0x57: {  	_ =	shalt  }
0x58: {  	_ =	shalt  }
0x59: {  	_ =	shalt  }
0x5a: {  	_ =	shalt  }
0x5b: {  	_ =	shalt  }
0x5c: {  	_ =	shalt  }
0x5d: {  	_ =	shalt  }
0x5e: {  	_ =	shalt  }
0x5f: {  	_ =	shalt  }
0x60: {  	_ =	shalt  }
0x61: {  	_ =	shalt  }
0x62: {  	_ =	shalt  }
0x63: {  	_ =	shalt  }
0x64: {  	_ =	shalt  }
0x65: {  	_ =	shalt  }
0x66: {  	_ =	shalt  }
0x67: {  	_ =	shalt  }
0x68: {  	_ =	shalt  }
0x69: {  	_ =	shalt  }
0x6a: {  	_ =	shalt  }
0x6b: {  	_ =	shalt  }
0x6c: {  	_ =	shalt  }
0x6d: {  	_ =	shalt  }
0x6e: {  	_ =	shalt  }
0x6f: {  	_ =	shalt  }
0x70: {  	_ =	shalt  }
0x71: {  	_ =	shalt  }
0x72: {  	_ =	shalt  }
0x73: {  	_ =	shalt  }
0x74: {  	_ =	shalt  }
0x75: {  	_ =	shalt  }
0x76: {  	_ =	shalt  }
0x77: {  	_ =	shalt  }
0x78: {  	_ =	shalt  }
0x79: {  	_ =	shalt  }
0x7a: {  	_ =	shalt  }
0x7b: {  	_ =	shalt  }
0x7c: {  	_ =	shalt  }
0x7d: {  	_ =	shalt  }
0x7e: {  	_ =	shalt  }
0x7f: {  	_ =	shalt  }
0x80: {  	_ =	shalt  }
0x81: {  	_ =	shalt  }
0x82: {  	_ =	shalt  }
0x83: {  	_ =	shalt  }
0x84: {  	_ =	shalt  }
0x85: {  	_ =	shalt  }
0x86: {  	_ =	shalt  }
0x87: {  	_ =	shalt  }
.Lfunc_end0:
.L_simem_size_0:
called_computation.1_lowered:
.L_overlay_start_0:
0x88: {  	s2 =	sld [smem:$0x3FD9]  }
0x89: {  	s3 =	sld [smem:$0x3FFE];
	_ =	sdelay $0x1  }
0x8a: {  	s1 =	srdreg.scid  }
0x8b: {  	s0 =	sand.u32 $0x1, s1  }
0x8c: {  	s17 =	sshll.u32 s0, $0xA;
	s2 =	sadd.s32 s3, s2  }
0x8d: {  	s2 =	sadd.s32 s2, s17  }
0x8e: {  	[smem:$0x3FB7] =	sst s2  }
0x8f: {  	_ = 	snop  }
0x90: {  	s2 =	sld [smem:$0x3FC9];
	(tm) =	ssettm $0x1  }
0x91: {  	s18 =	sld [smem:$0x3FFB];
	_ =	sdelay $0x3  }
0x92: {  	_ =	strace s18  }
0x93: {  	s3 =	sld [smem:$0x3FFC];
	_ =	sdelay $0x3  }
0x94: {  	_ =	strace s3  }
0x95: {  	s3 =	sld [smem:$0x3FFD];
	_ =	sdelay $0x3  }
0x96: {  	_ =	strace s3  }
0x97: {  	_ =	strace $0x8FFFFFFF  }
0x98: {  	s19 =	sld [smem:$0x3FDB];
	_ =	sdelay $0x1  }
0x99: {  	s4 =	simm.s32 $_scs_section_size  }
0x9a: {  	s5 =	simm.s32 $_size__tile_overlayer_lowered;
	s6 =	simm.s32 $_tile_overlayer_lowered  }
0x9b: {  	s22 =	simm.s32 $0x1BFF;
	s21 =	sshll.u32 s6, $0x1;
	s3 =	sadd.s32 s4, s19  }
0x9c: {  	s7 =	simm.s32 $0x0;
	s20 =	sshll.u32 s5, $0x1;
	s5 =	sadd.s32 s21, s3  }
0x9d: {  	[timem:s7], [sflag:s22] =	dma.local [hbm:s5], s20  }
0x9e: {  	_ =	swait.ge [sflag:s22], s20  }
0x9f: {  	s4 =	ssub.s32 $0x0, s20;
	[sflag:s22] =	ssyncset.done $0x0  }
0xa0: {  	[sflag:s22] =	ssyncadd.s32 s4;
	_ =	sdelay $0x1  }
0xa1: {  	s23 =	simm.s32 $0x1B8B  }
0xa2: {  	_ =	swait.ge [sflag:s23], $0x1  }
0xa3: {  	[sflag:s23] =	ssyncset.done $0x0  }
0xa4: {  	s25 =	simm.s32 $0x1B8E;
	s24 =	sld [smem:$0x3FFE];
	[sflag:s23] =	ssyncadd.s32 $0xFFFFFFFF  }
0xa5: {  	s26 =	simm.s32 $execute0_lowered;
	[smem:$0x3FD2] =	sst s25  }
0xa6: {  	s5 =	sshll.u32 s26, $0x1;
	_ =	strace $0x80000049;
	[dreg:$0x1] =	wrdreg $0xFFFFFFFF  }
0xa7: {  	s28 =	simm.s32 $_size_execute0_lowered;
	s3 =	sadd.s32 s3, s5;
	[dreg:$0x0] =	wrdreg $0x0  }
0xa8: {  	s5 =	sshll.u32 s28, $0x1;
	[dreg:$0x2] =	wrdreg s3  }
0xa9: {  	[dreg:$0x3] =	wrdreg s5  }
0xaa: {  	[dreg:$0x4] =	wrdreg $0xC0  }
0xab: {  	_ =	task [dreg:s7], $0x5FFFF  }
0xac: {  	[dreg:$0x1] =	wrdreg $0xFFFFFFFF  }
0xad: {  	[dreg:$0x0] =	wrdreg $0x60  }
0xae: {  	[dreg:$0x2] =	wrdreg s2  }
0xaf: {  	[dreg:$0x3] =	wrdreg s24  }
0xb0: {  	[dreg:$0x4] =	wrdreg $0x98000  }
0xb1: {  	[dreg:$0x5] =	wrdreg $0x9  }
0xb2: {  	_ =	task.clear_ibuf [dreg:s7], $0x6FFFF;
	_ =	strace $0x90000049  }
0xb3: {  	s29 =	simm.s32 $0x9;
	_ =	strace $0x8000004B  }
0xb4: {  	_ =	swait.ge [sflag:s29], $0x1  }
0xb5: {  	[sflag:s29] =	ssyncadd.s32 $0xFFFFFFFF  }
0xb6: {  	_ =	strace $0x9000004B  }
0xb7: {  	_ =	sfence  }
0xb8: {  	s30 =	sld [smem:$0x0];
	_ =	sdelay $0x2  }
0xb9: {  	s31 =	sshll.u32 s1, $0xD;
	s1 =	sshrl.u32 s1, $0x2  }
0xba: {  	s3 =	sand.u32 $0x4000, s31;
	s1 =	sadd.s32 s1, s30  }
0xbb: {  	s0 =	sor.u32 s3, s0;
	s1 =	sshll.u32 s1, $0x11  }
0xbc: {  	s0 =	sor.u32 s1, s0  }
0xbd: {  	s0 =	sadd.s32 $0x8F2B, s0  }
0xbe: {  	[sflag:s0] =	ssyncadd.remote.s32 $0x1  }
0xbf: {  	_ =	sfence.sel $0xFFFF  }
0xc0: {  	[dreg:$0x0] =	wrdreg $0xFFFFFFFF;
	(pc) =	sbr.abs _section_cstart, $3  }
0xc1: {  	[dreg:$0x1] =	wrdreg $0xFFFFFFFF  }
0xc2: {  	_ =	task.clear_ibuf [dreg:s7], $0x2FFFF;
	_ =	strace $0x9FFFFFFF  }
0xc3: {  	(tm) =	ssettm $0x7FFFFFFF  }
tec
execute0_lowered:
.L_overlay_start_1:
0x0: {  	(tag) =	ssettag $0x1  }
0x1: {  	s1 =	rddreg [dreg:$0x0]  }
0x2: {  	s6 =	rddreg [dreg:$0x1]  }
0x3: {  	s2 =	rddreg [dreg:$0x2];
	s4 =	simm.s32 $0x0;
	s3 =	srdreg.scid  }
0x4: {  	s0 =	stileid.u32;
	s17 =	simm.s32 $0x80;
	s18 =	simm.s32 $0x1800  }
0x5: {  	s19 =	simm.s32 $0x5800;
	s20 =	simm.s32 $0x1;
	s21 =	simm.s32 $0x3  }
0x6: {  	s22 =	simm.s32 $0x2;
	s23 =	simm.s32 $0x4;
	s8 =	smul.u32 $0x14000, s0  }
0x7: {  	[smem:$0x7FF] =	sst s4;
	s5 =	sand.u32 $0x1, s3;
	s9 =	smul.u32 $0x50000, s0  }
0x8: {  	s12 =	sadd.s32 $0x5200, s6;
	s11 =	sadd.s32 $0x23200, s6;
	s14 =	smul.u32 $0x2800, s0  }
0x9: {  	s26 =	sshll.u32 s0, $0x6;
	s7 =	smul.u32 $0x140000, s5;
	_ =	strace $0x8000004A  }
0xa: {  	s24 =	ssub.s32 $0x2, s5;
	s10 =	smul.u32 $0x28000, s5;
	s5 =	sadd.s32 $0x2D200, s6  }
0xb: {  	s13 =	sshrl.u32 s24, $0x1;
	s25 =	sshrl.u32 s9, $0x2;
	s7 =	sadd.s32 s8, s7  }
0xc: {  	s13 =	ssub.s32 s24, s13;
	s28 =	sadd.s32 s14, s10;
	s29 =	sadd.s32 s25, s2  }
0xd: {  	s14 =	simm.s32 $0x6;
	s24 =	simm.s32 $0xF80;
	s25 =	simm.s32 $0x0  }
0xe: {  	s7 =	sshrl.u32 s7, $0x3;
	s30 =	sshrl.u32 s28, $0x3;
	s16 =	sor.u32 $0x400, s28  }
0xf: {  	s10 =	smax.u32 s13, $0x1;
	s13 =	sshrl.u32 s29, $0x3;
	s15 =	sadd.s32 s7, s6  }
0x10: {  	s6 =	sor.u32 $0x1C06, s26;
	s7 =	sadd.s32 s12, s30;
	s8 =	sadd.s32 s11, s30  }
0x11: {  	s31 =	sshrl.u32 s16, $0x3;
	s16 =	simm.s32 $0x5;
	s9 =	sadd.s32 $0x7FA00, s15  }
0x12: {  	s11 =	sadd.s32 s31, s11;
	s12 =	sadd.s32 s31, s12;
	s15 =	simm.s32 $0xC00  }
.LBB2_1:
0x13: {  	[spmem:s13], [sflag:s6] =	dma.local [hbm:s5], $0x2800  }
0x14: {  	_ =	swait.ge [sflag:s14], $0x2800  }
0x15: {  	[sflag:s14] =	ssyncset.done $0x0  }
0x16: {  	[sflag:s14] =	ssyncadd.s32 $0xFFFFD800  }
0x17: {  	[bflag:$0x0] =	sbarrier.arrive $0xFFFF  }
0x18: {  	[tilespmem:s4], [sflag:$0x5] =	stream.linear.gather [hbm4b:s7+s4], $0x400, $0x38;
	[tilespmem:$0x1D800] =	vst v63  }
0x19: {  	s26 =	smov.u32 s12;
	s28 =	smov.u32 s11;
	s30 =	simm.s32 $0x0  }
0x1a: {  	[tilespmem:s15], [sflag:$0x5] =	stream.linear.gather [hbm4b:s8+s4], $0x400, $0x38;
	[tilespmem:$0x1D800] =	vst v63  }
.LBB2_2:
0x1b: {  	s29 =	sadd.s32 $0x1, s30;
	p0 =	seq.s32 s30, $0x9  }
0x1c: {  	s31 =	smul.u32 @!p0 $0xAB, s29;
	_ =	sdelay $0x1  }
0x1d: {  	s31 =	sshrl.u32 @!p0 s31, $0x9  }
0x1e: {  	_ =	swait.ge [sflag:s16], $0x400;
	s31 =	sand.u32 @!p0 $0x7F, s31  }
0x1f: {  	[sflag:s16] =	ssyncset.done $0x0;
	s31 =	smul.u32 @!p0 $0x3, s31  }
0x20: {  	[sflag:s16] =	ssyncadd.s32 $0xFFFFFC00  }
0x21: {  	_ =	swait.ge [sflag:s16], $0x400;
	s31 =	ssub.s32 @!p0 s29, s31  }
0x22: {  	[sflag:s16] =	ssyncset.done $0x0;
	s31 =	sand.u32 @!p0 $0xFF, s31  }
0x23: {  	s0 =	simm.s32 @!p0 $0x0;
	[sflag:s16] =	ssyncadd.s32 $0xFFFFFC00;
	s31 =	sshll.u32 @!p0 s31, $0xA  }
0x24: {  	[tilespmem:s31], [sflag:$0x5] =	stream.linear.gather @!p0 [hbm4b:s26+s0], $0x400, $0x38;
	[tilespmem:$0x1D800] =	vst v63  }
0x25: {  	p1 =	sne.s32 @!p0 s30, $0x0;
	s31 =	sadd.s32 @!p0 $0xC00, s31  }
0x26: {  	[tilespmem:s31], [sflag:$0x5] =	stream.linear.gather @!p0 [hbm4b:s28+s0], $0x400, $0x38;
	[tilespmem:$0x1D800] =	vst v63  }
0x27: {  	p0 =	por p0, p1  }
0x28: {  	s30 =	simm.s32 @!p0 $0x0  }
0x29: {  	[tilespmem:s18], [sflag:$0x1] =	stream.indirect.gather @!p0 [hbm4b:s1+s17], $0x80, s30, s17, $0xb8;
	[tilespmem:$0x1D800] =	vst v63  }
0x2a: {  	s0 =	smul.u32 @p0 $0xAB, s30  }
0x2b: {  	s31 =	sadd.s32 @p0 $0x2, s30  }
0x2c: {  	s3 =	sand.u32 @p0 $0xFF, s31;
	s0 =	sshrl.u32 @p0 s0, $0x9  }
0x2d: {  	s3 =	smul.u32 @p0 $0xAB, s3;
	s0 =	sand.u32 @p0 $0x7F, s0  }
0x2e: {  	s0 =	smul.u32 @p0 $0x3, s0  }
0x2f: {  	s3 =	sshrl.u32 @p0 s3, $0x9  }
0x30: {  	_ =	swait.ge @p0 [sflag:s21], $0x4000;
	s3 =	smul.u32 @p0 $0x3, s3;
	s0 =	ssub.s32 @p0 s30, s0  }
0x31: {  	[sflag:s21] =	ssyncset.done @p0 $0x0;
	s0 =	sand.u32 @p0 $0xFF, s0  }
0x32: {  	[sflag:s21] =	ssyncadd.s32 @p0 $0xFFFFC000;
	s3 =	ssub.s32 @p0 s31, s3;
	s30 =	sshll.u32 @p0 s0, $0xA  }
0x33: {  	[tilespmem:s18], [sflag:$0x1] =	stream.indirect.gather @p0 [hbm4b:s1+s17], $0x80, s30, s17, $0xb8;
	[tilespmem:$0x1D800] =	vst v63  }
0x34: {  	s0 =	sand.u32 @p0 $0xFF, s3;
	_ =	swait.ge @p0 [sflag:s22], $0x4000  }
0x35: {  	s0 =	sshll.u32 @p0 s0, $0xA;
	[sflag:s22] =	ssyncset.done @p0 $0x0  }
0x36: {  	s0 =	sadd.s32 @p0 $0xF80, s0;
	[sflag:s22] =	ssyncadd.s32 @p0 $0xFFFFC000  }
0x37: {  	[spmem:s2] =	stream.indirect.scatter.add.f32 @p0 [tilespmem:s19], [sflag:$0x4], $0x80, s0, s17, $0xb8;
	[tilespmem:$0x1D800] =	vst v63  }
0x38: {  	_ =	swait.ge @p0 [sflag:s23], $0x4000  }
0x39: {  	[sflag:s23] =	ssyncset.done @p0 $0x0  }
0x3a: {  	s3 =	sor.u32 $0x80, s30;
	[sflag:s23] =	ssyncadd.s32 @p0 $0xFFFFC000  }
0x3b: {  	[tilespmem:s19], [sflag:$0x2] =	stream.indirect.gather [hbm4b:s1+s17], $0x80, s3, s17, $0xb8;
	[tilespmem:$0x1D800] =	vst v63  }
0x3c: {  	_ =	swait.ge [sflag:s20], $0x4000  }
0x3d: {  	[sflag:s20] =	ssyncset.done $0x0  }
0x3e: {  	s31 =	sadd.s32 $0xC00, s30;
	[sflag:s20] =	ssyncadd.s32 $0xFFFFC000  }
0x3f: {  	[spmem:s2] =	stream.indirect.scatter.add.f32 [tilespmem:s18], [sflag:$0x3], $0x80, s31, s17, $0xb8;
	[tilespmem:$0x1D800] =	vst v63  }
0x40: {  	_ =	swait.ge [sflag:s21], $0x4000  }
0x41: {  	[sflag:s21] =	ssyncset.done $0x0  }
0x42: {  	s3 =	sor.u32 $0x100, s30;
	[sflag:s21] =	ssyncadd.s32 $0xFFFFC000  }
0x43: {  	[tilespmem:s18], [sflag:$0x1] =	stream.indirect.gather [hbm4b:s1+s17], $0x80, s3, s17, $0xb8;
	[tilespmem:$0x1D800] =	vst v63  }
0x44: {  	_ =	swait.ge [sflag:s22], $0x4000  }
0x45: {  	[sflag:s22] =	ssyncset.done $0x0  }
0x46: {  	s31 =	sadd.s32 $0xC80, s30;
	[sflag:s22] =	ssyncadd.s32 $0xFFFFC000  }
0x47: {  	[spmem:s2] =	stream.indirect.scatter.add.f32 [tilespmem:s19], [sflag:$0x4], $0x80, s31, s17, $0xb8;
	[tilespmem:$0x1D800] =	vst v63  }
0x48: {  	_ =	swait.ge [sflag:s23], $0x4000  }
0x49: {  	[sflag:s23] =	ssyncset.done $0x0  }
0x4a: {  	s3 =	sor.u32 $0x180, s30;
	[sflag:s23] =	ssyncadd.s32 $0xFFFFC000  }
0x4b: {  	[tilespmem:s19], [sflag:$0x2] =	stream.indirect.gather [hbm4b:s1+s17], $0x80, s3, s17, $0xb8;
	[tilespmem:$0x1D800] =	vst v63  }
0x4c: {  	_ =	swait.ge [sflag:s20], $0x4000  }
0x4d: {  	[sflag:s20] =	ssyncset.done $0x0  }
0x4e: {  	s31 =	sadd.s32 $0xD00, s30;
	[sflag:s20] =	ssyncadd.s32 $0xFFFFC000  }
0x4f: {  	[spmem:s2] =	stream.indirect.scatter.add.f32 [tilespmem:s18], [sflag:$0x3], $0x80, s31, s17, $0xb8;
	[tilespmem:$0x1D800] =	vst v63  }
0x50: {  	_ =	swait.ge [sflag:s21], $0x4000  }
0x51: {  	[sflag:s21] =	ssyncset.done $0x0  }
0x52: {  	s3 =	sor.u32 $0x200, s30;
	[sflag:s21] =	ssyncadd.s32 $0xFFFFC000  }
0x53: {  	[tilespmem:s18], [sflag:$0x1] =	stream.indirect.gather [hbm4b:s1+s17], $0x80, s3, s17, $0xb8;
	[tilespmem:$0x1D800] =	vst v63  }
0x54: {  	_ =	swait.ge [sflag:s22], $0x4000  }
0x55: {  	[sflag:s22] =	ssyncset.done $0x0  }
0x56: {  	s31 =	sadd.s32 $0xD80, s30;
	[sflag:s22] =	ssyncadd.s32 $0xFFFFC000  }
0x57: {  	[spmem:s2] =	stream.indirect.scatter.add.f32 [tilespmem:s19], [sflag:$0x4], $0x80, s31, s17, $0xb8;
	[tilespmem:$0x1D800] =	vst v63  }
0x58: {  	_ =	swait.ge [sflag:s23], $0x4000  }
0x59: {  	[sflag:s23] =	ssyncset.done $0x0  }
0x5a: {  	s3 =	sor.u32 $0x280, s30;
	[sflag:s23] =	ssyncadd.s32 $0xFFFFC000  }
0x5b: {  	[tilespmem:s19], [sflag:$0x2] =	stream.indirect.gather [hbm4b:s1+s17], $0x80, s3, s17, $0xb8;
	[tilespmem:$0x1D800] =	vst v63  }
0x5c: {  	_ =	swait.ge [sflag:s20], $0x4000  }
0x5d: {  	[sflag:s20] =	ssyncset.done $0x0  }
0x5e: {  	s31 =	sadd.s32 $0xE00, s30;
	[sflag:s20] =	ssyncadd.s32 $0xFFFFC000  }
0x5f: {  	[spmem:s2] =	stream.indirect.scatter.add.f32 [tilespmem:s18], [sflag:$0x3], $0x80, s31, s17, $0xb8;
	[tilespmem:$0x1D800] =	vst v63  }
0x60: {  	_ =	swait.ge [sflag:s21], $0x4000  }
0x61: {  	[sflag:s21] =	ssyncset.done $0x0  }
0x62: {  	s3 =	sor.u32 $0x300, s30;
	[sflag:s21] =	ssyncadd.s32 $0xFFFFC000  }
0x63: {  	[tilespmem:s18], [sflag:$0x1] =	stream.indirect.gather [hbm4b:s1+s17], $0x80, s3, s17, $0xb8;
	[tilespmem:$0x1D800] =	vst v63  }
0x64: {  	_ =	swait.ge [sflag:s22], $0x4000  }
0x65: {  	[sflag:s22] =	ssyncset.done $0x0  }
0x66: {  	s31 =	sadd.s32 $0xE80, s30;
	[sflag:s22] =	ssyncadd.s32 $0xFFFFC000  }
0x67: {  	[spmem:s2] =	stream.indirect.scatter.add.f32 [tilespmem:s19], [sflag:$0x4], $0x80, s31, s17, $0xb8;
	[tilespmem:$0x1D800] =	vst v63  }
0x68: {  	_ =	swait.ge [sflag:s23], $0x4000  }
0x69: {  	[sflag:s23] =	ssyncset.done $0x0  }
0x6a: {  	p0 =	sne.s32 s29, $0xA;
	s3 =	sadd.s32 $0x380, s30;
	[sflag:s23] =	ssyncadd.s32 $0xFFFFC000  }
0x6b: {  	[tilespmem:s19], [sflag:$0x2] =	stream.indirect.gather [hbm4b:s1+s17], $0x80, s3, s17, $0xb8;
	[tilespmem:$0x1D800] =	vst v63  }
.Ltmp0:
0x6c: {  	_ = 	snop;
	(pc) =	sbr.rel @p0 .LBB2_2-.Ltmp0, $4  }
0x6d: {  	_ =	swait.ge [sflag:s20], $0x4000  }
0x6e: {  	s26 =	sadd.s32 $0x80, s26;
	s28 =	sadd.s32 $0x80, s28;
	[sflag:s20] =	ssyncset.done $0x0  }
0x6f: {  	s31 =	sadd.s32 $0xF00, s30;
	s30 =	smov.u32 s29;
	[sflag:s20] =	ssyncadd.s32 $0xFFFFC000  }
0x70: {  	[spmem:s2] =	stream.indirect.scatter.add.f32 [tilespmem:s18], [sflag:$0x3], $0x80, s31, s17, $0xb8;
	[tilespmem:$0x1D800] =	vst v63  }
0x71: {  	_ =	swait.ge [sflag:s22], $0x4000  }
0x72: {  	[sflag:s22] =	ssyncset.done $0x0  }
0x73: {  	[sflag:s22] =	ssyncadd.s32 $0xFFFFC000  }
0x74: {  	[spmem:s2] =	stream.indirect.scatter.add.f32 [tilespmem:s19], [sflag:$0x4], $0x80, s24, s17, $0xb8;
	[tilespmem:$0x1D800] =	vst v63  }
0x75: {  	_ =	swait.ge [sflag:s21], $0x4000  }
0x76: {  	[sflag:s21] =	ssyncset.done $0x0  }
0x77: {  	[sflag:s21] =	ssyncadd.s32 $0xFFFFC000  }
0x78: {  	_ =	swait.ge [sflag:s23], $0x4000  }
0x79: {  	s25 =	sadd.s32 $0x1, s25;
	[sflag:s23] =	ssyncset.done $0x0  }
0x7a: {  	p0 =	sne.s32 s25, s10;
	[sflag:s23] =	ssyncadd.s32 $0xFFFFC000  }
.Ltmp1:
0x7b: {  	[bflag:$0x0] =	sbarrier.arrive $0xFFFF;
	(pc) =	sbr.rel @p0 .LBB2_1-.Ltmp1, $4  }
0x7c: {  	[hbm:s9], [sflag:s6] =	dma.local [spmem:s13], $0x2800  }
0x7d: {  	_ =	swait.ge [sflag:s14], $0x2800  }
0x7e: {  	[sflag:s14] =	ssyncset.done $0x0  }
0x7f: {  	[sflag:s14] =	ssyncadd.s32 $0xFFFFD800  }
0x80: {  	_ =	sfence.sel $0x180000  }
0x81: {  	[bflag:$0x0] =	sbarrier.arrive $0xFFFF  }
0x82: {  	_ =	strace $0x9000004A  }
0x83: {  	s0 =	stileid.u32;
	[bflag:$0x2] =	sbarrier.arrive $0xFFFF  }
0x84: {  	p0 =	sne.s32 s0, $0x0;
	s0 =	rddreg [dreg:$0x3]  }
0x85: {  	s0 =	sadd.s32 @!p0 $0x100000, s0  }
0x86: {  	[sflag:s0] =	ssyncadd.tile.s32 @!p0 $0x1;
	_ =	shalt  }
.Lfunc_end2:
_tile_overlayer_lowered:
.L_overlay_start_2:
0x87: {  	(tag) =	ssettag $0x2  }
0x88: {  	s0 =	rddreg [dreg:$0x0];
	s2 =	stileid.u32  }
0x89: {  	s1 =	rddreg [dreg:$0x1];
	p0 =	sne.s32 s2, $0x0  }
0x8a: {  	s3 =	rddreg [dreg:$0x2];
	[bflag:$0x3] =	sbarrier.arrive $0xFFFF;
	s2 =	simm.s32 @!p0 $0x1C06  }
0x8b: {  	[timem:s3], [sflag:s2] =	dma.local @!p0 [hbm:s0], s1  }
0x8c: {  	s0 =	simm.s32 @!p0 $0x6  }
0x8d: {  	_ =	swait.ge @!p0 [sflag:s0], s1  }
0x8e: {  	s1 =	ssub.s32 @!p0 $0x0, s1;
	[sflag:s0] =	ssyncset.done @!p0 $0x0  }
0x8f: {  	[sflag:s0] =	ssyncadd.s32 @!p0 s1  }
0x90: {  	[bflag:$0x3] =	sbarrier.arrive $0xFFFF  }
0x91: {  	_ =	shalt  }

// kernel: kernel.17.cloned.1.call-start
scs
__scs_entry_jumppad:
0x0: {  	(pc) =	sbr.rel $0x88, $3  }
0x1: {  	(tag) =	ssettag $0x0;
	lr =	simm.s32 $0x1  }
0x2: {  	[smem:$0x3F90] =	sst lr;
	_ =	strace $0xD0000000  }
0x3: {  	_ = 	snop  }
0x4: {  	_ = 	snop  }
0x5: {  	_ = 	snop  }
0x6: {  	_ = 	snop  }
0x7: {  	_ = 	snop  }
__scs_overlays_trampoline_lowered:
0x8: {  	[smem:$0x3F9F] =	sst s0  }
0x9: {  	[smem:$0x3FA0] =	sst s1  }
0xa: {  	[smem:$0x3FA1] =	sst s2  }
0xb: {  	[smem:$0x3FA2] =	sst s3  }
0xc: {  	[smem:$0x3FA3] =	sst s4  }
0xd: {  	[smem:$0x3FA4] =	sst s5  }
0xe: {  	[smem:$0x3FA5] =	sst s6  }
0xf: {  	[smem:$0x3FA6] =	sst s7  }
0x10: {  	[smem:$0x3FA7] =	sst s8  }
0x11: {  	[smem:$0x3FA8] =	sst s9;
	s0 =	simm.s32 @!p0 $0x0  }
0x12: {  	s1 =	sld [smem:$0x3F8E];
	s0 =	simm.s32 @p0 $0x1  }
0x13: {  	[smem:$0x3FA9] =	sst s0;
	s0 =	simm.s32 @!p1 $0x0  }
0x14: {  	s2 =	sld [smem:$0x3F8D];
	s0 =	simm.s32 @p1 $0x1  }
0x15: {  	[smem:$0x3FAA] =	sst s0;
	s0 =	simm.s32 @!p2 $0x0  }
0x16: {  	s3 =	sld [smem:$0x3FDB];
	s0 =	simm.s32 @p2 $0x1  }
0x17: {  	s4 =	simm.s32 $0x1BF5;
	[smem:$0x3FAC] =	sst s0  }
0x18: {  	s0 =	sld [smem:$0x3F8F];
	_ =	swait.ge [sflag:s4], $0x0  }
0x19: {  	s7 =	sld [smem:$0x3F90]  }
0x1a: {  	s8 =	sadd.s32 $0xFFFFE003, lr  }
0x1b: {  	s9 =	sadd.s32 $0xFFFFFEF7, lr;
	s5 =	simm.s32 $0xFFFFFFFF;
	p2 =	slt.u32 s8, $0xFFFFF086  }
0x1c: {  	p1 =	slt.u32 s9, $0xF7A;
	s5 =	simm.s32 @!p2 $0x0  }
0x1d: {  	s5 =	simm.s32 @p1 $0x1;
	p0 =	seq.s32 s7, s2  }
0x1e: {  	s7 =	smul.u32 @!p0 $0xF7A, s2;
	p2 =	seq.s32 @!p0 s5, $0x0  }
0x1f: {  	s9 =	smul.u32 $0xF7A, s1;
	s8 =	simm.s32 @!p0 $0x1BF5;
	p2 =	por !p2, p0  }
0x20: {  	[sflag:s8] =	ssyncset.s32 @!p0 $0xFFFFF086;
	s6 =	sadd.s32 @!p0 s3, s7;
	s7 =	simm.s32 @!p0 $0x108  }
0x21: {  	s3 =	sadd.s32 s3, s9;
	s6 =	sadd.s32 @!p0 $0x88, s6;
	s7 =	simm.s32 @p2 $0x1082  }
0x22: {  	[simem:s7], [sflag:s8] =	dma.local @!p0 [hbm:s6], $0xF7A  }
0x23: {  	s9 =	sor.u32 $0xD0000000, s2;
	s6 =	simm.s32 $0x108;
	_ =	swait.ge @!p0 [sflag:s8], $0x0  }
0x24: {  	s3 =	sadd.s32 $0x88, s3;
	s6 =	simm.s32 @!p1 $0x1082;
	[sflag:s4] =	ssyncset.s32 $0xFFFFF086  }
0x25: {  	[simem:s6], [sflag:s4] =	dma.local [hbm:s3], $0xF7A  }
0x26: {  	[smem:$0x3F90] =	sst s1;
	(tag) =	ssettag s2;
	_ =	strace s9  }
0x27: {  	s1 =	sld [smem:$0x3FA0]  }
0x28: {  	s2 =	sld [smem:$0x3FA1]  }
0x29: {  	s4 =	sld [smem:$0x3FA3]  }
0x2a: {  	p0 =	seq.s32 s5, $0x0;
	s5 =	sld [smem:$0x3FA4]  }
0x2b: {  	s6 =	sld [smem:$0x3FA5]  }
0x2c: {  	s7 =	sld [smem:$0x3FA6]  }
0x2d: {  	s3 =	simm.s32 $0x108;
	s8 =	sld [smem:$0x3FA7]  }
0x2e: {  	s3 =	simm.s32 @!p0 $0x1082;
	s9 =	sld [smem:$0x3FA8]  }
0x2f: {  	lr =	sadd.s32 s0, s3;
	s0 =	sld [smem:$0x3F9F]  }
0x30: {  	s3 =	sld [smem:$0x3FA2]  }
0x31: {  	[smem:$0x3FAB] =	sst s10  }
0x32: {  	s10 =	sld [smem:$0x3FA9];
	_ =	sdelay $0x3  }
0x33: {  	p0 =	seq.s32 s10, $0x1;
	s10 =	sld [smem:$0x3FAB];
	_ =	sdelay $0x3  }
0x34: {  	[smem:$0x3FAB] =	sst s10  }
0x35: {  	s10 =	sld [smem:$0x3FAA];
	_ =	sdelay $0x3  }
0x36: {  	p1 =	seq.s32 s10, $0x1;
	s10 =	sld [smem:$0x3FAB];
	_ =	sdelay $0x3  }
0x37: {  	[smem:$0x3FAB] =	sst s10  }
0x38: {  	s10 =	sld [smem:$0x3FAC]  }
0x39: {  	_ = 	snop;
	(pc) =	sbr.ind lr, $3  }
0x3a: {  	_ = 	snop  }
0x3b: {  	_ = 	snop  }
0x3c: {  	p2 =	seq.s32 s10, $0x1;
	s10 =	sld [smem:$0x3FAB]  }
0x3d: {  	_ =	shalt  }
0x3e: {  	_ =	shalt  }
0x3f: {  	_ =	shalt  }
0x40: {  	_ =	shalt  }
0x41: {  	_ =	shalt  }
0x42: {  	_ =	shalt  }
0x43: {  	_ =	shalt  }
0x44: {  	_ =	shalt  }
0x45: {  	_ =	shalt  }
0x46: {  	_ =	shalt  }
0x47: {  	_ =	shalt  }
0x48: {  	_ =	shalt  }
0x49: {  	_ =	shalt  }
0x4a: {  	_ =	shalt  }
0x4b: {  	_ =	shalt  }
0x4c: {  	_ =	shalt  }
0x4d: {  	_ =	shalt  }
0x4e: {  	_ =	shalt  }
0x4f: {  	_ =	shalt  }
0x50: {  	_ =	shalt  }
0x51: {  	_ =	shalt  }
0x52: {  	_ =	shalt  }
0x53: {  	_ =	shalt  }
0x54: {  	_ =	shalt  }
0x55: {  	_ =	shalt  }
0x56: {  	_ =	shalt  }
0x57: {  	_ =	shalt  }
0x58: {  	_ =	shalt  }
0x59: {  	_ =	shalt  }
0x5a: {  	_ =	shalt  }
0x5b: {  	_ =	shalt  }
0x5c: {  	_ =	shalt  }
0x5d: {  	_ =	shalt  }
0x5e: {  	_ =	shalt  }
0x5f: {  	_ =	shalt  }
0x60: {  	_ =	shalt  }
0x61: {  	_ =	shalt  }
0x62: {  	_ =	shalt  }
0x63: {  	_ =	shalt  }
0x64: {  	_ =	shalt  }
0x65: {  	_ =	shalt  }
0x66: {  	_ =	shalt  }
0x67: {  	_ =	shalt  }
0x68: {  	_ =	shalt  }
0x69: {  	_ =	shalt  }
0x6a: {  	_ =	shalt  }
0x6b: {  	_ =	shalt  }
0x6c: {  	_ =	shalt  }
0x6d: {  	_ =	shalt  }
0x6e: {  	_ =	shalt  }
0x6f: {  	_ =	shalt  }
0x70: {  	_ =	shalt  }
0x71: {  	_ =	shalt  }
0x72: {  	_ =	shalt  }
0x73: {  	_ =	shalt  }
0x74: {  	_ =	shalt  }
0x75: {  	_ =	shalt  }
0x76: {  	_ =	shalt  }
0x77: {  	_ =	shalt  }
0x78: {  	_ =	shalt  }
0x79: {  	_ =	shalt  }
0x7a: {  	_ =	shalt  }
0x7b: {  	_ =	shalt  }
0x7c: {  	_ =	shalt  }
0x7d: {  	_ =	shalt  }
0x7e: {  	_ =	shalt  }
0x7f: {  	_ =	shalt  }
0x80: {  	_ =	shalt  }
0x81: {  	_ =	shalt  }
0x82: {  	_ =	shalt  }
0x83: {  	_ =	shalt  }
0x84: {  	_ =	shalt  }
0x85: {  	_ =	shalt  }
0x86: {  	_ =	shalt  }
0x87: {  	_ =	shalt  }
.Lfunc_end0:
.L_simem_size_0:
called_computation.2_lowered:
.L_overlay_start_0:
0x88: {  	s2 =	sld [smem:$0x3FD9]  }
0x89: {  	s3 =	sld [smem:$0x3FFE];
	_ =	sdelay $0x1  }
0x8a: {  	s1 =	srdreg.scid  }
0x8b: {  	s0 =	sand.u32 $0x1, s1  }
0x8c: {  	s16 =	sshll.u32 s0, $0xA;
	s2 =	sadd.s32 s3, s2  }
0x8d: {  	s2 =	sadd.s32 s2, s16  }
0x8e: {  	[smem:$0x3FB7] =	sst s2  }
0x8f: {  	_ = 	snop  }
0x90: {  	(tm) =	ssettm $0x1  }
0x91: {  	s17 =	sld [smem:$0x3FFB];
	_ =	sdelay $0x3  }
0x92: {  	_ =	strace s17  }
0x93: {  	s2 =	sld [smem:$0x3FFC];
	_ =	sdelay $0x3  }
0x94: {  	_ =	strace s2  }
0x95: {  	s2 =	sld [smem:$0x3FFD];
	_ =	sdelay $0x3  }
0x96: {  	_ =	strace s2  }
0x97: {  	_ =	strace $0x8FFFFFFF  }
0x98: {  	s18 =	sld [smem:$0x3FDB];
	_ =	sdelay $0x1  }
0x99: {  	s19 =	simm.s32 $_scs_section_size  }
0x9a: {  	s4 =	simm.s32 $_size__tile_overlayer_lowered;
	s5 =	simm.s32 $_tile_overlayer_lowered  }
0x9b: {  	s22 =	simm.s32 $0x1BFF;
	s21 =	sshll.u32 s5, $0x1;
	s2 =	sadd.s32 s19, s18  }
0x9c: {  	s6 =	simm.s32 $0x0;
	s20 =	sshll.u32 s4, $0x1;
	s4 =	sadd.s32 s21, s2  }
0x9d: {  	[timem:s6], [sflag:s22] =	dma.local [hbm:s4], s20  }
0x9e: {  	_ =	swait.ge [sflag:s22], s20  }
0x9f: {  	s3 =	ssub.s32 $0x0, s20;
	[sflag:s22] =	ssyncset.done $0x0  }
0xa0: {  	[sflag:s22] =	ssyncadd.s32 s3;
	_ =	sdelay $0x1  }
0xa1: {  	s23 =	simm.s32 $0x1B8B  }
0xa2: {  	_ =	swait.ge [sflag:s23], $0x1  }
0xa3: {  	[sflag:s23] =	ssyncset.done $0x0  }
0xa4: {  	s25 =	simm.s32 $0x1B8E;
	s24 =	sld [smem:$0x3FFE];
	[sflag:s23] =	ssyncadd.s32 $0xFFFFFFFF  }
0xa5: {  	s26 =	simm.s32 $execute0_lowered;
	[smem:$0x3FD2] =	sst s25  }
0xa6: {  	s4 =	sshll.u32 s26, $0x1;
	_ =	strace $0x8000004C;
	[dreg:$0x1] =	wrdreg $0xFFFFFFFF  }
0xa7: {  	s28 =	simm.s32 $_size_execute0_lowered;
	s2 =	sadd.s32 s2, s4;
	[dreg:$0x0] =	wrdreg $0x0  }
0xa8: {  	s4 =	sshll.u32 s28, $0x1;
	[dreg:$0x2] =	wrdreg s2  }
0xa9: {  	[dreg:$0x3] =	wrdreg s4  }
0xaa: {  	[dreg:$0x4] =	wrdreg $0xC0  }
0xab: {  	_ =	task [dreg:s6], $0x5FFFF  }
0xac: {  	[dreg:$0x1] =	wrdreg $0xFFFFFFFF  }
0xad: {  	[dreg:$0x0] =	wrdreg $0x60  }
0xae: {  	[dreg:$0x2] =	wrdreg s24  }
0xaf: {  	[dreg:$0x3] =	wrdreg $0x98000  }
0xb0: {  	[dreg:$0x4] =	wrdreg $0x9  }
0xb1: {  	_ =	task.clear_ibuf [dreg:s6], $0x5FFFF;
	_ =	strace $0x9000004C  }
0xb2: {  	s29 =	simm.s32 $0x9;
	_ =	strace $0x8000004E  }
0xb3: {  	_ =	swait.ge [sflag:s29], $0x1  }
0xb4: {  	[sflag:s29] =	ssyncadd.s32 $0xFFFFFFFF  }
0xb5: {  	_ =	strace $0x9000004E  }
0xb6: {  	_ =	sfence  }
0xb7: {  	s30 =	sld [smem:$0x0];
	_ =	sdelay $0x2  }
0xb8: {  	s31 =	sshll.u32 s1, $0xD;
	s1 =	sshrl.u32 s1, $0x2  }
0xb9: {  	s3 =	sand.u32 $0x4000, s31;
	s1 =	sadd.s32 s1, s30  }
0xba: {  	s0 =	sor.u32 s3, s0;
	s1 =	sshll.u32 s1, $0x11  }
0xbb: {  	s0 =	sor.u32 s1, s0  }
0xbc: {  	s0 =	sadd.s32 $0x8F2B, s0  }
0xbd: {  	[sflag:s0] =	ssyncadd.remote.s32 $0x1  }
0xbe: {  	_ =	sfence.sel $0xFFFF  }
0xbf: {  	[dreg:$0x0] =	wrdreg $0xFFFFFFFF;
	(pc) =	sbr.abs _section_cstart, $3  }
0xc0: {  	[dreg:$0x1] =	wrdreg $0xFFFFFFFF  }
0xc1: {  	_ =	task.clear_ibuf [dreg:s6], $0x2FFFF;
	_ =	strace $0x9FFFFFFF  }
0xc2: {  	(tm) =	ssettm $0x7FFFFFFF  }
0xc3: {  	_ =	shalt  }
tec
execute0_lowered:
.L_overlay_start_1:
0x0: {  	(tag) =	ssettag $0x1  }
0x1: {  	s6 =	rddreg [dreg:$0x0]  }
0x2: {  	s1 =	rddreg [dreg:$0x1]  }
0x3: {  	s3 =	simm.s32 $0x0;
	s2 =	srdreg.scid;
	s0 =	stileid.u32  }
0x4: {  	s17 =	simm.s32 $0x80;
	s18 =	simm.s32 $0x1800;
	s19 =	simm.s32 $0x5800  }
0x5: {  	s20 =	simm.s32 $0x1;
	s21 =	simm.s32 $0x3;
	s22 =	simm.s32 $0x2  }
0x6: {  	s23 =	simm.s32 $0x4;
	[smem:$0x7FF] =	sst s3;
	s8 =	smul.u32 $0x14000, s0  }
0x7: {  	s5 =	sand.u32 $0x1, s2;
	s4 =	sadd.s32 $0x56C00, s6;
	s9 =	smul.u32 $0x50000, s0  }
0x8: {  	s12 =	sadd.s32 $0xF200, s6;
	s11 =	sadd.s32 $0x19200, s6;
	s14 =	smul.u32 $0x2800, s0  }
0x9: {  	s26 =	sshll.u32 s0, $0x6;
	s7 =	smul.u32 $0x140000, s5;
	_ =	strace $0x8000004D  }
0xa: {  	s24 =	ssub.s32 $0x2, s5;
	s10 =	smul.u32 $0x28000, s5;
	s5 =	sadd.s32 $0x2D200, s6  }
0xb: {  	s13 =	sshrl.u32 s24, $0x1;
	s25 =	sshrl.u32 s9, $0x2;
	s7 =	sadd.s32 s8, s7  }
0xc: {  	s13 =	ssub.s32 s24, s13;
	s28 =	sadd.s32 s14, s10;
	s29 =	sadd.s32 s25, s1  }
0xd: {  	s14 =	simm.s32 $0x6;
	s24 =	simm.s32 $0xF80;
	s25 =	simm.s32 $0x0  }
0xe: {  	s7 =	sshrl.u32 s7, $0x3;
	s30 =	sshrl.u32 s28, $0x3;
	s16 =	sor.u32 $0x400, s28  }
0xf: {  	s10 =	smax.u32 s13, $0x1;
	s13 =	sshrl.u32 s29, $0x3;
	s15 =	sadd.s32 s7, s6  }
0x10: {  	s6 =	sor.u32 $0x1C06, s26;
	s7 =	sadd.s32 s12, s30;
	s8 =	sadd.s32 s11, s30  }
0x11: {  	s31 =	sshrl.u32 s16, $0x3;
	s16 =	simm.s32 $0x5;
	s9 =	sadd.s32 $0xD0000, s15  }
0x12: {  	s11 =	sadd.s32 s31, s11;
	s12 =	sadd.s32 s31, s12;
	s15 =	simm.s32 $0xC00  }
.LBB2_1:
0x13: {  	[spmem:s13], [sflag:s6] =	dma.local [hbm:s5], $0x2800  }
0x14: {  	_ =	swait.ge [sflag:s14], $0x2800  }
0x15: {  	[sflag:s14] =	ssyncset.done $0x0  }
0x16: {  	[sflag:s14] =	ssyncadd.s32 $0xFFFFD800  }
0x17: {  	[bflag:$0x0] =	sbarrier.arrive $0xFFFF  }
0x18: {  	[tilespmem:s3], [sflag:$0x5] =	stream.linear.gather [hbm4b:s7+s3], $0x400, $0x38;
	[tilespmem:$0x1D800] =	vst v63  }
0x19: {  	s26 =	smov.u32 s12;
	s28 =	smov.u32 s11;
	s30 =	simm.s32 $0x0  }
0x1a: {  	[tilespmem:s15], [sflag:$0x5] =	stream.linear.gather [hbm4b:s8+s3], $0x400, $0x38;
	[tilespmem:$0x1D800] =	vst v63  }
.LBB2_2:
0x1b: {  	s29 =	sadd.s32 $0x1, s30;
	p0 =	seq.s32 s30, $0x9  }
0x1c: {  	s31 =	smul.u32 @!p0 $0xAB, s29;
	_ =	sdelay $0x1  }
0x1d: {  	s31 =	sshrl.u32 @!p0 s31, $0x9  }
0x1e: {  	_ =	swait.ge [sflag:s16], $0x400;
	s31 =	sand.u32 @!p0 $0x7F, s31  }
0x1f: {  	[sflag:s16] =	ssyncset.done $0x0;
	s31 =	smul.u32 @!p0 $0x3, s31  }
0x20: {  	[sflag:s16] =	ssyncadd.s32 $0xFFFFFC00  }
0x21: {  	_ =	swait.ge [sflag:s16], $0x400;
	s31 =	ssub.s32 @!p0 s29, s31  }
0x22: {  	[sflag:s16] =	ssyncset.done $0x0;
	s31 =	sand.u32 @!p0 $0xFF, s31  }
0x23: {  	s0 =	simm.s32 @!p0 $0x0;
	[sflag:s16] =	ssyncadd.s32 $0xFFFFFC00;
	s31 =	sshll.u32 @!p0 s31, $0xA  }
0x24: {  	[tilespmem:s31], [sflag:$0x5] =	stream.linear.gather @!p0 [hbm4b:s26+s0], $0x400, $0x38;
	[tilespmem:$0x1D800] =	vst v63  }
0x25: {  	p1 =	sne.s32 @!p0 s30, $0x0;
	s31 =	sadd.s32 @!p0 $0xC00, s31  }
0x26: {  	[tilespmem:s31], [sflag:$0x5] =	stream.linear.gather @!p0 [hbm4b:s28+s0], $0x400, $0x38;
	[tilespmem:$0x1D800] =	vst v63  }
0x27: {  	p0 =	por p0, p1  }
0x28: {  	s30 =	simm.s32 @!p0 $0x0  }
0x29: {  	[tilespmem:s18], [sflag:$0x1] =	stream.indirect.gather @!p0 [hbm4b:s4+s17], $0x80, s30, s17, $0xb8;
	[tilespmem:$0x1D800] =	vst v63  }
0x2a: {  	s0 =	smul.u32 @p0 $0xAB, s30  }
0x2b: {  	s31 =	sadd.s32 @p0 $0x2, s30  }
0x2c: {  	s2 =	sand.u32 @p0 $0xFF, s31;
	s0 =	sshrl.u32 @p0 s0, $0x9  }
0x2d: {  	s2 =	smul.u32 @p0 $0xAB, s2;
	s0 =	sand.u32 @p0 $0x7F, s0  }
0x2e: {  	s0 =	smul.u32 @p0 $0x3, s0  }
0x2f: {  	s2 =	sshrl.u32 @p0 s2, $0x9  }
0x30: {  	_ =	swait.ge @p0 [sflag:s21], $0x4000;
	s2 =	smul.u32 @p0 $0x3, s2;
	s0 =	ssub.s32 @p0 s30, s0  }
0x31: {  	[sflag:s21] =	ssyncset.done @p0 $0x0;
	s0 =	sand.u32 @p0 $0xFF, s0  }
0x32: {  	[sflag:s21] =	ssyncadd.s32 @p0 $0xFFFFC000;
	s2 =	ssub.s32 @p0 s31, s2;
	s30 =	sshll.u32 @p0 s0, $0xA  }
0x33: {  	[tilespmem:s18], [sflag:$0x1] =	stream.indirect.gather @p0 [hbm4b:s4+s17], $0x80, s30, s17, $0xb8;
	[tilespmem:$0x1D800] =	vst v63  }
0x34: {  	s0 =	sand.u32 @p0 $0xFF, s2;
	_ =	swait.ge @p0 [sflag:s22], $0x4000  }
0x35: {  	s0 =	sshll.u32 @p0 s0, $0xA;
	[sflag:s22] =	ssyncset.done @p0 $0x0  }
0x36: {  	s0 =	sadd.s32 @p0 $0xF80, s0;
	[sflag:s22] =	ssyncadd.s32 @p0 $0xFFFFC000  }
0x37: {  	[spmem:s1] =	stream.indirect.scatter.add.f32 @p0 [tilespmem:s19], [sflag:$0x4], $0x80, s0, s17, $0xb8;
	[tilespmem:$0x1D800] =	vst v63  }
0x38: {  	_ =	swait.ge @p0 [sflag:s23], $0x4000  }
0x39: {  	[sflag:s23] =	ssyncset.done @p0 $0x0  }
0x3a: {  	s2 =	sor.u32 $0x80, s30;
	[sflag:s23] =	ssyncadd.s32 @p0 $0xFFFFC000  }
0x3b: {  	[tilespmem:s19], [sflag:$0x2] =	stream.indirect.gather [hbm4b:s4+s17], $0x80, s2, s17, $0xb8;
	[tilespmem:$0x1D800] =	vst v63  }
0x3c: {  	_ =	swait.ge [sflag:s20], $0x4000  }
0x3d: {  	[sflag:s20] =	ssyncset.done $0x0  }
0x3e: {  	s31 =	sadd.s32 $0xC00, s30;
	[sflag:s20] =	ssyncadd.s32 $0xFFFFC000  }
0x3f: {  	[spmem:s1] =	stream.indirect.scatter.add.f32 [tilespmem:s18], [sflag:$0x3], $0x80, s31, s17, $0xb8;
	[tilespmem:$0x1D800] =	vst v63  }
0x40: {  	_ =	swait.ge [sflag:s21], $0x4000  }
0x41: {  	[sflag:s21] =	ssyncset.done $0x0  }
0x42: {  	s2 =	sor.u32 $0x100, s30;
	[sflag:s21] =	ssyncadd.s32 $0xFFFFC000  }
0x43: {  	[tilespmem:s18], [sflag:$0x1] =	stream.indirect.gather [hbm4b:s4+s17], $0x80, s2, s17, $0xb8;
	[tilespmem:$0x1D800] =	vst v63  }
0x44: {  	_ =	swait.ge [sflag:s22], $0x4000  }
0x45: {  	[sflag:s22] =	ssyncset.done $0x0  }
0x46: {  	s31 =	sadd.s32 $0xC80, s30;
	[sflag:s22] =	ssyncadd.s32 $0xFFFFC000  }
0x47: {  	[spmem:s1] =	stream.indirect.scatter.add.f32 [tilespmem:s19], [sflag:$0x4], $0x80, s31, s17, $0xb8;
	[tilespmem:$0x1D800] =	vst v63  }
0x48: {  	_ =	swait.ge [sflag:s23], $0x4000  }
0x49: {  	[sflag:s23] =	ssyncset.done $0x0  }
0x4a: {  	s2 =	sor.u32 $0x180, s30;
	[sflag:s23] =	ssyncadd.s32 $0xFFFFC000  }
0x4b: {  	[tilespmem:s19], [sflag:$0x2] =	stream.indirect.gather [hbm4b:s4+s17], $0x80, s2, s17, $0xb8;
	[tilespmem:$0x1D800] =	vst v63  }
0x4c: {  	_ =	swait.ge [sflag:s20], $0x4000  }
0x4d: {  	[sflag:s20] =	ssyncset.done $0x0  }
0x4e: {  	s31 =	sadd.s32 $0xD00, s30;
	[sflag:s20] =	ssyncadd.s32 $0xFFFFC000  }
0x4f: {  	[spmem:s1] =	stream.indirect.scatter.add.f32 [tilespmem:s18], [sflag:$0x3], $0x80, s31, s17, $0xb8;
	[tilespmem:$0x1D800] =	vst v63  }
0x50: {  	_ =	swait.ge [sflag:s21], $0x4000  }
0x51: {  	[sflag:s21] =	ssyncset.done $0x0  }
0x52: {  	s2 =	sor.u32 $0x200, s30;
	[sflag:s21] =	ssyncadd.s32 $0xFFFFC000  }
0x53: {  	[tilespmem:s18], [sflag:$0x1] =	stream.indirect.gather [hbm4b:s4+s17], $0x80, s2, s17, $0xb8;
	[tilespmem:$0x1D800] =	vst v63  }
0x54: {  	_ =	swait.ge [sflag:s22], $0x4000  }
0x55: {  	[sflag:s22] =	ssyncset.done $0x0  }
0x56: {  	s31 =	sadd.s32 $0xD80, s30;
	[sflag:s22] =	ssyncadd.s32 $0xFFFFC000  }
0x57: {  	[spmem:s1] =	stream.indirect.scatter.add.f32 [tilespmem:s19], [sflag:$0x4], $0x80, s31, s17, $0xb8;
	[tilespmem:$0x1D800] =	vst v63  }
0x58: {  	_ =	swait.ge [sflag:s23], $0x4000  }
0x59: {  	[sflag:s23] =	ssyncset.done $0x0  }
0x5a: {  	s2 =	sor.u32 $0x280, s30;
	[sflag:s23] =	ssyncadd.s32 $0xFFFFC000  }
0x5b: {  	[tilespmem:s19], [sflag:$0x2] =	stream.indirect.gather [hbm4b:s4+s17], $0x80, s2, s17, $0xb8;
	[tilespmem:$0x1D800] =	vst v63  }
0x5c: {  	_ =	swait.ge [sflag:s20], $0x4000  }
0x5d: {  	[sflag:s20] =	ssyncset.done $0x0  }
0x5e: {  	s31 =	sadd.s32 $0xE00, s30;
	[sflag:s20] =	ssyncadd.s32 $0xFFFFC000  }
0x5f: {  	[spmem:s1] =	stream.indirect.scatter.add.f32 [tilespmem:s18], [sflag:$0x3], $0x80, s31, s17, $0xb8;
	[tilespmem:$0x1D800] =	vst v63  }
0x60: {  	_ =	swait.ge [sflag:s21], $0x4000  }
0x61: {  	[sflag:s21] =	ssyncset.done $0x0  }
0x62: {  	s2 =	sor.u32 $0x300, s30;
	[sflag:s21] =	ssyncadd.s32 $0xFFFFC000  }
0x63: {  	[tilespmem:s18], [sflag:$0x1] =	stream.indirect.gather [hbm4b:s4+s17], $0x80, s2, s17, $0xb8;
	[tilespmem:$0x1D800] =	vst v63  }
0x64: {  	_ =	swait.ge [sflag:s22], $0x4000  }
0x65: {  	[sflag:s22] =	ssyncset.done $0x0  }
0x66: {  	s31 =	sadd.s32 $0xE80, s30;
	[sflag:s22] =	ssyncadd.s32 $0xFFFFC000  }
0x67: {  	[spmem:s1] =	stream.indirect.scatter.add.f32 [tilespmem:s19], [sflag:$0x4], $0x80, s31, s17, $0xb8;
	[tilespmem:$0x1D800] =	vst v63  }
0x68: {  	_ =	swait.ge [sflag:s23], $0x4000  }
0x69: {  	[sflag:s23] =	ssyncset.done $0x0  }
0x6a: {  	p0 =	sne.s32 s29, $0xA;
	s2 =	sadd.s32 $0x380, s30;
	[sflag:s23] =	ssyncadd.s32 $0xFFFFC000  }
0x6b: {  	[tilespmem:s19], [sflag:$0x2] =	stream.indirect.gather [hbm4b:s4+s17], $0x80, s2, s17, $0xb8;
	[tilespmem:$0x1D800] =	vst v63  }
.Ltmp0:
0x6c: {  	_ = 	snop;
	(pc) =	sbr.rel @p0 .LBB2_2-.Ltmp0, $4  }
0x6d: {  	_ =	swait.ge [sflag:s20], $0x4000  }
0x6e: {  	s26 =	sadd.s32 $0x80, s26;
	s28 =	sadd.s32 $0x80, s28;
	[sflag:s20] =	ssyncset.done $0x0  }
0x6f: {  	s31 =	sadd.s32 $0xF00, s30;
	s30 =	smov.u32 s29;
	[sflag:s20] =	ssyncadd.s32 $0xFFFFC000  }
0x70: {  	[spmem:s1] =	stream.indirect.scatter.add.f32 [tilespmem:s18], [sflag:$0x3], $0x80, s31, s17, $0xb8;
	[tilespmem:$0x1D800] =	vst v63  }
0x71: {  	_ =	swait.ge [sflag:s22], $0x4000  }
0x72: {  	[sflag:s22] =	ssyncset.done $0x0  }
0x73: {  	[sflag:s22] =	ssyncadd.s32 $0xFFFFC000  }
0x74: {  	[spmem:s1] =	stream.indirect.scatter.add.f32 [tilespmem:s19], [sflag:$0x4], $0x80, s24, s17, $0xb8;
	[tilespmem:$0x1D800] =	vst v63  }
0x75: {  	_ =	swait.ge [sflag:s21], $0x4000  }
0x76: {  	[sflag:s21] =	ssyncset.done $0x0  }
0x77: {  	[sflag:s21] =	ssyncadd.s32 $0xFFFFC000  }
0x78: {  	_ =	swait.ge [sflag:s23], $0x4000  }
0x79: {  	s25 =	sadd.s32 $0x1, s25;
	[sflag:s23] =	ssyncset.done $0x0  }
0x7a: {  	p0 =	sne.s32 s25, s10;
	[sflag:s23] =	ssyncadd.s32 $0xFFFFC000  }
.Ltmp1:
0x7b: {  	[bflag:$0x0] =	sbarrier.arrive $0xFFFF;
	(pc) =	sbr.rel @p0 .LBB2_1-.Ltmp1, $4  }
0x7c: {  	[hbm:s9], [sflag:s6] =	dma.local [spmem:s13], $0x2800  }
0x7d: {  	_ =	swait.ge [sflag:s14], $0x2800  }
0x7e: {  	[sflag:s14] =	ssyncset.done $0x0  }
0x7f: {  	[sflag:s14] =	ssyncadd.s32 $0xFFFFD800  }
0x80: {  	_ =	sfence.sel $0x180000  }
0x81: {  	[bflag:$0x0] =	sbarrier.arrive $0xFFFF  }
0x82: {  	_ =	strace $0x9000004D  }
0x83: {  	s0 =	stileid.u32;
	[bflag:$0x2] =	sbarrier.arrive $0xFFFF  }
0x84: {  	p0 =	sne.s32 s0, $0x0;
	s0 =	rddreg [dreg:$0x2]  }
0x85: {  	s0 =	sadd.s32 @!p0 $0x100000, s0  }
0x86: {  	[sflag:s0] =	ssyncadd.tile.s32 @!p0 $0x1;
	_ =	shalt  }
.Lfunc_end2:
_tile_overlayer_lowered:
.L_overlay_start_2:
0x87: {  	(tag) =	ssettag $0x2  }
0x88: {  	s0 =	rddreg [dreg:$0x0];
	s2 =	stileid.u32  }
0x89: {  	s1 =	rddreg [dreg:$0x1];
	p0 =	sne.s32 s2, $0x0  }
0x8a: {  	s3 =	rddreg [dreg:$0x2];
	[bflag:$0x3] =	sbarrier.arrive $0xFFFF;
	s2 =	simm.s32 @!p0 $0x1C06  }
0x8b: {  	[timem:s3], [sflag:s2] =	dma.local @!p0 [hbm:s0], s1  }
0x8c: {  	s0 =	simm.s32 @!p0 $0x6  }
0x8d: {  	_ =	swait.ge @!p0 [sflag:s0], s1  }
0x8e: {  	s1 =	ssub.s32 @!p0 $0x0, s1;
	[sflag:s0] =	ssyncset.done @!p0 $0x0  }
0x8f: {  	[sflag:s0] =	ssyncadd.s32 @!p0 s1  }
0x90: {  	[bflag:$0x3] =	sbarrier.arrive $0xFFFF  }
0x91: {  	_ =	shalt  }

// kernel: kernel.20.cloned.1.call-start
scs
__scs_entry_jumppad:
0x0: {  	(pc) =	sbr.rel $0x88, $3  }
0x1: {  	(tag) =	ssettag $0x0;
	lr =	simm.s32 $0x1  }
0x2: {  	[smem:$0x3F90] =	sst lr;
	_ =	strace $0xD0000000  }
0x3: {  	_ = 	snop  }
0x4: {  	_ = 	snop  }
0x5: {  	_ = 	snop  }
0x6: {  	_ = 	snop  }
0x7: {  	_ = 	snop  }
__scs_overlays_trampoline_lowered:
0x8: {  	[smem:$0x3F9F] =	sst s0  }
0x9: {  	[smem:$0x3FA0] =	sst s1  }
0xa: {  	[smem:$0x3FA1] =	sst s2  }
0xb: {  	[smem:$0x3FA2] =	sst s3  }
0xc: {  	[smem:$0x3FA3] =	sst s4  }
0xd: {  	[smem:$0x3FA4] =	sst s5  }
0xe: {  	[smem:$0x3FA5] =	sst s6  }
0xf: {  	[smem:$0x3FA6] =	sst s7  }
0x10: {  	[smem:$0x3FA7] =	sst s8  }
0x11: {  	[smem:$0x3FA8] =	sst s9;
	s0 =	simm.s32 @!p0 $0x0  }
0x12: {  	s1 =	sld [smem:$0x3F8E];
	s0 =	simm.s32 @p0 $0x1  }
0x13: {  	[smem:$0x3FA9] =	sst s0;
	s0 =	simm.s32 @!p1 $0x0  }
0x14: {  	s2 =	sld [smem:$0x3F8D];
	s0 =	simm.s32 @p1 $0x1  }
0x15: {  	[smem:$0x3FAA] =	sst s0;
	s0 =	simm.s32 @!p2 $0x0  }
0x16: {  	s3 =	sld [smem:$0x3FDB];
	s0 =	simm.s32 @p2 $0x1  }
0x17: {  	s4 =	simm.s32 $0x1BF5;
	[smem:$0x3FAC] =	sst s0  }
0x18: {  	s0 =	sld [smem:$0x3F8F];
	_ =	swait.ge [sflag:s4], $0x0  }
0x19: {  	s7 =	sld [smem:$0x3F90]  }
0x1a: {  	s8 =	sadd.s32 $0xFFFFE003, lr  }
0x1b: {  	s9 =	sadd.s32 $0xFFFFFEF7, lr;
	s5 =	simm.s32 $0xFFFFFFFF;
	p2 =	slt.u32 s8, $0xFFFFF086  }
0x1c: {  	p1 =	slt.u32 s9, $0xF7A;
	s5 =	simm.s32 @!p2 $0x0  }
0x1d: {  	s5 =	simm.s32 @p1 $0x1;
	p0 =	seq.s32 s7, s2  }
0x1e: {  	s7 =	smul.u32 @!p0 $0xF7A, s2;
	p2 =	seq.s32 @!p0 s5, $0x0  }
0x1f: {  	s9 =	smul.u32 $0xF7A, s1;
	s8 =	simm.s32 @!p0 $0x1BF5;
	p2 =	por !p2, p0  }
0x20: {  	[sflag:s8] =	ssyncset.s32 @!p0 $0xFFFFF086;
	s6 =	sadd.s32 @!p0 s3, s7;
	s7 =	simm.s32 @!p0 $0x108  }
0x21: {  	s3 =	sadd.s32 s3, s9;
	s6 =	sadd.s32 @!p0 $0x88, s6;
	s7 =	simm.s32 @p2 $0x1082  }
0x22: {  	[simem:s7], [sflag:s8] =	dma.local @!p0 [hbm:s6], $0xF7A  }
0x23: {  	s9 =	sor.u32 $0xD0000000, s2;
	s6 =	simm.s32 $0x108;
	_ =	swait.ge @!p0 [sflag:s8], $0x0  }
0x24: {  	s3 =	sadd.s32 $0x88, s3;
	s6 =	simm.s32 @!p1 $0x1082;
	[sflag:s4] =	ssyncset.s32 $0xFFFFF086  }
0x25: {  	[simem:s6], [sflag:s4] =	dma.local [hbm:s3], $0xF7A  }
0x26: {  	[smem:$0x3F90] =	sst s1;
	(tag) =	ssettag s2;
	_ =	strace s9  }
0x27: {  	s1 =	sld [smem:$0x3FA0]  }
0x28: {  	s2 =	sld [smem:$0x3FA1]  }
0x29: {  	s4 =	sld [smem:$0x3FA3]  }
0x2a: {  	p0 =	seq.s32 s5, $0x0;
	s5 =	sld [smem:$0x3FA4]  }
0x2b: {  	s6 =	sld [smem:$0x3FA5]  }
0x2c: {  	s7 =	sld [smem:$0x3FA6]  }
0x2d: {  	s3 =	simm.s32 $0x108;
	s8 =	sld [smem:$0x3FA7]  }
0x2e: {  	s3 =	simm.s32 @!p0 $0x1082;
	s9 =	sld [smem:$0x3FA8]  }
0x2f: {  	lr =	sadd.s32 s0, s3;
	s0 =	sld [smem:$0x3F9F]  }
0x30: {  	s3 =	sld [smem:$0x3FA2]  }
0x31: {  	[smem:$0x3FAB] =	sst s10  }
0x32: {  	s10 =	sld [smem:$0x3FA9];
	_ =	sdelay $0x3  }
0x33: {  	p0 =	seq.s32 s10, $0x1;
	s10 =	sld [smem:$0x3FAB];
	_ =	sdelay $0x3  }
0x34: {  	[smem:$0x3FAB] =	sst s10  }
0x35: {  	s10 =	sld [smem:$0x3FAA];
	_ =	sdelay $0x3  }
0x36: {  	p1 =	seq.s32 s10, $0x1;
	s10 =	sld [smem:$0x3FAB];
	_ =	sdelay $0x3  }
0x37: {  	[smem:$0x3FAB] =	sst s10  }
0x38: {  	s10 =	sld [smem:$0x3FAC]  }
0x39: {  	_ = 	snop;
	(pc) =	sbr.ind lr, $3  }
0x3a: {  	_ = 	snop  }
0x3b: {  	_ = 	snop  }
0x3c: {  	p2 =	seq.s32 s10, $0x1;
	s10 =	sld [smem:$0x3FAB]  }
0x3d: {  	_ =	shalt  }
0x3e: {  	_ =	shalt  }
0x3f: {  	_ =	shalt  }
0x40: {  	_ =	shalt  }
0x41: {  	_ =	shalt  }
0x42: {  	_ =	shalt  }
0x43: {  	_ =	shalt  }
0x44: {  	_ =	shalt  }
0x45: {  	_ =	shalt  }
0x46: {  	_ =	shalt  }
0x47: {  	_ =	shalt  }
0x48: {  	_ =	shalt  }
0x49: {  	_ =	shalt  }
0x4a: {  	_ =	shalt  }
0x4b: {  	_ =	shalt  }
0x4c: {  	_ =	shalt  }
0x4d: {  	_ =	shalt  }
0x4e: {  	_ =	shalt  }
0x4f: {  	_ =	shalt  }
0x50: {  	_ =	shalt  }
0x51: {  	_ =	shalt  }
0x52: {  	_ =	shalt  }
0x53: {  	_ =	shalt  }
0x54: {  	_ =	shalt  }
0x55: {  	_ =	shalt  }
0x56: {  	_ =	shalt  }
0x57: {  	_ =	shalt  }
0x58: {  	_ =	shalt  }
0x59: {  	_ =	shalt  }
0x5a: {  	_ =	shalt  }
0x5b: {  	_ =	shalt  }
0x5c: {  	_ =	shalt  }
0x5d: {  	_ =	shalt  }
0x5e: {  	_ =	shalt  }
0x5f: {  	_ =	shalt  }
0x60: {  	_ =	shalt  }
0x61: {  	_ =	shalt  }
0x62: {  	_ =	shalt  }
0x63: {  	_ =	shalt  }
0x64: {  	_ =	shalt  }
0x65: {  	_ =	shalt  }
0x66: {  	_ =	shalt  }
0x67: {  	_ =	shalt  }
0x68: {  	_ =	shalt  }
0x69: {  	_ =	shalt  }
0x6a: {  	_ =	shalt  }
0x6b: {  	_ =	shalt  }
0x6c: {  	_ =	shalt  }
0x6d: {  	_ =	shalt  }
0x6e: {  	_ =	shalt  }
0x6f: {  	_ =	shalt  }
0x70: {  	_ =	shalt  }
0x71: {  	_ =	shalt  }
0x72: {  	_ =	shalt  }
0x73: {  	_ =	shalt  }
0x74: {  	_ =	shalt  }
0x75: {  	_ =	shalt  }
0x76: {  	_ =	shalt  }
0x77: {  	_ =	shalt  }
0x78: {  	_ =	shalt  }
0x79: {  	_ =	shalt  }
0x7a: {  	_ =	shalt  }
0x7b: {  	_ =	shalt  }
0x7c: {  	_ =	shalt  }
0x7d: {  	_ =	shalt  }
0x7e: {  	_ =	shalt  }
0x7f: {  	_ =	shalt  }
0x80: {  	_ =	shalt  }
0x81: {  	_ =	shalt  }
0x82: {  	_ =	shalt  }
0x83: {  	_ =	shalt  }
0x84: {  	_ =	shalt  }
0x85: {  	_ =	shalt  }
0x86: {  	_ =	shalt  }
0x87: {  	_ =	shalt  }
.Lfunc_end0:
.L_simem_size_0:
called_computation.3_lowered:
.L_overlay_start_0:
0x88: {  	s2 =	sld [smem:$0x3FD9]  }
0x89: {  	s3 =	sld [smem:$0x3FFE];
	_ =	sdelay $0x1  }
0x8a: {  	s1 =	srdreg.scid  }
0x8b: {  	s0 =	sand.u32 $0x1, s1  }
0x8c: {  	s16 =	sshll.u32 s0, $0xA;
	s2 =	sadd.s32 s3, s2  }
0x8d: {  	s2 =	sadd.s32 s2, s16  }
0x8e: {  	[smem:$0x3FB7] =	sst s2  }
0x8f: {  	_ = 	snop  }
0x90: {  	(tm) =	ssettm $0x1  }
0x91: {  	s17 =	sld [smem:$0x3FFB];
	_ =	sdelay $0x3  }
0x92: {  	_ =	strace s17  }
0x93: {  	s2 =	sld [smem:$0x3FFC];
	_ =	sdelay $0x3  }
0x94: {  	_ =	strace s2  }
0x95: {  	s2 =	sld [smem:$0x3FFD];
	_ =	sdelay $0x3  }
0x96: {  	_ =	strace s2  }
0x97: {  	_ =	strace $0x8FFFFFFF  }
0x98: {  	s18 =	sld [smem:$0x3FDB];
	_ =	sdelay $0x1  }
0x99: {  	s19 =	simm.s32 $_scs_section_size  }
0x9a: {  	s4 =	simm.s32 $_size__tile_overlayer_lowered;
	s5 =	simm.s32 $_tile_overlayer_lowered  }
0x9b: {  	s22 =	simm.s32 $0x1BFF;
	s21 =	sshll.u32 s5, $0x1;
	s2 =	sadd.s32 s19, s18  }
0x9c: {  	s6 =	simm.s32 $0x0;
	s20 =	sshll.u32 s4, $0x1;
	s4 =	sadd.s32 s21, s2  }
0x9d: {  	[timem:s6], [sflag:s22] =	dma.local [hbm:s4], s20  }
0x9e: {  	_ =	swait.ge [sflag:s22], s20  }
0x9f: {  	s3 =	ssub.s32 $0x0, s20;
	[sflag:s22] =	ssyncset.done $0x0  }
0xa0: {  	[sflag:s22] =	ssyncadd.s32 s3;
	_ =	sdelay $0x1  }
0xa1: {  	s23 =	simm.s32 $0x1B8B  }
0xa2: {  	_ =	swait.ge [sflag:s23], $0x1  }
0xa3: {  	[sflag:s23] =	ssyncset.done $0x0  }
0xa4: {  	s25 =	simm.s32 $0x1B8E;
	s24 =	sld [smem:$0x3FFE];
	[sflag:s23] =	ssyncadd.s32 $0xFFFFFFFF  }
0xa5: {  	s26 =	simm.s32 $execute0_lowered;
	[smem:$0x3FD2] =	sst s25  }
0xa6: {  	s4 =	sshll.u32 s26, $0x1;
	_ =	strace $0x8000004F;
	[dreg:$0x1] =	wrdreg $0xFFFFFFFF  }
0xa7: {  	s28 =	simm.s32 $_size_execute0_lowered;
	s2 =	sadd.s32 s2, s4;
	[dreg:$0x0] =	wrdreg $0x0  }
0xa8: {  	s4 =	sshll.u32 s28, $0x1;
	[dreg:$0x2] =	wrdreg s2  }
0xa9: {  	[dreg:$0x3] =	wrdreg s4  }
0xaa: {  	[dreg:$0x4] =	wrdreg $0xC0  }
0xab: {  	_ =	task [dreg:s6], $0x5FFFF  }
0xac: {  	[dreg:$0x1] =	wrdreg $0xFFFFFFFF  }
0xad: {  	[dreg:$0x0] =	wrdreg $0x60  }
0xae: {  	[dreg:$0x2] =	wrdreg s24  }
0xaf: {  	[dreg:$0x3] =	wrdreg $0x98000  }
0xb0: {  	[dreg:$0x4] =	wrdreg $0x9  }
0xb1: {  	_ =	task.clear_ibuf [dreg:s6], $0x5FFFF;
	_ =	strace $0x9000004F  }
0xb2: {  	s29 =	simm.s32 $0x9;
	_ =	strace $0x80000051  }
0xb3: {  	_ =	swait.ge [sflag:s29], $0x1  }
0xb4: {  	[sflag:s29] =	ssyncadd.s32 $0xFFFFFFFF  }
0xb5: {  	_ =	strace $0x90000051  }
0xb6: {  	_ =	sfence  }
0xb7: {  	s30 =	sld [smem:$0x0];
	_ =	sdelay $0x2  }
0xb8: {  	s31 =	sshll.u32 s1, $0xD;
	s1 =	sshrl.u32 s1, $0x2  }
0xb9: {  	s3 =	sand.u32 $0x4000, s31;
	s1 =	sadd.s32 s1, s30  }
0xba: {  	s0 =	sor.u32 s3, s0;
	s1 =	sshll.u32 s1, $0x11  }
0xbb: {  	s0 =	sor.u32 s1, s0  }
0xbc: {  	s0 =	sadd.s32 $0x8F2B, s0  }
0xbd: {  	[sflag:s0] =	ssyncadd.remote.s32 $0x1  }
0xbe: {  	_ =	sfence.sel $0xFFFF  }
0xbf: {  	[dreg:$0x0] =	wrdreg $0xFFFFFFFF;
	(pc) =	sbr.abs _section_cstart, $3  }
0xc0: {  	[dreg:$0x1] =	wrdreg $0xFFFFFFFF  }
0xc1: {  	_ =	task.clear_ibuf [dreg:s6], $0x2FFFF;
	_ =	strace $0x9FFFFFFF  }
0xc2: {  	(tm) =	ssettm $0x7FFFFFFF  }
0xc3: {  	_ =	shalt  }
tec
execute0_lowered:
.L_overlay_start_1:
0x0: {  	(tag) =	ssettag $0x1  }
0x1: {  	s6 =	rddreg [dreg:$0x0]  }
0x2: {  	s1 =	rddreg [dreg:$0x1]  }
0x3: {  	s3 =	simm.s32 $0x0;
	s2 =	srdreg.scid;
	s0 =	stileid.u32  }
0x4: {  	s17 =	simm.s32 $0x80;
	s18 =	simm.s32 $0x1800;
	s19 =	simm.s32 $0x5800  }
0x5: {  	s20 =	simm.s32 $0x1;
	s21 =	simm.s32 $0x3;
	s22 =	simm.s32 $0x2  }
0x6: {  	s23 =	simm.s32 $0x4;
	[smem:$0x7FF] =	sst s3;
	s8 =	smul.u32 $0x14000, s0  }
0x7: {  	s5 =	sand.u32 $0x1, s2;
	s4 =	sadd.s32 $0x56C00, s6;
	s9 =	smul.u32 $0x50000, s0  }
0x8: {  	s12 =	sadd.s32 $0x5200, s6;
	s11 =	sadd.s32 $0x23200, s6;
	s14 =	smul.u32 $0x2800, s0  }
0x9: {  	s26 =	sshll.u32 s0, $0x6;
	s7 =	smul.u32 $0x140000, s5;
	_ =	strace $0x80000050  }
0xa: {  	s24 =	ssub.s32 $0x2, s5;
	s10 =	smul.u32 $0x28000, s5;
	s5 =	sadd.s32 $0x2D200, s6  }
0xb: {  	s13 =	sshrl.u32 s24, $0x1;
	s25 =	sshrl.u32 s9, $0x2;
	s7 =	sadd.s32 s8, s7  }
0xc: {  	s13 =	ssub.s32 s24, s13;
	s28 =	sadd.s32 s14, s10;
	s29 =	sadd.s32 s25, s1  }
0xd: {  	s14 =	simm.s32 $0x6;
	s24 =	simm.s32 $0xF80;
	s25 =	simm.s32 $0x0  }
0xe: {  	s7 =	sshrl.u32 s7, $0x3;
	s30 =	sshrl.u32 s28, $0x3;
	s16 =	sor.u32 $0x400, s28  }
0xf: {  	s10 =	smax.u32 s13, $0x1;
	s13 =	sshrl.u32 s29, $0x3;
	s15 =	sadd.s32 s7, s6  }
0x10: {  	s6 =	sor.u32 $0x1C06, s26;
	s7 =	sadd.s32 s12, s30;
	s8 =	sadd.s32 s11, s30  }
0x11: {  	s31 =	sshrl.u32 s16, $0x3;
	s16 =	simm.s32 $0x5;
	s9 =	sadd.s32 $0x120000, s15  }
0x12: {  	s11 =	sadd.s32 s31, s11;
	s12 =	sadd.s32 s31, s12;
	s15 =	simm.s32 $0xC00  }
.LBB2_1:
0x13: {  	[spmem:s13], [sflag:s6] =	dma.local [hbm:s5], $0x2800  }
0x14: {  	_ =	swait.ge [sflag:s14], $0x2800  }
0x15: {  	[sflag:s14] =	ssyncset.done $0x0  }
0x16: {  	[sflag:s14] =	ssyncadd.s32 $0xFFFFD800  }
0x17: {  	[bflag:$0x0] =	sbarrier.arrive $0xFFFF  }
0x18: {  	[tilespmem:s3], [sflag:$0x5] =	stream.linear.gather [hbm4b:s7+s3], $0x400, $0x38;
	[tilespmem:$0x1D800] =	vst v63  }
0x19: {  	s26 =	smov.u32 s12;
	s28 =	smov.u32 s11;
	s30 =	simm.s32 $0x0  }
0x1a: {  	[tilespmem:s15], [sflag:$0x5] =	stream.linear.gather [hbm4b:s8+s3], $0x400, $0x38;
	[tilespmem:$0x1D800] =	vst v63  }
.LBB2_2:
0x1b: {  	s29 =	sadd.s32 $0x1, s30;
	p0 =	seq.s32 s30, $0x9  }
0x1c: {  	s31 =	smul.u32 @!p0 $0xAB, s29;
	_ =	sdelay $0x1  }
0x1d: {  	s31 =	sshrl.u32 @!p0 s31, $0x9  }
0x1e: {  	_ =	swait.ge [sflag:s16], $0x400;
	s31 =	sand.u32 @!p0 $0x7F, s31  }
0x1f: {  	[sflag:s16] =	ssyncset.done $0x0;
	s31 =	smul.u32 @!p0 $0x3, s31  }
0x20: {  	[sflag:s16] =	ssyncadd.s32 $0xFFFFFC00  }
0x21: {  	_ =	swait.ge [sflag:s16], $0x400;
	s31 =	ssub.s32 @!p0 s29, s31  }
0x22: {  	[sflag:s16] =	ssyncset.done $0x0;
	s31 =	sand.u32 @!p0 $0xFF, s31  }
0x23: {  	s0 =	simm.s32 @!p0 $0x0;
	[sflag:s16] =	ssyncadd.s32 $0xFFFFFC00;
	s31 =	sshll.u32 @!p0 s31, $0xA  }
0x24: {  	[tilespmem:s31], [sflag:$0x5] =	stream.linear.gather @!p0 [hbm4b:s26+s0], $0x400, $0x38;
	[tilespmem:$0x1D800] =	vst v63  }
0x25: {  	p1 =	sne.s32 @!p0 s30, $0x0;
	s31 =	sadd.s32 @!p0 $0xC00, s31  }
0x26: {  	[tilespmem:s31], [sflag:$0x5] =	stream.linear.gather @!p0 [hbm4b:s28+s0], $0x400, $0x38;
	[tilespmem:$0x1D800] =	vst v63  }
0x27: {  	p0 =	por p0, p1  }
0x28: {  	s30 =	simm.s32 @!p0 $0x0  }
0x29: {  	[tilespmem:s18], [sflag:$0x1] =	stream.indirect.gather @!p0 [hbm4b:s4+s17], $0x80, s30, s17, $0xb8;
	[tilespmem:$0x1D800] =	vst v63  }
0x2a: {  	s0 =	smul.u32 @p0 $0xAB, s30  }
0x2b: {  	s31 =	sadd.s32 @p0 $0x2, s30  }
0x2c: {  	s2 =	sand.u32 @p0 $0xFF, s31;
	s0 =	sshrl.u32 @p0 s0, $0x9  }
0x2d: {  	s2 =	smul.u32 @p0 $0xAB, s2;
	s0 =	sand.u32 @p0 $0x7F, s0  }
0x2e: {  	s0 =	smul.u32 @p0 $0x3, s0  }
0x2f: {  	s2 =	sshrl.u32 @p0 s2, $0x9  }
0x30: {  	_ =	swait.ge @p0 [sflag:s21], $0x4000;
	s2 =	smul.u32 @p0 $0x3, s2;
	s0 =	ssub.s32 @p0 s30, s0  }
0x31: {  	[sflag:s21] =	ssyncset.done @p0 $0x0;
	s0 =	sand.u32 @p0 $0xFF, s0  }
0x32: {  	[sflag:s21] =	ssyncadd.s32 @p0 $0xFFFFC000;
	s2 =	ssub.s32 @p0 s31, s2;
	s30 =	sshll.u32 @p0 s0, $0xA  }
0x33: {  	[tilespmem:s18], [sflag:$0x1] =	stream.indirect.gather @p0 [hbm4b:s4+s17], $0x80, s30, s17, $0xb8;
	[tilespmem:$0x1D800] =	vst v63  }
0x34: {  	s0 =	sand.u32 @p0 $0xFF, s2;
	_ =	swait.ge @p0 [sflag:s22], $0x4000  }
0x35: {  	s0 =	sshll.u32 @p0 s0, $0xA;
	[sflag:s22] =	ssyncset.done @p0 $0x0  }
0x36: {  	s0 =	sadd.s32 @p0 $0xF80, s0;
	[sflag:s22] =	ssyncadd.s32 @p0 $0xFFFFC000  }
0x37: {  	[spmem:s1] =	stream.indirect.scatter.add.f32 @p0 [tilespmem:s19], [sflag:$0x4], $0x80, s0, s17, $0xb8;
	[tilespmem:$0x1D800] =	vst v63  }
0x38: {  	_ =	swait.ge @p0 [sflag:s23], $0x4000  }
0x39: {  	[sflag:s23] =	ssyncset.done @p0 $0x0  }
0x3a: {  	s2 =	sor.u32 $0x80, s30;
	[sflag:s23] =	ssyncadd.s32 @p0 $0xFFFFC000  }
0x3b: {  	[tilespmem:s19], [sflag:$0x2] =	stream.indirect.gather [hbm4b:s4+s17], $0x80, s2, s17, $0xb8;
	[tilespmem:$0x1D800] =	vst v63  }
0x3c: {  	_ =	swait.ge [sflag:s20], $0x4000  }
0x3d: {  	[sflag:s20] =	ssyncset.done $0x0  }
0x3e: {  	s31 =	sadd.s32 $0xC00, s30;
	[sflag:s20] =	ssyncadd.s32 $0xFFFFC000  }
0x3f: {  	[spmem:s1] =	stream.indirect.scatter.add.f32 [tilespmem:s18], [sflag:$0x3], $0x80, s31, s17, $0xb8;
	[tilespmem:$0x1D800] =	vst v63  }
0x40: {  	_ =	swait.ge [sflag:s21], $0x4000  }
0x41: {  	[sflag:s21] =	ssyncset.done $0x0  }
0x42: {  	s2 =	sor.u32 $0x100, s30;
	[sflag:s21] =	ssyncadd.s32 $0xFFFFC000  }
0x43: {  	[tilespmem:s18], [sflag:$0x1] =	stream.indirect.gather [hbm4b:s4+s17], $0x80, s2, s17, $0xb8;
	[tilespmem:$0x1D800] =	vst v63  }
0x44: {  	_ =	swait.ge [sflag:s22], $0x4000  }
0x45: {  	[sflag:s22] =	ssyncset.done $0x0  }
0x46: {  	s31 =	sadd.s32 $0xC80, s30;
	[sflag:s22] =	ssyncadd.s32 $0xFFFFC000  }
0x47: {  	[spmem:s1] =	stream.indirect.scatter.add.f32 [tilespmem:s19], [sflag:$0x4], $0x80, s31, s17, $0xb8;
	[tilespmem:$0x1D800] =	vst v63  }
0x48: {  	_ =	swait.ge [sflag:s23], $0x4000  }
0x49: {  	[sflag:s23] =	ssyncset.done $0x0  }
0x4a: {  	s2 =	sor.u32 $0x180, s30;
	[sflag:s23] =	ssyncadd.s32 $0xFFFFC000  }
0x4b: {  	[tilespmem:s19], [sflag:$0x2] =	stream.indirect.gather [hbm4b:s4+s17], $0x80, s2, s17, $0xb8;
	[tilespmem:$0x1D800] =	vst v63  }
0x4c: {  	_ =	swait.ge [sflag:s20], $0x4000  }
0x4d: {  	[sflag:s20] =	ssyncset.done $0x0  }
0x4e: {  	s31 =	sadd.s32 $0xD00, s30;
	[sflag:s20] =	ssyncadd.s32 $0xFFFFC000  }
0x4f: {  	[spmem:s1] =	stream.indirect.scatter.add.f32 [tilespmem:s18], [sflag:$0x3], $0x80, s31, s17, $0xb8;
	[tilespmem:$0x1D800] =	vst v63  }
0x50: {  	_ =	swait.ge [sflag:s21], $0x4000  }
0x51: {  	[sflag:s21] =	ssyncset.done $0x0  }
0x52: {  	s2 =	sor.u32 $0x200, s30;
	[sflag:s21] =	ssyncadd.s32 $0xFFFFC000  }
0x53: {  	[tilespmem:s18], [sflag:$0x1] =	stream.indirect.gather [hbm4b:s4+s17], $0x80, s2, s17, $0xb8;
	[tilespmem:$0x1D800] =	vst v63  }
0x54: {  	_ =	swait.ge [sflag:s22], $0x4000  }
0x55: {  	[sflag:s22] =	ssyncset.done $0x0  }
0x56: {  	s31 =	sadd.s32 $0xD80, s30;
	[sflag:s22] =	ssyncadd.s32 $0xFFFFC000  }
0x57: {  	[spmem:s1] =	stream.indirect.scatter.add.f32 [tilespmem:s19], [sflag:$0x4], $0x80, s31, s17, $0xb8;
	[tilespmem:$0x1D800] =	vst v63  }
0x58: {  	_ =	swait.ge [sflag:s23], $0x4000  }
0x59: {  	[sflag:s23] =	ssyncset.done $0x0  }
0x5a: {  	s2 =	sor.u32 $0x280, s30;
	[sflag:s23] =	ssyncadd.s32 $0xFFFFC000  }
0x5b: {  	[tilespmem:s19], [sflag:$0x2] =	stream.indirect.gather [hbm4b:s4+s17], $0x80, s2, s17, $0xb8;
	[tilespmem:$0x1D800] =	vst v63  }
0x5c: {  	_ =	swait.ge [sflag:s20], $0x4000  }
0x5d: {  	[sflag:s20] =	ssyncset.done $0x0  }
0x5e: {  	s31 =	sadd.s32 $0xE00, s30;
	[sflag:s20] =	ssyncadd.s32 $0xFFFFC000  }
0x5f: {  	[spmem:s1] =	stream.indirect.scatter.add.f32 [tilespmem:s18], [sflag:$0x3], $0x80, s31, s17, $0xb8;
	[tilespmem:$0x1D800] =	vst v63  }
0x60: {  	_ =	swait.ge [sflag:s21], $0x4000  }
0x61: {  	[sflag:s21] =	ssyncset.done $0x0  }
0x62: {  	s2 =	sor.u32 $0x300, s30;
	[sflag:s21] =	ssyncadd.s32 $0xFFFFC000  }
0x63: {  	[tilespmem:s18], [sflag:$0x1] =	stream.indirect.gather [hbm4b:s4+s17], $0x80, s2, s17, $0xb8;
	[tilespmem:$0x1D800] =	vst v63  }
0x64: {  	_ =	swait.ge [sflag:s22], $0x4000  }
0x65: {  	[sflag:s22] =	ssyncset.done $0x0  }
0x66: {  	s31 =	sadd.s32 $0xE80, s30;
	[sflag:s22] =	ssyncadd.s32 $0xFFFFC000  }
0x67: {  	[spmem:s1] =	stream.indirect.scatter.add.f32 [tilespmem:s19], [sflag:$0x4], $0x80, s31, s17, $0xb8;
	[tilespmem:$0x1D800] =	vst v63  }
0x68: {  	_ =	swait.ge [sflag:s23], $0x4000  }
0x69: {  	[sflag:s23] =	ssyncset.done $0x0  }
0x6a: {  	p0 =	sne.s32 s29, $0xA;
	s2 =	sadd.s32 $0x380, s30;
	[sflag:s23] =	ssyncadd.s32 $0xFFFFC000  }
0x6b: {  	[tilespmem:s19], [sflag:$0x2] =	stream.indirect.gather [hbm4b:s4+s17], $0x80, s2, s17, $0xb8;
	[tilespmem:$0x1D800] =	vst v63  }
.Ltmp0:
0x6c: {  	_ = 	snop;
	(pc) =	sbr.rel @p0 .LBB2_2-.Ltmp0, $4  }
0x6d: {  	_ =	swait.ge [sflag:s20], $0x4000  }
0x6e: {  	s26 =	sadd.s32 $0x80, s26;
	s28 =	sadd.s32 $0x80, s28;
	[sflag:s20] =	ssyncset.done $0x0  }
0x6f: {  	s31 =	sadd.s32 $0xF00, s30;
	s30 =	smov.u32 s29;
	[sflag:s20] =	ssyncadd.s32 $0xFFFFC000  }
0x70: {  	[spmem:s1] =	stream.indirect.scatter.add.f32 [tilespmem:s18], [sflag:$0x3], $0x80, s31, s17, $0xb8;
	[tilespmem:$0x1D800] =	vst v63  }
0x71: {  	_ =	swait.ge [sflag:s22], $0x4000  }
0x72: {  	[sflag:s22] =	ssyncset.done $0x0  }
0x73: {  	[sflag:s22] =	ssyncadd.s32 $0xFFFFC000  }
0x74: {  	[spmem:s1] =	stream.indirect.scatter.add.f32 [tilespmem:s19], [sflag:$0x4], $0x80, s24, s17, $0xb8;
	[tilespmem:$0x1D800] =	vst v63  }
0x75: {  	_ =	swait.ge [sflag:s21], $0x4000  }
0x76: {  	[sflag:s21] =	ssyncset.done $0x0  }
0x77: {  	[sflag:s21] =	ssyncadd.s32 $0xFFFFC000  }
0x78: {  	_ =	swait.ge [sflag:s23], $0x4000  }
0x79: {  	s25 =	sadd.s32 $0x1, s25;
	[sflag:s23] =	ssyncset.done $0x0  }
0x7a: {  	p0 =	sne.s32 s25, s10;
	[sflag:s23] =	ssyncadd.s32 $0xFFFFC000  }
.Ltmp1:
0x7b: {  	[bflag:$0x0] =	sbarrier.arrive $0xFFFF;
	(pc) =	sbr.rel @p0 .LBB2_1-.Ltmp1, $4  }
0x7c: {  	[hbm:s9], [sflag:s6] =	dma.local [spmem:s13], $0x2800  }
0x7d: {  	_ =	swait.ge [sflag:s14], $0x2800  }
0x7e: {  	[sflag:s14] =	ssyncset.done $0x0  }
0x7f: {  	[sflag:s14] =	ssyncadd.s32 $0xFFFFD800  }
0x80: {  	_ =	sfence.sel $0x180000  }
0x81: {  	[bflag:$0x0] =	sbarrier.arrive $0xFFFF  }
0x82: {  	_ =	strace $0x90000050  }
0x83: {  	s0 =	stileid.u32;
	[bflag:$0x2] =	sbarrier.arrive $0xFFFF  }
0x84: {  	p0 =	sne.s32 s0, $0x0;
	s0 =	rddreg [dreg:$0x2]  }
0x85: {  	s0 =	sadd.s32 @!p0 $0x100000, s0  }
0x86: {  	[sflag:s0] =	ssyncadd.tile.s32 @!p0 $0x1;
	_ =	shalt  }
.Lfunc_end2:
_tile_overlayer_lowered:
.L_overlay_start_2:
0x87: {  	(tag) =	ssettag $0x2  }
0x88: {  	s0 =	rddreg [dreg:$0x0];
	s2 =	stileid.u32  }
0x89: {  	s1 =	rddreg [dreg:$0x1];
	p0 =	sne.s32 s2, $0x0  }
0x8a: {  	s3 =	rddreg [dreg:$0x2];
	[bflag:$0x3] =	sbarrier.arrive $0xFFFF;
	s2 =	simm.s32 @!p0 $0x1C06  }
0x8b: {  	[timem:s3], [sflag:s2] =	dma.local @!p0 [hbm:s0], s1  }
0x8c: {  	s0 =	simm.s32 @!p0 $0x6  }
0x8d: {  	_ =	swait.ge @!p0 [sflag:s0], s1  }
0x8e: {  	s1 =	ssub.s32 @!p0 $0x0, s1;
	[sflag:s0] =	ssyncset.done @!p0 $0x0  }
0x8f: {  	[sflag:s0] =	ssyncadd.s32 @!p0 s1  }
0x90: {  	[bflag:$0x3] =	sbarrier.arrive $0xFFFF  }
0x91: {  	_ =	shalt  }

</sc_bundles>
